<compile_context>
chip_gen: v7x
topology: tpu7x:2x2x1
jax: 0.10.2.dev20260603
libtpu: 0.0.44.dev20260713+nightly
codegen_flags: <defaults>
</compile_context>

<pallas_src>
import functools

import jax
import jax.numpy as jnp
import numpy as np
from jax import lax
from jax.experimental import pallas as pl
from jax.experimental.pallas import tpu as pltpu
from jax.experimental.pallas import tpu_sc as plsc

_VERT_IDX = np.array([
    4646, 4779, 5143, 5109, 5112, 3207, 2391, 5398, 5786, 5925, 5831,
    5895, 2158, 6208, 6428, 6585, 6615, 6620, 2039, 2828, 6783, 7158,
    7407, 7308, 7368, 3820, 3536, 7707, 7856, 8051, 8056, 8063, 5669,
    5891, 5780, 5740, 6468, 6554, 6412, 6297, 7214, 7389, 7122, 7144,
    7975, 8059
], dtype=np.int64)

_B = 4096
_V = 8064
_C = 3
_A = 46
_L = 16
_NVT = _V // 128
_NBT = _B // 8
_NROW = _B * _V * _C // _L
_NW = 32
_B_PER_W = _B // _NW
_BT_PER_W = _B_PER_W // 8
_NCHUNK = _BT_PER_W
_NVEC = _C * 8 * _A // _L


def _build_static():
    u16 = np.unique(_VERT_IDX // _L)
    P = len(u16)
    pos_of = {int(g): p for p, g in enumerate(u16)}
    nrows = _C * 8 * P
    ndma = 8
    nd = nrows // ndma

    gidx = np.zeros((_NW, _NCHUNK, ndma, nd), dtype=np.int32)
    for w in range(_NW):
        for c in range(_NCHUNK):
            bt = w * _BT_PER_W + c
            flat = np.zeros((nrows,), dtype=np.int64)
            for s in range(nrows):
                cc, rest = divmod(s, 8 * P)
                p, bsub = divmod(rest, 8)
                vt, g = divmod(int(u16[p]), 8)
                flat[s] = (((cc * _NBT + bt) * _NVT + vt) * 8 + bsub) * 8 + g
            gidx[w, c] = flat.reshape(ndma, nd).astype(np.int32)

    srow = np.zeros((_NVEC, _L), dtype=np.int32)
    scol = np.zeros((_NVEC, _L), dtype=np.int32)
    dco = np.zeros((_NVEC, _L), dtype=np.int32)
    danc = np.zeros((_NVEC, _L), dtype=np.int32)
    dbat = np.zeros((_NVEC, _L), dtype=np.int32)
    for t in range(_NVEC * _L):
        ccbl, a = divmod(t, _A)
        cc, bl = divmod(ccbl, 8)
        v = int(_VERT_IDX[a])
        srow[t // _L, t % _L] = (cc * P + pos_of[v // _L]) * 8 + bl
        scol[t // _L, t % _L] = v % _L
        dco[t // _L, t % _L] = cc
        danc[t // _L, t % _L] = a
        dbat[t // _L, t % _L] = bl
    return gidx, srow, scol, dco, danc, dbat, nrows, ndma, nd


(_GIDX_NP, _SROW_NP, _SCOL_NP, _DCO_NP, _DANC_NP, _DBAT_NP,
 _NROWS_CHUNK, _NDMA, _ND) = _build_static()

_mesh = plsc.VectorSubcoreMesh(core_axis_name="c", subcore_axis_name="s")


@functools.partial(
    pl.kernel,
    out_type=jax.ShapeDtypeStruct((_C, _A, _B), jnp.float32),
    mesh=_mesh,
    scratch_types=[
        pltpu.VMEM((_NCHUNK, _NDMA, _ND), jnp.int32),
        pltpu.VMEM((_NVEC, _L), jnp.int32),
        pltpu.VMEM((_NVEC, _L), jnp.int32),
        pltpu.VMEM((_NVEC, _L), jnp.int32),
        pltpu.VMEM((_NVEC, _L), jnp.int32),
        pltpu.VMEM((_NVEC, _L), jnp.int32),
        pltpu.VMEM((_NROWS_CHUNK, _L), jnp.float32),
        pltpu.VMEM((_NROWS_CHUNK, _L), jnp.float32),
        pltpu.VMEM((_C, _A, 128), jnp.float32),
        pltpu.SemaphoreType.DMA,
        pltpu.SemaphoreType.DMA,
    ],
    compiler_params=pltpu.CompilerParams(use_tc_tiling_on_sc=False,
                                         needs_layout_passes=False),
)
def _gather_kernel(table, gidx, srow, scol, edco, edanc, edbat, out,
                   gidx_v, srow_v, scol_v, dco_v, danc_v, dbat_v,
                   buf0, buf1, stage, sem0, sem1):
    wid = lax.axis_index("s") * 2 + lax.axis_index("c")
    pltpu.sync_copy(gidx.at[wid], gidx_v)
    pltpu.sync_copy(srow, srow_v)
    pltpu.sync_copy(scol, scol_v)
    pltpu.sync_copy(edco, dco_v)
    pltpu.sync_copy(edanc, danc_v)
    pltpu.sync_copy(edbat, dbat_v)

    def fire(c, buf, sem):
        for d in range(_NDMA):
            pltpu.async_copy(table.at[gidx_v.at[c, d]],
                             buf.at[pl.ds(d * _ND, _ND)], sem)

    def wait(c, buf, sem):
        for d in range(_NDMA):
            pltpu.make_async_copy(table.at[gidx_v.at[c, d]],
                                  buf.at[pl.ds(d * _ND, _ND)], sem).wait()

    def extract(c, buf):
        bt8 = c * 8
        for k in range(_NVEC):
            v = plsc.load_gather(buf, [srow_v[k], scol_v[k]])
            plsc.store_scatter(
                stage, [dco_v[k], danc_v[k], dbat_v[k] + bt8], v)

    fire(0, buf0, sem0)
    fire(1, buf1, sem1)

    def body(i, carry):
        c0 = 2 * i
        c1 = c0 + 1
        wait(c0, buf0, sem0)
        extract(c0, buf0)

        @pl.when(i < _NCHUNK // 2 - 1)
        def _():
            fire(c0 + 2, buf0, sem0)

        wait(c1, buf1, sem1)
        extract(c1, buf1)

        @pl.when(i < _NCHUNK // 2 - 1)
        def _():
            fire(c1 + 2, buf1, sem1)

        return carry

    lax.fori_loop(0, _NCHUNK // 2, body, 0)

    pltpu.sync_copy(stage, out.at[:, :, pl.ds(wid * _B_PER_W, _B_PER_W)])


def kernel(vertices):
    table = (vertices.transpose(2, 0, 1)
             .reshape(_C, _NBT, 8, _NVT, 128)
             .transpose(0, 1, 3, 2, 4)
             .reshape(_NROW, _L))
    out = _gather_kernel(table, jnp.asarray(_GIDX_NP), jnp.asarray(_SROW_NP),
                         jnp.asarray(_SCOL_NP), jnp.asarray(_DCO_NP),
                         jnp.asarray(_DANC_NP), jnp.asarray(_DBAT_NP))
    return out.transpose(2, 1, 0)

# --- scband reference (transcript-rebuilt; emitter-appended) ---
"""Pipeline reference for scband-svh-anchor-35150012351284 (READ-ONLY COPY).

The authoritative reference and input builder live on the scoring server;
editing this copy changes nothing except your own understanding.
"""

import jax, jax.numpy as jnp
import numpy as np

VERT_IDX = np.array([4646, 4779, 5143, 5109, 5112, 3207, 2391, 5398, 5786, 5925, 5831, 5895, 2158, 6208, 6428, 6585, 6615, 6620, 2039, 2828, 6783, 7158, 7407, 7308, 7368, 3820, 3536, 7707, 7856, 8051, 8056, 8063, 5669, 5891, 5780, 5740, 6468, 6554, 6412, 6297, 7214, 7389, 7122, 7144, 7975, 8059], dtype=np.int64)


def setup_inputs(seed: int = 0) -> dict:
    key = jax.random.key(seed)
    vertices = jax.random.normal(key, (4096, 8064, 3), dtype=jnp.float32)
    return {"vertices": vertices}


def reference(vertices):
    # anchor_pos = vertices[:, self.vert_idx, :]
    idx = jnp.asarray(VERT_IDX, dtype=jnp.int32)
    anchor_pos = jnp.take(vertices, idx, axis=1)
    return anchor_pos

if __name__ == "__main__":
    import jax
    _d = setup_inputs()
    print(jax.jit(kernel)(*tuple(_d.values())))

</pallas_src>

<mosaic_0001>
#map = affine_map<(d0, d1) -> (0, 0)>
#map1 = affine_map<(d0, d1) -> (0, 0, 0, 0)>
#map2 = affine_map<(d0, d1) -> (0, 0, 0)>
module attributes {stable_mosaic.version = 14 : i64} {
  func.func @_gather_kernel(%arg0: i32, %arg1: i32, %arg2: memref<6193152x16xf32, #tpu.memory_space<hbm>>, %arg3: memref<32x16x8x117xi32, #tpu.memory_space<hbm>>, %arg4: memref<69x16xi32, #tpu.memory_space<hbm>>, %arg5: memref<69x16xi32, #tpu.memory_space<hbm>>, %arg6: memref<69x16xi32, #tpu.memory_space<hbm>>, %arg7: memref<69x16xi32, #tpu.memory_space<hbm>>, %arg8: memref<69x16xi32, #tpu.memory_space<hbm>>, %arg9: memref<3x46x4096xf32, #tpu.memory_space<hbm>>, %arg10: memref<16x8x117xi32, #tpu.memory_space<vmem>>, %arg11: memref<69x16xi32, #tpu.memory_space<vmem>>, %arg12: memref<69x16xi32, #tpu.memory_space<vmem>>, %arg13: memref<69x16xi32, #tpu.memory_space<vmem>>, %arg14: memref<69x16xi32, #tpu.memory_space<vmem>>, %arg15: memref<69x16xi32, #tpu.memory_space<vmem>>, %arg16: memref<936x16xf32, #tpu.memory_space<vmem>>, %arg17: memref<936x16xf32, #tpu.memory_space<vmem>>, %arg18: memref<3x46x128xf32, #tpu.memory_space<vmem>>, %arg19: memref<!tpu.dma_semaphore, #tpu.memory_space<semaphore_mem>>, %arg20: memref<!tpu.dma_semaphore, #tpu.memory_space<semaphore_mem>>) attributes {dimension_semantics = [#tpu.dimension_semantics<core_parallel>, #tpu.dimension_semantics<subcore_parallel>], iteration_bounds = array<i64: 2, 16>, scalar_prefetch = 0 : i64, scratch_operands = 11 : i64, tpu.core_type = #tpu.core_type<sc_vector_subcore>, window_params = [{transform_indices = #map}, {transform_indices = #map1}, {transform_indices = #map}, {transform_indices = #map}, {transform_indices = #map}, {transform_indices = #map}, {transform_indices = #map}, {transform_indices = #map2}]} {
    %mul3A = arith.constant 2 : i32
    %mul3A_0 = arith.muli %arg1, %mul3A : i32
    %add3A = arith.addi %mul3A_0, %arg0 : i32
    "tpu.region"() ({
      %run_scoped3A = tpu.sem_alloc : memref<!tpu.dma_semaphore, #tpu.memory_space<semaphore_mem>>
      %dma_start3A_183 = arith.constant 0 : i32
      %dma_start3A_184 = arith.constant 0 : i32
      %dma_start3A_185 = arith.constant 0 : i32
      %dma_start3A_186 = tpu.memref_slice %arg3[%add3A, %dma_start3A_183, %dma_start3A_184, %dma_start3A_185] : memref<32x16x8x117xi32, #tpu.memory_space<hbm>> -> memref<1x16x8x117xi32, #tpu.memory_space<hbm>>
      %dma_start3A_187 = tpu.memref_squeeze %dma_start3A_186 : memref<1x16x8x117xi32, #tpu.memory_space<hbm>> -> memref<16x8x117xi32, #tpu.memory_space<hbm>>
      %dma_start3A_188 = arith.constant 0 : i32
      %dma_start3A_189 = arith.constant 0 : i32
      %dma_start3A_190 = arith.constant 0 : i32
      %dma_start3A_191 = tpu.memref_slice %arg3[%add3A, %dma_start3A_188, %dma_start3A_189, %dma_start3A_190] : memref<32x16x8x117xi32, #tpu.memory_space<hbm>> -> memref<1x16x8x117xi32, #tpu.memory_space<hbm>>
      %dma_start3A_192 = tpu.memref_squeeze %dma_start3A_191 : memref<1x16x8x117xi32, #tpu.memory_space<hbm>> -> memref<16x8x117xi32, #tpu.memory_space<hbm>>
      tpu.enqueue_dma source(%dma_start3A_192 : memref<16x8x117xi32, #tpu.memory_space<hbm>>) target(%arg10 : memref<16x8x117xi32, #tpu.memory_space<vmem>>) target_semaphore(%run_scoped3A : memref<!tpu.dma_semaphore, #tpu.memory_space<semaphore_mem>>)
      %dma_wait3A = arith.constant 0 : i32
      %dma_wait3A_193 = arith.constant 0 : i32
      %dma_wait3A_194 = arith.constant 0 : i32
      %dma_wait3A_195 = tpu.memref_slice %arg3[%add3A, %dma_wait3A, %dma_wait3A_193, %dma_wait3A_194] : memref<32x16x8x117xi32, #tpu.memory_space<hbm>> -> memref<1x16x8x117xi32, #tpu.memory_space<hbm>>
      %dma_wait3A_196 = tpu.memref_squeeze %dma_wait3A_195 : memref<1x16x8x117xi32, #tpu.memory_space<hbm>> -> memref<16x8x117xi32, #tpu.memory_space<hbm>>
      %dma_wait3A_197 = arith.constant 0 : i32
      %dma_wait3A_198 = arith.constant 0 : i32
      %dma_wait3A_199 = arith.constant 0 : i32
      %dma_wait3A_200 = tpu.memref_slice %arg3[%add3A, %dma_wait3A_197, %dma_wait3A_198, %dma_wait3A_199] : memref<32x16x8x117xi32, #tpu.memory_space<hbm>> -> memref<1x16x8x117xi32, #tpu.memory_space<hbm>>
      %dma_wait3A_201 = tpu.memref_squeeze %dma_wait3A_200 : memref<1x16x8x117xi32, #tpu.memory_space<hbm>> -> memref<16x8x117xi32, #tpu.memory_space<hbm>>
      tpu.wait_dma2 semaphore(%run_scoped3A : memref<!tpu.dma_semaphore, #tpu.memory_space<semaphore_mem>>) src(%dma_wait3A_201 : memref<16x8x117xi32, #tpu.memory_space<hbm>>) dst(%arg10 : memref<16x8x117xi32, #tpu.memory_space<vmem>>)
      tpu.yield
    }) : () -> ()
    "tpu.region"() ({
      %run_scoped3A = tpu.sem_alloc : memref<!tpu.dma_semaphore, #tpu.memory_space<semaphore_mem>>
      tpu.enqueue_dma source(%arg4 : memref<69x16xi32, #tpu.memory_space<hbm>>) target(%arg11 : memref<69x16xi32, #tpu.memory_space<vmem>>) target_semaphore(%run_scoped3A : memref<!tpu.dma_semaphore, #tpu.memory_space<semaphore_mem>>)
      tpu.wait_dma2 semaphore(%run_scoped3A : memref<!tpu.dma_semaphore, #tpu.memory_space<semaphore_mem>>) src(%arg4 : memref<69x16xi32, #tpu.memory_space<hbm>>) dst(%arg11 : memref<69x16xi32, #tpu.memory_space<vmem>>)
      tpu.yield
    }) : () -> ()
    "tpu.region"() ({
      %run_scoped3A = tpu.sem_alloc : memref<!tpu.dma_semaphore, #tpu.memory_space<semaphore_mem>>
      tpu.enqueue_dma source(%arg5 : memref<69x16xi32, #tpu.memory_space<hbm>>) target(%arg12 : memref<69x16xi32, #tpu.memory_space<vmem>>) target_semaphore(%run_scoped3A : memref<!tpu.dma_semaphore, #tpu.memory_space<semaphore_mem>>)
      tpu.wait_dma2 semaphore(%run_scoped3A : memref<!tpu.dma_semaphore, #tpu.memory_space<semaphore_mem>>) src(%arg5 : memref<69x16xi32, #tpu.memory_space<hbm>>) dst(%arg12 : memref<69x16xi32, #tpu.memory_space<vmem>>)
      tpu.yield
    }) : () -> ()
    "tpu.region"() ({
      %run_scoped3A = tpu.sem_alloc : memref<!tpu.dma_semaphore, #tpu.memory_space<semaphore_mem>>
      tpu.enqueue_dma source(%arg6 : memref<69x16xi32, #tpu.memory_space<hbm>>) target(%arg13 : memref<69x16xi32, #tpu.memory_space<vmem>>) target_semaphore(%run_scoped3A : memref<!tpu.dma_semaphore, #tpu.memory_space<semaphore_mem>>)
      tpu.wait_dma2 semaphore(%run_scoped3A : memref<!tpu.dma_semaphore, #tpu.memory_space<semaphore_mem>>) src(%arg6 : memref<69x16xi32, #tpu.memory_space<hbm>>) dst(%arg13 : memref<69x16xi32, #tpu.memory_space<vmem>>)
      tpu.yield
    }) : () -> ()
    "tpu.region"() ({
      %run_scoped3A = tpu.sem_alloc : memref<!tpu.dma_semaphore, #tpu.memory_space<semaphore_mem>>
      tpu.enqueue_dma source(%arg7 : memref<69x16xi32, #tpu.memory_space<hbm>>) target(%arg14 : memref<69x16xi32, #tpu.memory_space<vmem>>) target_semaphore(%run_scoped3A : memref<!tpu.dma_semaphore, #tpu.memory_space<semaphore_mem>>)
      tpu.wait_dma2 semaphore(%run_scoped3A : memref<!tpu.dma_semaphore, #tpu.memory_space<semaphore_mem>>) src(%arg7 : memref<69x16xi32, #tpu.memory_space<hbm>>) dst(%arg14 : memref<69x16xi32, #tpu.memory_space<vmem>>)
      tpu.yield
    }) : () -> ()
    "tpu.region"() ({
      %run_scoped3A = tpu.sem_alloc : memref<!tpu.dma_semaphore, #tpu.memory_space<semaphore_mem>>
      tpu.enqueue_dma source(%arg8 : memref<69x16xi32, #tpu.memory_space<hbm>>) target(%arg15 : memref<69x16xi32, #tpu.memory_space<vmem>>) target_semaphore(%run_scoped3A : memref<!tpu.dma_semaphore, #tpu.memory_space<semaphore_mem>>)
      tpu.wait_dma2 semaphore(%run_scoped3A : memref<!tpu.dma_semaphore, #tpu.memory_space<semaphore_mem>>) src(%arg8 : memref<69x16xi32, #tpu.memory_space<hbm>>) dst(%arg15 : memref<69x16xi32, #tpu.memory_space<vmem>>)
      tpu.yield
    }) : () -> ()
    %dma_start3A = arith.constant 0 : i32
    %dma_start3A_1 = arith.constant 0 : i32
    %dma_start3A_2 = arith.constant 0 : i32
    %dma_start3A_3 = arith.constant 0 : i32
    %dma_start3A_4 = tpu.memref_slice %arg16[%dma_start3A_2, %dma_start3A_3] : memref<936x16xf32, #tpu.memory_space<vmem>> -> memref<117x16xf32, #tpu.memory_space<vmem>>
    %dma_start3A_5 = arith.constant 0 : i32
    %dma_start3A_6 = tpu.memref_slice %arg10[%dma_start3A, %dma_start3A_1, %dma_start3A_5] : memref<16x8x117xi32, #tpu.memory_space<vmem>> -> memref<1x1x117xi32, #tpu.memory_space<vmem>>
    %dma_start3A_7 = tpu.memref_squeeze %dma_start3A_6 : memref<1x1x117xi32, #tpu.memory_space<vmem>> -> memref<117xi32, #tpu.memory_space<vmem>>
    %dma_start3A_8 = arith.constant 0 : i32
    %dma_start3A_9 = arith.constant 0 : i32
    %dma_start3A_10 = tpu.memref_slice %arg2[%dma_start3A_8, %dma_start3A_9] : memref<6193152x16xf32, #tpu.memory_space<hbm>> -> memref<6193152x16xf32, #tpu.memory_space<hbm>>
    tpu.enqueue_indirect_dma source(%dma_start3A_10 : memref<6193152x16xf32, #tpu.memory_space<hbm>>) target(%dma_start3A_4 : memref<117x16xf32, #tpu.memory_space<vmem>>) offsets(%dma_start3A_7 : memref<117xi32, #tpu.memory_space<vmem>>) semaphore(%arg19 : memref<!tpu.dma_semaphore, #tpu.memory_space<semaphore_mem>>)
    %dma_start3A_11 = arith.constant 0 : i32
    %dma_start3A_12 = arith.constant 1 : i32
    %dma_start3A_13 = arith.constant 117 : i32
    %dma_start3A_14 = arith.constant 0 : i32
    %dma_start3A_15 = tpu.memref_slice %arg16[%dma_start3A_13, %dma_start3A_14] : memref<936x16xf32, #tpu.memory_space<vmem>> -> memref<117x16xf32, #tpu.memory_space<vmem>>
    %dma_start3A_16 = arith.constant 0 : i32
    %dma_start3A_17 = tpu.memref_slice %arg10[%dma_start3A_11, %dma_start3A_12, %dma_start3A_16] : memref<16x8x117xi32, #tpu.memory_space<vmem>> -> memref<1x1x117xi32, #tpu.memory_space<vmem>>
    %dma_start3A_18 = tpu.memref_squeeze %dma_start3A_17 : memref<1x1x117xi32, #tpu.memory_space<vmem>> -> memref<117xi32, #tpu.memory_space<vmem>>
    %dma_start3A_19 = arith.constant 0 : i32
    %dma_start3A_20 = arith.constant 0 : i32
    %dma_start3A_21 = tpu.memref_slice %arg2[%dma_start3A_19, %dma_start3A_20] : memref<6193152x16xf32, #tpu.memory_space<hbm>> -> memref<6193152x16xf32, #tpu.memory_space<hbm>>
    tpu.enqueue_indirect_dma source(%dma_start3A_21 : memref<6193152x16xf32, #tpu.memory_space<hbm>>) target(%dma_start3A_15 : memref<117x16xf32, #tpu.memory_space<vmem>>) offsets(%dma_start3A_18 : memref<117xi32, #tpu.memory_space<vmem>>) semaphore(%arg19 : memref<!tpu.dma_semaphore, #tpu.memory_space<semaphore_mem>>)
    %dma_start3A_22 = arith.constant 0 : i32
    %dma_start3A_23 = arith.constant 2 : i32
    %dma_start3A_24 = arith.constant 234 : i32
    %dma_start3A_25 = arith.constant 0 : i32
    %dma_start3A_26 = tpu.memref_slice %arg16[%dma_start3A_24, %dma_start3A_25] : memref<936x16xf32, #tpu.memory_space<vmem>> -> memref<117x16xf32, #tpu.memory_space<vmem>>
    %dma_start3A_27 = arith.constant 0 : i32
    %dma_start3A_28 = tpu.memref_slice %arg10[%dma_start3A_22, %dma_start3A_23, %dma_start3A_27] : memref<16x8x117xi32, #tpu.memory_space<vmem>> -> memref<1x1x117xi32, #tpu.memory_space<vmem>>
    %dma_start3A_29 = tpu.memref_squeeze %dma_start3A_28 : memref<1x1x117xi32, #tpu.memory_space<vmem>> -> memref<117xi32, #tpu.memory_space<vmem>>
    %dma_start3A_30 = arith.constant 0 : i32
    %dma_start3A_31 = arith.constant 0 : i32
    %dma_start3A_32 = tpu.memref_slice %arg2[%dma_start3A_30, %dma_start3A_31] : memref<6193152x16xf32, #tpu.memory_space<hbm>> -> memref<6193152x16xf32, #tpu.memory_space<hbm>>
    tpu.enqueue_indirect_dma source(%dma_start3A_32 : memref<6193152x16xf32, #tpu.memory_space<hbm>>) target(%dma_start3A_26 : memref<117x16xf32, #tpu.memory_space<vmem>>) offsets(%dma_start3A_29 : memref<117xi32, #tpu.memory_space<vmem>>) semaphore(%arg19 : memref<!tpu.dma_semaphore, #tpu.memory_space<semaphore_mem>>)
    %dma_start3A_33 = arith.constant 0 : i32
    %dma_start3A_34 = arith.constant 3 : i32
    %dma_start3A_35 = arith.constant 351 : i32
    %dma_start3A_36 = arith.constant 0 : i32
    %dma_start3A_37 = tpu.memref_slice %arg16[%dma_start3A_35, %dma_start3A_36] : memref<936x16xf32, #tpu.memory_space<vmem>> -> memref<117x16xf32, #tpu.memory_space<vmem>>
    %dma_start3A_38 = arith.constant 0 : i32
    %dma_start3A_39 = tpu.memref_slice %arg10[%dma_start3A_33, %dma_start3A_34, %dma_start3A_38] : memref<16x8x117xi32, #tpu.memory_space<vmem>> -> memref<1x1x117xi32, #tpu.memory_space<vmem>>
    %dma_start3A_40 = tpu.memref_squeeze %dma_start3A_39 : memref<1x1x117xi32, #tpu.memory_space<vmem>> -> memref<117xi32, #tpu.memory_space<vmem>>
    %dma_start3A_41 = arith.constant 0 : i32
    %dma_start3A_42 = arith.constant 0 : i32
    %dma_start3A_43 = tpu.memref_slice %arg2[%dma_start3A_41, %dma_start3A_42] : memref<6193152x16xf32, #tpu.memory_space<hbm>> -> memref<6193152x16xf32, #tpu.memory_space<hbm>>
    tpu.enqueue_indirect_dma source(%dma_start3A_43 : memref<6193152x16xf32, #tpu.memory_space<hbm>>) target(%dma_start3A_37 : memref<117x16xf32, #tpu.memory_space<vmem>>) offsets(%dma_start3A_40 : memref<117xi32, #tpu.memory_space<vmem>>) semaphore(%arg19 : memref<!tpu.dma_semaphore, #tpu.memory_space<semaphore_mem>>)
    %dma_start3A_44 = arith.constant 0 : i32
    %dma_start3A_45 = arith.constant 4 : i32
    %dma_start3A_46 = arith.constant 468 : i32
    %dma_start3A_47 = arith.constant 0 : i32
    %dma_start3A_48 = tpu.memref_slice %arg16[%dma_start3A_46, %dma_start3A_47] : memref<936x16xf32, #tpu.memory_space<vmem>> -> memref<117x16xf32, #tpu.memory_space<vmem>>
    %dma_start3A_49 = arith.constant 0 : i32
    %dma_start3A_50 = tpu.memref_slice %arg10[%dma_start3A_44, %dma_start3A_45, %dma_start3A_49] : memref<16x8x117xi32, #tpu.memory_space<vmem>> -> memref<1x1x117xi32, #tpu.memory_space<vmem>>
    %dma_start3A_51 = tpu.memref_squeeze %dma_start3A_50 : memref<1x1x117xi32, #tpu.memory_space<vmem>> -> memref<117xi32, #tpu.memory_space<vmem>>
    %dma_start3A_52 = arith.constant 0 : i32
    %dma_start3A_53 = arith.constant 0 : i32
    %dma_start3A_54 = tpu.memref_slice %arg2[%dma_start3A_52, %dma_start3A_53] : memref<6193152x16xf32, #tpu.memory_space<hbm>> -> memref<6193152x16xf32, #tpu.memory_space<hbm>>
    tpu.enqueue_indirect_dma source(%dma_start3A_54 : memref<6193152x16xf32, #tpu.memory_space<hbm>>) target(%dma_start3A_48 : memref<117x16xf32, #tpu.memory_space<vmem>>) offsets(%dma_start3A_51 : memref<117xi32, #tpu.memory_space<vmem>>) semaphore(%arg19 : memref<!tpu.dma_semaphore, #tpu.memory_space<semaphore_mem>>)
    %dma_start3A_55 = arith.constant 0 : i32
    %dma_start3A_56 = arith.constant 5 : i32
    %dma_start3A_57 = arith.constant 585 : i32
    %dma_start3A_58 = arith.constant 0 : i32
    %dma_start3A_59 = tpu.memref_slice %arg16[%dma_start3A_57, %dma_start3A_58] : memref<936x16xf32, #tpu.memory_space<vmem>> -> memref<117x16xf32, #tpu.memory_space<vmem>>
    %dma_start3A_60 = arith.constant 0 : i32
    %dma_start3A_61 = tpu.memref_slice %arg10[%dma_start3A_55, %dma_start3A_56, %dma_start3A_60] : memref<16x8x117xi32, #tpu.memory_space<vmem>> -> memref<1x1x117xi32, #tpu.memory_space<vmem>>
    %dma_start3A_62 = tpu.memref_squeeze %dma_start3A_61 : memref<1x1x117xi32, #tpu.memory_space<vmem>> -> memref<117xi32, #tpu.memory_space<vmem>>
    %dma_start3A_63 = arith.constant 0 : i32
    %dma_start3A_64 = arith.constant 0 : i32
    %dma_start3A_65 = tpu.memref_slice %arg2[%dma_start3A_63, %dma_start3A_64] : memref<6193152x16xf32, #tpu.memory_space<hbm>> -> memref<6193152x16xf32, #tpu.memory_space<hbm>>
    tpu.enqueue_indirect_dma source(%dma_start3A_65 : memref<6193152x16xf32, #tpu.memory_space<hbm>>) target(%dma_start3A_59 : memref<117x16xf32, #tpu.memory_space<vmem>>) offsets(%dma_start3A_62 : memref<117xi32, #tpu.memory_space<vmem>>) semaphore(%arg19 : memref<!tpu.dma_semaphore, #tpu.memory_space<semaphore_mem>>)
    %dma_start3A_66 = arith.constant 0 : i32
    %dma_start3A_67 = arith.constant 6 : i32
    %dma_start3A_68 = arith.constant 702 : i32
    %dma_start3A_69 = arith.constant 0 : i32
    %dma_start3A_70 = tpu.memref_slice %arg16[%dma_start3A_68, %dma_start3A_69] : memref<936x16xf32, #tpu.memory_space<vmem>> -> memref<117x16xf32, #tpu.memory_space<vmem>>
    %dma_start3A_71 = arith.constant 0 : i32
    %dma_start3A_72 = tpu.memref_slice %arg10[%dma_start3A_66, %dma_start3A_67, %dma_start3A_71] : memref<16x8x117xi32, #tpu.memory_space<vmem>> -> memref<1x1x117xi32, #tpu.memory_space<vmem>>
    %dma_start3A_73 = tpu.memref_squeeze %dma_start3A_72 : memref<1x1x117xi32, #tpu.memory_space<vmem>> -> memref<117xi32, #tpu.memory_space<vmem>>
    %dma_start3A_74 = arith.constant 0 : i32
    %dma_start3A_75 = arith.constant 0 : i32
    %dma_start3A_76 = tpu.memref_slice %arg2[%dma_start3A_74, %dma_start3A_75] : memref<6193152x16xf32, #tpu.memory_space<hbm>> -> memref<6193152x16xf32, #tpu.memory_space<hbm>>
    tpu.enqueue_indirect_dma source(%dma_start3A_76 : memref<6193152x16xf32, #tpu.memory_space<hbm>>) target(%dma_start3A_70 : memref<117x16xf32, #tpu.memory_space<vmem>>) offsets(%dma_start3A_73 : memref<117xi32, #tpu.memory_space<vmem>>) semaphore(%arg19 : memref<!tpu.dma_semaphore, #tpu.memory_space<semaphore_mem>>)
    %dma_start3A_77 = arith.constant 0 : i32
    %dma_start3A_78 = arith.constant 7 : i32
    %dma_start3A_79 = arith.constant 819 : i32
    %dma_start3A_80 = arith.constant 0 : i32
    %dma_start3A_81 = tpu.memref_slice %arg16[%dma_start3A_79, %dma_start3A_80] : memref<936x16xf32, #tpu.memory_space<vmem>> -> memref<117x16xf32, #tpu.memory_space<vmem>>
    %dma_start3A_82 = arith.constant 0 : i32
    %dma_start3A_83 = tpu.memref_slice %arg10[%dma_start3A_77, %dma_start3A_78, %dma_start3A_82] : memref<16x8x117xi32, #tpu.memory_space<vmem>> -> memref<1x1x117xi32, #tpu.memory_space<vmem>>
    %dma_start3A_84 = tpu.memref_squeeze %dma_start3A_83 : memref<1x1x117xi32, #tpu.memory_space<vmem>> -> memref<117xi32, #tpu.memory_space<vmem>>
    %dma_start3A_85 = arith.constant 0 : i32
    %dma_start3A_86 = arith.constant 0 : i32
    %dma_start3A_87 = tpu.memref_slice %arg2[%dma_start3A_85, %dma_start3A_86] : memref<6193152x16xf32, #tpu.memory_space<hbm>> -> memref<6193152x16xf32, #tpu.memory_space<hbm>>
    tpu.enqueue_indirect_dma source(%dma_start3A_87 : memref<6193152x16xf32, #tpu.memory_space<hbm>>) target(%dma_start3A_81 : memref<117x16xf32, #tpu.memory_space<vmem>>) offsets(%dma_start3A_84 : memref<117xi32, #tpu.memory_space<vmem>>) semaphore(%arg19 : memref<!tpu.dma_semaphore, #tpu.memory_space<semaphore_mem>>)
    %dma_start3A_88 = arith.constant 1 : i32
    %dma_start3A_89 = arith.constant 0 : i32
    %dma_start3A_90 = arith.constant 0 : i32
    %dma_start3A_91 = arith.constant 0 : i32
    %dma_start3A_92 = tpu.memref_slice %arg17[%dma_start3A_90, %dma_start3A_91] : memref<936x16xf32, #tpu.memory_space<vmem>> -> memref<117x16xf32, #tpu.memory_space<vmem>>
    %dma_start3A_93 = arith.constant 0 : i32
    %dma_start3A_94 = tpu.memref_slice %arg10[%dma_start3A_88, %dma_start3A_89, %dma_start3A_93] : memref<16x8x117xi32, #tpu.memory_space<vmem>> -> memref<1x1x117xi32, #tpu.memory_space<vmem>>
    %dma_start3A_95 = tpu.memref_squeeze %dma_start3A_94 : memref<1x1x117xi32, #tpu.memory_space<vmem>> -> memref<117xi32, #tpu.memory_space<vmem>>
    %dma_start3A_96 = arith.constant 0 : i32
    %dma_start3A_97 = arith.constant 0 : i32
    %dma_start3A_98 = tpu.memref_slice %arg2[%dma_start3A_96, %dma_start3A_97] : memref<6193152x16xf32, #tpu.memory_space<hbm>> -> memref<6193152x16xf32, #tpu.memory_space<hbm>>
    tpu.enqueue_indirect_dma source(%dma_start3A_98 : memref<6193152x16xf32, #tpu.memory_space<hbm>>) target(%dma_start3A_92 : memref<117x16xf32, #tpu.memory_space<vmem>>) offsets(%dma_start3A_95 : memref<117xi32, #tpu.memory_space<vmem>>) semaphore(%arg20 : memref<!tpu.dma_semaphore, #tpu.memory_space<semaphore_mem>>)
    %dma_start3A_99 = arith.constant 1 : i32
    %dma_start3A_100 = arith.constant 1 : i32
    %dma_start3A_101 = arith.constant 117 : i32
    %dma_start3A_102 = arith.constant 0 : i32
    %dma_start3A_103 = tpu.memref_slice %arg17[%dma_start3A_101, %dma_start3A_102] : memref<936x16xf32, #tpu.memory_space<vmem>> -> memref<117x16xf32, #tpu.memory_space<vmem>>
    %dma_start3A_104 = arith.constant 0 : i32
    %dma_start3A_105 = tpu.memref_slice %arg10[%dma_start3A_99, %dma_start3A_100, %dma_start3A_104] : memref<16x8x117xi32, #tpu.memory_space<vmem>> -> memref<1x1x117xi32, #tpu.memory_space<vmem>>
    %dma_start3A_106 = tpu.memref_squeeze %dma_start3A_105 : memref<1x1x117xi32, #tpu.memory_space<vmem>> -> memref<117xi32, #tpu.memory_space<vmem>>
    %dma_start3A_107 = arith.constant 0 : i32
    %dma_start3A_108 = arith.constant 0 : i32
    %dma_start3A_109 = tpu.memref_slice %arg2[%dma_start3A_107, %dma_start3A_108] : memref<6193152x16xf32, #tpu.memory_space<hbm>> -> memref<6193152x16xf32, #tpu.memory_space<hbm>>
    tpu.enqueue_indirect_dma source(%dma_start3A_109 : memref<6193152x16xf32, #tpu.memory_space<hbm>>) target(%dma_start3A_103 : memref<117x16xf32, #tpu.memory_space<vmem>>) offsets(%dma_start3A_106 : memref<117xi32, #tpu.memory_space<vmem>>) semaphore(%arg20 : memref<!tpu.dma_semaphore, #tpu.memory_space<semaphore_mem>>)
    %dma_start3A_110 = arith.constant 1 : i32
    %dma_start3A_111 = arith.constant 2 : i32
    %dma_start3A_112 = arith.constant 234 : i32
    %dma_start3A_113 = arith.constant 0 : i32
    %dma_start3A_114 = tpu.memref_slice %arg17[%dma_start3A_112, %dma_start3A_113] : memref<936x16xf32, #tpu.memory_space<vmem>> -> memref<117x16xf32, #tpu.memory_space<vmem>>
    %dma_start3A_115 = arith.constant 0 : i32
    %dma_start3A_116 = tpu.memref_slice %arg10[%dma_start3A_110, %dma_start3A_111, %dma_start3A_115] : memref<16x8x117xi32, #tpu.memory_space<vmem>> -> memref<1x1x117xi32, #tpu.memory_space<vmem>>
    %dma_start3A_117 = tpu.memref_squeeze %dma_start3A_116 : memref<1x1x117xi32, #tpu.memory_space<vmem>> -> memref<117xi32, #tpu.memory_space<vmem>>
    %dma_start3A_118 = arith.constant 0 : i32
    %dma_start3A_119 = arith.constant 0 : i32
    %dma_start3A_120 = tpu.memref_slice %arg2[%dma_start3A_118, %dma_start3A_119] : memref<6193152x16xf32, #tpu.memory_space<hbm>> -> memref<6193152x16xf32, #tpu.memory_space<hbm>>
    tpu.enqueue_indirect_dma source(%dma_start3A_120 : memref<6193152x16xf32, #tpu.memory_space<hbm>>) target(%dma_start3A_114 : memref<117x16xf32, #tpu.memory_space<vmem>>) offsets(%dma_start3A_117 : memref<117xi32, #tpu.memory_space<vmem>>) semaphore(%arg20 : memref<!tpu.dma_semaphore, #tpu.memory_space<semaphore_mem>>)
    %dma_start3A_121 = arith.constant 1 : i32
    %dma_start3A_122 = arith.constant 3 : i32
    %dma_start3A_123 = arith.constant 351 : i32
    %dma_start3A_124 = arith.constant 0 : i32
    %dma_start3A_125 = tpu.memref_slice %arg17[%dma_start3A_123, %dma_start3A_124] : memref<936x16xf32, #tpu.memory_space<vmem>> -> memref<117x16xf32, #tpu.memory_space<vmem>>
    %dma_start3A_126 = arith.constant 0 : i32
    %dma_start3A_127 = tpu.memref_slice %arg10[%dma_start3A_121, %dma_start3A_122, %dma_start3A_126] : memref<16x8x117xi32, #tpu.memory_space<vmem>> -> memref<1x1x117xi32, #tpu.memory_space<vmem>>
    %dma_start3A_128 = tpu.memref_squeeze %dma_start3A_127 : memref<1x1x117xi32, #tpu.memory_space<vmem>> -> memref<117xi32, #tpu.memory_space<vmem>>
    %dma_start3A_129 = arith.constant 0 : i32
    %dma_start3A_130 = arith.constant 0 : i32
    %dma_start3A_131 = tpu.memref_slice %arg2[%dma_start3A_129, %dma_start3A_130] : memref<6193152x16xf32, #tpu.memory_space<hbm>> -> memref<6193152x16xf32, #tpu.memory_space<hbm>>
    tpu.enqueue_indirect_dma source(%dma_start3A_131 : memref<6193152x16xf32, #tpu.memory_space<hbm>>) target(%dma_start3A_125 : memref<117x16xf32, #tpu.memory_space<vmem>>) offsets(%dma_start3A_128 : memref<117xi32, #tpu.memory_space<vmem>>) semaphore(%arg20 : memref<!tpu.dma_semaphore, #tpu.memory_space<semaphore_mem>>)
    %dma_start3A_132 = arith.constant 1 : i32
    %dma_start3A_133 = arith.constant 4 : i32
    %dma_start3A_134 = arith.constant 468 : i32
    %dma_start3A_135 = arith.constant 0 : i32
    %dma_start3A_136 = tpu.memref_slice %arg17[%dma_start3A_134, %dma_start3A_135] : memref<936x16xf32, #tpu.memory_space<vmem>> -> memref<117x16xf32, #tpu.memory_space<vmem>>
    %dma_start3A_137 = arith.constant 0 : i32
    %dma_start3A_138 = tpu.memref_slice %arg10[%dma_start3A_132, %dma_start3A_133, %dma_start3A_137] : memref<16x8x117xi32, #tpu.memory_space<vmem>> -> memref<1x1x117xi32, #tpu.memory_space<vmem>>
    %dma_start3A_139 = tpu.memref_squeeze %dma_start3A_138 : memref<1x1x117xi32, #tpu.memory_space<vmem>> -> memref<117xi32, #tpu.memory_space<vmem>>
    %dma_start3A_140 = arith.constant 0 : i32
    %dma_start3A_141 = arith.constant 0 : i32
    %dma_start3A_142 = tpu.memref_slice %arg2[%dma_start3A_140, %dma_start3A_141] : memref<6193152x16xf32, #tpu.memory_space<hbm>> -> memref<6193152x16xf32, #tpu.memory_space<hbm>>
    tpu.enqueue_indirect_dma source(%dma_start3A_142 : memref<6193152x16xf32, #tpu.memory_space<hbm>>) target(%dma_start3A_136 : memref<117x16xf32, #tpu.memory_space<vmem>>) offsets(%dma_start3A_139 : memref<117xi32, #tpu.memory_space<vmem>>) semaphore(%arg20 : memref<!tpu.dma_semaphore, #tpu.memory_space<semaphore_mem>>)
    %dma_start3A_143 = arith.constant 1 : i32
    %dma_start3A_144 = arith.constant 5 : i32
    %dma_start3A_145 = arith.constant 585 : i32
    %dma_start3A_146 = arith.constant 0 : i32
    %dma_start3A_147 = tpu.memref_slice %arg17[%dma_start3A_145, %dma_start3A_146] : memref<936x16xf32, #tpu.memory_space<vmem>> -> memref<117x16xf32, #tpu.memory_space<vmem>>
    %dma_start3A_148 = arith.constant 0 : i32
    %dma_start3A_149 = tpu.memref_slice %arg10[%dma_start3A_143, %dma_start3A_144, %dma_start3A_148] : memref<16x8x117xi32, #tpu.memory_space<vmem>> -> memref<1x1x117xi32, #tpu.memory_space<vmem>>
    %dma_start3A_150 = tpu.memref_squeeze %dma_start3A_149 : memref<1x1x117xi32, #tpu.memory_space<vmem>> -> memref<117xi32, #tpu.memory_space<vmem>>
    %dma_start3A_151 = arith.constant 0 : i32
    %dma_start3A_152 = arith.constant 0 : i32
    %dma_start3A_153 = tpu.memref_slice %arg2[%dma_start3A_151, %dma_start3A_152] : memref<6193152x16xf32, #tpu.memory_space<hbm>> -> memref<6193152x16xf32, #tpu.memory_space<hbm>>
    tpu.enqueue_indirect_dma source(%dma_start3A_153 : memref<6193152x16xf32, #tpu.memory_space<hbm>>) target(%dma_start3A_147 : memref<117x16xf32, #tpu.memory_space<vmem>>) offsets(%dma_start3A_150 : memref<117xi32, #tpu.memory_space<vmem>>) semaphore(%arg20 : memref<!tpu.dma_semaphore, #tpu.memory_space<semaphore_mem>>)
    %dma_start3A_154 = arith.constant 1 : i32
    %dma_start3A_155 = arith.constant 6 : i32
    %dma_start3A_156 = arith.constant 702 : i32
    %dma_start3A_157 = arith.constant 0 : i32
    %dma_start3A_158 = tpu.memref_slice %arg17[%dma_start3A_156, %dma_start3A_157] : memref<936x16xf32, #tpu.memory_space<vmem>> -> memref<117x16xf32, #tpu.memory_space<vmem>>
    %dma_start3A_159 = arith.constant 0 : i32
    %dma_start3A_160 = tpu.memref_slice %arg10[%dma_start3A_154, %dma_start3A_155, %dma_start3A_159] : memref<16x8x117xi32, #tpu.memory_space<vmem>> -> memref<1x1x117xi32, #tpu.memory_space<vmem>>
    %dma_start3A_161 = tpu.memref_squeeze %dma_start3A_160 : memref<1x1x117xi32, #tpu.memory_space<vmem>> -> memref<117xi32, #tpu.memory_space<vmem>>
    %dma_start3A_162 = arith.constant 0 : i32
    %dma_start3A_163 = arith.constant 0 : i32
    %dma_start3A_164 = tpu.memref_slice %arg2[%dma_start3A_162, %dma_start3A_163] : memref<6193152x16xf32, #tpu.memory_space<hbm>> -> memref<6193152x16xf32, #tpu.memory_space<hbm>>
    tpu.enqueue_indirect_dma source(%dma_start3A_164 : memref<6193152x16xf32, #tpu.memory_space<hbm>>) target(%dma_start3A_158 : memref<117x16xf32, #tpu.memory_space<vmem>>) offsets(%dma_start3A_161 : memref<117xi32, #tpu.memory_space<vmem>>) semaphore(%arg20 : memref<!tpu.dma_semaphore, #tpu.memory_space<semaphore_mem>>)
    %dma_start3A_165 = arith.constant 1 : i32
    %dma_start3A_166 = arith.constant 7 : i32
    %dma_start3A_167 = arith.constant 819 : i32
    %dma_start3A_168 = arith.constant 0 : i32
    %dma_start3A_169 = tpu.memref_slice %arg17[%dma_start3A_167, %dma_start3A_168] : memref<936x16xf32, #tpu.memory_space<vmem>> -> memref<117x16xf32, #tpu.memory_space<vmem>>
    %dma_start3A_170 = arith.constant 0 : i32
    %dma_start3A_171 = tpu.memref_slice %arg10[%dma_start3A_165, %dma_start3A_166, %dma_start3A_170] : memref<16x8x117xi32, #tpu.memory_space<vmem>> -> memref<1x1x117xi32, #tpu.memory_space<vmem>>
    %dma_start3A_172 = tpu.memref_squeeze %dma_start3A_171 : memref<1x1x117xi32, #tpu.memory_space<vmem>> -> memref<117xi32, #tpu.memory_space<vmem>>
    %dma_start3A_173 = arith.constant 0 : i32
    %dma_start3A_174 = arith.constant 0 : i32
    %dma_start3A_175 = tpu.memref_slice %arg2[%dma_start3A_173, %dma_start3A_174] : memref<6193152x16xf32, #tpu.memory_space<hbm>> -> memref<6193152x16xf32, #tpu.memory_space<hbm>>
    tpu.enqueue_indirect_dma source(%dma_start3A_175 : memref<6193152x16xf32, #tpu.memory_space<hbm>>) target(%dma_start3A_169 : memref<117x16xf32, #tpu.memory_space<vmem>>) offsets(%dma_start3A_172 : memref<117xi32, #tpu.memory_space<vmem>>) semaphore(%arg20 : memref<!tpu.dma_semaphore, #tpu.memory_space<semaphore_mem>>)
    %scan3A = arith.constant 0 : i32
    %scan3A_176 = arith.constant 0 : i32
    %scan3A_177 = arith.constant 8 : i32
    %scan3A_178 = arith.addi %scan3A_176, %scan3A_177 : i32
    %scan3A_179 = arith.constant 1 : i32
    scf.for %scan3A_183 = %scan3A_176 to %scan3A_178 step %scan3A_179  : i32 {
      %mul3A_184 = arith.constant 2 : i32
      %mul3A_185 = arith.muli %mul3A_184, %scan3A_183 : i32
      %add3A_186 = arith.constant 1 : i32
      %add3A_187 = arith.addi %mul3A_185, %add3A_186 : i32
      %dma_wait3A = arith.constant 0 : i32
      %dma_wait3A_188 = arith.constant 0 : i32
      %dma_wait3A_189 = arith.constant 0 : i32
      %dma_wait3A_190 = tpu.memref_slice %arg16[%dma_wait3A_188, %dma_wait3A_189] : memref<936x16xf32, #tpu.memory_space<vmem>> -> memref<117x16xf32, #tpu.memory_space<vmem>>
      %dma_wait3A_191 = arith.constant 0 : i32
      %dma_wait3A_192 = tpu.memref_slice %arg10[%mul3A_185, %dma_wait3A, %dma_wait3A_191] : memref<16x8x117xi32, #tpu.memory_space<vmem>> -> memref<1x1x117xi32, #tpu.memory_space<vmem>>
      %dma_wait3A_193 = tpu.memref_squeeze %dma_wait3A_192 : memref<1x1x117xi32, #tpu.memory_space<vmem>> -> memref<117xi32, #tpu.memory_space<vmem>>
      %dma_wait3A_194 = arith.constant 0 : i32
      %dma_wait3A_195 = arith.constant 0 : i32
      %dma_wait3A_196 = tpu.memref_slice %arg2[%dma_wait3A_194, %dma_wait3A_195] : memref<6193152x16xf32, #tpu.memory_space<hbm>> -> memref<6193152x16xf32, #tpu.memory_space<hbm>>
      tpu.wait_indirect_dma semaphore(%arg19 : memref<!tpu.dma_semaphore, #tpu.memory_space<semaphore_mem>>) src(%dma_wait3A_196 : memref<6193152x16xf32, #tpu.memory_space<hbm>>) dst(%dma_wait3A_190 : memref<117x16xf32, #tpu.memory_space<vmem>>)
      %dma_wait3A_197 = arith.constant 1 : i32
      %dma_wait3A_198 = arith.constant 117 : i32
      %dma_wait3A_199 = arith.constant 0 : i32
      %dma_wait3A_200 = tpu.memref_slice %arg16[%dma_wait3A_198, %dma_wait3A_199] : memref<936x16xf32, #tpu.memory_space<vmem>> -> memref<117x16xf32, #tpu.memory_space<vmem>>
      %dma_wait3A_201 = arith.constant 0 : i32
      %dma_wait3A_202 = tpu.memref_slice %arg10[%mul3A_185, %dma_wait3A_197, %dma_wait3A_201] : memref<16x8x117xi32, #tpu.memory_space<vmem>> -> memref<1x1x117xi32, #tpu.memory_space<vmem>>
      %dma_wait3A_203 = tpu.memref_squeeze %dma_wait3A_202 : memref<1x1x117xi32, #tpu.memory_space<vmem>> -> memref<117xi32, #tpu.memory_space<vmem>>
      %dma_wait3A_204 = arith.constant 0 : i32
      %dma_wait3A_205 = arith.constant 0 : i32
      %dma_wait3A_206 = tpu.memref_slice %arg2[%dma_wait3A_204, %dma_wait3A_205] : memref<6193152x16xf32, #tpu.memory_space<hbm>> -> memref<6193152x16xf32, #tpu.memory_space<hbm>>
      tpu.wait_indirect_dma semaphore(%arg19 : memref<!tpu.dma_semaphore, #tpu.memory_space<semaphore_mem>>) src(%dma_wait3A_206 : memref<6193152x16xf32, #tpu.memory_space<hbm>>) dst(%dma_wait3A_200 : memref<117x16xf32, #tpu.memory_space<vmem>>)
      %dma_wait3A_207 = arith.constant 2 : i32
      %dma_wait3A_208 = arith.constant 234 : i32
      %dma_wait3A_209 = arith.constant 0 : i32
      %dma_wait3A_210 = tpu.memref_slice %arg16[%dma_wait3A_208, %dma_wait3A_209] : memref<936x16xf32, #tpu.memory_space<vmem>> -> memref<117x16xf32, #tpu.memory_space<vmem>>
      %dma_wait3A_211 = arith.constant 0 : i32
      %dma_wait3A_212 = tpu.memref_slice %arg10[%mul3A_185, %dma_wait3A_207, %dma_wait3A_211] : memref<16x8x117xi32, #tpu.memory_space<vmem>> -> memref<1x1x117xi32, #tpu.memory_space<vmem>>
      %dma_wait3A_213 = tpu.memref_squeeze %dma_wait3A_212 : memref<1x1x117xi32, #tpu.memory_space<vmem>> -> memref<117xi32, #tpu.memory_space<vmem>>
      %dma_wait3A_214 = arith.constant 0 : i32
      %dma_wait3A_215 = arith.constant 0 : i32
      %dma_wait3A_216 = tpu.memref_slice %arg2[%dma_wait3A_214, %dma_wait3A_215] : memref<6193152x16xf32, #tpu.memory_space<hbm>> -> memref<6193152x16xf32, #tpu.memory_space<hbm>>
      tpu.wait_indirect_dma semaphore(%arg19 : memref<!tpu.dma_semaphore, #tpu.memory_space<semaphore_mem>>) src(%dma_wait3A_216 : memref<6193152x16xf32, #tpu.memory_space<hbm>>) dst(%dma_wait3A_210 : memref<117x16xf32, #tpu.memory_space<vmem>>)
      %dma_wait3A_217 = arith.constant 3 : i32
      %dma_wait3A_218 = arith.constant 351 : i32
      %dma_wait3A_219 = arith.constant 0 : i32
      %dma_wait3A_220 = tpu.memref_slice %arg16[%dma_wait3A_218, %dma_wait3A_219] : memref<936x16xf32, #tpu.memory_space<vmem>> -> memref<117x16xf32, #tpu.memory_space<vmem>>
      %dma_wait3A_221 = arith.constant 0 : i32
      %dma_wait3A_222 = tpu.memref_slice %arg10[%mul3A_185, %dma_wait3A_217, %dma_wait3A_221] : memref<16x8x117xi32, #tpu.memory_space<vmem>> -> memref<1x1x117xi32, #tpu.memory_space<vmem>>
      %dma_wait3A_223 = tpu.memref_squeeze %dma_wait3A_222 : memref<1x1x117xi32, #tpu.memory_space<vmem>> -> memref<117xi32, #tpu.memory_space<vmem>>
      %dma_wait3A_224 = arith.constant 0 : i32
      %dma_wait3A_225 = arith.constant 0 : i32
      %dma_wait3A_226 = tpu.memref_slice %arg2[%dma_wait3A_224, %dma_wait3A_225] : memref<6193152x16xf32, #tpu.memory_space<hbm>> -> memref<6193152x16xf32, #tpu.memory_space<hbm>>
      tpu.wait_indirect_dma semaphore(%arg19 : memref<!tpu.dma_semaphore, #tpu.memory_space<semaphore_mem>>) src(%dma_wait3A_226 : memref<6193152x16xf32, #tpu.memory_space<hbm>>) dst(%dma_wait3A_220 : memref<117x16xf32, #tpu.memory_space<vmem>>)
      %dma_wait3A_227 = arith.constant 4 : i32
      %dma_wait3A_228 = arith.constant 468 : i32
      %dma_wait3A_229 = arith.constant 0 : i32
      %dma_wait3A_230 = tpu.memref_slice %arg16[%dma_wait3A_228, %dma_wait3A_229] : memref<936x16xf32, #tpu.memory_space<vmem>> -> memref<117x16xf32, #tpu.memory_space<vmem>>
      %dma_wait3A_231 = arith.constant 0 : i32
      %dma_wait3A_232 = tpu.memref_slice %arg10[%mul3A_185, %dma_wait3A_227, %dma_wait3A_231] : memref<16x8x117xi32, #tpu.memory_space<vmem>> -> memref<1x1x117xi32, #tpu.memory_space<vmem>>
      %dma_wait3A_233 = tpu.memref_squeeze %dma_wait3A_232 : memref<1x1x117xi32, #tpu.memory_space<vmem>> -> memref<117xi32, #tpu.memory_space<vmem>>
      %dma_wait3A_234 = arith.constant 0 : i32
      %dma_wait3A_235 = arith.constant 0 : i32
      %dma_wait3A_236 = tpu.memref_slice %arg2[%dma_wait3A_234, %dma_wait3A_235] : memref<6193152x16xf32, #tpu.memory_space<hbm>> -> memref<6193152x16xf32, #tpu.memory_space<hbm>>
      tpu.wait_indirect_dma semaphore(%arg19 : memref<!tpu.dma_semaphore, #tpu.memory_space<semaphore_mem>>) src(%dma_wait3A_236 : memref<6193152x16xf32, #tpu.memory_space<hbm>>) dst(%dma_wait3A_230 : memref<117x16xf32, #tpu.memory_space<vmem>>)
      %dma_wait3A_237 = arith.constant 5 : i32
      %dma_wait3A_238 = arith.constant 585 : i32
      %dma_wait3A_239 = arith.constant 0 : i32
      %dma_wait3A_240 = tpu.memref_slice %arg16[%dma_wait3A_238, %dma_wait3A_239] : memref<936x16xf32, #tpu.memory_space<vmem>> -> memref<117x16xf32, #tpu.memory_space<vmem>>
      %dma_wait3A_241 = arith.constant 0 : i32
      %dma_wait3A_242 = tpu.memref_slice %arg10[%mul3A_185, %dma_wait3A_237, %dma_wait3A_241] : memref<16x8x117xi32, #tpu.memory_space<vmem>> -> memref<1x1x117xi32, #tpu.memory_space<vmem>>
      %dma_wait3A_243 = tpu.memref_squeeze %dma_wait3A_242 : memref<1x1x117xi32, #tpu.memory_space<vmem>> -> memref<117xi32, #tpu.memory_space<vmem>>
      %dma_wait3A_244 = arith.constant 0 : i32
      %dma_wait3A_245 = arith.constant 0 : i32
      %dma_wait3A_246 = tpu.memref_slice %arg2[%dma_wait3A_244, %dma_wait3A_245] : memref<6193152x16xf32, #tpu.memory_space<hbm>> -> memref<6193152x16xf32, #tpu.memory_space<hbm>>
      tpu.wait_indirect_dma semaphore(%arg19 : memref<!tpu.dma_semaphore, #tpu.memory_space<semaphore_mem>>) src(%dma_wait3A_246 : memref<6193152x16xf32, #tpu.memory_space<hbm>>) dst(%dma_wait3A_240 : memref<117x16xf32, #tpu.memory_space<vmem>>)
      %dma_wait3A_247 = arith.constant 6 : i32
      %dma_wait3A_248 = arith.constant 702 : i32
      %dma_wait3A_249 = arith.constant 0 : i32
      %dma_wait3A_250 = tpu.memref_slice %arg16[%dma_wait3A_248, %dma_wait3A_249] : memref<936x16xf32, #tpu.memory_space<vmem>> -> memref<117x16xf32, #tpu.memory_space<vmem>>
      %dma_wait3A_251 = arith.constant 0 : i32
      %dma_wait3A_252 = tpu.memref_slice %arg10[%mul3A_185, %dma_wait3A_247, %dma_wait3A_251] : memref<16x8x117xi32, #tpu.memory_space<vmem>> -> memref<1x1x117xi32, #tpu.memory_space<vmem>>
      %dma_wait3A_253 = tpu.memref_squeeze %dma_wait3A_252 : memref<1x1x117xi32, #tpu.memory_space<vmem>> -> memref<117xi32, #tpu.memory_space<vmem>>
      %dma_wait3A_254 = arith.constant 0 : i32
      %dma_wait3A_255 = arith.constant 0 : i32
      %dma_wait3A_256 = tpu.memref_slice %arg2[%dma_wait3A_254, %dma_wait3A_255] : memref<6193152x16xf32, #tpu.memory_space<hbm>> -> memref<6193152x16xf32, #tpu.memory_space<hbm>>
      tpu.wait_indirect_dma semaphore(%arg19 : memref<!tpu.dma_semaphore, #tpu.memory_space<semaphore_mem>>) src(%dma_wait3A_256 : memref<6193152x16xf32, #tpu.memory_space<hbm>>) dst(%dma_wait3A_250 : memref<117x16xf32, #tpu.memory_space<vmem>>)
      %dma_wait3A_257 = arith.constant 7 : i32
      %dma_wait3A_258 = arith.constant 819 : i32
      %dma_wait3A_259 = arith.constant 0 : i32
      %dma_wait3A_260 = tpu.memref_slice %arg16[%dma_wait3A_258, %dma_wait3A_259] : memref<936x16xf32, #tpu.memory_space<vmem>> -> memref<117x16xf32, #tpu.memory_space<vmem>>
      %dma_wait3A_261 = arith.constant 0 : i32
      %dma_wait3A_262 = tpu.memref_slice %arg10[%mul3A_185, %dma_wait3A_257, %dma_wait3A_261] : memref<16x8x117xi32, #tpu.memory_space<vmem>> -> memref<1x1x117xi32, #tpu.memory_space<vmem>>
      %dma_wait3A_263 = tpu.memref_squeeze %dma_wait3A_262 : memref<1x1x117xi32, #tpu.memory_space<vmem>> -> memref<117xi32, #tpu.memory_space<vmem>>
      %dma_wait3A_264 = arith.constant 0 : i32
      %dma_wait3A_265 = arith.constant 0 : i32
      %dma_wait3A_266 = tpu.memref_slice %arg2[%dma_wait3A_264, %dma_wait3A_265] : memref<6193152x16xf32, #tpu.memory_space<hbm>> -> memref<6193152x16xf32, #tpu.memory_space<hbm>>
      tpu.wait_indirect_dma semaphore(%arg19 : memref<!tpu.dma_semaphore, #tpu.memory_space<semaphore_mem>>) src(%dma_wait3A_266 : memref<6193152x16xf32, #tpu.memory_space<hbm>>) dst(%dma_wait3A_260 : memref<117x16xf32, #tpu.memory_space<vmem>>)
      %mul3A_267 = arith.constant 8 : i32
      %mul3A_268 = arith.muli %mul3A_185, %mul3A_267 : i32
      %get3A = arith.constant 0 : i32
      %get3A_269 = arith.index_cast %get3A : i32 to index
      %get3A_270 = arith.constant 0 : index
      %get3A_271 = tpu.vector_load %arg11[%get3A_269, %get3A_270] {strides = array<i32>} : memref<69x16xi32, #tpu.memory_space<vmem>>, vector<16xi32>,
      %get3A_272 = arith.constant 0 : i32
      %get3A_273 = arith.index_cast %get3A_272 : i32 to index
      %get3A_274 = arith.constant 0 : index
      %get3A_275 = tpu.vector_load %arg12[%get3A_273, %get3A_274] {strides = array<i32>} : memref<69x16xi32, #tpu.memory_space<vmem>>, vector<16xi32>,
      %gather3A = tpu.vector_load_idx %arg16[%get3A_271, %get3A_275] : memref<936x16xf32, #tpu.memory_space<vmem>>[vector<16xi32>, vector<16xi32>], vector<16xf32>,
      %get3A_276 = arith.constant 0 : i32
      %get3A_277 = arith.index_cast %get3A_276 : i32 to index
      %get3A_278 = arith.constant 0 : index
      %get3A_279 = tpu.vector_load %arg13[%get3A_277, %get3A_278] {strides = array<i32>} : memref<69x16xi32, #tpu.memory_space<vmem>>, vector<16xi32>,
      %get3A_280 = arith.constant 0 : i32
      %get3A_281 = arith.index_cast %get3A_280 : i32 to index
      %get3A_282 = arith.constant 0 : index
      %get3A_283 = tpu.vector_load %arg14[%get3A_281, %get3A_282] {strides = array<i32>} : memref<69x16xi32, #tpu.memory_space<vmem>>, vector<16xi32>,
      %get3A_284 = arith.constant 0 : i32
      %get3A_285 = arith.index_cast %get3A_284 : i32 to index
      %get3A_286 = arith.constant 0 : index
      %get3A_287 = tpu.vector_load %arg15[%get3A_285, %get3A_286] {strides = array<i32>} : memref<69x16xi32, #tpu.memory_space<vmem>>, vector<16xi32>,
      %add3A_288 = vector.broadcast %mul3A_268 : i32 to vector<16xi32>
      %add3A_289 = arith.addi %get3A_287, %add3A_288 : vector<16xi32>
      tpu.vector_store_idx %arg18[%get3A_279, %get3A_283, %add3A_289], %gather3A : memref<3x46x128xf32, #tpu.memory_space<vmem>>[vector<16xi32>, vector<16xi32>, vector<16xi32>], vector<16xf32>,
      %get3A_290 = arith.constant 1 : i32
      %get3A_291 = arith.index_cast %get3A_290 : i32 to index
      %get3A_292 = arith.constant 0 : index
      %get3A_293 = tpu.vector_load %arg11[%get3A_291, %get3A_292] {strides = array<i32>} : memref<69x16xi32, #tpu.memory_space<vmem>>, vector<16xi32>,
      %get3A_294 = arith.constant 1 : i32
      %get3A_295 = arith.index_cast %get3A_294 : i32 to index
      %get3A_296 = arith.constant 0 : index
      %get3A_297 = tpu.vector_load %arg12[%get3A_295, %get3A_296] {strides = array<i32>} : memref<69x16xi32, #tpu.memory_space<vmem>>, vector<16xi32>,
      %gather3A_298 = tpu.vector_load_idx %arg16[%get3A_293, %get3A_297] : memref<936x16xf32, #tpu.memory_space<vmem>>[vector<16xi32>, vector<16xi32>], vector<16xf32>,
      %get3A_299 = arith.constant 1 : i32
      %get3A_300 = arith.index_cast %get3A_299 : i32 to index
      %get3A_301 = arith.constant 0 : index
      %get3A_302 = tpu.vector_load %arg13[%get3A_300, %get3A_301] {strides = array<i32>} : memref<69x16xi32, #tpu.memory_space<vmem>>, vector<16xi32>,
      %get3A_303 = arith.constant 1 : i32
      %get3A_304 = arith.index_cast %get3A_303 : i32 to index
      %get3A_305 = arith.constant 0 : index
      %get3A_306 = tpu.vector_load %arg14[%get3A_304, %get3A_305] {strides = array<i32>} : memref<69x16xi32, #tpu.memory_space<vmem>>, vector<16xi32>,
      %get3A_307 = arith.constant 1 : i32
      %get3A_308 = arith.index_cast %get3A_307 : i32 to index
      %get3A_309 = arith.constant 0 : index
      %get3A_310 = tpu.vector_load %arg15[%get3A_308, %get3A_309] {strides = array<i32>} : memref<69x16xi32, #tpu.memory_space<vmem>>, vector<16xi32>,
      %add3A_311 = vector.broadcast %mul3A_268 : i32 to vector<16xi32>
      %add3A_312 = arith.addi %get3A_310, %add3A_311 : vector<16xi32>
      tpu.vector_store_idx %arg18[%get3A_302, %get3A_306, %add3A_312], %gather3A_298 : memref<3x46x128xf32, #tpu.memory_space<vmem>>[vector<16xi32>, vector<16xi32>, vector<16xi32>], vector<16xf32>,
      %get3A_313 = arith.constant 2 : i32
      %get3A_314 = arith.index_cast %get3A_313 : i32 to index
      %get3A_315 = arith.constant 0 : index
      %get3A_316 = tpu.vector_load %arg11[%get3A_314, %get3A_315] {strides = array<i32>} : memref<69x16xi32, #tpu.memory_space<vmem>>, vector<16xi32>,
      %get3A_317 = arith.constant 2 : i32
      %get3A_318 = arith.index_cast %get3A_317 : i32 to index
      %get3A_319 = arith.constant 0 : index
      %get3A_320 = tpu.vector_load %arg12[%get3A_318, %get3A_319] {strides = array<i32>} : memref<69x16xi32, #tpu.memory_space<vmem>>, vector<16xi32>,
      %gather3A_321 = tpu.vector_load_idx %arg16[%get3A_316, %get3A_320] : memref<936x16xf32, #tpu.memory_space<vmem>>[vector<16xi32>, vector<16xi32>], vector<16xf32>,
      %get3A_322 = arith.constant 2 : i32
      %get3A_323 = arith.index_cast %get3A_322 : i32 to index
      %get3A_324 = arith.constant 0 : index
      %get3A_325 = tpu.vector_load %arg13[%get3A_323, %get3A_324] {strides = array<i32>} : memref<69x16xi32, #tpu.memory_space<vmem>>, vector<16xi32>,
      %get3A_326 = arith.constant 2 : i32
      %get3A_327 = arith.index_cast %get3A_326 : i32 to index
      %get3A_328 = arith.constant 0 : index
      %get3A_329 = tpu.vector_load %arg14[%get3A_327, %get3A_328] {strides = array<i32>} : memref<69x16xi32, #tpu.memory_space<vmem>>, vector<16xi32>,
      %get3A_330 = arith.constant 2 : i32
      %get3A_331 = arith.index_cast %get3A_330 : i32 to index
      %get3A_332 = arith.constant 0 : index
      %get3A_333 = tpu.vector_load %arg15[%get3A_331, %get3A_332] {strides = array<i32>} : memref<69x16xi32, #tpu.memory_space<vmem>>, vector<16xi32>,
      %add3A_334 = vector.broadcast %mul3A_268 : i32 to vector<16xi32>
      %add3A_335 = arith.addi %get3A_333, %add3A_334 : vector<16xi32>
      tpu.vector_store_idx %arg18[%get3A_325, %get3A_329, %add3A_335], %gather3A_321 : memref<3x46x128xf32, #tpu.memory_space<vmem>>[vector<16xi32>, vector<16xi32>, vector<16xi32>], vector<16xf32>,
      %get3A_336 = arith.constant 3 : i32
      %get3A_337 = arith.index_cast %get3A_336 : i32 to index
      %get3A_338 = arith.constant 0 : index
      %get3A_339 = tpu.vector_load %arg11[%get3A_337, %get3A_338] {strides = array<i32>} : memref<69x16xi32, #tpu.memory_space<vmem>>, vector<16xi32>,
      %get3A_340 = arith.constant 3 : i32
      %get3A_341 = arith.index_cast %get3A_340 : i32 to index
      %get3A_342 = arith.constant 0 : index
      %get3A_343 = tpu.vector_load %arg12[%get3A_341, %get3A_342] {strides = array<i32>} : memref<69x16xi32, #tpu.memory_space<vmem>>, vector<16xi32>,
      %gather3A_344 = tpu.vector_load_idx %arg16[%get3A_339, %get3A_343] : memref<936x16xf32, #tpu.memory_space<vmem>>[vector<16xi32>, vector<16xi32>], vector<16xf32>,
      %get3A_345 = arith.constant 3 : i32
      %get3A_346 = arith.index_cast %get3A_345 : i32 to index
      %get3A_347 = arith.constant 0 : index
      %get3A_348 = tpu.vector_load %arg13[%get3A_346, %get3A_347] {strides = array<i32>} : memref<69x16xi32, #tpu.memory_space<vmem>>, vector<16xi32>,
      %get3A_349 = arith.constant 3 : i32
      %get3A_350 = arith.index_cast %get3A_349 : i32 to index
      %get3A_351 = arith.constant 0 : index
      %get3A_352 = tpu.vector_load %arg14[%get3A_350, %get3A_351] {strides = array<i32>} : memref<69x16xi32, #tpu.memory_space<vmem>>, vector<16xi32>,
      %get3A_353 = arith.constant 3 : i32
      %get3A_354 = arith.index_cast %get3A_353 : i32 to index
      %get3A_355 = arith.constant 0 : index
      %get3A_356 = tpu.vector_load %arg15[%get3A_354, %get3A_355] {strides = array<i32>} : memref<69x16xi32, #tpu.memory_space<vmem>>, vector<16xi32>,
      %add3A_357 = vector.broadcast %mul3A_268 : i32 to vector<16xi32>
      %add3A_358 = arith.addi %get3A_356, %add3A_357 : vector<16xi32>
      tpu.vector_store_idx %arg18[%get3A_348, %get3A_352, %add3A_358], %gather3A_344 : memref<3x46x128xf32, #tpu.memory_space<vmem>>[vector<16xi32>, vector<16xi32>, vector<16xi32>], vector<16xf32>,
      %get3A_359 = arith.constant 4 : i32
      %get3A_360 = arith.index_cast %get3A_359 : i32 to index
      %get3A_361 = arith.constant 0 : index
      %get3A_362 = tpu.vector_load %arg11[%get3A_360, %get3A_361] {strides = array<i32>} : memref<69x16xi32, #tpu.memory_space<vmem>>, vector<16xi32>,
      %get3A_363 = arith.constant 4 : i32
      %get3A_364 = arith.index_cast %get3A_363 : i32 to index
      %get3A_365 = arith.constant 0 : index
      %get3A_366 = tpu.vector_load %arg12[%get3A_364, %get3A_365] {strides = array<i32>} : memref<69x16xi32, #tpu.memory_space<vmem>>, vector<16xi32>,
      %gather3A_367 = tpu.vector_load_idx %arg16[%get3A_362, %get3A_366] : memref<936x16xf32, #tpu.memory_space<vmem>>[vector<16xi32>, vector<16xi32>], vector<16xf32>,
      %get3A_368 = arith.constant 4 : i32
      %get3A_369 = arith.index_cast %get3A_368 : i32 to index
      %get3A_370 = arith.constant 0 : index
      %get3A_371 = tpu.vector_load %arg13[%get3A_369, %get3A_370] {strides = array<i32>} : memref<69x16xi32, #tpu.memory_space<vmem>>, vector<16xi32>,
      %get3A_372 = arith.constant 4 : i32
      %get3A_373 = arith.index_cast %get3A_372 : i32 to index
      %get3A_374 = arith.constant 0 : index
      %get3A_375 = tpu.vector_load %arg14[%get3A_373, %get3A_374] {strides = array<i32>} : memref<69x16xi32, #tpu.memory_space<vmem>>, vector<16xi32>,
      %get3A_376 = arith.constant 4 : i32
      %get3A_377 = arith.index_cast %get3A_376 : i32 to index
      %get3A_378 = arith.constant 0 : index
      %get3A_379 = tpu.vector_load %arg15[%get3A_377, %get3A_378] {strides = array<i32>} : memref<69x16xi32, #tpu.memory_space<vmem>>, vector<16xi32>,
      %add3A_380 = vector.broadcast %mul3A_268 : i32 to vector<16xi32>
      %add3A_381 = arith.addi %get3A_379, %add3A_380 : vector<16xi32>
      tpu.vector_store_idx %arg18[%get3A_371, %get3A_375, %add3A_381], %gather3A_367 : memref<3x46x128xf32, #tpu.memory_space<vmem>>[vector<16xi32>, vector<16xi32>, vector<16xi32>], vector<16xf32>,
      %get3A_382 = arith.constant 5 : i32
      %get3A_383 = arith.index_cast %get3A_382 : i32 to index
      %get3A_384 = arith.constant 0 : index
      %get3A_385 = tpu.vector_load %arg11[%get3A_383, %get3A_384] {strides = array<i32>} : memref<69x16xi32, #tpu.memory_space<vmem>>, vector<16xi32>,
      %get3A_386 = arith.constant 5 : i32
      %get3A_387 = arith.index_cast %get3A_386 : i32 to index
      %get3A_388 = arith.constant 0 : index
      %get3A_389 = tpu.vector_load %arg12[%get3A_387, %get3A_388] {strides = array<i32>} : memref<69x16xi32, #tpu.memory_space<vmem>>, vector<16xi32>,
      %gather3A_390 = tpu.vector_load_idx %arg16[%get3A_385, %get3A_389] : memref<936x16xf32, #tpu.memory_space<vmem>>[vector<16xi32>, vector<16xi32>], vector<16xf32>,
      %get3A_391 = arith.constant 5 : i32
      %get3A_392 = arith.index_cast %get3A_391 : i32 to index
      %get3A_393 = arith.constant 0 : index
      %get3A_394 = tpu.vector_load %arg13[%get3A_392, %get3A_393] {strides = array<i32>} : memref<69x16xi32, #tpu.memory_space<vmem>>, vector<16xi32>,
      %get3A_395 = arith.constant 5 : i32
      %get3A_396 = arith.index_cast %get3A_395 : i32 to index
      %get3A_397 = arith.constant 0 : index
      %get3A_398 = tpu.vector_load %arg14[%get3A_396, %get3A_397] {strides = array<i32>} : memref<69x16xi32, #tpu.memory_space<vmem>>, vector<16xi32>,
      %get3A_399 = arith.constant 5 : i32
      %get3A_400 = arith.index_cast %get3A_399 : i32 to index
      %get3A_401 = arith.constant 0 : index
      %get3A_402 = tpu.vector_load %arg15[%get3A_400, %get3A_401] {strides = array<i32>} : memref<69x16xi32, #tpu.memory_space<vmem>>, vector<16xi32>,
      %add3A_403 = vector.broadcast %mul3A_268 : i32 to vector<16xi32>
      %add3A_404 = arith.addi %get3A_402, %add3A_403 : vector<16xi32>
      tpu.vector_store_idx %arg18[%get3A_394, %get3A_398, %add3A_404], %gather3A_390 : memref<3x46x128xf32, #tpu.memory_space<vmem>>[vector<16xi32>, vector<16xi32>, vector<16xi32>], vector<16xf32>,
      %get3A_405 = arith.constant 6 : i32
      %get3A_406 = arith.index_cast %get3A_405 : i32 to index
      %get3A_407 = arith.constant 0 : index
      %get3A_408 = tpu.vector_load %arg11[%get3A_406, %get3A_407] {strides = array<i32>} : memref<69x16xi32, #tpu.memory_space<vmem>>, vector<16xi32>,
      %get3A_409 = arith.constant 6 : i32
      %get3A_410 = arith.index_cast %get3A_409 : i32 to index
      %get3A_411 = arith.constant 0 : index
      %get3A_412 = tpu.vector_load %arg12[%get3A_410, %get3A_411] {strides = array<i32>} : memref<69x16xi32, #tpu.memory_space<vmem>>, vector<16xi32>,
      %gather3A_413 = tpu.vector_load_idx %arg16[%get3A_408, %get3A_412] : memref<936x16xf32, #tpu.memory_space<vmem>>[vector<16xi32>, vector<16xi32>], vector<16xf32>,
      %get3A_414 = arith.constant 6 : i32
      %get3A_415 = arith.index_cast %get3A_414 : i32 to index
      %get3A_416 = arith.constant 0 : index
      %get3A_417 = tpu.vector_load %arg13[%get3A_415, %get3A_416] {strides = array<i32>} : memref<69x16xi32, #tpu.memory_space<vmem>>, vector<16xi32>,
      %get3A_418 = arith.constant 6 : i32
      %get3A_419 = arith.index_cast %get3A_418 : i32 to index
      %get3A_420 = arith.constant 0 : index
      %get3A_421 = tpu.vector_load %arg14[%get3A_419, %get3A_420] {strides = array<i32>} : memref<69x16xi32, #tpu.memory_space<vmem>>, vector<16xi32>,
      %get3A_422 = arith.constant 6 : i32
      %get3A_423 = arith.index_cast %get3A_422 : i32 to index
      %get3A_424 = arith.constant 0 : index
      %get3A_425 = tpu.vector_load %arg15[%get3A_423, %get3A_424] {strides = array<i32>} : memref<69x16xi32, #tpu.memory_space<vmem>>, vector<16xi32>,
      %add3A_426 = vector.broadcast %mul3A_268 : i32 to vector<16xi32>
      %add3A_427 = arith.addi %get3A_425, %add3A_426 : vector<16xi32>
      tpu.vector_store_idx %arg18[%get3A_417, %get3A_421, %add3A_427], %gather3A_413 : memref<3x46x128xf32, #tpu.memory_space<vmem>>[vector<16xi32>, vector<16xi32>, vector<16xi32>], vector<16xf32>,
      %get3A_428 = arith.constant 7 : i32
      %get3A_429 = arith.index_cast %get3A_428 : i32 to index
      %get3A_430 = arith.constant 0 : index
      %get3A_431 = tpu.vector_load %arg11[%get3A_429, %get3A_430] {strides = array<i32>} : memref<69x16xi32, #tpu.memory_space<vmem>>, vector<16xi32>,
      %get3A_432 = arith.constant 7 : i32
      %get3A_433 = arith.index_cast %get3A_432 : i32 to index
      %get3A_434 = arith.constant 0 : index
      %get3A_435 = tpu.vector_load %arg12[%get3A_433, %get3A_434] {strides = array<i32>} : memref<69x16xi32, #tpu.memory_space<vmem>>, vector<16xi32>,
      %gather3A_436 = tpu.vector_load_idx %arg16[%get3A_431, %get3A_435] : memref<936x16xf32, #tpu.memory_space<vmem>>[vector<16xi32>, vector<16xi32>], vector<16xf32>,
      %get3A_437 = arith.constant 7 : i32
      %get3A_438 = arith.index_cast %get3A_437 : i32 to index
      %get3A_439 = arith.constant 0 : index
      %get3A_440 = tpu.vector_load %arg13[%get3A_438, %get3A_439] {strides = array<i32>} : memref<69x16xi32, #tpu.memory_space<vmem>>, vector<16xi32>,
      %get3A_441 = arith.constant 7 : i32
      %get3A_442 = arith.index_cast %get3A_441 : i32 to index
      %get3A_443 = arith.constant 0 : index
      %get3A_444 = tpu.vector_load %arg14[%get3A_442, %get3A_443] {strides = array<i32>} : memref<69x16xi32, #tpu.memory_space<vmem>>, vector<16xi32>,
      %get3A_445 = arith.constant 7 : i32
      %get3A_446 = arith.index_cast %get3A_445 : i32 to index
      %get3A_447 = arith.constant 0 : index
      %get3A_448 = tpu.vector_load %arg15[%get3A_446, %get3A_447] {strides = array<i32>} : memref<69x16xi32, #tpu.memory_space<vmem>>, vector<16xi32>,
      %add3A_449 = vector.broadcast %mul3A_268 : i32 to vector<16xi32>
      %add3A_450 = arith.addi %get3A_448, %add3A_449 : vector<16xi32>
      tpu.vector_store_idx %arg18[%get3A_440, %get3A_444, %add3A_450], %gather3A_436 : memref<3x46x128xf32, #tpu.memory_space<vmem>>[vector<16xi32>, vector<16xi32>, vector<16xi32>], vector<16xf32>,
      %get3A_451 = arith.constant 8 : i32
      %get3A_452 = arith.index_cast %get3A_451 : i32 to index
      %get3A_453 = arith.constant 0 : index
      %get3A_454 = tpu.vector_load %arg11[%get3A_452, %get3A_453] {strides = array<i32>} : memref<69x16xi32, #tpu.memory_space<vmem>>, vector<16xi32>,
      %get3A_455 = arith.constant 8 : i32
      %get3A_456 = arith.index_cast %get3A_455 : i32 to index
      %get3A_457 = arith.constant 0 : index
      %get3A_458 = tpu.vector_load %arg12[%get3A_456, %get3A_457] {strides = array<i32>} : memref<69x16xi32, #tpu.memory_space<vmem>>, vector<16xi32>,
      %gather3A_459 = tpu.vector_load_idx %arg16[%get3A_454, %get3A_458] : memref<936x16xf32, #tpu.memory_space<vmem>>[vector<16xi32>, vector<16xi32>], vector<16xf32>,
      %get3A_460 = arith.constant 8 : i32
      %get3A_461 = arith.index_cast %get3A_460 : i32 to index
      %get3A_462 = arith.constant 0 : index
      %get3A_463 = tpu.vector_load %arg13[%get3A_461, %get3A_462] {strides = array<i32>} : memref<69x16xi32, #tpu.memory_space<vmem>>, vector<16xi32>,
      %get3A_464 = arith.constant 8 : i32
      %get3A_465 = arith.index_cast %get3A_464 : i32 to index
      %get3A_466 = arith.constant 0 : index
      %get3A_467 = tpu.vector_load %arg14[%get3A_465, %get3A_466] {strides = array<i32>} : memref<69x16xi32, #tpu.memory_space<vmem>>, vector<16xi32>,
      %get3A_468 = arith.constant 8 : i32
      %get3A_469 = arith.index_cast %get3A_468 : i32 to index
      %get3A_470 = arith.constant 0 : index
      %get3A_471 = tpu.vector_load %arg15[%get3A_469, %get3A_470] {strides = array<i32>} : memref<69x16xi32, #tpu.memory_space<vmem>>, vector<16xi32>,
      %add3A_472 = vector.broadcast %mul3A_268 : i32 to vector<16xi32>
      %add3A_473 = arith.addi %get3A_471, %add3A_472 : vector<16xi32>
      tpu.vector_store_idx %arg18[%get3A_463, %get3A_467, %add3A_473], %gather3A_459 : memref<3x46x128xf32, #tpu.memory_space<vmem>>[vector<16xi32>, vector<16xi32>, vector<16xi32>], vector<16xf32>,
      %get3A_474 = arith.constant 9 : i32
      %get3A_475 = arith.index_cast %get3A_474 : i32 to index
      %get3A_476 = arith.constant 0 : index
      %get3A_477 = tpu.vector_load %arg11[%get3A_475, %get3A_476] {strides = array<i32>} : memref<69x16xi32, #tpu.memory_space<vmem>>, vector<16xi32>,
      %get3A_478 = arith.constant 9 : i32
      %get3A_479 = arith.index_cast %get3A_478 : i32 to index
      %get3A_480 = arith.constant 0 : index
      %get3A_481 = tpu.vector_load %arg12[%get3A_479, %get3A_480] {strides = array<i32>} : memref<69x16xi32, #tpu.memory_space<vmem>>, vector<16xi32>,
      %gather3A_482 = tpu.vector_load_idx %arg16[%get3A_477, %get3A_481] : memref<936x16xf32, #tpu.memory_space<vmem>>[vector<16xi32>, vector<16xi32>], vector<16xf32>,
      %get3A_483 = arith.constant 9 : i32
      %get3A_484 = arith.index_cast %get3A_483 : i32 to index
      %get3A_485 = arith.constant 0 : index
      %get3A_486 = tpu.vector_load %arg13[%get3A_484, %get3A_485] {strides = array<i32>} : memref<69x16xi32, #tpu.memory_space<vmem>>, vector<16xi32>,
      %get3A_487 = arith.constant 9 : i32
      %get3A_488 = arith.index_cast %get3A_487 : i32 to index
      %get3A_489 = arith.constant 0 : index
      %get3A_490 = tpu.vector_load %arg14[%get3A_488, %get3A_489] {strides = array<i32>} : memref<69x16xi32, #tpu.memory_space<vmem>>, vector<16xi32>,
      %get3A_491 = arith.constant 9 : i32
      %get3A_492 = arith.index_cast %get3A_491 : i32 to index
      %get3A_493 = arith.constant 0 : index
      %get3A_494 = tpu.vector_load %arg15[%get3A_492, %get3A_493] {strides = array<i32>} : memref<69x16xi32, #tpu.memory_space<vmem>>, vector<16xi32>,
      %add3A_495 = vector.broadcast %mul3A_268 : i32 to vector<16xi32>
      %add3A_496 = arith.addi %get3A_494, %add3A_495 : vector<16xi32>
      tpu.vector_store_idx %arg18[%get3A_486, %get3A_490, %add3A_496], %gather3A_482 : memref<3x46x128xf32, #tpu.memory_space<vmem>>[vector<16xi32>, vector<16xi32>, vector<16xi32>], vector<16xf32>,
      %get3A_497 = arith.constant 10 : i32
      %get3A_498 = arith.index_cast %get3A_497 : i32 to index
      %get3A_499 = arith.constant 0 : index
      %get3A_500 = tpu.vector_load %arg11[%get3A_498, %get3A_499] {strides = array<i32>} : memref<69x16xi32, #tpu.memory_space<vmem>>, vector<16xi32>,
      %get3A_501 = arith.constant 10 : i32
      %get3A_502 = arith.index_cast %get3A_501 : i32 to index
      %get3A_503 = arith.constant 0 : index
      %get3A_504 = tpu.vector_load %arg12[%get3A_502, %get3A_503] {strides = array<i32>} : memref<69x16xi32, #tpu.memory_space<vmem>>, vector<16xi32>,
      %gather3A_505 = tpu.vector_load_idx %arg16[%get3A_500, %get3A_504] : memref<936x16xf32, #tpu.memory_space<vmem>>[vector<16xi32>, vector<16xi32>], vector<16xf32>,
      %get3A_506 = arith.constant 10 : i32
      %get3A_507 = arith.index_cast %get3A_506 : i32 to index
      %get3A_508 = arith.constant 0 : index
      %get3A_509 = tpu.vector_load %arg13[%get3A_507, %get3A_508] {strides = array<i32>} : memref<69x16xi32, #tpu.memory_space<vmem>>, vector<16xi32>,
      %get3A_510 = arith.constant 10 : i32
      %get3A_511 = arith.index_cast %get3A_510 : i32 to index
      %get3A_512 = arith.constant 0 : index
      %get3A_513 = tpu.vector_load %arg14[%get3A_511, %get3A_512] {strides = array<i32>} : memref<69x16xi32, #tpu.memory_space<vmem>>, vector<16xi32>,
      %get3A_514 = arith.constant 10 : i32
      %get3A_515 = arith.index_cast %get3A_514 : i32 to index
      %get3A_516 = arith.constant 0 : index
      %get3A_517 = tpu.vector_load %arg15[%get3A_515, %get3A_516] {strides = array<i32>} : memref<69x16xi32, #tpu.memory_space<vmem>>, vector<16xi32>,
      %add3A_518 = vector.broadcast %mul3A_268 : i32 to vector<16xi32>
      %add3A_519 = arith.addi %get3A_517, %add3A_518 : vector<16xi32>
      tpu.vector_store_idx %arg18[%get3A_509, %get3A_513, %add3A_519], %gather3A_505 : memref<3x46x128xf32, #tpu.memory_space<vmem>>[vector<16xi32>, vector<16xi32>, vector<16xi32>], vector<16xf32>,
      %get3A_520 = arith.constant 11 : i32
      %get3A_521 = arith.index_cast %get3A_520 : i32 to index
      %get3A_522 = arith.constant 0 : index
      %get3A_523 = tpu.vector_load %arg11[%get3A_521, %get3A_522] {strides = array<i32>} : memref<69x16xi32, #tpu.memory_space<vmem>>, vector<16xi32>,
      %get3A_524 = arith.constant 11 : i32
      %get3A_525 = arith.index_cast %get3A_524 : i32 to index
      %get3A_526 = arith.constant 0 : index
      %get3A_527 = tpu.vector_load %arg12[%get3A_525, %get3A_526] {strides = array<i32>} : memref<69x16xi32, #tpu.memory_space<vmem>>, vector<16xi32>,
      %gather3A_528 = tpu.vector_load_idx %arg16[%get3A_523, %get3A_527] : memref<936x16xf32, #tpu.memory_space<vmem>>[vector<16xi32>, vector<16xi32>], vector<16xf32>,
      %get3A_529 = arith.constant 11 : i32
      %get3A_530 = arith.index_cast %get3A_529 : i32 to index
      %get3A_531 = arith.constant 0 : index
      %get3A_532 = tpu.vector_load %arg13[%get3A_530, %get3A_531] {strides = array<i32>} : memref<69x16xi32, #tpu.memory_space<vmem>>, vector<16xi32>,
      %get3A_533 = arith.constant 11 : i32
      %get3A_534 = arith.index_cast %get3A_533 : i32 to index
      %get3A_535 = arith.constant 0 : index
      %get3A_536 = tpu.vector_load %arg14[%get3A_534, %get3A_535] {strides = array<i32>} : memref<69x16xi32, #tpu.memory_space<vmem>>, vector<16xi32>,
      %get3A_537 = arith.constant 11 : i32
      %get3A_538 = arith.index_cast %get3A_537 : i32 to index
      %get3A_539 = arith.constant 0 : index
      %get3A_540 = tpu.vector_load %arg15[%get3A_538, %get3A_539] {strides = array<i32>} : memref<69x16xi32, #tpu.memory_space<vmem>>, vector<16xi32>,
      %add3A_541 = vector.broadcast %mul3A_268 : i32 to vector<16xi32>
      %add3A_542 = arith.addi %get3A_540, %add3A_541 : vector<16xi32>
      tpu.vector_store_idx %arg18[%get3A_532, %get3A_536, %add3A_542], %gather3A_528 : memref<3x46x128xf32, #tpu.memory_space<vmem>>[vector<16xi32>, vector<16xi32>, vector<16xi32>], vector<16xf32>,
      %get3A_543 = arith.constant 12 : i32
      %get3A_544 = arith.index_cast %get3A_543 : i32 to index
      %get3A_545 = arith.constant 0 : index
      %get3A_546 = tpu.vector_load %arg11[%get3A_544, %get3A_545] {strides = array<i32>} : memref<69x16xi32, #tpu.memory_space<vmem>>, vector<16xi32>,
      %get3A_547 = arith.constant 12 : i32
      %get3A_548 = arith.index_cast %get3A_547 : i32 to index
      %get3A_549 = arith.constant 0 : index
      %get3A_550 = tpu.vector_load %arg12[%get3A_548, %get3A_549] {strides = array<i32>} : memref<69x16xi32, #tpu.memory_space<vmem>>, vector<16xi32>,
      %gather3A_551 = tpu.vector_load_idx %arg16[%get3A_546, %get3A_550] : memref<936x16xf32, #tpu.memory_space<vmem>>[vector<16xi32>, vector<16xi32>], vector<16xf32>,
      %get3A_552 = arith.constant 12 : i32
      %get3A_553 = arith.index_cast %get3A_552 : i32 to index
      %get3A_554 = arith.constant 0 : index
      %get3A_555 = tpu.vector_load %arg13[%get3A_553, %get3A_554] {strides = array<i32>} : memref<69x16xi32, #tpu.memory_space<vmem>>, vector<16xi32>,
      %get3A_556 = arith.constant 12 : i32
      %get3A_557 = arith.index_cast %get3A_556 : i32 to index
      %get3A_558 = arith.constant 0 : index
      %get3A_559 = tpu.vector_load %arg14[%get3A_557, %get3A_558] {strides = array<i32>} : memref<69x16xi32, #tpu.memory_space<vmem>>, vector<16xi32>,
      %get3A_560 = arith.constant 12 : i32
      %get3A_561 = arith.index_cast %get3A_560 : i32 to index
      %get3A_562 = arith.constant 0 : index
      %get3A_563 = tpu.vector_load %arg15[%get3A_561, %get3A_562] {strides = array<i32>} : memref<69x16xi32, #tpu.memory_space<vmem>>, vector<16xi32>,
      %add3A_564 = vector.broadcast %mul3A_268 : i32 to vector<16xi32>
      %add3A_565 = arith.addi %get3A_563, %add3A_564 : vector<16xi32>
      tpu.vector_store_idx %arg18[%get3A_555, %get3A_559, %add3A_565], %gather3A_551 : memref<3x46x128xf32, #tpu.memory_space<vmem>>[vector<16xi32>, vector<16xi32>, vector<16xi32>], vector<16xf32>,
      %get3A_566 = arith.constant 13 : i32
      %get3A_567 = arith.index_cast %get3A_566 : i32 to index
      %get3A_568 = arith.constant 0 : index
      %get3A_569 = tpu.vector_load %arg11[%get3A_567, %get3A_568] {strides = array<i32>} : memref<69x16xi32, #tpu.memory_space<vmem>>, vector<16xi32>,
      %get3A_570 = arith.constant 13 : i32
      %get3A_571 = arith.index_cast %get3A_570 : i32 to index
      %get3A_572 = arith.constant 0 : index
      %get3A_573 = tpu.vector_load %arg12[%get3A_571, %get3A_572] {strides = array<i32>} : memref<69x16xi32, #tpu.memory_space<vmem>>, vector<16xi32>,
      %gather3A_574 = tpu.vector_load_idx %arg16[%get3A_569, %get3A_573] : memref<936x16xf32, #tpu.memory_space<vmem>>[vector<16xi32>, vector<16xi32>], vector<16xf32>,
      %get3A_575 = arith.constant 13 : i32
      %get3A_576 = arith.index_cast %get3A_575 : i32 to index
      %get3A_577 = arith.constant 0 : index
      %get3A_578 = tpu.vector_load %arg13[%get3A_576, %get3A_577] {strides = array<i32>} : memref<69x16xi32, #tpu.memory_space<vmem>>, vector<16xi32>,
      %get3A_579 = arith.constant 13 : i32
      %get3A_580 = arith.index_cast %get3A_579 : i32 to index
      %get3A_581 = arith.constant 0 : index
      %get3A_582 = tpu.vector_load %arg14[%get3A_580, %get3A_581] {strides = array<i32>} : memref<69x16xi32, #tpu.memory_space<vmem>>, vector<16xi32>,
      %get3A_583 = arith.constant 13 : i32
      %get3A_584 = arith.index_cast %get3A_583 : i32 to index
      %get3A_585 = arith.constant 0 : index
      %get3A_586 = tpu.vector_load %arg15[%get3A_584, %get3A_585] {strides = array<i32>} : memref<69x16xi32, #tpu.memory_space<vmem>>, vector<16xi32>,
      %add3A_587 = vector.broadcast %mul3A_268 : i32 to vector<16xi32>
      %add3A_588 = arith.addi %get3A_586, %add3A_587 : vector<16xi32>
      tpu.vector_store_idx %arg18[%get3A_578, %get3A_582, %add3A_588], %gather3A_574 : memref<3x46x128xf32, #tpu.memory_space<vmem>>[vector<16xi32>, vector<16xi32>, vector<16xi32>], vector<16xf32>,
      %get3A_589 = arith.constant 14 : i32
      %get3A_590 = arith.index_cast %get3A_589 : i32 to index
      %get3A_591 = arith.constant 0 : index
      %get3A_592 = tpu.vector_load %arg11[%get3A_590, %get3A_591] {strides = array<i32>} : memref<69x16xi32, #tpu.memory_space<vmem>>, vector<16xi32>,
      %get3A_593 = arith.constant 14 : i32
      %get3A_594 = arith.index_cast %get3A_593 : i32 to index
      %get3A_595 = arith.constant 0 : index
      %get3A_596 = tpu.vector_load %arg12[%get3A_594, %get3A_595] {strides = array<i32>} : memref<69x16xi32, #tpu.memory_space<vmem>>, vector<16xi32>,
      %gather3A_597 = tpu.vector_load_idx %arg16[%get3A_592, %get3A_596] : memref<936x16xf32, #tpu.memory_space<vmem>>[vector<16xi32>, vector<16xi32>], vector<16xf32>,
      %get3A_598 = arith.constant 14 : i32
      %get3A_599 = arith.index_cast %get3A_598 : i32 to index
      %get3A_600 = arith.constant 0 : index
      %get3A_601 = tpu.vector_load %arg13[%get3A_599, %get3A_600] {strides = array<i32>} : memref<69x16xi32, #tpu.memory_space<vmem>>, vector<16xi32>,
      %get3A_602 = arith.constant 14 : i32
      %get3A_603 = arith.index_cast %get3A_602 : i32 to index
      %get3A_604 = arith.constant 0 : index
      %get3A_605 = tpu.vector_load %arg14[%get3A_603, %get3A_604] {strides = array<i32>} : memref<69x16xi32, #tpu.memory_space<vmem>>, vector<16xi32>,
      %get3A_606 = arith.constant 14 : i32
      %get3A_607 = arith.index_cast %get3A_606 : i32 to index
      %get3A_608 = arith.constant 0 : index
      %get3A_609 = tpu.vector_load %arg15[%get3A_607, %get3A_608] {strides = array<i32>} : memref<69x16xi32, #tpu.memory_space<vmem>>, vector<16xi32>,
      %add3A_610 = vector.broadcast %mul3A_268 : i32 to vector<16xi32>
      %add3A_611 = arith.addi %get3A_609, %add3A_610 : vector<16xi32>
      tpu.vector_store_idx %arg18[%get3A_601, %get3A_605, %add3A_611], %gather3A_597 : memref<3x46x128xf32, #tpu.memory_space<vmem>>[vector<16xi32>, vector<16xi32>, vector<16xi32>], vector<16xf32>,
      %get3A_612 = arith.constant 15 : i32
      %get3A_613 = arith.index_cast %get3A_612 : i32 to index
      %get3A_614 = arith.constant 0 : index
      %get3A_615 = tpu.vector_load %arg11[%get3A_613, %get3A_614] {strides = array<i32>} : memref<69x16xi32, #tpu.memory_space<vmem>>, vector<16xi32>,
      %get3A_616 = arith.constant 15 : i32
      %get3A_617 = arith.index_cast %get3A_616 : i32 to index
      %get3A_618 = arith.constant 0 : index
      %get3A_619 = tpu.vector_load %arg12[%get3A_617, %get3A_618] {strides = array<i32>} : memref<69x16xi32, #tpu.memory_space<vmem>>, vector<16xi32>,
      %gather3A_620 = tpu.vector_load_idx %arg16[%get3A_615, %get3A_619] : memref<936x16xf32, #tpu.memory_space<vmem>>[vector<16xi32>, vector<16xi32>], vector<16xf32>,
      %get3A_621 = arith.constant 15 : i32
      %get3A_622 = arith.index_cast %get3A_621 : i32 to index
      %get3A_623 = arith.constant 0 : index
      %get3A_624 = tpu.vector_load %arg13[%get3A_622, %get3A_623] {strides = array<i32>} : memref<69x16xi32, #tpu.memory_space<vmem>>, vector<16xi32>,
      %get3A_625 = arith.constant 15 : i32
      %get3A_626 = arith.index_cast %get3A_625 : i32 to index
      %get3A_627 = arith.constant 0 : index
      %get3A_628 = tpu.vector_load %arg14[%get3A_626, %get3A_627] {strides = array<i32>} : memref<69x16xi32, #tpu.memory_space<vmem>>, vector<16xi32>,
      %get3A_629 = arith.constant 15 : i32
      %get3A_630 = arith.index_cast %get3A_629 : i32 to index
      %get3A_631 = arith.constant 0 : index
      %get3A_632 = tpu.vector_load %arg15[%get3A_630, %get3A_631] {strides = array<i32>} : memref<69x16xi32, #tpu.memory_space<vmem>>, vector<16xi32>,
      %add3A_633 = vector.broadcast %mul3A_268 : i32 to vector<16xi32>
      %add3A_634 = arith.addi %get3A_632, %add3A_633 : vector<16xi32>
      tpu.vector_store_idx %arg18[%get3A_624, %get3A_628, %add3A_634], %gather3A_620 : memref<3x46x128xf32, #tpu.memory_space<vmem>>[vector<16xi32>, vector<16xi32>, vector<16xi32>], vector<16xf32>,
      %get3A_635 = arith.constant 16 : i32
      %get3A_636 = arith.index_cast %get3A_635 : i32 to index
      %get3A_637 = arith.constant 0 : index
      %get3A_638 = tpu.vector_load %arg11[%get3A_636, %get3A_637] {strides = array<i32>} : memref<69x16xi32, #tpu.memory_space<vmem>>, vector<16xi32>,
      %get3A_639 = arith.constant 16 : i32
      %get3A_640 = arith.index_cast %get3A_639 : i32 to index
      %get3A_641 = arith.constant 0 : index
      %get3A_642 = tpu.vector_load %arg12[%get3A_640, %get3A_641] {strides = array<i32>} : memref<69x16xi32, #tpu.memory_space<vmem>>, vector<16xi32>,
      %gather3A_643 = tpu.vector_load_idx %arg16[%get3A_638, %get3A_642] : memref<936x16xf32, #tpu.memory_space<vmem>>[vector<16xi32>, vector<16xi32>], vector<16xf32>,
      %get3A_644 = arith.constant 16 : i32
      %get3A_645 = arith.index_cast %get3A_644 : i32 to index
      %get3A_646 = arith.constant 0 : index
      %get3A_647 = tpu.vector_load %arg13[%get3A_645, %get3A_646] {strides = array<i32>} : memref<69x16xi32, #tpu.memory_space<vmem>>, vector<16xi32>,
      %get3A_648 = arith.constant 16 : i32
      %get3A_649 = arith.index_cast %get3A_648 : i32 to index
      %get3A_650 = arith.constant 0 : index
      %get3A_651 = tpu.vector_load %arg14[%get3A_649, %get3A_650] {strides = array<i32>} : memref<69x16xi32, #tpu.memory_space<vmem>>, vector<16xi32>,
      %get3A_652 = arith.constant 16 : i32
      %get3A_653 = arith.index_cast %get3A_652 : i32 to index
      %get3A_654 = arith.constant 0 : index
      %get3A_655 = tpu.vector_load %arg15[%get3A_653, %get3A_654] {strides = array<i32>} : memref<69x16xi32, #tpu.memory_space<vmem>>, vector<16xi32>,
      %add3A_656 = vector.broadcast %mul3A_268 : i32 to vector<16xi32>
      %add3A_657 = arith.addi %get3A_655, %add3A_656 : vector<16xi32>
      tpu.vector_store_idx %arg18[%get3A_647, %get3A_651, %add3A_657], %gather3A_643 : memref<3x46x128xf32, #tpu.memory_space<vmem>>[vector<16xi32>, vector<16xi32>, vector<16xi32>], vector<16xf32>,
      %get3A_658 = arith.constant 17 : i32
      %get3A_659 = arith.index_cast %get3A_658 : i32 to index
      %get3A_660 = arith.constant 0 : index
      %get3A_661 = tpu.vector_load %arg11[%get3A_659, %get3A_660] {strides = array<i32>} : memref<69x16xi32, #tpu.memory_space<vmem>>, vector<16xi32>,
      %get3A_662 = arith.constant 17 : i32
      %get3A_663 = arith.index_cast %get3A_662 : i32 to index
      %get3A_664 = arith.constant 0 : index
      %get3A_665 = tpu.vector_load %arg12[%get3A_663, %get3A_664] {strides = array<i32>} : memref<69x16xi32, #tpu.memory_space<vmem>>, vector<16xi32>,
      %gather3A_666 = tpu.vector_load_idx %arg16[%get3A_661, %get3A_665] : memref<936x16xf32, #tpu.memory_space<vmem>>[vector<16xi32>, vector<16xi32>], vector<16xf32>,
      %get3A_667 = arith.constant 17 : i32
      %get3A_668 = arith.index_cast %get3A_667 : i32 to index
      %get3A_669 = arith.constant 0 : index
      %get3A_670 = tpu.vector_load %arg13[%get3A_668, %get3A_669] {strides = array<i32>} : memref<69x16xi32, #tpu.memory_space<vmem>>, vector<16xi32>,
      %get3A_671 = arith.constant 17 : i32
      %get3A_672 = arith.index_cast %get3A_671 : i32 to index
      %get3A_673 = arith.constant 0 : index
      %get3A_674 = tpu.vector_load %arg14[%get3A_672, %get3A_673] {strides = array<i32>} : memref<69x16xi32, #tpu.memory_space<vmem>>, vector<16xi32>,
      %get3A_675 = arith.constant 17 : i32
      %get3A_676 = arith.index_cast %get3A_675 : i32 to index
      %get3A_677 = arith.constant 0 : index
      %get3A_678 = tpu.vector_load %arg15[%get3A_676, %get3A_677] {strides = array<i32>} : memref<69x16xi32, #tpu.memory_space<vmem>>, vector<16xi32>,
      %add3A_679 = vector.broadcast %mul3A_268 : i32 to vector<16xi32>
      %add3A_680 = arith.addi %get3A_678, %add3A_679 : vector<16xi32>
      tpu.vector_store_idx %arg18[%get3A_670, %get3A_674, %add3A_680], %gather3A_666 : memref<3x46x128xf32, #tpu.memory_space<vmem>>[vector<16xi32>, vector<16xi32>, vector<16xi32>], vector<16xf32>,
      %get3A_681 = arith.constant 18 : i32
      %get3A_682 = arith.index_cast %get3A_681 : i32 to index
      %get3A_683 = arith.constant 0 : index
      %get3A_684 = tpu.vector_load %arg11[%get3A_682, %get3A_683] {strides = array<i32>} : memref<69x16xi32, #tpu.memory_space<vmem>>, vector<16xi32>,
      %get3A_685 = arith.constant 18 : i32
      %get3A_686 = arith.index_cast %get3A_685 : i32 to index
      %get3A_687 = arith.constant 0 : index
      %get3A_688 = tpu.vector_load %arg12[%get3A_686, %get3A_687] {strides = array<i32>} : memref<69x16xi32, #tpu.memory_space<vmem>>, vector<16xi32>,
      %gather3A_689 = tpu.vector_load_idx %arg16[%get3A_684, %get3A_688] : memref<936x16xf32, #tpu.memory_space<vmem>>[vector<16xi32>, vector<16xi32>], vector<16xf32>,
      %get3A_690 = arith.constant 18 : i32
      %get3A_691 = arith.index_cast %get3A_690 : i32 to index
      %get3A_692 = arith.constant 0 : index
      %get3A_693 = tpu.vector_load %arg13[%get3A_691, %get3A_692] {strides = array<i32>} : memref<69x16xi32, #tpu.memory_space<vmem>>, vector<16xi32>,
      %get3A_694 = arith.constant 18 : i32
      %get3A_695 = arith.index_cast %get3A_694 : i32 to index
      %get3A_696 = arith.constant 0 : index
      %get3A_697 = tpu.vector_load %arg14[%get3A_695, %get3A_696] {strides = array<i32>} : memref<69x16xi32, #tpu.memory_space<vmem>>, vector<16xi32>,
      %get3A_698 = arith.constant 18 : i32
      %get3A_699 = arith.index_cast %get3A_698 : i32 to index
      %get3A_700 = arith.constant 0 : index
      %get3A_701 = tpu.vector_load %arg15[%get3A_699, %get3A_700] {strides = array<i32>} : memref<69x16xi32, #tpu.memory_space<vmem>>, vector<16xi32>,
      %add3A_702 = vector.broadcast %mul3A_268 : i32 to vector<16xi32>
      %add3A_703 = arith.addi %get3A_701, %add3A_702 : vector<16xi32>
      tpu.vector_store_idx %arg18[%get3A_693, %get3A_697, %add3A_703], %gather3A_689 : memref<3x46x128xf32, #tpu.memory_space<vmem>>[vector<16xi32>, vector<16xi32>, vector<16xi32>], vector<16xf32>,
      %get3A_704 = arith.constant 19 : i32
      %get3A_705 = arith.index_cast %get3A_704 : i32 to index
      %get3A_706 = arith.constant 0 : index
      %get3A_707 = tpu.vector_load %arg11[%get3A_705, %get3A_706] {strides = array<i32>} : memref<69x16xi32, #tpu.memory_space<vmem>>, vector<16xi32>,
      %get3A_708 = arith.constant 19 : i32
      %get3A_709 = arith.index_cast %get3A_708 : i32 to index
      %get3A_710 = arith.constant 0 : index
      %get3A_711 = tpu.vector_load %arg12[%get3A_709, %get3A_710] {strides = array<i32>} : memref<69x16xi32, #tpu.memory_space<vmem>>, vector<16xi32>,
      %gather3A_712 = tpu.vector_load_idx %arg16[%get3A_707, %get3A_711] : memref<936x16xf32, #tpu.memory_space<vmem>>[vector<16xi32>, vector<16xi32>], vector<16xf32>,
      %get3A_713 = arith.constant 19 : i32
      %get3A_714 = arith.index_cast %get3A_713 : i32 to index
      %get3A_715 = arith.constant 0 : index
      %get3A_716 = tpu.vector_load %arg13[%get3A_714, %get3A_715] {strides = array<i32>} : memref<69x16xi32, #tpu.memory_space<vmem>>, vector<16xi32>,
      %get3A_717 = arith.constant 19 : i32
      %get3A_718 = arith.index_cast %get3A_717 : i32 to index
      %get3A_719 = arith.constant 0 : index
      %get3A_720 = tpu.vector_load %arg14[%get3A_718, %get3A_719] {strides = array<i32>} : memref<69x16xi32, #tpu.memory_space<vmem>>, vector<16xi32>,
      %get3A_721 = arith.constant 19 : i32
      %get3A_722 = arith.index_cast %get3A_721 : i32 to index
      %get3A_723 = arith.constant 0 : index
      %get3A_724 = tpu.vector_load %arg15[%get3A_722, %get3A_723] {strides = array<i32>} : memref<69x16xi32, #tpu.memory_space<vmem>>, vector<16xi32>,
      %add3A_725 = vector.broadcast %mul3A_268 : i32 to vector<16xi32>
      %add3A_726 = arith.addi %get3A_724, %add3A_725 : vector<16xi32>
      tpu.vector_store_idx %arg18[%get3A_716, %get3A_720, %add3A_726], %gather3A_712 : memref<3x46x128xf32, #tpu.memory_space<vmem>>[vector<16xi32>, vector<16xi32>, vector<16xi32>], vector<16xf32>,
      %get3A_727 = arith.constant 20 : i32
      %get3A_728 = arith.index_cast %get3A_727 : i32 to index
      %get3A_729 = arith.constant 0 : index
      %get3A_730 = tpu.vector_load %arg11[%get3A_728, %get3A_729] {strides = array<i32>} : memref<69x16xi32, #tpu.memory_space<vmem>>, vector<16xi32>,
      %get3A_731 = arith.constant 20 : i32
      %get3A_732 = arith.index_cast %get3A_731 : i32 to index
      %get3A_733 = arith.constant 0 : index
      %get3A_734 = tpu.vector_load %arg12[%get3A_732, %get3A_733] {strides = array<i32>} : memref<69x16xi32, #tpu.memory_space<vmem>>, vector<16xi32>,
      %gather3A_735 = tpu.vector_load_idx %arg16[%get3A_730, %get3A_734] : memref<936x16xf32, #tpu.memory_space<vmem>>[vector<16xi32>, vector<16xi32>], vector<16xf32>,
      %get3A_736 = arith.constant 20 : i32
      %get3A_737 = arith.index_cast %get3A_736 : i32 to index
      %get3A_738 = arith.constant 0 : index
      %get3A_739 = tpu.vector_load %arg13[%get3A_737, %get3A_738] {strides = array<i32>} : memref<69x16xi32, #tpu.memory_space<vmem>>, vector<16xi32>,
      %get3A_740 = arith.constant 20 : i32
      %get3A_741 = arith.index_cast %get3A_740 : i32 to index
      %get3A_742 = arith.constant 0 : index
      %get3A_743 = tpu.vector_load %arg14[%get3A_741, %get3A_742] {strides = array<i32>} : memref<69x16xi32, #tpu.memory_space<vmem>>, vector<16xi32>,
      %get3A_744 = arith.constant 20 : i32
      %get3A_745 = arith.index_cast %get3A_744 : i32 to index
      %get3A_746 = arith.constant 0 : index
      %get3A_747 = tpu.vector_load %arg15[%get3A_745, %get3A_746] {strides = array<i32>} : memref<69x16xi32, #tpu.memory_space<vmem>>, vector<16xi32>,
      %add3A_748 = vector.broadcast %mul3A_268 : i32 to vector<16xi32>
      %add3A_749 = arith.addi %get3A_747, %add3A_748 : vector<16xi32>
      tpu.vector_store_idx %arg18[%get3A_739, %get3A_743, %add3A_749], %gather3A_735 : memref<3x46x128xf32, #tpu.memory_space<vmem>>[vector<16xi32>, vector<16xi32>, vector<16xi32>], vector<16xf32>,
      %get3A_750 = arith.constant 21 : i32
      %get3A_751 = arith.index_cast %get3A_750 : i32 to index
      %get3A_752 = arith.constant 0 : index
      %get3A_753 = tpu.vector_load %arg11[%get3A_751, %get3A_752] {strides = array<i32>} : memref<69x16xi32, #tpu.memory_space<vmem>>, vector<16xi32>,
      %get3A_754 = arith.constant 21 : i32
      %get3A_755 = arith.index_cast %get3A_754 : i32 to index
      %get3A_756 = arith.constant 0 : index
      %get3A_757 = tpu.vector_load %arg12[%get3A_755, %get3A_756] {strides = array<i32>} : memref<69x16xi32, #tpu.memory_space<vmem>>, vector<16xi32>,
      %gather3A_758 = tpu.vector_load_idx %arg16[%get3A_753, %get3A_757] : memref<936x16xf32, #tpu.memory_space<vmem>>[vector<16xi32>, vector<16xi32>], vector<16xf32>,
      %get3A_759 = arith.constant 21 : i32
      %get3A_760 = arith.index_cast %get3A_759 : i32 to index
      %get3A_761 = arith.constant 0 : index
      %get3A_762 = tpu.vector_load %arg13[%get3A_760, %get3A_761] {strides = array<i32>} : memref<69x16xi32, #tpu.memory_space<vmem>>, vector<16xi32>,
      %get3A_763 = arith.constant 21 : i32
      %get3A_764 = arith.index_cast %get3A_763 : i32 to index
      %get3A_765 = arith.constant 0 : index
      %get3A_766 = tpu.vector_load %arg14[%get3A_764, %get3A_765] {strides = array<i32>} : memref<69x16xi32, #tpu.memory_space<vmem>>, vector<16xi32>,
      %get3A_767 = arith.constant 21 : i32
      %get3A_768 = arith.index_cast %get3A_767 : i32 to index
      %get3A_769 = arith.constant 0 : index
      %get3A_770 = tpu.vector_load %arg15[%get3A_768, %get3A_769] {strides = array<i32>} : memref<69x16xi32, #tpu.memory_space<vmem>>, vector<16xi32>,
      %add3A_771 = vector.broadcast %mul3A_268 : i32 to vector<16xi32>
      %add3A_772 = arith.addi %get3A_770, %add3A_771 : vector<16xi32>
      tpu.vector_store_idx %arg18[%get3A_762, %get3A_766, %add3A_772], %gather3A_758 : memref<3x46x128xf32, #tpu.memory_space<vmem>>[vector<16xi32>, vector<16xi32>, vector<16xi32>], vector<16xf32>,
      %get3A_773 = arith.constant 22 : i32
      %get3A_774 = arith.index_cast %get3A_773 : i32 to index
      %get3A_775 = arith.constant 0 : index
      %get3A_776 = tpu.vector_load %arg11[%get3A_774, %get3A_775] {strides = array<i32>} : memref<69x16xi32, #tpu.memory_space<vmem>>, vector<16xi32>,
      %get3A_777 = arith.constant 22 : i32
      %get3A_778 = arith.index_cast %get3A_777 : i32 to index
      %get3A_779 = arith.constant 0 : index
      %get3A_780 = tpu.vector_load %arg12[%get3A_778, %get3A_779] {strides = array<i32>} : memref<69x16xi32, #tpu.memory_space<vmem>>, vector<16xi32>,
      %gather3A_781 = tpu.vector_load_idx %arg16[%get3A_776, %get3A_780] : memref<936x16xf32, #tpu.memory_space<vmem>>[vector<16xi32>, vector<16xi32>], vector<16xf32>,
      %get3A_782 = arith.constant 22 : i32
      %get3A_783 = arith.index_cast %get3A_782 : i32 to index
      %get3A_784 = arith.constant 0 : index
      %get3A_785 = tpu.vector_load %arg13[%get3A_783, %get3A_784] {strides = array<i32>} : memref<69x16xi32, #tpu.memory_space<vmem>>, vector<16xi32>,
      %get3A_786 = arith.constant 22 : i32
      %get3A_787 = arith.index_cast %get3A_786 : i32 to index
      %get3A_788 = arith.constant 0 : index
      %get3A_789 = tpu.vector_load %arg14[%get3A_787, %get3A_788] {strides = array<i32>} : memref<69x16xi32, #tpu.memory_space<vmem>>, vector<16xi32>,
      %get3A_790 = arith.constant 22 : i32
      %get3A_791 = arith.index_cast %get3A_790 : i32 to index
      %get3A_792 = arith.constant 0 : index
      %get3A_793 = tpu.vector_load %arg15[%get3A_791, %get3A_792] {strides = array<i32>} : memref<69x16xi32, #tpu.memory_space<vmem>>, vector<16xi32>,
      %add3A_794 = vector.broadcast %mul3A_268 : i32 to vector<16xi32>
      %add3A_795 = arith.addi %get3A_793, %add3A_794 : vector<16xi32>
      tpu.vector_store_idx %arg18[%get3A_785, %get3A_789, %add3A_795], %gather3A_781 : memref<3x46x128xf32, #tpu.memory_space<vmem>>[vector<16xi32>, vector<16xi32>, vector<16xi32>], vector<16xf32>,
      %get3A_796 = arith.constant 23 : i32
      %get3A_797 = arith.index_cast %get3A_796 : i32 to index
      %get3A_798 = arith.constant 0 : index
      %get3A_799 = tpu.vector_load %arg11[%get3A_797, %get3A_798] {strides = array<i32>} : memref<69x16xi32, #tpu.memory_space<vmem>>, vector<16xi32>,
      %get3A_800 = arith.constant 23 : i32
      %get3A_801 = arith.index_cast %get3A_800 : i32 to index
      %get3A_802 = arith.constant 0 : index
      %get3A_803 = tpu.vector_load %arg12[%get3A_801, %get3A_802] {strides = array<i32>} : memref<69x16xi32, #tpu.memory_space<vmem>>, vector<16xi32>,
      %gather3A_804 = tpu.vector_load_idx %arg16[%get3A_799, %get3A_803] : memref<936x16xf32, #tpu.memory_space<vmem>>[vector<16xi32>, vector<16xi32>], vector<16xf32>,
      %get3A_805 = arith.constant 23 : i32
      %get3A_806 = arith.index_cast %get3A_805 : i32 to index
      %get3A_807 = arith.constant 0 : index
      %get3A_808 = tpu.vector_load %arg13[%get3A_806, %get3A_807] {strides = array<i32>} : memref<69x16xi32, #tpu.memory_space<vmem>>, vector<16xi32>,
      %get3A_809 = arith.constant 23 : i32
      %get3A_810 = arith.index_cast %get3A_809 : i32 to index
      %get3A_811 = arith.constant 0 : index
      %get3A_812 = tpu.vector_load %arg14[%get3A_810, %get3A_811] {strides = array<i32>} : memref<69x16xi32, #tpu.memory_space<vmem>>, vector<16xi32>,
      %get3A_813 = arith.constant 23 : i32
      %get3A_814 = arith.index_cast %get3A_813 : i32 to index
      %get3A_815 = arith.constant 0 : index
      %get3A_816 = tpu.vector_load %arg15[%get3A_814, %get3A_815] {strides = array<i32>} : memref<69x16xi32, #tpu.memory_space<vmem>>, vector<16xi32>,
      %add3A_817 = vector.broadcast %mul3A_268 : i32 to vector<16xi32>
      %add3A_818 = arith.addi %get3A_816, %add3A_817 : vector<16xi32>
      tpu.vector_store_idx %arg18[%get3A_808, %get3A_812, %add3A_818], %gather3A_804 : memref<3x46x128xf32, #tpu.memory_space<vmem>>[vector<16xi32>, vector<16xi32>, vector<16xi32>], vector<16xf32>,
      %get3A_819 = arith.constant 24 : i32
      %get3A_820 = arith.index_cast %get3A_819 : i32 to index
      %get3A_821 = arith.constant 0 : index
      %get3A_822 = tpu.vector_load %arg11[%get3A_820, %get3A_821] {strides = array<i32>} : memref<69x16xi32, #tpu.memory_space<vmem>>, vector<16xi32>,
      %get3A_823 = arith.constant 24 : i32
      %get3A_824 = arith.index_cast %get3A_823 : i32 to index
      %get3A_825 = arith.constant 0 : index
      %get3A_826 = tpu.vector_load %arg12[%get3A_824, %get3A_825] {strides = array<i32>} : memref<69x16xi32, #tpu.memory_space<vmem>>, vector<16xi32>,
      %gather3A_827 = tpu.vector_load_idx %arg16[%get3A_822, %get3A_826] : memref<936x16xf32, #tpu.memory_space<vmem>>[vector<16xi32>, vector<16xi32>], vector<16xf32>,
      %get3A_828 = arith.constant 24 : i32
      %get3A_829 = arith.index_cast %get3A_828 : i32 to index
      %get3A_830 = arith.constant 0 : index
      %get3A_831 = tpu.vector_load %arg13[%get3A_829, %get3A_830] {strides = array<i32>} : memref<69x16xi32, #tpu.memory_space<vmem>>, vector<16xi32>,
      %get3A_832 = arith.constant 24 : i32
      %get3A_833 = arith.index_cast %get3A_832 : i32 to index
      %get3A_834 = arith.constant 0 : index
      %get3A_835 = tpu.vector_load %arg14[%get3A_833, %get3A_834] {strides = array<i32>} : memref<69x16xi32, #tpu.memory_space<vmem>>, vector<16xi32>,
      %get3A_836 = arith.constant 24 : i32
      %get3A_837 = arith.index_cast %get3A_836 : i32 to index
      %get3A_838 = arith.constant 0 : index
      %get3A_839 = tpu.vector_load %arg15[%get3A_837, %get3A_838] {strides = array<i32>} : memref<69x16xi32, #tpu.memory_space<vmem>>, vector<16xi32>,
      %add3A_840 = vector.broadcast %mul3A_268 : i32 to vector<16xi32>
      %add3A_841 = arith.addi %get3A_839, %add3A_840 : vector<16xi32>
      tpu.vector_store_idx %arg18[%get3A_831, %get3A_835, %add3A_841], %gather3A_827 : memref<3x46x128xf32, #tpu.memory_space<vmem>>[vector<16xi32>, vector<16xi32>, vector<16xi32>], vector<16xf32>,
      %get3A_842 = arith.constant 25 : i32
      %get3A_843 = arith.index_cast %get3A_842 : i32 to index
      %get3A_844 = arith.constant 0 : index
      %get3A_845 = tpu.vector_load %arg11[%get3A_843, %get3A_844] {strides = array<i32>} : memref<69x16xi32, #tpu.memory_space<vmem>>, vector<16xi32>,
      %get3A_846 = arith.constant 25 : i32
      %get3A_847 = arith.index_cast %get3A_846 : i32 to index
      %get3A_848 = arith.constant 0 : index
      %get3A_849 = tpu.vector_load %arg12[%get3A_847, %get3A_848] {strides = array<i32>} : memref<69x16xi32, #tpu.memory_space<vmem>>, vector<16xi32>,
      %gather3A_850 = tpu.vector_load_idx %arg16[%get3A_845, %get3A_849] : memref<936x16xf32, #tpu.memory_space<vmem>>[vector<16xi32>, vector<16xi32>], vector<16xf32>,
      %get3A_851 = arith.constant 25 : i32
      %get3A_852 = arith.index_cast %get3A_851 : i32 to index
      %get3A_853 = arith.constant 0 : index
      %get3A_854 = tpu.vector_load %arg13[%get3A_852, %get3A_853] {strides = array<i32>} : memref<69x16xi32, #tpu.memory_space<vmem>>, vector<16xi32>,
      %get3A_855 = arith.constant 25 : i32
      %get3A_856 = arith.index_cast %get3A_855 : i32 to index
      %get3A_857 = arith.constant 0 : index
      %get3A_858 = tpu.vector_load %arg14[%get3A_856, %get3A_857] {strides = array<i32>} : memref<69x16xi32, #tpu.memory_space<vmem>>, vector<16xi32>,
      %get3A_859 = arith.constant 25 : i32
      %get3A_860 = arith.index_cast %get3A_859 : i32 to index
      %get3A_861 = arith.constant 0 : index
      %get3A_862 = tpu.vector_load %arg15[%get3A_860, %get3A_861] {strides = array<i32>} : memref<69x16xi32, #tpu.memory_space<vmem>>, vector<16xi32>,
      %add3A_863 = vector.broadcast %mul3A_268 : i32 to vector<16xi32>
      %add3A_864 = arith.addi %get3A_862, %add3A_863 : vector<16xi32>
      tpu.vector_store_idx %arg18[%get3A_854, %get3A_858, %add3A_864], %gather3A_850 : memref<3x46x128xf32, #tpu.memory_space<vmem>>[vector<16xi32>, vector<16xi32>, vector<16xi32>], vector<16xf32>,
      %get3A_865 = arith.constant 26 : i32
      %get3A_866 = arith.index_cast %get3A_865 : i32 to index
      %get3A_867 = arith.constant 0 : index
      %get3A_868 = tpu.vector_load %arg11[%get3A_866, %get3A_867] {strides = array<i32>} : memref<69x16xi32, #tpu.memory_space<vmem>>, vector<16xi32>,
      %get3A_869 = arith.constant 26 : i32
      %get3A_870 = arith.index_cast %get3A_869 : i32 to index
      %get3A_871 = arith.constant 0 : index
      %get3A_872 = tpu.vector_load %arg12[%get3A_870, %get3A_871] {strides = array<i32>} : memref<69x16xi32, #tpu.memory_space<vmem>>, vector<16xi32>,
      %gather3A_873 = tpu.vector_load_idx %arg16[%get3A_868, %get3A_872] : memref<936x16xf32, #tpu.memory_space<vmem>>[vector<16xi32>, vector<16xi32>], vector<16xf32>,
      %get3A_874 = arith.constant 26 : i32
      %get3A_875 = arith.index_cast %get3A_874 : i32 to index
      %get3A_876 = arith.constant 0 : index
      %get3A_877 = tpu.vector_load %arg13[%get3A_875, %get3A_876] {strides = array<i32>} : memref<69x16xi32, #tpu.memory_space<vmem>>, vector<16xi32>,
      %get3A_878 = arith.constant 26 : i32
      %get3A_879 = arith.index_cast %get3A_878 : i32 to index
      %get3A_880 = arith.constant 0 : index
      %get3A_881 = tpu.vector_load %arg14[%get3A_879, %get3A_880] {strides = array<i32>} : memref<69x16xi32, #tpu.memory_space<vmem>>, vector<16xi32>,
      %get3A_882 = arith.constant 26 : i32
      %get3A_883 = arith.index_cast %get3A_882 : i32 to index
      %get3A_884 = arith.constant 0 : index
      %get3A_885 = tpu.vector_load %arg15[%get3A_883, %get3A_884] {strides = array<i32>} : memref<69x16xi32, #tpu.memory_space<vmem>>, vector<16xi32>,
      %add3A_886 = vector.broadcast %mul3A_268 : i32 to vector<16xi32>
      %add3A_887 = arith.addi %get3A_885, %add3A_886 : vector<16xi32>
      tpu.vector_store_idx %arg18[%get3A_877, %get3A_881, %add3A_887], %gather3A_873 : memref<3x46x128xf32, #tpu.memory_space<vmem>>[vector<16xi32>, vector<16xi32>, vector<16xi32>], vector<16xf32>,
      %get3A_888 = arith.constant 27 : i32
      %get3A_889 = arith.index_cast %get3A_888 : i32 to index
      %get3A_890 = arith.constant 0 : index
      %get3A_891 = tpu.vector_load %arg11[%get3A_889, %get3A_890] {strides = array<i32>} : memref<69x16xi32, #tpu.memory_space<vmem>>, vector<16xi32>,
      %get3A_892 = arith.constant 27 : i32
      %get3A_893 = arith.index_cast %get3A_892 : i32 to index
      %get3A_894 = arith.constant 0 : index
      %get3A_895 = tpu.vector_load %arg12[%get3A_893, %get3A_894] {strides = array<i32>} : memref<69x16xi32, #tpu.memory_space<vmem>>, vector<16xi32>,
      %gather3A_896 = tpu.vector_load_idx %arg16[%get3A_891, %get3A_895] : memref<936x16xf32, #tpu.memory_space<vmem>>[vector<16xi32>, vector<16xi32>], vector<16xf32>,
      %get3A_897 = arith.constant 27 : i32
      %get3A_898 = arith.index_cast %get3A_897 : i32 to index
      %get3A_899 = arith.constant 0 : index
      %get3A_900 = tpu.vector_load %arg13[%get3A_898, %get3A_899] {strides = array<i32>} : memref<69x16xi32, #tpu.memory_space<vmem>>, vector<16xi32>,
      %get3A_901 = arith.constant 27 : i32
      %get3A_902 = arith.index_cast %get3A_901 : i32 to index
      %get3A_903 = arith.constant 0 : index
      %get3A_904 = tpu.vector_load %arg14[%get3A_902, %get3A_903] {strides = array<i32>} : memref<69x16xi32, #tpu.memory_space<vmem>>, vector<16xi32>,
      %get3A_905 = arith.constant 27 : i32
      %get3A_906 = arith.index_cast %get3A_905 : i32 to index
      %get3A_907 = arith.constant 0 : index
      %get3A_908 = tpu.vector_load %arg15[%get3A_906, %get3A_907] {strides = array<i32>} : memref<69x16xi32, #tpu.memory_space<vmem>>, vector<16xi32>,
      %add3A_909 = vector.broadcast %mul3A_268 : i32 to vector<16xi32>
      %add3A_910 = arith.addi %get3A_908, %add3A_909 : vector<16xi32>
      tpu.vector_store_idx %arg18[%get3A_900, %get3A_904, %add3A_910], %gather3A_896 : memref<3x46x128xf32, #tpu.memory_space<vmem>>[vector<16xi32>, vector<16xi32>, vector<16xi32>], vector<16xf32>,
      %get3A_911 = arith.constant 28 : i32
      %get3A_912 = arith.index_cast %get3A_911 : i32 to index
      %get3A_913 = arith.constant 0 : index
      %get3A_914 = tpu.vector_load %arg11[%get3A_912, %get3A_913] {strides = array<i32>} : memref<69x16xi32, #tpu.memory_space<vmem>>, vector<16xi32>,
      %get3A_915 = arith.constant 28 : i32
      %get3A_916 = arith.index_cast %get3A_915 : i32 to index
      %get3A_917 = arith.constant 0 : index
      %get3A_918 = tpu.vector_load %arg12[%get3A_916, %get3A_917] {strides = array<i32>} : memref<69x16xi32, #tpu.memory_space<vmem>>, vector<16xi32>,
      %gather3A_919 = tpu.vector_load_idx %arg16[%get3A_914, %get3A_918] : memref<936x16xf32, #tpu.memory_space<vmem>>[vector<16xi32>, vector<16xi32>], vector<16xf32>,
      %get3A_920 = arith.constant 28 : i32
      %get3A_921 = arith.index_cast %get3A_920 : i32 to index
      %get3A_922 = arith.constant 0 : index
      %get3A_923 = tpu.vector_load %arg13[%get3A_921, %get3A_922] {strides = array<i32>} : memref<69x16xi32, #tpu.memory_space<vmem>>, vector<16xi32>,
      %get3A_924 = arith.constant 28 : i32
      %get3A_925 = arith.index_cast %get3A_924 : i32 to index
      %get3A_926 = arith.constant 0 : index
      %get3A_927 = tpu.vector_load %arg14[%get3A_925, %get3A_926] {strides = array<i32>} : memref<69x16xi32, #tpu.memory_space<vmem>>, vector<16xi32>,
      %get3A_928 = arith.constant 28 : i32
      %get3A_929 = arith.index_cast %get3A_928 : i32 to index
      %get3A_930 = arith.constant 0 : index
      %get3A_931 = tpu.vector_load %arg15[%get3A_929, %get3A_930] {strides = array<i32>} : memref<69x16xi32, #tpu.memory_space<vmem>>, vector<16xi32>,
      %add3A_932 = vector.broadcast %mul3A_268 : i32 to vector<16xi32>
      %add3A_933 = arith.addi %get3A_931, %add3A_932 : vector<16xi32>
      tpu.vector_store_idx %arg18[%get3A_923, %get3A_927, %add3A_933], %gather3A_919 : memref<3x46x128xf32, #tpu.memory_space<vmem>>[vector<16xi32>, vector<16xi32>, vector<16xi32>], vector<16xf32>,
      %get3A_934 = arith.constant 29 : i32
      %get3A_935 = arith.index_cast %get3A_934 : i32 to index
      %get3A_936 = arith.constant 0 : index
      %get3A_937 = tpu.vector_load %arg11[%get3A_935, %get3A_936] {strides = array<i32>} : memref<69x16xi32, #tpu.memory_space<vmem>>, vector<16xi32>,
      %get3A_938 = arith.constant 29 : i32
      %get3A_939 = arith.index_cast %get3A_938 : i32 to index
      %get3A_940 = arith.constant 0 : index
      %get3A_941 = tpu.vector_load %arg12[%get3A_939, %get3A_940] {strides = array<i32>} : memref<69x16xi32, #tpu.memory_space<vmem>>, vector<16xi32>,
      %gather3A_942 = tpu.vector_load_idx %arg16[%get3A_937, %get3A_941] : memref<936x16xf32, #tpu.memory_space<vmem>>[vector<16xi32>, vector<16xi32>], vector<16xf32>,
      %get3A_943 = arith.constant 29 : i32
      %get3A_944 = arith.index_cast %get3A_943 : i32 to index
      %get3A_945 = arith.constant 0 : index
      %get3A_946 = tpu.vector_load %arg13[%get3A_944, %get3A_945] {strides = array<i32>} : memref<69x16xi32, #tpu.memory_space<vmem>>, vector<16xi32>,
      %get3A_947 = arith.constant 29 : i32
      %get3A_948 = arith.index_cast %get3A_947 : i32 to index
      %get3A_949 = arith.constant 0 : index
      %get3A_950 = tpu.vector_load %arg14[%get3A_948, %get3A_949] {strides = array<i32>} : memref<69x16xi32, #tpu.memory_space<vmem>>, vector<16xi32>,
      %get3A_951 = arith.constant 29 : i32
      %get3A_952 = arith.index_cast %get3A_951 : i32 to index
      %get3A_953 = arith.constant 0 : index
      %get3A_954 = tpu.vector_load %arg15[%get3A_952, %get3A_953] {strides = array<i32>} : memref<69x16xi32, #tpu.memory_space<vmem>>, vector<16xi32>,
      %add3A_955 = vector.broadcast %mul3A_268 : i32 to vector<16xi32>
      %add3A_956 = arith.addi %get3A_954, %add3A_955 : vector<16xi32>
      tpu.vector_store_idx %arg18[%get3A_946, %get3A_950, %add3A_956], %gather3A_942 : memref<3x46x128xf32, #tpu.memory_space<vmem>>[vector<16xi32>, vector<16xi32>, vector<16xi32>], vector<16xf32>,
      %get3A_957 = arith.constant 30 : i32
      %get3A_958 = arith.index_cast %get3A_957 : i32 to index
      %get3A_959 = arith.constant 0 : index
      %get3A_960 = tpu.vector_load %arg11[%get3A_958, %get3A_959] {strides = array<i32>} : memref<69x16xi32, #tpu.memory_space<vmem>>, vector<16xi32>,
      %get3A_961 = arith.constant 30 : i32
      %get3A_962 = arith.index_cast %get3A_961 : i32 to index
      %get3A_963 = arith.constant 0 : index
      %get3A_964 = tpu.vector_load %arg12[%get3A_962, %get3A_963] {strides = array<i32>} : memref<69x16xi32, #tpu.memory_space<vmem>>, vector<16xi32>,
      %gather3A_965 = tpu.vector_load_idx %arg16[%get3A_960, %get3A_964] : memref<936x16xf32, #tpu.memory_space<vmem>>[vector<16xi32>, vector<16xi32>], vector<16xf32>,
      %get3A_966 = arith.constant 30 : i32
      %get3A_967 = arith.index_cast %get3A_966 : i32 to index
      %get3A_968 = arith.constant 0 : index
      %get3A_969 = tpu.vector_load %arg13[%get3A_967, %get3A_968] {strides = array<i32>} : memref<69x16xi32, #tpu.memory_space<vmem>>, vector<16xi32>,
      %get3A_970 = arith.constant 30 : i32
      %get3A_971 = arith.index_cast %get3A_970 : i32 to index
      %get3A_972 = arith.constant 0 : index
      %get3A_973 = tpu.vector_load %arg14[%get3A_971, %get3A_972] {strides = array<i32>} : memref<69x16xi32, #tpu.memory_space<vmem>>, vector<16xi32>,
      %get3A_974 = arith.constant 30 : i32
      %get3A_975 = arith.index_cast %get3A_974 : i32 to index
      %get3A_976 = arith.constant 0 : index
      %get3A_977 = tpu.vector_load %arg15[%get3A_975, %get3A_976] {strides = array<i32>} : memref<69x16xi32, #tpu.memory_space<vmem>>, vector<16xi32>,
      %add3A_978 = vector.broadcast %mul3A_268 : i32 to vector<16xi32>
      %add3A_979 = arith.addi %get3A_977, %add3A_978 : vector<16xi32>
      tpu.vector_store_idx %arg18[%get3A_969, %get3A_973, %add3A_979], %gather3A_965 : memref<3x46x128xf32, #tpu.memory_space<vmem>>[vector<16xi32>, vector<16xi32>, vector<16xi32>], vector<16xf32>,
      %get3A_980 = arith.constant 31 : i32
      %get3A_981 = arith.index_cast %get3A_980 : i32 to index
      %get3A_982 = arith.constant 0 : index
      %get3A_983 = tpu.vector_load %arg11[%get3A_981, %get3A_982] {strides = array<i32>} : memref<69x16xi32, #tpu.memory_space<vmem>>, vector<16xi32>,
      %get3A_984 = arith.constant 31 : i32
      %get3A_985 = arith.index_cast %get3A_984 : i32 to index
      %get3A_986 = arith.constant 0 : index
      %get3A_987 = tpu.vector_load %arg12[%get3A_985, %get3A_986] {strides = array<i32>} : memref<69x16xi32, #tpu.memory_space<vmem>>, vector<16xi32>,
      %gather3A_988 = tpu.vector_load_idx %arg16[%get3A_983, %get3A_987] : memref<936x16xf32, #tpu.memory_space<vmem>>[vector<16xi32>, vector<16xi32>], vector<16xf32>,
      %get3A_989 = arith.constant 31 : i32
      %get3A_990 = arith.index_cast %get3A_989 : i32 to index
      %get3A_991 = arith.constant 0 : index
      %get3A_992 = tpu.vector_load %arg13[%get3A_990, %get3A_991] {strides = array<i32>} : memref<69x16xi32, #tpu.memory_space<vmem>>, vector<16xi32>,
      %get3A_993 = arith.constant 31 : i32
      %get3A_994 = arith.index_cast %get3A_993 : i32 to index
      %get3A_995 = arith.constant 0 : index
      %get3A_996 = tpu.vector_load %arg14[%get3A_994, %get3A_995] {strides = array<i32>} : memref<69x16xi32, #tpu.memory_space<vmem>>, vector<16xi32>,
      %get3A_997 = arith.constant 31 : i32
      %get3A_998 = arith.index_cast %get3A_997 : i32 to index
      %get3A_999 = arith.constant 0 : index
      %get3A_1000 = tpu.vector_load %arg15[%get3A_998, %get3A_999] {strides = array<i32>} : memref<69x16xi32, #tpu.memory_space<vmem>>, vector<16xi32>,
      %add3A_1001 = vector.broadcast %mul3A_268 : i32 to vector<16xi32>
      %add3A_1002 = arith.addi %get3A_1000, %add3A_1001 : vector<16xi32>
      tpu.vector_store_idx %arg18[%get3A_992, %get3A_996, %add3A_1002], %gather3A_988 : memref<3x46x128xf32, #tpu.memory_space<vmem>>[vector<16xi32>, vector<16xi32>, vector<16xi32>], vector<16xf32>,
      %get3A_1003 = arith.constant 32 : i32
      %get3A_1004 = arith.index_cast %get3A_1003 : i32 to index
      %get3A_1005 = arith.constant 0 : index
      %get3A_1006 = tpu.vector_load %arg11[%get3A_1004, %get3A_1005] {strides = array<i32>} : memref<69x16xi32, #tpu.memory_space<vmem>>, vector<16xi32>,
      %get3A_1007 = arith.constant 32 : i32
      %get3A_1008 = arith.index_cast %get3A_1007 : i32 to index
      %get3A_1009 = arith.constant 0 : index
      %get3A_1010 = tpu.vector_load %arg12[%get3A_1008, %get3A_1009] {strides = array<i32>} : memref<69x16xi32, #tpu.memory_space<vmem>>, vector<16xi32>,
      %gather3A_1011 = tpu.vector_load_idx %arg16[%get3A_1006, %get3A_1010] : memref<936x16xf32, #tpu.memory_space<vmem>>[vector<16xi32>, vector<16xi32>], vector<16xf32>,
      %get3A_1012 = arith.constant 32 : i32
      %get3A_1013 = arith.index_cast %get3A_1012 : i32 to index
      %get3A_1014 = arith.constant 0 : index
      %get3A_1015 = tpu.vector_load %arg13[%get3A_1013, %get3A_1014] {strides = array<i32>} : memref<69x16xi32, #tpu.memory_space<vmem>>, vector<16xi32>,
      %get3A_1016 = arith.constant 32 : i32
      %get3A_1017 = arith.index_cast %get3A_1016 : i32 to index
      %get3A_1018 = arith.constant 0 : index
      %get3A_1019 = tpu.vector_load %arg14[%get3A_1017, %get3A_1018] {strides = array<i32>} : memref<69x16xi32, #tpu.memory_space<vmem>>, vector<16xi32>,
      %get3A_1020 = arith.constant 32 : i32
      %get3A_1021 = arith.index_cast %get3A_1020 : i32 to index
      %get3A_1022 = arith.constant 0 : index
      %get3A_1023 = tpu.vector_load %arg15[%get3A_1021, %get3A_1022] {strides = array<i32>} : memref<69x16xi32, #tpu.memory_space<vmem>>, vector<16xi32>,
      %add3A_1024 = vector.broadcast %mul3A_268 : i32 to vector<16xi32>
      %add3A_1025 = arith.addi %get3A_1023, %add3A_1024 : vector<16xi32>
      tpu.vector_store_idx %arg18[%get3A_1015, %get3A_1019, %add3A_1025], %gather3A_1011 : memref<3x46x128xf32, #tpu.memory_space<vmem>>[vector<16xi32>, vector<16xi32>, vector<16xi32>], vector<16xf32>,
      %get3A_1026 = arith.constant 33 : i32
      %get3A_1027 = arith.index_cast %get3A_1026 : i32 to index
      %get3A_1028 = arith.constant 0 : index
      %get3A_1029 = tpu.vector_load %arg11[%get3A_1027, %get3A_1028] {strides = array<i32>} : memref<69x16xi32, #tpu.memory_space<vmem>>, vector<16xi32>,
      %get3A_1030 = arith.constant 33 : i32
      %get3A_1031 = arith.index_cast %get3A_1030 : i32 to index
      %get3A_1032 = arith.constant 0 : index
      %get3A_1033 = tpu.vector_load %arg12[%get3A_1031, %get3A_1032] {strides = array<i32>} : memref<69x16xi32, #tpu.memory_space<vmem>>, vector<16xi32>,
      %gather3A_1034 = tpu.vector_load_idx %arg16[%get3A_1029, %get3A_1033] : memref<936x16xf32, #tpu.memory_space<vmem>>[vector<16xi32>, vector<16xi32>], vector<16xf32>,
      %get3A_1035 = arith.constant 33 : i32
      %get3A_1036 = arith.index_cast %get3A_1035 : i32 to index
      %get3A_1037 = arith.constant 0 : index
      %get3A_1038 = tpu.vector_load %arg13[%get3A_1036, %get3A_1037] {strides = array<i32>} : memref<69x16xi32, #tpu.memory_space<vmem>>, vector<16xi32>,
      %get3A_1039 = arith.constant 33 : i32
      %get3A_1040 = arith.index_cast %get3A_1039 : i32 to index
      %get3A_1041 = arith.constant 0 : index
      %get3A_1042 = tpu.vector_load %arg14[%get3A_1040, %get3A_1041] {strides = array<i32>} : memref<69x16xi32, #tpu.memory_space<vmem>>, vector<16xi32>,
      %get3A_1043 = arith.constant 33 : i32
      %get3A_1044 = arith.index_cast %get3A_1043 : i32 to index
      %get3A_1045 = arith.constant 0 : index
      %get3A_1046 = tpu.vector_load %arg15[%get3A_1044, %get3A_1045] {strides = array<i32>} : memref<69x16xi32, #tpu.memory_space<vmem>>, vector<16xi32>,
      %add3A_1047 = vector.broadcast %mul3A_268 : i32 to vector<16xi32>
      %add3A_1048 = arith.addi %get3A_1046, %add3A_1047 : vector<16xi32>
      tpu.vector_store_idx %arg18[%get3A_1038, %get3A_1042, %add3A_1048], %gather3A_1034 : memref<3x46x128xf32, #tpu.memory_space<vmem>>[vector<16xi32>, vector<16xi32>, vector<16xi32>], vector<16xf32>,
      %get3A_1049 = arith.constant 34 : i32
      %get3A_1050 = arith.index_cast %get3A_1049 : i32 to index
      %get3A_1051 = arith.constant 0 : index
      %get3A_1052 = tpu.vector_load %arg11[%get3A_1050, %get3A_1051] {strides = array<i32>} : memref<69x16xi32, #tpu.memory_space<vmem>>, vector<16xi32>,
      %get3A_1053 = arith.constant 34 : i32
      %get3A_1054 = arith.index_cast %get3A_1053 : i32 to index
      %get3A_1055 = arith.constant 0 : index
      %get3A_1056 = tpu.vector_load %arg12[%get3A_1054, %get3A_1055] {strides = array<i32>} : memref<69x16xi32, #tpu.memory_space<vmem>>, vector<16xi32>,
      %gather3A_1057 = tpu.vector_load_idx %arg16[%get3A_1052, %get3A_1056] : memref<936x16xf32, #tpu.memory_space<vmem>>[vector<16xi32>, vector<16xi32>], vector<16xf32>,
      %get3A_1058 = arith.constant 34 : i32
      %get3A_1059 = arith.index_cast %get3A_1058 : i32 to index
      %get3A_1060 = arith.constant 0 : index
      %get3A_1061 = tpu.vector_load %arg13[%get3A_1059, %get3A_1060] {strides = array<i32>} : memref<69x16xi32, #tpu.memory_space<vmem>>, vector<16xi32>,
      %get3A_1062 = arith.constant 34 : i32
      %get3A_1063 = arith.index_cast %get3A_1062 : i32 to index
      %get3A_1064 = arith.constant 0 : index
      %get3A_1065 = tpu.vector_load %arg14[%get3A_1063, %get3A_1064] {strides = array<i32>} : memref<69x16xi32, #tpu.memory_space<vmem>>, vector<16xi32>,
      %get3A_1066 = arith.constant 34 : i32
      %get3A_1067 = arith.index_cast %get3A_1066 : i32 to index
      %get3A_1068 = arith.constant 0 : index
      %get3A_1069 = tpu.vector_load %arg15[%get3A_1067, %get3A_1068] {strides = array<i32>} : memref<69x16xi32, #tpu.memory_space<vmem>>, vector<16xi32>,
      %add3A_1070 = vector.broadcast %mul3A_268 : i32 to vector<16xi32>
      %add3A_1071 = arith.addi %get3A_1069, %add3A_1070 : vector<16xi32>
      tpu.vector_store_idx %arg18[%get3A_1061, %get3A_1065, %add3A_1071], %gather3A_1057 : memref<3x46x128xf32, #tpu.memory_space<vmem>>[vector<16xi32>, vector<16xi32>, vector<16xi32>], vector<16xf32>,
      %get3A_1072 = arith.constant 35 : i32
      %get3A_1073 = arith.index_cast %get3A_1072 : i32 to index
      %get3A_1074 = arith.constant 0 : index
      %get3A_1075 = tpu.vector_load %arg11[%get3A_1073, %get3A_1074] {strides = array<i32>} : memref<69x16xi32, #tpu.memory_space<vmem>>, vector<16xi32>,
      %get3A_1076 = arith.constant 35 : i32
      %get3A_1077 = arith.index_cast %get3A_1076 : i32 to index
      %get3A_1078 = arith.constant 0 : index
      %get3A_1079 = tpu.vector_load %arg12[%get3A_1077, %get3A_1078] {strides = array<i32>} : memref<69x16xi32, #tpu.memory_space<vmem>>, vector<16xi32>,
      %gather3A_1080 = tpu.vector_load_idx %arg16[%get3A_1075, %get3A_1079] : memref<936x16xf32, #tpu.memory_space<vmem>>[vector<16xi32>, vector<16xi32>], vector<16xf32>,
      %get3A_1081 = arith.constant 35 : i32
      %get3A_1082 = arith.index_cast %get3A_1081 : i32 to index
      %get3A_1083 = arith.constant 0 : index
      %get3A_1084 = tpu.vector_load %arg13[%get3A_1082, %get3A_1083] {strides = array<i32>} : memref<69x16xi32, #tpu.memory_space<vmem>>, vector<16xi32>,
      %get3A_1085 = arith.constant 35 : i32
      %get3A_1086 = arith.index_cast %get3A_1085 : i32 to index
      %get3A_1087 = arith.constant 0 : index
      %get3A_1088 = tpu.vector_load %arg14[%get3A_1086, %get3A_1087] {strides = array<i32>} : memref<69x16xi32, #tpu.memory_space<vmem>>, vector<16xi32>,
      %get3A_1089 = arith.constant 35 : i32
      %get3A_1090 = arith.index_cast %get3A_1089 : i32 to index
      %get3A_1091 = arith.constant 0 : index
      %get3A_1092 = tpu.vector_load %arg15[%get3A_1090, %get3A_1091] {strides = array<i32>} : memref<69x16xi32, #tpu.memory_space<vmem>>, vector<16xi32>,
      %add3A_1093 = vector.broadcast %mul3A_268 : i32 to vector<16xi32>
      %add3A_1094 = arith.addi %get3A_1092, %add3A_1093 : vector<16xi32>
      tpu.vector_store_idx %arg18[%get3A_1084, %get3A_1088, %add3A_1094], %gather3A_1080 : memref<3x46x128xf32, #tpu.memory_space<vmem>>[vector<16xi32>, vector<16xi32>, vector<16xi32>], vector<16xf32>,
      %get3A_1095 = arith.constant 36 : i32
      %get3A_1096 = arith.index_cast %get3A_1095 : i32 to index
      %get3A_1097 = arith.constant 0 : index
      %get3A_1098 = tpu.vector_load %arg11[%get3A_1096, %get3A_1097] {strides = array<i32>} : memref<69x16xi32, #tpu.memory_space<vmem>>, vector<16xi32>,
      %get3A_1099 = arith.constant 36 : i32
      %get3A_1100 = arith.index_cast %get3A_1099 : i32 to index
      %get3A_1101 = arith.constant 0 : index
      %get3A_1102 = tpu.vector_load %arg12[%get3A_1100, %get3A_1101] {strides = array<i32>} : memref<69x16xi32, #tpu.memory_space<vmem>>, vector<16xi32>,
      %gather3A_1103 = tpu.vector_load_idx %arg16[%get3A_1098, %get3A_1102] : memref<936x16xf32, #tpu.memory_space<vmem>>[vector<16xi32>, vector<16xi32>], vector<16xf32>,
      %get3A_1104 = arith.constant 36 : i32
      %get3A_1105 = arith.index_cast %get3A_1104 : i32 to index
      %get3A_1106 = arith.constant 0 : index
      %get3A_1107 = tpu.vector_load %arg13[%get3A_1105, %get3A_1106] {strides = array<i32>} : memref<69x16xi32, #tpu.memory_space<vmem>>, vector<16xi32>,
      %get3A_1108 = arith.constant 36 : i32
      %get3A_1109 = arith.index_cast %get3A_1108 : i32 to index
      %get3A_1110 = arith.constant 0 : index
      %get3A_1111 = tpu.vector_load %arg14[%get3A_1109, %get3A_1110] {strides = array<i32>} : memref<69x16xi32, #tpu.memory_space<vmem>>, vector<16xi32>,
      %get3A_1112 = arith.constant 36 : i32
      %get3A_1113 = arith.index_cast %get3A_1112 : i32 to index
      %get3A_1114 = arith.constant 0 : index
      %get3A_1115 = tpu.vector_load %arg15[%get3A_1113, %get3A_1114] {strides = array<i32>} : memref<69x16xi32, #tpu.memory_space<vmem>>, vector<16xi32>,
      %add3A_1116 = vector.broadcast %mul3A_268 : i32 to vector<16xi32>
      %add3A_1117 = arith.addi %get3A_1115, %add3A_1116 : vector<16xi32>
      tpu.vector_store_idx %arg18[%get3A_1107, %get3A_1111, %add3A_1117], %gather3A_1103 : memref<3x46x128xf32, #tpu.memory_space<vmem>>[vector<16xi32>, vector<16xi32>, vector<16xi32>], vector<16xf32>,
      %get3A_1118 = arith.constant 37 : i32
      %get3A_1119 = arith.index_cast %get3A_1118 : i32 to index
      %get3A_1120 = arith.constant 0 : index
      %get3A_1121 = tpu.vector_load %arg11[%get3A_1119, %get3A_1120] {strides = array<i32>} : memref<69x16xi32, #tpu.memory_space<vmem>>, vector<16xi32>,
      %get3A_1122 = arith.constant 37 : i32
      %get3A_1123 = arith.index_cast %get3A_1122 : i32 to index
      %get3A_1124 = arith.constant 0 : index
      %get3A_1125 = tpu.vector_load %arg12[%get3A_1123, %get3A_1124] {strides = array<i32>} : memref<69x16xi32, #tpu.memory_space<vmem>>, vector<16xi32>,
      %gather3A_1126 = tpu.vector_load_idx %arg16[%get3A_1121, %get3A_1125] : memref<936x16xf32, #tpu.memory_space<vmem>>[vector<16xi32>, vector<16xi32>], vector<16xf32>,
      %get3A_1127 = arith.constant 37 : i32
      %get3A_1128 = arith.index_cast %get3A_1127 : i32 to index
      %get3A_1129 = arith.constant 0 : index
      %get3A_1130 = tpu.vector_load %arg13[%get3A_1128, %get3A_1129] {strides = array<i32>} : memref<69x16xi32, #tpu.memory_space<vmem>>, vector<16xi32>,
      %get3A_1131 = arith.constant 37 : i32
      %get3A_1132 = arith.index_cast %get3A_1131 : i32 to index
      %get3A_1133 = arith.constant 0 : index
      %get3A_1134 = tpu.vector_load %arg14[%get3A_1132, %get3A_1133] {strides = array<i32>} : memref<69x16xi32, #tpu.memory_space<vmem>>, vector<16xi32>,
      %get3A_1135 = arith.constant 37 : i32
      %get3A_1136 = arith.index_cast %get3A_1135 : i32 to index
      %get3A_1137 = arith.constant 0 : index
      %get3A_1138 = tpu.vector_load %arg15[%get3A_1136, %get3A_1137] {strides = array<i32>} : memref<69x16xi32, #tpu.memory_space<vmem>>, vector<16xi32>,
      %add3A_1139 = vector.broadcast %mul3A_268 : i32 to vector<16xi32>
      %add3A_1140 = arith.addi %get3A_1138, %add3A_1139 : vector<16xi32>
      tpu.vector_store_idx %arg18[%get3A_1130, %get3A_1134, %add3A_1140], %gather3A_1126 : memref<3x46x128xf32, #tpu.memory_space<vmem>>[vector<16xi32>, vector<16xi32>, vector<16xi32>], vector<16xf32>,
      %get3A_1141 = arith.constant 38 : i32
      %get3A_1142 = arith.index_cast %get3A_1141 : i32 to index
      %get3A_1143 = arith.constant 0 : index
      %get3A_1144 = tpu.vector_load %arg11[%get3A_1142, %get3A_1143] {strides = array<i32>} : memref<69x16xi32, #tpu.memory_space<vmem>>, vector<16xi32>,
      %get3A_1145 = arith.constant 38 : i32
      %get3A_1146 = arith.index_cast %get3A_1145 : i32 to index
      %get3A_1147 = arith.constant 0 : index
      %get3A_1148 = tpu.vector_load %arg12[%get3A_1146, %get3A_1147] {strides = array<i32>} : memref<69x16xi32, #tpu.memory_space<vmem>>, vector<16xi32>,
      %gather3A_1149 = tpu.vector_load_idx %arg16[%get3A_1144, %get3A_1148] : memref<936x16xf32, #tpu.memory_space<vmem>>[vector<16xi32>, vector<16xi32>], vector<16xf32>,
      %get3A_1150 = arith.constant 38 : i32
      %get3A_1151 = arith.index_cast %get3A_1150 : i32 to index
      %get3A_1152 = arith.constant 0 : index
      %get3A_1153 = tpu.vector_load %arg13[%get3A_1151, %get3A_1152] {strides = array<i32>} : memref<69x16xi32, #tpu.memory_space<vmem>>, vector<16xi32>,
      %get3A_1154 = arith.constant 38 : i32
      %get3A_1155 = arith.index_cast %get3A_1154 : i32 to index
      %get3A_1156 = arith.constant 0 : index
      %get3A_1157 = tpu.vector_load %arg14[%get3A_1155, %get3A_1156] {strides = array<i32>} : memref<69x16xi32, #tpu.memory_space<vmem>>, vector<16xi32>,
      %get3A_1158 = arith.constant 38 : i32
      %get3A_1159 = arith.index_cast %get3A_1158 : i32 to index
      %get3A_1160 = arith.constant 0 : index
      %get3A_1161 = tpu.vector_load %arg15[%get3A_1159, %get3A_1160] {strides = array<i32>} : memref<69x16xi32, #tpu.memory_space<vmem>>, vector<16xi32>,
      %add3A_1162 = vector.broadcast %mul3A_268 : i32 to vector<16xi32>
      %add3A_1163 = arith.addi %get3A_1161, %add3A_1162 : vector<16xi32>
      tpu.vector_store_idx %arg18[%get3A_1153, %get3A_1157, %add3A_1163], %gather3A_1149 : memref<3x46x128xf32, #tpu.memory_space<vmem>>[vector<16xi32>, vector<16xi32>, vector<16xi32>], vector<16xf32>,
      %get3A_1164 = arith.constant 39 : i32
      %get3A_1165 = arith.index_cast %get3A_1164 : i32 to index
      %get3A_1166 = arith.constant 0 : index
      %get3A_1167 = tpu.vector_load %arg11[%get3A_1165, %get3A_1166] {strides = array<i32>} : memref<69x16xi32, #tpu.memory_space<vmem>>, vector<16xi32>,
      %get3A_1168 = arith.constant 39 : i32
      %get3A_1169 = arith.index_cast %get3A_1168 : i32 to index
      %get3A_1170 = arith.constant 0 : index
      %get3A_1171 = tpu.vector_load %arg12[%get3A_1169, %get3A_1170] {strides = array<i32>} : memref<69x16xi32, #tpu.memory_space<vmem>>, vector<16xi32>,
      %gather3A_1172 = tpu.vector_load_idx %arg16[%get3A_1167, %get3A_1171] : memref<936x16xf32, #tpu.memory_space<vmem>>[vector<16xi32>, vector<16xi32>], vector<16xf32>,
      %get3A_1173 = arith.constant 39 : i32
      %get3A_1174 = arith.index_cast %get3A_1173 : i32 to index
      %get3A_1175 = arith.constant 0 : index
      %get3A_1176 = tpu.vector_load %arg13[%get3A_1174, %get3A_1175] {strides = array<i32>} : memref<69x16xi32, #tpu.memory_space<vmem>>, vector<16xi32>,
      %get3A_1177 = arith.constant 39 : i32
      %get3A_1178 = arith.index_cast %get3A_1177 : i32 to index
      %get3A_1179 = arith.constant 0 : index
      %get3A_1180 = tpu.vector_load %arg14[%get3A_1178, %get3A_1179] {strides = array<i32>} : memref<69x16xi32, #tpu.memory_space<vmem>>, vector<16xi32>,
      %get3A_1181 = arith.constant 39 : i32
      %get3A_1182 = arith.index_cast %get3A_1181 : i32 to index
      %get3A_1183 = arith.constant 0 : index
      %get3A_1184 = tpu.vector_load %arg15[%get3A_1182, %get3A_1183] {strides = array<i32>} : memref<69x16xi32, #tpu.memory_space<vmem>>, vector<16xi32>,
      %add3A_1185 = vector.broadcast %mul3A_268 : i32 to vector<16xi32>
      %add3A_1186 = arith.addi %get3A_1184, %add3A_1185 : vector<16xi32>
      tpu.vector_store_idx %arg18[%get3A_1176, %get3A_1180, %add3A_1186], %gather3A_1172 : memref<3x46x128xf32, #tpu.memory_space<vmem>>[vector<16xi32>, vector<16xi32>, vector<16xi32>], vector<16xf32>,
      %get3A_1187 = arith.constant 40 : i32
      %get3A_1188 = arith.index_cast %get3A_1187 : i32 to index
      %get3A_1189 = arith.constant 0 : index
      %get3A_1190 = tpu.vector_load %arg11[%get3A_1188, %get3A_1189] {strides = array<i32>} : memref<69x16xi32, #tpu.memory_space<vmem>>, vector<16xi32>,
      %get3A_1191 = arith.constant 40 : i32
      %get3A_1192 = arith.index_cast %get3A_1191 : i32 to index
      %get3A_1193 = arith.constant 0 : index
      %get3A_1194 = tpu.vector_load %arg12[%get3A_1192, %get3A_1193] {strides = array<i32>} : memref<69x16xi32, #tpu.memory_space<vmem>>, vector<16xi32>,
      %gather3A_1195 = tpu.vector_load_idx %arg16[%get3A_1190, %get3A_1194] : memref<936x16xf32, #tpu.memory_space<vmem>>[vector<16xi32>, vector<16xi32>], vector<16xf32>,
      %get3A_1196 = arith.constant 40 : i32
      %get3A_1197 = arith.index_cast %get3A_1196 : i32 to index
      %get3A_1198 = arith.constant 0 : index
      %get3A_1199 = tpu.vector_load %arg13[%get3A_1197, %get3A_1198] {strides = array<i32>} : memref<69x16xi32, #tpu.memory_space<vmem>>, vector<16xi32>,
      %get3A_1200 = arith.constant 40 : i32
      %get3A_1201 = arith.index_cast %get3A_1200 : i32 to index
      %get3A_1202 = arith.constant 0 : index
      %get3A_1203 = tpu.vector_load %arg14[%get3A_1201, %get3A_1202] {strides = array<i32>} : memref<69x16xi32, #tpu.memory_space<vmem>>, vector<16xi32>,
      %get3A_1204 = arith.constant 40 : i32
      %get3A_1205 = arith.index_cast %get3A_1204 : i32 to index
      %get3A_1206 = arith.constant 0 : index
      %get3A_1207 = tpu.vector_load %arg15[%get3A_1205, %get3A_1206] {strides = array<i32>} : memref<69x16xi32, #tpu.memory_space<vmem>>, vector<16xi32>,
      %add3A_1208 = vector.broadcast %mul3A_268 : i32 to vector<16xi32>
      %add3A_1209 = arith.addi %get3A_1207, %add3A_1208 : vector<16xi32>
      tpu.vector_store_idx %arg18[%get3A_1199, %get3A_1203, %add3A_1209], %gather3A_1195 : memref<3x46x128xf32, #tpu.memory_space<vmem>>[vector<16xi32>, vector<16xi32>, vector<16xi32>], vector<16xf32>,
      %get3A_1210 = arith.constant 41 : i32
      %get3A_1211 = arith.index_cast %get3A_1210 : i32 to index
      %get3A_1212 = arith.constant 0 : index
      %get3A_1213 = tpu.vector_load %arg11[%get3A_1211, %get3A_1212] {strides = array<i32>} : memref<69x16xi32, #tpu.memory_space<vmem>>, vector<16xi32>,
      %get3A_1214 = arith.constant 41 : i32
      %get3A_1215 = arith.index_cast %get3A_1214 : i32 to index
      %get3A_1216 = arith.constant 0 : index
      %get3A_1217 = tpu.vector_load %arg12[%get3A_1215, %get3A_1216] {strides = array<i32>} : memref<69x16xi32, #tpu.memory_space<vmem>>, vector<16xi32>,
      %gather3A_1218 = tpu.vector_load_idx %arg16[%get3A_1213, %get3A_1217] : memref<936x16xf32, #tpu.memory_space<vmem>>[vector<16xi32>, vector<16xi32>], vector<16xf32>,
      %get3A_1219 = arith.constant 41 : i32
      %get3A_1220 = arith.index_cast %get3A_1219 : i32 to index
      %get3A_1221 = arith.constant 0 : index
      %get3A_1222 = tpu.vector_load %arg13[%get3A_1220, %get3A_1221] {strides = array<i32>} : memref<69x16xi32, #tpu.memory_space<vmem>>, vector<16xi32>,
      %get3A_1223 = arith.constant 41 : i32
      %get3A_1224 = arith.index_cast %get3A_1223 : i32 to index
      %get3A_1225 = arith.constant 0 : index
      %get3A_1226 = tpu.vector_load %arg14[%get3A_1224, %get3A_1225] {strides = array<i32>} : memref<69x16xi32, #tpu.memory_space<vmem>>, vector<16xi32>,
      %get3A_1227 = arith.constant 41 : i32
      %get3A_1228 = arith.index_cast %get3A_1227 : i32 to index
      %get3A_1229 = arith.constant 0 : index
      %get3A_1230 = tpu.vector_load %arg15[%get3A_1228, %get3A_1229] {strides = array<i32>} : memref<69x16xi32, #tpu.memory_space<vmem>>, vector<16xi32>,
      %add3A_1231 = vector.broadcast %mul3A_268 : i32 to vector<16xi32>
      %add3A_1232 = arith.addi %get3A_1230, %add3A_1231 : vector<16xi32>
      tpu.vector_store_idx %arg18[%get3A_1222, %get3A_1226, %add3A_1232], %gather3A_1218 : memref<3x46x128xf32, #tpu.memory_space<vmem>>[vector<16xi32>, vector<16xi32>, vector<16xi32>], vector<16xf32>,
      %get3A_1233 = arith.constant 42 : i32
      %get3A_1234 = arith.index_cast %get3A_1233 : i32 to index
      %get3A_1235 = arith.constant 0 : index
      %get3A_1236 = tpu.vector_load %arg11[%get3A_1234, %get3A_1235] {strides = array<i32>} : memref<69x16xi32, #tpu.memory_space<vmem>>, vector<16xi32>,
      %get3A_1237 = arith.constant 42 : i32
      %get3A_1238 = arith.index_cast %get3A_1237 : i32 to index
      %get3A_1239 = arith.constant 0 : index
      %get3A_1240 = tpu.vector_load %arg12[%get3A_1238, %get3A_1239] {strides = array<i32>} : memref<69x16xi32, #tpu.memory_space<vmem>>, vector<16xi32>,
      %gather3A_1241 = tpu.vector_load_idx %arg16[%get3A_1236, %get3A_1240] : memref<936x16xf32, #tpu.memory_space<vmem>>[vector<16xi32>, vector<16xi32>], vector<16xf32>,
      %get3A_1242 = arith.constant 42 : i32
      %get3A_1243 = arith.index_cast %get3A_1242 : i32 to index
      %get3A_1244 = arith.constant 0 : index
      %get3A_1245 = tpu.vector_load %arg13[%get3A_1243, %get3A_1244] {strides = array<i32>} : memref<69x16xi32, #tpu.memory_space<vmem>>, vector<16xi32>,
      %get3A_1246 = arith.constant 42 : i32
      %get3A_1247 = arith.index_cast %get3A_1246 : i32 to index
      %get3A_1248 = arith.constant 0 : index
      %get3A_1249 = tpu.vector_load %arg14[%get3A_1247, %get3A_1248] {strides = array<i32>} : memref<69x16xi32, #tpu.memory_space<vmem>>, vector<16xi32>,
      %get3A_1250 = arith.constant 42 : i32
      %get3A_1251 = arith.index_cast %get3A_1250 : i32 to index
      %get3A_1252 = arith.constant 0 : index
      %get3A_1253 = tpu.vector_load %arg15[%get3A_1251, %get3A_1252] {strides = array<i32>} : memref<69x16xi32, #tpu.memory_space<vmem>>, vector<16xi32>,
      %add3A_1254 = vector.broadcast %mul3A_268 : i32 to vector<16xi32>
      %add3A_1255 = arith.addi %get3A_1253, %add3A_1254 : vector<16xi32>
      tpu.vector_store_idx %arg18[%get3A_1245, %get3A_1249, %add3A_1255], %gather3A_1241 : memref<3x46x128xf32, #tpu.memory_space<vmem>>[vector<16xi32>, vector<16xi32>, vector<16xi32>], vector<16xf32>,
      %get3A_1256 = arith.constant 43 : i32
      %get3A_1257 = arith.index_cast %get3A_1256 : i32 to index
      %get3A_1258 = arith.constant 0 : index
      %get3A_1259 = tpu.vector_load %arg11[%get3A_1257, %get3A_1258] {strides = array<i32>} : memref<69x16xi32, #tpu.memory_space<vmem>>, vector<16xi32>,
      %get3A_1260 = arith.constant 43 : i32
      %get3A_1261 = arith.index_cast %get3A_1260 : i32 to index
      %get3A_1262 = arith.constant 0 : index
      %get3A_1263 = tpu.vector_load %arg12[%get3A_1261, %get3A_1262] {strides = array<i32>} : memref<69x16xi32, #tpu.memory_space<vmem>>, vector<16xi32>,
      %gather3A_1264 = tpu.vector_load_idx %arg16[%get3A_1259, %get3A_1263] : memref<936x16xf32, #tpu.memory_space<vmem>>[vector<16xi32>, vector<16xi32>], vector<16xf32>,
      %get3A_1265 = arith.constant 43 : i32
      %get3A_1266 = arith.index_cast %get3A_1265 : i32 to index
      %get3A_1267 = arith.constant 0 : index
      %get3A_1268 = tpu.vector_load %arg13[%get3A_1266, %get3A_1267] {strides = array<i32>} : memref<69x16xi32, #tpu.memory_space<vmem>>, vector<16xi32>,
      %get3A_1269 = arith.constant 43 : i32
      %get3A_1270 = arith.index_cast %get3A_1269 : i32 to index
      %get3A_1271 = arith.constant 0 : index
      %get3A_1272 = tpu.vector_load %arg14[%get3A_1270, %get3A_1271] {strides = array<i32>} : memref<69x16xi32, #tpu.memory_space<vmem>>, vector<16xi32>,
      %get3A_1273 = arith.constant 43 : i32
      %get3A_1274 = arith.index_cast %get3A_1273 : i32 to index
      %get3A_1275 = arith.constant 0 : index
      %get3A_1276 = tpu.vector_load %arg15[%get3A_1274, %get3A_1275] {strides = array<i32>} : memref<69x16xi32, #tpu.memory_space<vmem>>, vector<16xi32>,
      %add3A_1277 = vector.broadcast %mul3A_268 : i32 to vector<16xi32>
      %add3A_1278 = arith.addi %get3A_1276, %add3A_1277 : vector<16xi32>
      tpu.vector_store_idx %arg18[%get3A_1268, %get3A_1272, %add3A_1278], %gather3A_1264 : memref<3x46x128xf32, #tpu.memory_space<vmem>>[vector<16xi32>, vector<16xi32>, vector<16xi32>], vector<16xf32>,
      %get3A_1279 = arith.constant 44 : i32
      %get3A_1280 = arith.index_cast %get3A_1279 : i32 to index
      %get3A_1281 = arith.constant 0 : index
      %get3A_1282 = tpu.vector_load %arg11[%get3A_1280, %get3A_1281] {strides = array<i32>} : memref<69x16xi32, #tpu.memory_space<vmem>>, vector<16xi32>,
      %get3A_1283 = arith.constant 44 : i32
      %get3A_1284 = arith.index_cast %get3A_1283 : i32 to index
      %get3A_1285 = arith.constant 0 : index
      %get3A_1286 = tpu.vector_load %arg12[%get3A_1284, %get3A_1285] {strides = array<i32>} : memref<69x16xi32, #tpu.memory_space<vmem>>, vector<16xi32>,
      %gather3A_1287 = tpu.vector_load_idx %arg16[%get3A_1282, %get3A_1286] : memref<936x16xf32, #tpu.memory_space<vmem>>[vector<16xi32>, vector<16xi32>], vector<16xf32>,
      %get3A_1288 = arith.constant 44 : i32
      %get3A_1289 = arith.index_cast %get3A_1288 : i32 to index
      %get3A_1290 = arith.constant 0 : index
      %get3A_1291 = tpu.vector_load %arg13[%get3A_1289, %get3A_1290] {strides = array<i32>} : memref<69x16xi32, #tpu.memory_space<vmem>>, vector<16xi32>,
      %get3A_1292 = arith.constant 44 : i32
      %get3A_1293 = arith.index_cast %get3A_1292 : i32 to index
      %get3A_1294 = arith.constant 0 : index
      %get3A_1295 = tpu.vector_load %arg14[%get3A_1293, %get3A_1294] {strides = array<i32>} : memref<69x16xi32, #tpu.memory_space<vmem>>, vector<16xi32>,
      %get3A_1296 = arith.constant 44 : i32
      %get3A_1297 = arith.index_cast %get3A_1296 : i32 to index
      %get3A_1298 = arith.constant 0 : index
      %get3A_1299 = tpu.vector_load %arg15[%get3A_1297, %get3A_1298] {strides = array<i32>} : memref<69x16xi32, #tpu.memory_space<vmem>>, vector<16xi32>,
      %add3A_1300 = vector.broadcast %mul3A_268 : i32 to vector<16xi32>
      %add3A_1301 = arith.addi %get3A_1299, %add3A_1300 : vector<16xi32>
      tpu.vector_store_idx %arg18[%get3A_1291, %get3A_1295, %add3A_1301], %gather3A_1287 : memref<3x46x128xf32, #tpu.memory_space<vmem>>[vector<16xi32>, vector<16xi32>, vector<16xi32>], vector<16xf32>,
      %get3A_1302 = arith.constant 45 : i32
      %get3A_1303 = arith.index_cast %get3A_1302 : i32 to index
      %get3A_1304 = arith.constant 0 : index
      %get3A_1305 = tpu.vector_load %arg11[%get3A_1303, %get3A_1304] {strides = array<i32>} : memref<69x16xi32, #tpu.memory_space<vmem>>, vector<16xi32>,
      %get3A_1306 = arith.constant 45 : i32
      %get3A_1307 = arith.index_cast %get3A_1306 : i32 to index
      %get3A_1308 = arith.constant 0 : index
      %get3A_1309 = tpu.vector_load %arg12[%get3A_1307, %get3A_1308] {strides = array<i32>} : memref<69x16xi32, #tpu.memory_space<vmem>>, vector<16xi32>,
      %gather3A_1310 = tpu.vector_load_idx %arg16[%get3A_1305, %get3A_1309] : memref<936x16xf32, #tpu.memory_space<vmem>>[vector<16xi32>, vector<16xi32>], vector<16xf32>,
      %get3A_1311 = arith.constant 45 : i32
      %get3A_1312 = arith.index_cast %get3A_1311 : i32 to index
      %get3A_1313 = arith.constant 0 : index
      %get3A_1314 = tpu.vector_load %arg13[%get3A_1312, %get3A_1313] {strides = array<i32>} : memref<69x16xi32, #tpu.memory_space<vmem>>, vector<16xi32>,
      %get3A_1315 = arith.constant 45 : i32
      %get3A_1316 = arith.index_cast %get3A_1315 : i32 to index
      %get3A_1317 = arith.constant 0 : index
      %get3A_1318 = tpu.vector_load %arg14[%get3A_1316, %get3A_1317] {strides = array<i32>} : memref<69x16xi32, #tpu.memory_space<vmem>>, vector<16xi32>,
      %get3A_1319 = arith.constant 45 : i32
      %get3A_1320 = arith.index_cast %get3A_1319 : i32 to index
      %get3A_1321 = arith.constant 0 : index
      %get3A_1322 = tpu.vector_load %arg15[%get3A_1320, %get3A_1321] {strides = array<i32>} : memref<69x16xi32, #tpu.memory_space<vmem>>, vector<16xi32>,
      %add3A_1323 = vector.broadcast %mul3A_268 : i32 to vector<16xi32>
      %add3A_1324 = arith.addi %get3A_1322, %add3A_1323 : vector<16xi32>
      tpu.vector_store_idx %arg18[%get3A_1314, %get3A_1318, %add3A_1324], %gather3A_1310 : memref<3x46x128xf32, #tpu.memory_space<vmem>>[vector<16xi32>, vector<16xi32>, vector<16xi32>], vector<16xf32>,
      %get3A_1325 = arith.constant 46 : i32
      %get3A_1326 = arith.index_cast %get3A_1325 : i32 to index
      %get3A_1327 = arith.constant 0 : index
      %get3A_1328 = tpu.vector_load %arg11[%get3A_1326, %get3A_1327] {strides = array<i32>} : memref<69x16xi32, #tpu.memory_space<vmem>>, vector<16xi32>,
      %get3A_1329 = arith.constant 46 : i32
      %get3A_1330 = arith.index_cast %get3A_1329 : i32 to index
      %get3A_1331 = arith.constant 0 : index
      %get3A_1332 = tpu.vector_load %arg12[%get3A_1330, %get3A_1331] {strides = array<i32>} : memref<69x16xi32, #tpu.memory_space<vmem>>, vector<16xi32>,
      %gather3A_1333 = tpu.vector_load_idx %arg16[%get3A_1328, %get3A_1332] : memref<936x16xf32, #tpu.memory_space<vmem>>[vector<16xi32>, vector<16xi32>], vector<16xf32>,
      %get3A_1334 = arith.constant 46 : i32
      %get3A_1335 = arith.index_cast %get3A_1334 : i32 to index
      %get3A_1336 = arith.constant 0 : index
      %get3A_1337 = tpu.vector_load %arg13[%get3A_1335, %get3A_1336] {strides = array<i32>} : memref<69x16xi32, #tpu.memory_space<vmem>>, vector<16xi32>,
      %get3A_1338 = arith.constant 46 : i32
      %get3A_1339 = arith.index_cast %get3A_1338 : i32 to index
      %get3A_1340 = arith.constant 0 : index
      %get3A_1341 = tpu.vector_load %arg14[%get3A_1339, %get3A_1340] {strides = array<i32>} : memref<69x16xi32, #tpu.memory_space<vmem>>, vector<16xi32>,
      %get3A_1342 = arith.constant 46 : i32
      %get3A_1343 = arith.index_cast %get3A_1342 : i32 to index
      %get3A_1344 = arith.constant 0 : index
      %get3A_1345 = tpu.vector_load %arg15[%get3A_1343, %get3A_1344] {strides = array<i32>} : memref<69x16xi32, #tpu.memory_space<vmem>>, vector<16xi32>,
      %add3A_1346 = vector.broadcast %mul3A_268 : i32 to vector<16xi32>
      %add3A_1347 = arith.addi %get3A_1345, %add3A_1346 : vector<16xi32>
      tpu.vector_store_idx %arg18[%get3A_1337, %get3A_1341, %add3A_1347], %gather3A_1333 : memref<3x46x128xf32, #tpu.memory_space<vmem>>[vector<16xi32>, vector<16xi32>, vector<16xi32>], vector<16xf32>,
      %get3A_1348 = arith.constant 47 : i32
      %get3A_1349 = arith.index_cast %get3A_1348 : i32 to index
      %get3A_1350 = arith.constant 0 : index
      %get3A_1351 = tpu.vector_load %arg11[%get3A_1349, %get3A_1350] {strides = array<i32>} : memref<69x16xi32, #tpu.memory_space<vmem>>, vector<16xi32>,
      %get3A_1352 = arith.constant 47 : i32
      %get3A_1353 = arith.index_cast %get3A_1352 : i32 to index
      %get3A_1354 = arith.constant 0 : index
      %get3A_1355 = tpu.vector_load %arg12[%get3A_1353, %get3A_1354] {strides = array<i32>} : memref<69x16xi32, #tpu.memory_space<vmem>>, vector<16xi32>,
      %gather3A_1356 = tpu.vector_load_idx %arg16[%get3A_1351, %get3A_1355] : memref<936x16xf32, #tpu.memory_space<vmem>>[vector<16xi32>, vector<16xi32>], vector<16xf32>,
      %get3A_1357 = arith.constant 47 : i32
      %get3A_1358 = arith.index_cast %get3A_1357 : i32 to index
      %get3A_1359 = arith.constant 0 : index
      %get3A_1360 = tpu.vector_load %arg13[%get3A_1358, %get3A_1359] {strides = array<i32>} : memref<69x16xi32, #tpu.memory_space<vmem>>, vector<16xi32>,
      %get3A_1361 = arith.constant 47 : i32
      %get3A_1362 = arith.index_cast %get3A_1361 : i32 to index
      %get3A_1363 = arith.constant 0 : index
      %get3A_1364 = tpu.vector_load %arg14[%get3A_1362, %get3A_1363] {strides = array<i32>} : memref<69x16xi32, #tpu.memory_space<vmem>>, vector<16xi32>,
      %get3A_1365 = arith.constant 47 : i32
      %get3A_1366 = arith.index_cast %get3A_1365 : i32 to index
      %get3A_1367 = arith.constant 0 : index
      %get3A_1368 = tpu.vector_load %arg15[%get3A_1366, %get3A_1367] {strides = array<i32>} : memref<69x16xi32, #tpu.memory_space<vmem>>, vector<16xi32>,
      %add3A_1369 = vector.broadcast %mul3A_268 : i32 to vector<16xi32>
      %add3A_1370 = arith.addi %get3A_1368, %add3A_1369 : vector<16xi32>
      tpu.vector_store_idx %arg18[%get3A_1360, %get3A_1364, %add3A_1370], %gather3A_1356 : memref<3x46x128xf32, #tpu.memory_space<vmem>>[vector<16xi32>, vector<16xi32>, vector<16xi32>], vector<16xf32>,
      %get3A_1371 = arith.constant 48 : i32
      %get3A_1372 = arith.index_cast %get3A_1371 : i32 to index
      %get3A_1373 = arith.constant 0 : index
      %get3A_1374 = tpu.vector_load %arg11[%get3A_1372, %get3A_1373] {strides = array<i32>} : memref<69x16xi32, #tpu.memory_space<vmem>>, vector<16xi32>,
      %get3A_1375 = arith.constant 48 : i32
      %get3A_1376 = arith.index_cast %get3A_1375 : i32 to index
      %get3A_1377 = arith.constant 0 : index
      %get3A_1378 = tpu.vector_load %arg12[%get3A_1376, %get3A_1377] {strides = array<i32>} : memref<69x16xi32, #tpu.memory_space<vmem>>, vector<16xi32>,
      %gather3A_1379 = tpu.vector_load_idx %arg16[%get3A_1374, %get3A_1378] : memref<936x16xf32, #tpu.memory_space<vmem>>[vector<16xi32>, vector<16xi32>], vector<16xf32>,
      %get3A_1380 = arith.constant 48 : i32
      %get3A_1381 = arith.index_cast %get3A_1380 : i32 to index
      %get3A_1382 = arith.constant 0 : index
      %get3A_1383 = tpu.vector_load %arg13[%get3A_1381, %get3A_1382] {strides = array<i32>} : memref<69x16xi32, #tpu.memory_space<vmem>>, vector<16xi32>,
      %get3A_1384 = arith.constant 48 : i32
      %get3A_1385 = arith.index_cast %get3A_1384 : i32 to index
      %get3A_1386 = arith.constant 0 : index
      %get3A_1387 = tpu.vector_load %arg14[%get3A_1385, %get3A_1386] {strides = array<i32>} : memref<69x16xi32, #tpu.memory_space<vmem>>, vector<16xi32>,
      %get3A_1388 = arith.constant 48 : i32
      %get3A_1389 = arith.index_cast %get3A_1388 : i32 to index
      %get3A_1390 = arith.constant 0 : index
      %get3A_1391 = tpu.vector_load %arg15[%get3A_1389, %get3A_1390] {strides = array<i32>} : memref<69x16xi32, #tpu.memory_space<vmem>>, vector<16xi32>,
      %add3A_1392 = vector.broadcast %mul3A_268 : i32 to vector<16xi32>
      %add3A_1393 = arith.addi %get3A_1391, %add3A_1392 : vector<16xi32>
      tpu.vector_store_idx %arg18[%get3A_1383, %get3A_1387, %add3A_1393], %gather3A_1379 : memref<3x46x128xf32, #tpu.memory_space<vmem>>[vector<16xi32>, vector<16xi32>, vector<16xi32>], vector<16xf32>,
      %get3A_1394 = arith.constant 49 : i32
      %get3A_1395 = arith.index_cast %get3A_1394 : i32 to index
      %get3A_1396 = arith.constant 0 : index
      %get3A_1397 = tpu.vector_load %arg11[%get3A_1395, %get3A_1396] {strides = array<i32>} : memref<69x16xi32, #tpu.memory_space<vmem>>, vector<16xi32>,
      %get3A_1398 = arith.constant 49 : i32
      %get3A_1399 = arith.index_cast %get3A_1398 : i32 to index
      %get3A_1400 = arith.constant 0 : index
      %get3A_1401 = tpu.vector_load %arg12[%get3A_1399, %get3A_1400] {strides = array<i32>} : memref<69x16xi32, #tpu.memory_space<vmem>>, vector<16xi32>,
      %gather3A_1402 = tpu.vector_load_idx %arg16[%get3A_1397, %get3A_1401] : memref<936x16xf32, #tpu.memory_space<vmem>>[vector<16xi32>, vector<16xi32>], vector<16xf32>,
      %get3A_1403 = arith.constant 49 : i32
      %get3A_1404 = arith.index_cast %get3A_1403 : i32 to index
      %get3A_1405 = arith.constant 0 : index
      %get3A_1406 = tpu.vector_load %arg13[%get3A_1404, %get3A_1405] {strides = array<i32>} : memref<69x16xi32, #tpu.memory_space<vmem>>, vector<16xi32>,
      %get3A_1407 = arith.constant 49 : i32
      %get3A_1408 = arith.index_cast %get3A_1407 : i32 to index
      %get3A_1409 = arith.constant 0 : index
      %get3A_1410 = tpu.vector_load %arg14[%get3A_1408, %get3A_1409] {strides = array<i32>} : memref<69x16xi32, #tpu.memory_space<vmem>>, vector<16xi32>,
      %get3A_1411 = arith.constant 49 : i32
      %get3A_1412 = arith.index_cast %get3A_1411 : i32 to index
      %get3A_1413 = arith.constant 0 : index
      %get3A_1414 = tpu.vector_load %arg15[%get3A_1412, %get3A_1413] {strides = array<i32>} : memref<69x16xi32, #tpu.memory_space<vmem>>, vector<16xi32>,
      %add3A_1415 = vector.broadcast %mul3A_268 : i32 to vector<16xi32>
      %add3A_1416 = arith.addi %get3A_1414, %add3A_1415 : vector<16xi32>
      tpu.vector_store_idx %arg18[%get3A_1406, %get3A_1410, %add3A_1416], %gather3A_1402 : memref<3x46x128xf32, #tpu.memory_space<vmem>>[vector<16xi32>, vector<16xi32>, vector<16xi32>], vector<16xf32>,
      %get3A_1417 = arith.constant 50 : i32
      %get3A_1418 = arith.index_cast %get3A_1417 : i32 to index
      %get3A_1419 = arith.constant 0 : index
      %get3A_1420 = tpu.vector_load %arg11[%get3A_1418, %get3A_1419] {strides = array<i32>} : memref<69x16xi32, #tpu.memory_space<vmem>>, vector<16xi32>,
      %get3A_1421 = arith.constant 50 : i32
      %get3A_1422 = arith.index_cast %get3A_1421 : i32 to index
      %get3A_1423 = arith.constant 0 : index
      %get3A_1424 = tpu.vector_load %arg12[%get3A_1422, %get3A_1423] {strides = array<i32>} : memref<69x16xi32, #tpu.memory_space<vmem>>, vector<16xi32>,
      %gather3A_1425 = tpu.vector_load_idx %arg16[%get3A_1420, %get3A_1424] : memref<936x16xf32, #tpu.memory_space<vmem>>[vector<16xi32>, vector<16xi32>], vector<16xf32>,
      %get3A_1426 = arith.constant 50 : i32
      %get3A_1427 = arith.index_cast %get3A_1426 : i32 to index
      %get3A_1428 = arith.constant 0 : index
      %get3A_1429 = tpu.vector_load %arg13[%get3A_1427, %get3A_1428] {strides = array<i32>} : memref<69x16xi32, #tpu.memory_space<vmem>>, vector<16xi32>,
      %get3A_1430 = arith.constant 50 : i32
      %get3A_1431 = arith.index_cast %get3A_1430 : i32 to index
      %get3A_1432 = arith.constant 0 : index
      %get3A_1433 = tpu.vector_load %arg14[%get3A_1431, %get3A_1432] {strides = array<i32>} : memref<69x16xi32, #tpu.memory_space<vmem>>, vector<16xi32>,
      %get3A_1434 = arith.constant 50 : i32
      %get3A_1435 = arith.index_cast %get3A_1434 : i32 to index
      %get3A_1436 = arith.constant 0 : index
      %get3A_1437 = tpu.vector_load %arg15[%get3A_1435, %get3A_1436] {strides = array<i32>} : memref<69x16xi32, #tpu.memory_space<vmem>>, vector<16xi32>,
      %add3A_1438 = vector.broadcast %mul3A_268 : i32 to vector<16xi32>
      %add3A_1439 = arith.addi %get3A_1437, %add3A_1438 : vector<16xi32>
      tpu.vector_store_idx %arg18[%get3A_1429, %get3A_1433, %add3A_1439], %gather3A_1425 : memref<3x46x128xf32, #tpu.memory_space<vmem>>[vector<16xi32>, vector<16xi32>, vector<16xi32>], vector<16xf32>,
      %get3A_1440 = arith.constant 51 : i32
      %get3A_1441 = arith.index_cast %get3A_1440 : i32 to index
      %get3A_1442 = arith.constant 0 : index
      %get3A_1443 = tpu.vector_load %arg11[%get3A_1441, %get3A_1442] {strides = array<i32>} : memref<69x16xi32, #tpu.memory_space<vmem>>, vector<16xi32>,
      %get3A_1444 = arith.constant 51 : i32
      %get3A_1445 = arith.index_cast %get3A_1444 : i32 to index
      %get3A_1446 = arith.constant 0 : index
      %get3A_1447 = tpu.vector_load %arg12[%get3A_1445, %get3A_1446] {strides = array<i32>} : memref<69x16xi32, #tpu.memory_space<vmem>>, vector<16xi32>,
      %gather3A_1448 = tpu.vector_load_idx %arg16[%get3A_1443, %get3A_1447] : memref<936x16xf32, #tpu.memory_space<vmem>>[vector<16xi32>, vector<16xi32>], vector<16xf32>,
      %get3A_1449 = arith.constant 51 : i32
      %get3A_1450 = arith.index_cast %get3A_1449 : i32 to index
      %get3A_1451 = arith.constant 0 : index
      %get3A_1452 = tpu.vector_load %arg13[%get3A_1450, %get3A_1451] {strides = array<i32>} : memref<69x16xi32, #tpu.memory_space<vmem>>, vector<16xi32>,
      %get3A_1453 = arith.constant 51 : i32
      %get3A_1454 = arith.index_cast %get3A_1453 : i32 to index
      %get3A_1455 = arith.constant 0 : index
      %get3A_1456 = tpu.vector_load %arg14[%get3A_1454, %get3A_1455] {strides = array<i32>} : memref<69x16xi32, #tpu.memory_space<vmem>>, vector<16xi32>,
      %get3A_1457 = arith.constant 51 : i32
      %get3A_1458 = arith.index_cast %get3A_1457 : i32 to index
      %get3A_1459 = arith.constant 0 : index
      %get3A_1460 = tpu.vector_load %arg15[%get3A_1458, %get3A_1459] {strides = array<i32>} : memref<69x16xi32, #tpu.memory_space<vmem>>, vector<16xi32>,
      %add3A_1461 = vector.broadcast %mul3A_268 : i32 to vector<16xi32>
      %add3A_1462 = arith.addi %get3A_1460, %add3A_1461 : vector<16xi32>
      tpu.vector_store_idx %arg18[%get3A_1452, %get3A_1456, %add3A_1462], %gather3A_1448 : memref<3x46x128xf32, #tpu.memory_space<vmem>>[vector<16xi32>, vector<16xi32>, vector<16xi32>], vector<16xf32>,
      %get3A_1463 = arith.constant 52 : i32
      %get3A_1464 = arith.index_cast %get3A_1463 : i32 to index
      %get3A_1465 = arith.constant 0 : index
      %get3A_1466 = tpu.vector_load %arg11[%get3A_1464, %get3A_1465] {strides = array<i32>} : memref<69x16xi32, #tpu.memory_space<vmem>>, vector<16xi32>,
      %get3A_1467 = arith.constant 52 : i32
      %get3A_1468 = arith.index_cast %get3A_1467 : i32 to index
      %get3A_1469 = arith.constant 0 : index
      %get3A_1470 = tpu.vector_load %arg12[%get3A_1468, %get3A_1469] {strides = array<i32>} : memref<69x16xi32, #tpu.memory_space<vmem>>, vector<16xi32>,
      %gather3A_1471 = tpu.vector_load_idx %arg16[%get3A_1466, %get3A_1470] : memref<936x16xf32, #tpu.memory_space<vmem>>[vector<16xi32>, vector<16xi32>], vector<16xf32>,
      %get3A_1472 = arith.constant 52 : i32
      %get3A_1473 = arith.index_cast %get3A_1472 : i32 to index
      %get3A_1474 = arith.constant 0 : index
      %get3A_1475 = tpu.vector_load %arg13[%get3A_1473, %get3A_1474] {strides = array<i32>} : memref<69x16xi32, #tpu.memory_space<vmem>>, vector<16xi32>,
      %get3A_1476 = arith.constant 52 : i32
      %get3A_1477 = arith.index_cast %get3A_1476 : i32 to index
      %get3A_1478 = arith.constant 0 : index
      %get3A_1479 = tpu.vector_load %arg14[%get3A_1477, %get3A_1478] {strides = array<i32>} : memref<69x16xi32, #tpu.memory_space<vmem>>, vector<16xi32>,
      %get3A_1480 = arith.constant 52 : i32
      %get3A_1481 = arith.index_cast %get3A_1480 : i32 to index
      %get3A_1482 = arith.constant 0 : index
      %get3A_1483 = tpu.vector_load %arg15[%get3A_1481, %get3A_1482] {strides = array<i32>} : memref<69x16xi32, #tpu.memory_space<vmem>>, vector<16xi32>,
      %add3A_1484 = vector.broadcast %mul3A_268 : i32 to vector<16xi32>
      %add3A_1485 = arith.addi %get3A_1483, %add3A_1484 : vector<16xi32>
      tpu.vector_store_idx %arg18[%get3A_1475, %get3A_1479, %add3A_1485], %gather3A_1471 : memref<3x46x128xf32, #tpu.memory_space<vmem>>[vector<16xi32>, vector<16xi32>, vector<16xi32>], vector<16xf32>,
      %get3A_1486 = arith.constant 53 : i32
      %get3A_1487 = arith.index_cast %get3A_1486 : i32 to index
      %get3A_1488 = arith.constant 0 : index
      %get3A_1489 = tpu.vector_load %arg11[%get3A_1487, %get3A_1488] {strides = array<i32>} : memref<69x16xi32, #tpu.memory_space<vmem>>, vector<16xi32>,
      %get3A_1490 = arith.constant 53 : i32
      %get3A_1491 = arith.index_cast %get3A_1490 : i32 to index
      %get3A_1492 = arith.constant 0 : index
      %get3A_1493 = tpu.vector_load %arg12[%get3A_1491, %get3A_1492] {strides = array<i32>} : memref<69x16xi32, #tpu.memory_space<vmem>>, vector<16xi32>,
      %gather3A_1494 = tpu.vector_load_idx %arg16[%get3A_1489, %get3A_1493] : memref<936x16xf32, #tpu.memory_space<vmem>>[vector<16xi32>, vector<16xi32>], vector<16xf32>,
      %get3A_1495 = arith.constant 53 : i32
      %get3A_1496 = arith.index_cast %get3A_1495 : i32 to index
      %get3A_1497 = arith.constant 0 : index
      %get3A_1498 = tpu.vector_load %arg13[%get3A_1496, %get3A_1497] {strides = array<i32>} : memref<69x16xi32, #tpu.memory_space<vmem>>, vector<16xi32>,
      %get3A_1499 = arith.constant 53 : i32
      %get3A_1500 = arith.index_cast %get3A_1499 : i32 to index
      %get3A_1501 = arith.constant 0 : index
      %get3A_1502 = tpu.vector_load %arg14[%get3A_1500, %get3A_1501] {strides = array<i32>} : memref<69x16xi32, #tpu.memory_space<vmem>>, vector<16xi32>,
      %get3A_1503 = arith.constant 53 : i32
      %get3A_1504 = arith.index_cast %get3A_1503 : i32 to index
      %get3A_1505 = arith.constant 0 : index
      %get3A_1506 = tpu.vector_load %arg15[%get3A_1504, %get3A_1505] {strides = array<i32>} : memref<69x16xi32, #tpu.memory_space<vmem>>, vector<16xi32>,
      %add3A_1507 = vector.broadcast %mul3A_268 : i32 to vector<16xi32>
      %add3A_1508 = arith.addi %get3A_1506, %add3A_1507 : vector<16xi32>
      tpu.vector_store_idx %arg18[%get3A_1498, %get3A_1502, %add3A_1508], %gather3A_1494 : memref<3x46x128xf32, #tpu.memory_space<vmem>>[vector<16xi32>, vector<16xi32>, vector<16xi32>], vector<16xf32>,
      %get3A_1509 = arith.constant 54 : i32
      %get3A_1510 = arith.index_cast %get3A_1509 : i32 to index
      %get3A_1511 = arith.constant 0 : index
      %get3A_1512 = tpu.vector_load %arg11[%get3A_1510, %get3A_1511] {strides = array<i32>} : memref<69x16xi32, #tpu.memory_space<vmem>>, vector<16xi32>,
      %get3A_1513 = arith.constant 54 : i32
      %get3A_1514 = arith.index_cast %get3A_1513 : i32 to index
      %get3A_1515 = arith.constant 0 : index
      %get3A_1516 = tpu.vector_load %arg12[%get3A_1514, %get3A_1515] {strides = array<i32>} : memref<69x16xi32, #tpu.memory_space<vmem>>, vector<16xi32>,
      %gather3A_1517 = tpu.vector_load_idx %arg16[%get3A_1512, %get3A_1516] : memref<936x16xf32, #tpu.memory_space<vmem>>[vector<16xi32>, vector<16xi32>], vector<16xf32>,
      %get3A_1518 = arith.constant 54 : i32
      %get3A_1519 = arith.index_cast %get3A_1518 : i32 to index
      %get3A_1520 = arith.constant 0 : index
      %get3A_1521 = tpu.vector_load %arg13[%get3A_1519, %get3A_1520] {strides = array<i32>} : memref<69x16xi32, #tpu.memory_space<vmem>>, vector<16xi32>,
      %get3A_1522 = arith.constant 54 : i32
      %get3A_1523 = arith.index_cast %get3A_1522 : i32 to index
      %get3A_1524 = arith.constant 0 : index
      %get3A_1525 = tpu.vector_load %arg14[%get3A_1523, %get3A_1524] {strides = array<i32>} : memref<69x16xi32, #tpu.memory_space<vmem>>, vector<16xi32>,
      %get3A_1526 = arith.constant 54 : i32
      %get3A_1527 = arith.index_cast %get3A_1526 : i32 to index
      %get3A_1528 = arith.constant 0 : index
      %get3A_1529 = tpu.vector_load %arg15[%get3A_1527, %get3A_1528] {strides = array<i32>} : memref<69x16xi32, #tpu.memory_space<vmem>>, vector<16xi32>,
      %add3A_1530 = vector.broadcast %mul3A_268 : i32 to vector<16xi32>
      %add3A_1531 = arith.addi %get3A_1529, %add3A_1530 : vector<16xi32>
      tpu.vector_store_idx %arg18[%get3A_1521, %get3A_1525, %add3A_1531], %gather3A_1517 : memref<3x46x128xf32, #tpu.memory_space<vmem>>[vector<16xi32>, vector<16xi32>, vector<16xi32>], vector<16xf32>,
      %get3A_1532 = arith.constant 55 : i32
      %get3A_1533 = arith.index_cast %get3A_1532 : i32 to index
      %get3A_1534 = arith.constant 0 : index
      %get3A_1535 = tpu.vector_load %arg11[%get3A_1533, %get3A_1534] {strides = array<i32>} : memref<69x16xi32, #tpu.memory_space<vmem>>, vector<16xi32>,
      %get3A_1536 = arith.constant 55 : i32
      %get3A_1537 = arith.index_cast %get3A_1536 : i32 to index
      %get3A_1538 = arith.constant 0 : index
      %get3A_1539 = tpu.vector_load %arg12[%get3A_1537, %get3A_1538] {strides = array<i32>} : memref<69x16xi32, #tpu.memory_space<vmem>>, vector<16xi32>,
      %gather3A_1540 = tpu.vector_load_idx %arg16[%get3A_1535, %get3A_1539] : memref<936x16xf32, #tpu.memory_space<vmem>>[vector<16xi32>, vector<16xi32>], vector<16xf32>,
      %get3A_1541 = arith.constant 55 : i32
      %get3A_1542 = arith.index_cast %get3A_1541 : i32 to index
      %get3A_1543 = arith.constant 0 : index
      %get3A_1544 = tpu.vector_load %arg13[%get3A_1542, %get3A_1543] {strides = array<i32>} : memref<69x16xi32, #tpu.memory_space<vmem>>, vector<16xi32>,
      %get3A_1545 = arith.constant 55 : i32
      %get3A_1546 = arith.index_cast %get3A_1545 : i32 to index
      %get3A_1547 = arith.constant 0 : index
      %get3A_1548 = tpu.vector_load %arg14[%get3A_1546, %get3A_1547] {strides = array<i32>} : memref<69x16xi32, #tpu.memory_space<vmem>>, vector<16xi32>,
      %get3A_1549 = arith.constant 55 : i32
      %get3A_1550 = arith.index_cast %get3A_1549 : i32 to index
      %get3A_1551 = arith.constant 0 : index
      %get3A_1552 = tpu.vector_load %arg15[%get3A_1550, %get3A_1551] {strides = array<i32>} : memref<69x16xi32, #tpu.memory_space<vmem>>, vector<16xi32>,
      %add3A_1553 = vector.broadcast %mul3A_268 : i32 to vector<16xi32>
      %add3A_1554 = arith.addi %get3A_1552, %add3A_1553 : vector<16xi32>
      tpu.vector_store_idx %arg18[%get3A_1544, %get3A_1548, %add3A_1554], %gather3A_1540 : memref<3x46x128xf32, #tpu.memory_space<vmem>>[vector<16xi32>, vector<16xi32>, vector<16xi32>], vector<16xf32>,
      %get3A_1555 = arith.constant 56 : i32
      %get3A_1556 = arith.index_cast %get3A_1555 : i32 to index
      %get3A_1557 = arith.constant 0 : index
      %get3A_1558 = tpu.vector_load %arg11[%get3A_1556, %get3A_1557] {strides = array<i32>} : memref<69x16xi32, #tpu.memory_space<vmem>>, vector<16xi32>,
      %get3A_1559 = arith.constant 56 : i32
      %get3A_1560 = arith.index_cast %get3A_1559 : i32 to index
      %get3A_1561 = arith.constant 0 : index
      %get3A_1562 = tpu.vector_load %arg12[%get3A_1560, %get3A_1561] {strides = array<i32>} : memref<69x16xi32, #tpu.memory_space<vmem>>, vector<16xi32>,
      %gather3A_1563 = tpu.vector_load_idx %arg16[%get3A_1558, %get3A_1562] : memref<936x16xf32, #tpu.memory_space<vmem>>[vector<16xi32>, vector<16xi32>], vector<16xf32>,
      %get3A_1564 = arith.constant 56 : i32
      %get3A_1565 = arith.index_cast %get3A_1564 : i32 to index
      %get3A_1566 = arith.constant 0 : index
      %get3A_1567 = tpu.vector_load %arg13[%get3A_1565, %get3A_1566] {strides = array<i32>} : memref<69x16xi32, #tpu.memory_space<vmem>>, vector<16xi32>,
      %get3A_1568 = arith.constant 56 : i32
      %get3A_1569 = arith.index_cast %get3A_1568 : i32 to index
      %get3A_1570 = arith.constant 0 : index
      %get3A_1571 = tpu.vector_load %arg14[%get3A_1569, %get3A_1570] {strides = array<i32>} : memref<69x16xi32, #tpu.memory_space<vmem>>, vector<16xi32>,
      %get3A_1572 = arith.constant 56 : i32
      %get3A_1573 = arith.index_cast %get3A_1572 : i32 to index
      %get3A_1574 = arith.constant 0 : index
      %get3A_1575 = tpu.vector_load %arg15[%get3A_1573, %get3A_1574] {strides = array<i32>} : memref<69x16xi32, #tpu.memory_space<vmem>>, vector<16xi32>,
      %add3A_1576 = vector.broadcast %mul3A_268 : i32 to vector<16xi32>
      %add3A_1577 = arith.addi %get3A_1575, %add3A_1576 : vector<16xi32>
      tpu.vector_store_idx %arg18[%get3A_1567, %get3A_1571, %add3A_1577], %gather3A_1563 : memref<3x46x128xf32, #tpu.memory_space<vmem>>[vector<16xi32>, vector<16xi32>, vector<16xi32>], vector<16xf32>,
      %get3A_1578 = arith.constant 57 : i32
      %get3A_1579 = arith.index_cast %get3A_1578 : i32 to index
      %get3A_1580 = arith.constant 0 : index
      %get3A_1581 = tpu.vector_load %arg11[%get3A_1579, %get3A_1580] {strides = array<i32>} : memref<69x16xi32, #tpu.memory_space<vmem>>, vector<16xi32>,
      %get3A_1582 = arith.constant 57 : i32
      %get3A_1583 = arith.index_cast %get3A_1582 : i32 to index
      %get3A_1584 = arith.constant 0 : index
      %get3A_1585 = tpu.vector_load %arg12[%get3A_1583, %get3A_1584] {strides = array<i32>} : memref<69x16xi32, #tpu.memory_space<vmem>>, vector<16xi32>,
      %gather3A_1586 = tpu.vector_load_idx %arg16[%get3A_1581, %get3A_1585] : memref<936x16xf32, #tpu.memory_space<vmem>>[vector<16xi32>, vector<16xi32>], vector<16xf32>,
      %get3A_1587 = arith.constant 57 : i32
      %get3A_1588 = arith.index_cast %get3A_1587 : i32 to index
      %get3A_1589 = arith.constant 0 : index
      %get3A_1590 = tpu.vector_load %arg13[%get3A_1588, %get3A_1589] {strides = array<i32>} : memref<69x16xi32, #tpu.memory_space<vmem>>, vector<16xi32>,
      %get3A_1591 = arith.constant 57 : i32
      %get3A_1592 = arith.index_cast %get3A_1591 : i32 to index
      %get3A_1593 = arith.constant 0 : index
      %get3A_1594 = tpu.vector_load %arg14[%get3A_1592, %get3A_1593] {strides = array<i32>} : memref<69x16xi32, #tpu.memory_space<vmem>>, vector<16xi32>,
      %get3A_1595 = arith.constant 57 : i32
      %get3A_1596 = arith.index_cast %get3A_1595 : i32 to index
      %get3A_1597 = arith.constant 0 : index
      %get3A_1598 = tpu.vector_load %arg15[%get3A_1596, %get3A_1597] {strides = array<i32>} : memref<69x16xi32, #tpu.memory_space<vmem>>, vector<16xi32>,
      %add3A_1599 = vector.broadcast %mul3A_268 : i32 to vector<16xi32>
      %add3A_1600 = arith.addi %get3A_1598, %add3A_1599 : vector<16xi32>
      tpu.vector_store_idx %arg18[%get3A_1590, %get3A_1594, %add3A_1600], %gather3A_1586 : memref<3x46x128xf32, #tpu.memory_space<vmem>>[vector<16xi32>, vector<16xi32>, vector<16xi32>], vector<16xf32>,
      %get3A_1601 = arith.constant 58 : i32
      %get3A_1602 = arith.index_cast %get3A_1601 : i32 to index
      %get3A_1603 = arith.constant 0 : index
      %get3A_1604 = tpu.vector_load %arg11[%get3A_1602, %get3A_1603] {strides = array<i32>} : memref<69x16xi32, #tpu.memory_space<vmem>>, vector<16xi32>,
      %get3A_1605 = arith.constant 58 : i32
      %get3A_1606 = arith.index_cast %get3A_1605 : i32 to index
      %get3A_1607 = arith.constant 0 : index
      %get3A_1608 = tpu.vector_load %arg12[%get3A_1606, %get3A_1607] {strides = array<i32>} : memref<69x16xi32, #tpu.memory_space<vmem>>, vector<16xi32>,
      %gather3A_1609 = tpu.vector_load_idx %arg16[%get3A_1604, %get3A_1608] : memref<936x16xf32, #tpu.memory_space<vmem>>[vector<16xi32>, vector<16xi32>], vector<16xf32>,
      %get3A_1610 = arith.constant 58 : i32
      %get3A_1611 = arith.index_cast %get3A_1610 : i32 to index
      %get3A_1612 = arith.constant 0 : index
      %get3A_1613 = tpu.vector_load %arg13[%get3A_1611, %get3A_1612] {strides = array<i32>} : memref<69x16xi32, #tpu.memory_space<vmem>>, vector<16xi32>,
      %get3A_1614 = arith.constant 58 : i32
      %get3A_1615 = arith.index_cast %get3A_1614 : i32 to index
      %get3A_1616 = arith.constant 0 : index
      %get3A_1617 = tpu.vector_load %arg14[%get3A_1615, %get3A_1616] {strides = array<i32>} : memref<69x16xi32, #tpu.memory_space<vmem>>, vector<16xi32>,
      %get3A_1618 = arith.constant 58 : i32
      %get3A_1619 = arith.index_cast %get3A_1618 : i32 to index
      %get3A_1620 = arith.constant 0 : index
      %get3A_1621 = tpu.vector_load %arg15[%get3A_1619, %get3A_1620] {strides = array<i32>} : memref<69x16xi32, #tpu.memory_space<vmem>>, vector<16xi32>,
      %add3A_1622 = vector.broadcast %mul3A_268 : i32 to vector<16xi32>
      %add3A_1623 = arith.addi %get3A_1621, %add3A_1622 : vector<16xi32>
      tpu.vector_store_idx %arg18[%get3A_1613, %get3A_1617, %add3A_1623], %gather3A_1609 : memref<3x46x128xf32, #tpu.memory_space<vmem>>[vector<16xi32>, vector<16xi32>, vector<16xi32>], vector<16xf32>,
      %get3A_1624 = arith.constant 59 : i32
      %get3A_1625 = arith.index_cast %get3A_1624 : i32 to index
      %get3A_1626 = arith.constant 0 : index
      %get3A_1627 = tpu.vector_load %arg11[%get3A_1625, %get3A_1626] {strides = array<i32>} : memref<69x16xi32, #tpu.memory_space<vmem>>, vector<16xi32>,
      %get3A_1628 = arith.constant 59 : i32
      %get3A_1629 = arith.index_cast %get3A_1628 : i32 to index
      %get3A_1630 = arith.constant 0 : index
      %get3A_1631 = tpu.vector_load %arg12[%get3A_1629, %get3A_1630] {strides = array<i32>} : memref<69x16xi32, #tpu.memory_space<vmem>>, vector<16xi32>,
      %gather3A_1632 = tpu.vector_load_idx %arg16[%get3A_1627, %get3A_1631] : memref<936x16xf32, #tpu.memory_space<vmem>>[vector<16xi32>, vector<16xi32>], vector<16xf32>,
      %get3A_1633 = arith.constant 59 : i32
      %get3A_1634 = arith.index_cast %get3A_1633 : i32 to index
      %get3A_1635 = arith.constant 0 : index
      %get3A_1636 = tpu.vector_load %arg13[%get3A_1634, %get3A_1635] {strides = array<i32>} : memref<69x16xi32, #tpu.memory_space<vmem>>, vector<16xi32>,
      %get3A_1637 = arith.constant 59 : i32
      %get3A_1638 = arith.index_cast %get3A_1637 : i32 to index
      %get3A_1639 = arith.constant 0 : index
      %get3A_1640 = tpu.vector_load %arg14[%get3A_1638, %get3A_1639] {strides = array<i32>} : memref<69x16xi32, #tpu.memory_space<vmem>>, vector<16xi32>,
      %get3A_1641 = arith.constant 59 : i32
      %get3A_1642 = arith.index_cast %get3A_1641 : i32 to index
      %get3A_1643 = arith.constant 0 : index
      %get3A_1644 = tpu.vector_load %arg15[%get3A_1642, %get3A_1643] {strides = array<i32>} : memref<69x16xi32, #tpu.memory_space<vmem>>, vector<16xi32>,
      %add3A_1645 = vector.broadcast %mul3A_268 : i32 to vector<16xi32>
      %add3A_1646 = arith.addi %get3A_1644, %add3A_1645 : vector<16xi32>
      tpu.vector_store_idx %arg18[%get3A_1636, %get3A_1640, %add3A_1646], %gather3A_1632 : memref<3x46x128xf32, #tpu.memory_space<vmem>>[vector<16xi32>, vector<16xi32>, vector<16xi32>], vector<16xf32>,
      %get3A_1647 = arith.constant 60 : i32
      %get3A_1648 = arith.index_cast %get3A_1647 : i32 to index
      %get3A_1649 = arith.constant 0 : index
      %get3A_1650 = tpu.vector_load %arg11[%get3A_1648, %get3A_1649] {strides = array<i32>} : memref<69x16xi32, #tpu.memory_space<vmem>>, vector<16xi32>,
      %get3A_1651 = arith.constant 60 : i32
      %get3A_1652 = arith.index_cast %get3A_1651 : i32 to index
      %get3A_1653 = arith.constant 0 : index
      %get3A_1654 = tpu.vector_load %arg12[%get3A_1652, %get3A_1653] {strides = array<i32>} : memref<69x16xi32, #tpu.memory_space<vmem>>, vector<16xi32>,
      %gather3A_1655 = tpu.vector_load_idx %arg16[%get3A_1650, %get3A_1654] : memref<936x16xf32, #tpu.memory_space<vmem>>[vector<16xi32>, vector<16xi32>], vector<16xf32>,
      %get3A_1656 = arith.constant 60 : i32
      %get3A_1657 = arith.index_cast %get3A_1656 : i32 to index
      %get3A_1658 = arith.constant 0 : index
      %get3A_1659 = tpu.vector_load %arg13[%get3A_1657, %get3A_1658] {strides = array<i32>} : memref<69x16xi32, #tpu.memory_space<vmem>>, vector<16xi32>,
      %get3A_1660 = arith.constant 60 : i32
      %get3A_1661 = arith.index_cast %get3A_1660 : i32 to index
      %get3A_1662 = arith.constant 0 : index
      %get3A_1663 = tpu.vector_load %arg14[%get3A_1661, %get3A_1662] {strides = array<i32>} : memref<69x16xi32, #tpu.memory_space<vmem>>, vector<16xi32>,
      %get3A_1664 = arith.constant 60 : i32
      %get3A_1665 = arith.index_cast %get3A_1664 : i32 to index
      %get3A_1666 = arith.constant 0 : index
      %get3A_1667 = tpu.vector_load %arg15[%get3A_1665, %get3A_1666] {strides = array<i32>} : memref<69x16xi32, #tpu.memory_space<vmem>>, vector<16xi32>,
      %add3A_1668 = vector.broadcast %mul3A_268 : i32 to vector<16xi32>
      %add3A_1669 = arith.addi %get3A_1667, %add3A_1668 : vector<16xi32>
      tpu.vector_store_idx %arg18[%get3A_1659, %get3A_1663, %add3A_1669], %gather3A_1655 : memref<3x46x128xf32, #tpu.memory_space<vmem>>[vector<16xi32>, vector<16xi32>, vector<16xi32>], vector<16xf32>,
      %get3A_1670 = arith.constant 61 : i32
      %get3A_1671 = arith.index_cast %get3A_1670 : i32 to index
      %get3A_1672 = arith.constant 0 : index
      %get3A_1673 = tpu.vector_load %arg11[%get3A_1671, %get3A_1672] {strides = array<i32>} : memref<69x16xi32, #tpu.memory_space<vmem>>, vector<16xi32>,
      %get3A_1674 = arith.constant 61 : i32
      %get3A_1675 = arith.index_cast %get3A_1674 : i32 to index
      %get3A_1676 = arith.constant 0 : index
      %get3A_1677 = tpu.vector_load %arg12[%get3A_1675, %get3A_1676] {strides = array<i32>} : memref<69x16xi32, #tpu.memory_space<vmem>>, vector<16xi32>,
      %gather3A_1678 = tpu.vector_load_idx %arg16[%get3A_1673, %get3A_1677] : memref<936x16xf32, #tpu.memory_space<vmem>>[vector<16xi32>, vector<16xi32>], vector<16xf32>,
      %get3A_1679 = arith.constant 61 : i32
      %get3A_1680 = arith.index_cast %get3A_1679 : i32 to index
      %get3A_1681 = arith.constant 0 : index
      %get3A_1682 = tpu.vector_load %arg13[%get3A_1680, %get3A_1681] {strides = array<i32>} : memref<69x16xi32, #tpu.memory_space<vmem>>, vector<16xi32>,
      %get3A_1683 = arith.constant 61 : i32
      %get3A_1684 = arith.index_cast %get3A_1683 : i32 to index
      %get3A_1685 = arith.constant 0 : index
      %get3A_1686 = tpu.vector_load %arg14[%get3A_1684, %get3A_1685] {strides = array<i32>} : memref<69x16xi32, #tpu.memory_space<vmem>>, vector<16xi32>,
      %get3A_1687 = arith.constant 61 : i32
      %get3A_1688 = arith.index_cast %get3A_1687 : i32 to index
      %get3A_1689 = arith.constant 0 : index
      %get3A_1690 = tpu.vector_load %arg15[%get3A_1688, %get3A_1689] {strides = array<i32>} : memref<69x16xi32, #tpu.memory_space<vmem>>, vector<16xi32>,
      %add3A_1691 = vector.broadcast %mul3A_268 : i32 to vector<16xi32>
      %add3A_1692 = arith.addi %get3A_1690, %add3A_1691 : vector<16xi32>
      tpu.vector_store_idx %arg18[%get3A_1682, %get3A_1686, %add3A_1692], %gather3A_1678 : memref<3x46x128xf32, #tpu.memory_space<vmem>>[vector<16xi32>, vector<16xi32>, vector<16xi32>], vector<16xf32>,
      %get3A_1693 = arith.constant 62 : i32
      %get3A_1694 = arith.index_cast %get3A_1693 : i32 to index
      %get3A_1695 = arith.constant 0 : index
      %get3A_1696 = tpu.vector_load %arg11[%get3A_1694, %get3A_1695] {strides = array<i32>} : memref<69x16xi32, #tpu.memory_space<vmem>>, vector<16xi32>,
      %get3A_1697 = arith.constant 62 : i32
      %get3A_1698 = arith.index_cast %get3A_1697 : i32 to index
      %get3A_1699 = arith.constant 0 : index
      %get3A_1700 = tpu.vector_load %arg12[%get3A_1698, %get3A_1699] {strides = array<i32>} : memref<69x16xi32, #tpu.memory_space<vmem>>, vector<16xi32>,
      %gather3A_1701 = tpu.vector_load_idx %arg16[%get3A_1696, %get3A_1700] : memref<936x16xf32, #tpu.memory_space<vmem>>[vector<16xi32>, vector<16xi32>], vector<16xf32>,
      %get3A_1702 = arith.constant 62 : i32
      %get3A_1703 = arith.index_cast %get3A_1702 : i32 to index
      %get3A_1704 = arith.constant 0 : index
      %get3A_1705 = tpu.vector_load %arg13[%get3A_1703, %get3A_1704] {strides = array<i32>} : memref<69x16xi32, #tpu.memory_space<vmem>>, vector<16xi32>,
      %get3A_1706 = arith.constant 62 : i32
      %get3A_1707 = arith.index_cast %get3A_1706 : i32 to index
      %get3A_1708 = arith.constant 0 : index
      %get3A_1709 = tpu.vector_load %arg14[%get3A_1707, %get3A_1708] {strides = array<i32>} : memref<69x16xi32, #tpu.memory_space<vmem>>, vector<16xi32>,
      %get3A_1710 = arith.constant 62 : i32
      %get3A_1711 = arith.index_cast %get3A_1710 : i32 to index
      %get3A_1712 = arith.constant 0 : index
      %get3A_1713 = tpu.vector_load %arg15[%get3A_1711, %get3A_1712] {strides = array<i32>} : memref<69x16xi32, #tpu.memory_space<vmem>>, vector<16xi32>,
      %add3A_1714 = vector.broadcast %mul3A_268 : i32 to vector<16xi32>
      %add3A_1715 = arith.addi %get3A_1713, %add3A_1714 : vector<16xi32>
      tpu.vector_store_idx %arg18[%get3A_1705, %get3A_1709, %add3A_1715], %gather3A_1701 : memref<3x46x128xf32, #tpu.memory_space<vmem>>[vector<16xi32>, vector<16xi32>, vector<16xi32>], vector<16xf32>,
      %get3A_1716 = arith.constant 63 : i32
      %get3A_1717 = arith.index_cast %get3A_1716 : i32 to index
      %get3A_1718 = arith.constant 0 : index
      %get3A_1719 = tpu.vector_load %arg11[%get3A_1717, %get3A_1718] {strides = array<i32>} : memref<69x16xi32, #tpu.memory_space<vmem>>, vector<16xi32>,
      %get3A_1720 = arith.constant 63 : i32
      %get3A_1721 = arith.index_cast %get3A_1720 : i32 to index
      %get3A_1722 = arith.constant 0 : index
      %get3A_1723 = tpu.vector_load %arg12[%get3A_1721, %get3A_1722] {strides = array<i32>} : memref<69x16xi32, #tpu.memory_space<vmem>>, vector<16xi32>,
      %gather3A_1724 = tpu.vector_load_idx %arg16[%get3A_1719, %get3A_1723] : memref<936x16xf32, #tpu.memory_space<vmem>>[vector<16xi32>, vector<16xi32>], vector<16xf32>,
      %get3A_1725 = arith.constant 63 : i32
      %get3A_1726 = arith.index_cast %get3A_1725 : i32 to index
      %get3A_1727 = arith.constant 0 : index
      %get3A_1728 = tpu.vector_load %arg13[%get3A_1726, %get3A_1727] {strides = array<i32>} : memref<69x16xi32, #tpu.memory_space<vmem>>, vector<16xi32>,
      %get3A_1729 = arith.constant 63 : i32
      %get3A_1730 = arith.index_cast %get3A_1729 : i32 to index
      %get3A_1731 = arith.constant 0 : index
      %get3A_1732 = tpu.vector_load %arg14[%get3A_1730, %get3A_1731] {strides = array<i32>} : memref<69x16xi32, #tpu.memory_space<vmem>>, vector<16xi32>,
      %get3A_1733 = arith.constant 63 : i32
      %get3A_1734 = arith.index_cast %get3A_1733 : i32 to index
      %get3A_1735 = arith.constant 0 : index
      %get3A_1736 = tpu.vector_load %arg15[%get3A_1734, %get3A_1735] {strides = array<i32>} : memref<69x16xi32, #tpu.memory_space<vmem>>, vector<16xi32>,
      %add3A_1737 = vector.broadcast %mul3A_268 : i32 to vector<16xi32>
      %add3A_1738 = arith.addi %get3A_1736, %add3A_1737 : vector<16xi32>
      tpu.vector_store_idx %arg18[%get3A_1728, %get3A_1732, %add3A_1738], %gather3A_1724 : memref<3x46x128xf32, #tpu.memory_space<vmem>>[vector<16xi32>, vector<16xi32>, vector<16xi32>], vector<16xf32>,
      %get3A_1739 = arith.constant 64 : i32
      %get3A_1740 = arith.index_cast %get3A_1739 : i32 to index
      %get3A_1741 = arith.constant 0 : index
      %get3A_1742 = tpu.vector_load %arg11[%get3A_1740, %get3A_1741] {strides = array<i32>} : memref<69x16xi32, #tpu.memory_space<vmem>>, vector<16xi32>,
      %get3A_1743 = arith.constant 64 : i32
      %get3A_1744 = arith.index_cast %get3A_1743 : i32 to index
      %get3A_1745 = arith.constant 0 : index
      %get3A_1746 = tpu.vector_load %arg12[%get3A_1744, %get3A_1745] {strides = array<i32>} : memref<69x16xi32, #tpu.memory_space<vmem>>, vector<16xi32>,
      %gather3A_1747 = tpu.vector_load_idx %arg16[%get3A_1742, %get3A_1746] : memref<936x16xf32, #tpu.memory_space<vmem>>[vector<16xi32>, vector<16xi32>], vector<16xf32>,
      %get3A_1748 = arith.constant 64 : i32
      %get3A_1749 = arith.index_cast %get3A_1748 : i32 to index
      %get3A_1750 = arith.constant 0 : index
      %get3A_1751 = tpu.vector_load %arg13[%get3A_1749, %get3A_1750] {strides = array<i32>} : memref<69x16xi32, #tpu.memory_space<vmem>>, vector<16xi32>,
      %get3A_1752 = arith.constant 64 : i32
      %get3A_1753 = arith.index_cast %get3A_1752 : i32 to index
      %get3A_1754 = arith.constant 0 : index
      %get3A_1755 = tpu.vector_load %arg14[%get3A_1753, %get3A_1754] {strides = array<i32>} : memref<69x16xi32, #tpu.memory_space<vmem>>, vector<16xi32>,
      %get3A_1756 = arith.constant 64 : i32
      %get3A_1757 = arith.index_cast %get3A_1756 : i32 to index
      %get3A_1758 = arith.constant 0 : index
      %get3A_1759 = tpu.vector_load %arg15[%get3A_1757, %get3A_1758] {strides = array<i32>} : memref<69x16xi32, #tpu.memory_space<vmem>>, vector<16xi32>,
      %add3A_1760 = vector.broadcast %mul3A_268 : i32 to vector<16xi32>
      %add3A_1761 = arith.addi %get3A_1759, %add3A_1760 : vector<16xi32>
      tpu.vector_store_idx %arg18[%get3A_1751, %get3A_1755, %add3A_1761], %gather3A_1747 : memref<3x46x128xf32, #tpu.memory_space<vmem>>[vector<16xi32>, vector<16xi32>, vector<16xi32>], vector<16xf32>,
      %get3A_1762 = arith.constant 65 : i32
      %get3A_1763 = arith.index_cast %get3A_1762 : i32 to index
      %get3A_1764 = arith.constant 0 : index
      %get3A_1765 = tpu.vector_load %arg11[%get3A_1763, %get3A_1764] {strides = array<i32>} : memref<69x16xi32, #tpu.memory_space<vmem>>, vector<16xi32>,
      %get3A_1766 = arith.constant 65 : i32
      %get3A_1767 = arith.index_cast %get3A_1766 : i32 to index
      %get3A_1768 = arith.constant 0 : index
      %get3A_1769 = tpu.vector_load %arg12[%get3A_1767, %get3A_1768] {strides = array<i32>} : memref<69x16xi32, #tpu.memory_space<vmem>>, vector<16xi32>,
      %gather3A_1770 = tpu.vector_load_idx %arg16[%get3A_1765, %get3A_1769] : memref<936x16xf32, #tpu.memory_space<vmem>>[vector<16xi32>, vector<16xi32>], vector<16xf32>,
      %get3A_1771 = arith.constant 65 : i32
      %get3A_1772 = arith.index_cast %get3A_1771 : i32 to index
      %get3A_1773 = arith.constant 0 : index
      %get3A_1774 = tpu.vector_load %arg13[%get3A_1772, %get3A_1773] {strides = array<i32>} : memref<69x16xi32, #tpu.memory_space<vmem>>, vector<16xi32>,
      %get3A_1775 = arith.constant 65 : i32
      %get3A_1776 = arith.index_cast %get3A_1775 : i32 to index
      %get3A_1777 = arith.constant 0 : index
      %get3A_1778 = tpu.vector_load %arg14[%get3A_1776, %get3A_1777] {strides = array<i32>} : memref<69x16xi32, #tpu.memory_space<vmem>>, vector<16xi32>,
      %get3A_1779 = arith.constant 65 : i32
      %get3A_1780 = arith.index_cast %get3A_1779 : i32 to index
      %get3A_1781 = arith.constant 0 : index
      %get3A_1782 = tpu.vector_load %arg15[%get3A_1780, %get3A_1781] {strides = array<i32>} : memref<69x16xi32, #tpu.memory_space<vmem>>, vector<16xi32>,
      %add3A_1783 = vector.broadcast %mul3A_268 : i32 to vector<16xi32>
      %add3A_1784 = arith.addi %get3A_1782, %add3A_1783 : vector<16xi32>
      tpu.vector_store_idx %arg18[%get3A_1774, %get3A_1778, %add3A_1784], %gather3A_1770 : memref<3x46x128xf32, #tpu.memory_space<vmem>>[vector<16xi32>, vector<16xi32>, vector<16xi32>], vector<16xf32>,
      %get3A_1785 = arith.constant 66 : i32
      %get3A_1786 = arith.index_cast %get3A_1785 : i32 to index
      %get3A_1787 = arith.constant 0 : index
      %get3A_1788 = tpu.vector_load %arg11[%get3A_1786, %get3A_1787] {strides = array<i32>} : memref<69x16xi32, #tpu.memory_space<vmem>>, vector<16xi32>,
      %get3A_1789 = arith.constant 66 : i32
      %get3A_1790 = arith.index_cast %get3A_1789 : i32 to index
      %get3A_1791 = arith.constant 0 : index
      %get3A_1792 = tpu.vector_load %arg12[%get3A_1790, %get3A_1791] {strides = array<i32>} : memref<69x16xi32, #tpu.memory_space<vmem>>, vector<16xi32>,
      %gather3A_1793 = tpu.vector_load_idx %arg16[%get3A_1788, %get3A_1792] : memref<936x16xf32, #tpu.memory_space<vmem>>[vector<16xi32>, vector<16xi32>], vector<16xf32>,
      %get3A_1794 = arith.constant 66 : i32
      %get3A_1795 = arith.index_cast %get3A_1794 : i32 to index
      %get3A_1796 = arith.constant 0 : index
      %get3A_1797 = tpu.vector_load %arg13[%get3A_1795, %get3A_1796] {strides = array<i32>} : memref<69x16xi32, #tpu.memory_space<vmem>>, vector<16xi32>,
      %get3A_1798 = arith.constant 66 : i32
      %get3A_1799 = arith.index_cast %get3A_1798 : i32 to index
      %get3A_1800 = arith.constant 0 : index
      %get3A_1801 = tpu.vector_load %arg14[%get3A_1799, %get3A_1800] {strides = array<i32>} : memref<69x16xi32, #tpu.memory_space<vmem>>, vector<16xi32>,
      %get3A_1802 = arith.constant 66 : i32
      %get3A_1803 = arith.index_cast %get3A_1802 : i32 to index
      %get3A_1804 = arith.constant 0 : index
      %get3A_1805 = tpu.vector_load %arg15[%get3A_1803, %get3A_1804] {strides = array<i32>} : memref<69x16xi32, #tpu.memory_space<vmem>>, vector<16xi32>,
      %add3A_1806 = vector.broadcast %mul3A_268 : i32 to vector<16xi32>
      %add3A_1807 = arith.addi %get3A_1805, %add3A_1806 : vector<16xi32>
      tpu.vector_store_idx %arg18[%get3A_1797, %get3A_1801, %add3A_1807], %gather3A_1793 : memref<3x46x128xf32, #tpu.memory_space<vmem>>[vector<16xi32>, vector<16xi32>, vector<16xi32>], vector<16xf32>,
      %get3A_1808 = arith.constant 67 : i32
      %get3A_1809 = arith.index_cast %get3A_1808 : i32 to index
      %get3A_1810 = arith.constant 0 : index
      %get3A_1811 = tpu.vector_load %arg11[%get3A_1809, %get3A_1810] {strides = array<i32>} : memref<69x16xi32, #tpu.memory_space<vmem>>, vector<16xi32>,
      %get3A_1812 = arith.constant 67 : i32
      %get3A_1813 = arith.index_cast %get3A_1812 : i32 to index
      %get3A_1814 = arith.constant 0 : index
      %get3A_1815 = tpu.vector_load %arg12[%get3A_1813, %get3A_1814] {strides = array<i32>} : memref<69x16xi32, #tpu.memory_space<vmem>>, vector<16xi32>,
      %gather3A_1816 = tpu.vector_load_idx %arg16[%get3A_1811, %get3A_1815] : memref<936x16xf32, #tpu.memory_space<vmem>>[vector<16xi32>, vector<16xi32>], vector<16xf32>,
      %get3A_1817 = arith.constant 67 : i32
      %get3A_1818 = arith.index_cast %get3A_1817 : i32 to index
      %get3A_1819 = arith.constant 0 : index
      %get3A_1820 = tpu.vector_load %arg13[%get3A_1818, %get3A_1819] {strides = array<i32>} : memref<69x16xi32, #tpu.memory_space<vmem>>, vector<16xi32>,
      %get3A_1821 = arith.constant 67 : i32
      %get3A_1822 = arith.index_cast %get3A_1821 : i32 to index
      %get3A_1823 = arith.constant 0 : index
      %get3A_1824 = tpu.vector_load %arg14[%get3A_1822, %get3A_1823] {strides = array<i32>} : memref<69x16xi32, #tpu.memory_space<vmem>>, vector<16xi32>,
      %get3A_1825 = arith.constant 67 : i32
      %get3A_1826 = arith.index_cast %get3A_1825 : i32 to index
      %get3A_1827 = arith.constant 0 : index
      %get3A_1828 = tpu.vector_load %arg15[%get3A_1826, %get3A_1827] {strides = array<i32>} : memref<69x16xi32, #tpu.memory_space<vmem>>, vector<16xi32>,
      %add3A_1829 = vector.broadcast %mul3A_268 : i32 to vector<16xi32>
      %add3A_1830 = arith.addi %get3A_1828, %add3A_1829 : vector<16xi32>
      tpu.vector_store_idx %arg18[%get3A_1820, %get3A_1824, %add3A_1830], %gather3A_1816 : memref<3x46x128xf32, #tpu.memory_space<vmem>>[vector<16xi32>, vector<16xi32>, vector<16xi32>], vector<16xf32>,
      %get3A_1831 = arith.constant 68 : i32
      %get3A_1832 = arith.index_cast %get3A_1831 : i32 to index
      %get3A_1833 = arith.constant 0 : index
      %get3A_1834 = tpu.vector_load %arg11[%get3A_1832, %get3A_1833] {strides = array<i32>} : memref<69x16xi32, #tpu.memory_space<vmem>>, vector<16xi32>,
      %get3A_1835 = arith.constant 68 : i32
      %get3A_1836 = arith.index_cast %get3A_1835 : i32 to index
      %get3A_1837 = arith.constant 0 : index
      %get3A_1838 = tpu.vector_load %arg12[%get3A_1836, %get3A_1837] {strides = array<i32>} : memref<69x16xi32, #tpu.memory_space<vmem>>, vector<16xi32>,
      %gather3A_1839 = tpu.vector_load_idx %arg16[%get3A_1834, %get3A_1838] : memref<936x16xf32, #tpu.memory_space<vmem>>[vector<16xi32>, vector<16xi32>], vector<16xf32>,
      %get3A_1840 = arith.constant 68 : i32
      %get3A_1841 = arith.index_cast %get3A_1840 : i32 to index
      %get3A_1842 = arith.constant 0 : index
      %get3A_1843 = tpu.vector_load %arg13[%get3A_1841, %get3A_1842] {strides = array<i32>} : memref<69x16xi32, #tpu.memory_space<vmem>>, vector<16xi32>,
      %get3A_1844 = arith.constant 68 : i32
      %get3A_1845 = arith.index_cast %get3A_1844 : i32 to index
      %get3A_1846 = arith.constant 0 : index
      %get3A_1847 = tpu.vector_load %arg14[%get3A_1845, %get3A_1846] {strides = array<i32>} : memref<69x16xi32, #tpu.memory_space<vmem>>, vector<16xi32>,
      %get3A_1848 = arith.constant 68 : i32
      %get3A_1849 = arith.index_cast %get3A_1848 : i32 to index
      %get3A_1850 = arith.constant 0 : index
      %get3A_1851 = tpu.vector_load %arg15[%get3A_1849, %get3A_1850] {strides = array<i32>} : memref<69x16xi32, #tpu.memory_space<vmem>>, vector<16xi32>,
      %add3A_1852 = vector.broadcast %mul3A_268 : i32 to vector<16xi32>
      %add3A_1853 = arith.addi %get3A_1851, %add3A_1852 : vector<16xi32>
      tpu.vector_store_idx %arg18[%get3A_1843, %get3A_1847, %add3A_1853], %gather3A_1839 : memref<3x46x128xf32, #tpu.memory_space<vmem>>[vector<16xi32>, vector<16xi32>, vector<16xi32>], vector<16xf32>,
      %lt3A = arith.constant 7 : i32
      %lt3A_1854 = arith.cmpi slt, %scan3A_183, %lt3A : i32
      %convert_element_type3A = arith.extui %lt3A_1854 : i1 to i32
      %cond3A = arith.constant 0 : i32
      %cond3A_1855 = arith.cmpi ne, %convert_element_type3A, %cond3A : i32
      scf.if %cond3A_1855 {
        %add3A_3530 = arith.constant 2 : i32
        %add3A_3531 = arith.addi %mul3A_185, %add3A_3530 : i32
        %dma_start3A_3532 = arith.constant 0 : i32
        %dma_start3A_3533 = arith.constant 0 : i32
        %dma_start3A_3534 = arith.constant 0 : i32
        %dma_start3A_3535 = tpu.memref_slice %arg16[%dma_start3A_3533, %dma_start3A_3534] : memref<936x16xf32, #tpu.memory_space<vmem>> -> memref<117x16xf32, #tpu.memory_space<vmem>>
        %dma_start3A_3536 = arith.constant 0 : i32
        %dma_start3A_3537 = tpu.memref_slice %arg10[%add3A_3531, %dma_start3A_3532, %dma_start3A_3536] : memref<16x8x117xi32, #tpu.memory_space<vmem>> -> memref<1x1x117xi32, #tpu.memory_space<vmem>>
        %dma_start3A_3538 = tpu.memref_squeeze %dma_start3A_3537 : memref<1x1x117xi32, #tpu.memory_space<vmem>> -> memref<117xi32, #tpu.memory_space<vmem>>
        %dma_start3A_3539 = arith.constant 0 : i32
        %dma_start3A_3540 = arith.constant 0 : i32
        %dma_start3A_3541 = tpu.memref_slice %arg2[%dma_start3A_3539, %dma_start3A_3540] : memref<6193152x16xf32, #tpu.memory_space<hbm>> -> memref<6193152x16xf32, #tpu.memory_space<hbm>>
        tpu.enqueue_indirect_dma source(%dma_start3A_3541 : memref<6193152x16xf32, #tpu.memory_space<hbm>>) target(%dma_start3A_3535 : memref<117x16xf32, #tpu.memory_space<vmem>>) offsets(%dma_start3A_3538 : memref<117xi32, #tpu.memory_space<vmem>>) semaphore(%arg19 : memref<!tpu.dma_semaphore, #tpu.memory_space<semaphore_mem>>)
        %dma_start3A_3542 = arith.constant 1 : i32
        %dma_start3A_3543 = arith.constant 117 : i32
        %dma_start3A_3544 = arith.constant 0 : i32
        %dma_start3A_3545 = tpu.memref_slice %arg16[%dma_start3A_3543, %dma_start3A_3544] : memref<936x16xf32, #tpu.memory_space<vmem>> -> memref<117x16xf32, #tpu.memory_space<vmem>>
        %dma_start3A_3546 = arith.constant 0 : i32
        %dma_start3A_3547 = tpu.memref_slice %arg10[%add3A_3531, %dma_start3A_3542, %dma_start3A_3546] : memref<16x8x117xi32, #tpu.memory_space<vmem>> -> memref<1x1x117xi32, #tpu.memory_space<vmem>>
        %dma_start3A_3548 = tpu.memref_squeeze %dma_start3A_3547 : memref<1x1x117xi32, #tpu.memory_space<vmem>> -> memref<117xi32, #tpu.memory_space<vmem>>
        %dma_start3A_3549 = arith.constant 0 : i32
        %dma_start3A_3550 = arith.constant 0 : i32
        %dma_start3A_3551 = tpu.memref_slice %arg2[%dma_start3A_3549, %dma_start3A_3550] : memref<6193152x16xf32, #tpu.memory_space<hbm>> -> memref<6193152x16xf32, #tpu.memory_space<hbm>>
        tpu.enqueue_indirect_dma source(%dma_start3A_3551 : memref<6193152x16xf32, #tpu.memory_space<hbm>>) target(%dma_start3A_3545 : memref<117x16xf32, #tpu.memory_space<vmem>>) offsets(%dma_start3A_3548 : memref<117xi32, #tpu.memory_space<vmem>>) semaphore(%arg19 : memref<!tpu.dma_semaphore, #tpu.memory_space<semaphore_mem>>)
        %dma_start3A_3552 = arith.constant 2 : i32
        %dma_start3A_3553 = arith.constant 234 : i32
        %dma_start3A_3554 = arith.constant 0 : i32
        %dma_start3A_3555 = tpu.memref_slice %arg16[%dma_start3A_3553, %dma_start3A_3554] : memref<936x16xf32, #tpu.memory_space<vmem>> -> memref<117x16xf32, #tpu.memory_space<vmem>>
        %dma_start3A_3556 = arith.constant 0 : i32
        %dma_start3A_3557 = tpu.memref_slice %arg10[%add3A_3531, %dma_start3A_3552, %dma_start3A_3556] : memref<16x8x117xi32, #tpu.memory_space<vmem>> -> memref<1x1x117xi32, #tpu.memory_space<vmem>>
        %dma_start3A_3558 = tpu.memref_squeeze %dma_start3A_3557 : memref<1x1x117xi32, #tpu.memory_space<vmem>> -> memref<117xi32, #tpu.memory_space<vmem>>
        %dma_start3A_3559 = arith.constant 0 : i32
        %dma_start3A_3560 = arith.constant 0 : i32
        %dma_start3A_3561 = tpu.memref_slice %arg2[%dma_start3A_3559, %dma_start3A_3560] : memref<6193152x16xf32, #tpu.memory_space<hbm>> -> memref<6193152x16xf32, #tpu.memory_space<hbm>>
        tpu.enqueue_indirect_dma source(%dma_start3A_3561 : memref<6193152x16xf32, #tpu.memory_space<hbm>>) target(%dma_start3A_3555 : memref<117x16xf32, #tpu.memory_space<vmem>>) offsets(%dma_start3A_3558 : memref<117xi32, #tpu.memory_space<vmem>>) semaphore(%arg19 : memref<!tpu.dma_semaphore, #tpu.memory_space<semaphore_mem>>)
        %dma_start3A_3562 = arith.constant 3 : i32
        %dma_start3A_3563 = arith.constant 351 : i32
        %dma_start3A_3564 = arith.constant 0 : i32
        %dma_start3A_3565 = tpu.memref_slice %arg16[%dma_start3A_3563, %dma_start3A_3564] : memref<936x16xf32, #tpu.memory_space<vmem>> -> memref<117x16xf32, #tpu.memory_space<vmem>>
        %dma_start3A_3566 = arith.constant 0 : i32
        %dma_start3A_3567 = tpu.memref_slice %arg10[%add3A_3531, %dma_start3A_3562, %dma_start3A_3566] : memref<16x8x117xi32, #tpu.memory_space<vmem>> -> memref<1x1x117xi32, #tpu.memory_space<vmem>>
        %dma_start3A_3568 = tpu.memref_squeeze %dma_start3A_3567 : memref<1x1x117xi32, #tpu.memory_space<vmem>> -> memref<117xi32, #tpu.memory_space<vmem>>
        %dma_start3A_3569 = arith.constant 0 : i32
        %dma_start3A_3570 = arith.constant 0 : i32
        %dma_start3A_3571 = tpu.memref_slice %arg2[%dma_start3A_3569, %dma_start3A_3570] : memref<6193152x16xf32, #tpu.memory_space<hbm>> -> memref<6193152x16xf32, #tpu.memory_space<hbm>>
        tpu.enqueue_indirect_dma source(%dma_start3A_3571 : memref<6193152x16xf32, #tpu.memory_space<hbm>>) target(%dma_start3A_3565 : memref<117x16xf32, #tpu.memory_space<vmem>>) offsets(%dma_start3A_3568 : memref<117xi32, #tpu.memory_space<vmem>>) semaphore(%arg19 : memref<!tpu.dma_semaphore, #tpu.memory_space<semaphore_mem>>)
        %dma_start3A_3572 = arith.constant 4 : i32
        %dma_start3A_3573 = arith.constant 468 : i32
        %dma_start3A_3574 = arith.constant 0 : i32
        %dma_start3A_3575 = tpu.memref_slice %arg16[%dma_start3A_3573, %dma_start3A_3574] : memref<936x16xf32, #tpu.memory_space<vmem>> -> memref<117x16xf32, #tpu.memory_space<vmem>>
        %dma_start3A_3576 = arith.constant 0 : i32
        %dma_start3A_3577 = tpu.memref_slice %arg10[%add3A_3531, %dma_start3A_3572, %dma_start3A_3576] : memref<16x8x117xi32, #tpu.memory_space<vmem>> -> memref<1x1x117xi32, #tpu.memory_space<vmem>>
        %dma_start3A_3578 = tpu.memref_squeeze %dma_start3A_3577 : memref<1x1x117xi32, #tpu.memory_space<vmem>> -> memref<117xi32, #tpu.memory_space<vmem>>
        %dma_start3A_3579 = arith.constant 0 : i32
        %dma_start3A_3580 = arith.constant 0 : i32
        %dma_start3A_3581 = tpu.memref_slice %arg2[%dma_start3A_3579, %dma_start3A_3580] : memref<6193152x16xf32, #tpu.memory_space<hbm>> -> memref<6193152x16xf32, #tpu.memory_space<hbm>>
        tpu.enqueue_indirect_dma source(%dma_start3A_3581 : memref<6193152x16xf32, #tpu.memory_space<hbm>>) target(%dma_start3A_3575 : memref<117x16xf32, #tpu.memory_space<vmem>>) offsets(%dma_start3A_3578 : memref<117xi32, #tpu.memory_space<vmem>>) semaphore(%arg19 : memref<!tpu.dma_semaphore, #tpu.memory_space<semaphore_mem>>)
        %dma_start3A_3582 = arith.constant 5 : i32
        %dma_start3A_3583 = arith.constant 585 : i32
        %dma_start3A_3584 = arith.constant 0 : i32
        %dma_start3A_3585 = tpu.memref_slice %arg16[%dma_start3A_3583, %dma_start3A_3584] : memref<936x16xf32, #tpu.memory_space<vmem>> -> memref<117x16xf32, #tpu.memory_space<vmem>>
        %dma_start3A_3586 = arith.constant 0 : i32
        %dma_start3A_3587 = tpu.memref_slice %arg10[%add3A_3531, %dma_start3A_3582, %dma_start3A_3586] : memref<16x8x117xi32, #tpu.memory_space<vmem>> -> memref<1x1x117xi32, #tpu.memory_space<vmem>>
        %dma_start3A_3588 = tpu.memref_squeeze %dma_start3A_3587 : memref<1x1x117xi32, #tpu.memory_space<vmem>> -> memref<117xi32, #tpu.memory_space<vmem>>
        %dma_start3A_3589 = arith.constant 0 : i32
        %dma_start3A_3590 = arith.constant 0 : i32
        %dma_start3A_3591 = tpu.memref_slice %arg2[%dma_start3A_3589, %dma_start3A_3590] : memref<6193152x16xf32, #tpu.memory_space<hbm>> -> memref<6193152x16xf32, #tpu.memory_space<hbm>>
        tpu.enqueue_indirect_dma source(%dma_start3A_3591 : memref<6193152x16xf32, #tpu.memory_space<hbm>>) target(%dma_start3A_3585 : memref<117x16xf32, #tpu.memory_space<vmem>>) offsets(%dma_start3A_3588 : memref<117xi32, #tpu.memory_space<vmem>>) semaphore(%arg19 : memref<!tpu.dma_semaphore, #tpu.memory_space<semaphore_mem>>)
        %dma_start3A_3592 = arith.constant 6 : i32
        %dma_start3A_3593 = arith.constant 702 : i32
        %dma_start3A_3594 = arith.constant 0 : i32
        %dma_start3A_3595 = tpu.memref_slice %arg16[%dma_start3A_3593, %dma_start3A_3594] : memref<936x16xf32, #tpu.memory_space<vmem>> -> memref<117x16xf32, #tpu.memory_space<vmem>>
        %dma_start3A_3596 = arith.constant 0 : i32
        %dma_start3A_3597 = tpu.memref_slice %arg10[%add3A_3531, %dma_start3A_3592, %dma_start3A_3596] : memref<16x8x117xi32, #tpu.memory_space<vmem>> -> memref<1x1x117xi32, #tpu.memory_space<vmem>>
        %dma_start3A_3598 = tpu.memref_squeeze %dma_start3A_3597 : memref<1x1x117xi32, #tpu.memory_space<vmem>> -> memref<117xi32, #tpu.memory_space<vmem>>
        %dma_start3A_3599 = arith.constant 0 : i32
        %dma_start3A_3600 = arith.constant 0 : i32
        %dma_start3A_3601 = tpu.memref_slice %arg2[%dma_start3A_3599, %dma_start3A_3600] : memref<6193152x16xf32, #tpu.memory_space<hbm>> -> memref<6193152x16xf32, #tpu.memory_space<hbm>>
        tpu.enqueue_indirect_dma source(%dma_start3A_3601 : memref<6193152x16xf32, #tpu.memory_space<hbm>>) target(%dma_start3A_3595 : memref<117x16xf32, #tpu.memory_space<vmem>>) offsets(%dma_start3A_3598 : memref<117xi32, #tpu.memory_space<vmem>>) semaphore(%arg19 : memref<!tpu.dma_semaphore, #tpu.memory_space<semaphore_mem>>)
        %dma_start3A_3602 = arith.constant 7 : i32
        %dma_start3A_3603 = arith.constant 819 : i32
        %dma_start3A_3604 = arith.constant 0 : i32
        %dma_start3A_3605 = tpu.memref_slice %arg16[%dma_start3A_3603, %dma_start3A_3604] : memref<936x16xf32, #tpu.memory_space<vmem>> -> memref<117x16xf32, #tpu.memory_space<vmem>>
        %dma_start3A_3606 = arith.constant 0 : i32
        %dma_start3A_3607 = tpu.memref_slice %arg10[%add3A_3531, %dma_start3A_3602, %dma_start3A_3606] : memref<16x8x117xi32, #tpu.memory_space<vmem>> -> memref<1x1x117xi32, #tpu.memory_space<vmem>>
        %dma_start3A_3608 = tpu.memref_squeeze %dma_start3A_3607 : memref<1x1x117xi32, #tpu.memory_space<vmem>> -> memref<117xi32, #tpu.memory_space<vmem>>
        %dma_start3A_3609 = arith.constant 0 : i32
        %dma_start3A_3610 = arith.constant 0 : i32
        %dma_start3A_3611 = tpu.memref_slice %arg2[%dma_start3A_3609, %dma_start3A_3610] : memref<6193152x16xf32, #tpu.memory_space<hbm>> -> memref<6193152x16xf32, #tpu.memory_space<hbm>>
        tpu.enqueue_indirect_dma source(%dma_start3A_3611 : memref<6193152x16xf32, #tpu.memory_space<hbm>>) target(%dma_start3A_3605 : memref<117x16xf32, #tpu.memory_space<vmem>>) offsets(%dma_start3A_3608 : memref<117xi32, #tpu.memory_space<vmem>>) semaphore(%arg19 : memref<!tpu.dma_semaphore, #tpu.memory_space<semaphore_mem>>)
      } else {
      }
      %dma_wait3A_1856 = arith.constant 0 : i32
      %dma_wait3A_1857 = arith.constant 0 : i32
      %dma_wait3A_1858 = arith.constant 0 : i32
      %dma_wait3A_1859 = tpu.memref_slice %arg17[%dma_wait3A_1857, %dma_wait3A_1858] : memref<936x16xf32, #tpu.memory_space<vmem>> -> memref<117x16xf32, #tpu.memory_space<vmem>>
      %dma_wait3A_1860 = arith.constant 0 : i32
      %dma_wait3A_1861 = tpu.memref_slice %arg10[%add3A_187, %dma_wait3A_1856, %dma_wait3A_1860] : memref<16x8x117xi32, #tpu.memory_space<vmem>> -> memref<1x1x117xi32, #tpu.memory_space<vmem>>
      %dma_wait3A_1862 = tpu.memref_squeeze %dma_wait3A_1861 : memref<1x1x117xi32, #tpu.memory_space<vmem>> -> memref<117xi32, #tpu.memory_space<vmem>>
      %dma_wait3A_1863 = arith.constant 0 : i32
      %dma_wait3A_1864 = arith.constant 0 : i32
      %dma_wait3A_1865 = tpu.memref_slice %arg2[%dma_wait3A_1863, %dma_wait3A_1864] : memref<6193152x16xf32, #tpu.memory_space<hbm>> -> memref<6193152x16xf32, #tpu.memory_space<hbm>>
      tpu.wait_indirect_dma semaphore(%arg20 : memref<!tpu.dma_semaphore, #tpu.memory_space<semaphore_mem>>) src(%dma_wait3A_1865 : memref<6193152x16xf32, #tpu.memory_space<hbm>>) dst(%dma_wait3A_1859 : memref<117x16xf32, #tpu.memory_space<vmem>>)
      %dma_wait3A_1866 = arith.constant 1 : i32
      %dma_wait3A_1867 = arith.constant 117 : i32
      %dma_wait3A_1868 = arith.constant 0 : i32
      %dma_wait3A_1869 = tpu.memref_slice %arg17[%dma_wait3A_1867, %dma_wait3A_1868] : memref<936x16xf32, #tpu.memory_space<vmem>> -> memref<117x16xf32, #tpu.memory_space<vmem>>
      %dma_wait3A_1870 = arith.constant 0 : i32
      %dma_wait3A_1871 = tpu.memref_slice %arg10[%add3A_187, %dma_wait3A_1866, %dma_wait3A_1870] : memref<16x8x117xi32, #tpu.memory_space<vmem>> -> memref<1x1x117xi32, #tpu.memory_space<vmem>>
      %dma_wait3A_1872 = tpu.memref_squeeze %dma_wait3A_1871 : memref<1x1x117xi32, #tpu.memory_space<vmem>> -> memref<117xi32, #tpu.memory_space<vmem>>
      %dma_wait3A_1873 = arith.constant 0 : i32
      %dma_wait3A_1874 = arith.constant 0 : i32
      %dma_wait3A_1875 = tpu.memref_slice %arg2[%dma_wait3A_1873, %dma_wait3A_1874] : memref<6193152x16xf32, #tpu.memory_space<hbm>> -> memref<6193152x16xf32, #tpu.memory_space<hbm>>
      tpu.wait_indirect_dma semaphore(%arg20 : memref<!tpu.dma_semaphore, #tpu.memory_space<semaphore_mem>>) src(%dma_wait3A_1875 : memref<6193152x16xf32, #tpu.memory_space<hbm>>) dst(%dma_wait3A_1869 : memref<117x16xf32, #tpu.memory_space<vmem>>)
      %dma_wait3A_1876 = arith.constant 2 : i32
      %dma_wait3A_1877 = arith.constant 234 : i32
      %dma_wait3A_1878 = arith.constant 0 : i32
      %dma_wait3A_1879 = tpu.memref_slice %arg17[%dma_wait3A_1877, %dma_wait3A_1878] : memref<936x16xf32, #tpu.memory_space<vmem>> -> memref<117x16xf32, #tpu.memory_space<vmem>>
      %dma_wait3A_1880 = arith.constant 0 : i32
      %dma_wait3A_1881 = tpu.memref_slice %arg10[%add3A_187, %dma_wait3A_1876, %dma_wait3A_1880] : memref<16x8x117xi32, #tpu.memory_space<vmem>> -> memref<1x1x117xi32, #tpu.memory_space<vmem>>
      %dma_wait3A_1882 = tpu.memref_squeeze %dma_wait3A_1881 : memref<1x1x117xi32, #tpu.memory_space<vmem>> -> memref<117xi32, #tpu.memory_space<vmem>>
      %dma_wait3A_1883 = arith.constant 0 : i32
      %dma_wait3A_1884 = arith.constant 0 : i32
      %dma_wait3A_1885 = tpu.memref_slice %arg2[%dma_wait3A_1883, %dma_wait3A_1884] : memref<6193152x16xf32, #tpu.memory_space<hbm>> -> memref<6193152x16xf32, #tpu.memory_space<hbm>>
      tpu.wait_indirect_dma semaphore(%arg20 : memref<!tpu.dma_semaphore, #tpu.memory_space<semaphore_mem>>) src(%dma_wait3A_1885 : memref<6193152x16xf32, #tpu.memory_space<hbm>>) dst(%dma_wait3A_1879 : memref<117x16xf32, #tpu.memory_space<vmem>>)
      %dma_wait3A_1886 = arith.constant 3 : i32
      %dma_wait3A_1887 = arith.constant 351 : i32
      %dma_wait3A_1888 = arith.constant 0 : i32
      %dma_wait3A_1889 = tpu.memref_slice %arg17[%dma_wait3A_1887, %dma_wait3A_1888] : memref<936x16xf32, #tpu.memory_space<vmem>> -> memref<117x16xf32, #tpu.memory_space<vmem>>
      %dma_wait3A_1890 = arith.constant 0 : i32
      %dma_wait3A_1891 = tpu.memref_slice %arg10[%add3A_187, %dma_wait3A_1886, %dma_wait3A_1890] : memref<16x8x117xi32, #tpu.memory_space<vmem>> -> memref<1x1x117xi32, #tpu.memory_space<vmem>>
      %dma_wait3A_1892 = tpu.memref_squeeze %dma_wait3A_1891 : memref<1x1x117xi32, #tpu.memory_space<vmem>> -> memref<117xi32, #tpu.memory_space<vmem>>
      %dma_wait3A_1893 = arith.constant 0 : i32
      %dma_wait3A_1894 = arith.constant 0 : i32
      %dma_wait3A_1895 = tpu.memref_slice %arg2[%dma_wait3A_1893, %dma_wait3A_1894] : memref<6193152x16xf32, #tpu.memory_space<hbm>> -> memref<6193152x16xf32, #tpu.memory_space<hbm>>
      tpu.wait_indirect_dma semaphore(%arg20 : memref<!tpu.dma_semaphore, #tpu.memory_space<semaphore_mem>>) src(%dma_wait3A_1895 : memref<6193152x16xf32, #tpu.memory_space<hbm>>) dst(%dma_wait3A_1889 : memref<117x16xf32, #tpu.memory_space<vmem>>)
      %dma_wait3A_1896 = arith.constant 4 : i32
      %dma_wait3A_1897 = arith.constant 468 : i32
      %dma_wait3A_1898 = arith.constant 0 : i32
      %dma_wait3A_1899 = tpu.memref_slice %arg17[%dma_wait3A_1897, %dma_wait3A_1898] : memref<936x16xf32, #tpu.memory_space<vmem>> -> memref<117x16xf32, #tpu.memory_space<vmem>>
      %dma_wait3A_1900 = arith.constant 0 : i32
      %dma_wait3A_1901 = tpu.memref_slice %arg10[%add3A_187, %dma_wait3A_1896, %dma_wait3A_1900] : memref<16x8x117xi32, #tpu.memory_space<vmem>> -> memref<1x1x117xi32, #tpu.memory_space<vmem>>
      %dma_wait3A_1902 = tpu.memref_squeeze %dma_wait3A_1901 : memref<1x1x117xi32, #tpu.memory_space<vmem>> -> memref<117xi32, #tpu.memory_space<vmem>>
      %dma_wait3A_1903 = arith.constant 0 : i32
      %dma_wait3A_1904 = arith.constant 0 : i32
      %dma_wait3A_1905 = tpu.memref_slice %arg2[%dma_wait3A_1903, %dma_wait3A_1904] : memref<6193152x16xf32, #tpu.memory_space<hbm>> -> memref<6193152x16xf32, #tpu.memory_space<hbm>>
      tpu.wait_indirect_dma semaphore(%arg20 : memref<!tpu.dma_semaphore, #tpu.memory_space<semaphore_mem>>) src(%dma_wait3A_1905 : memref<6193152x16xf32, #tpu.memory_space<hbm>>) dst(%dma_wait3A_1899 : memref<117x16xf32, #tpu.memory_space<vmem>>)
      %dma_wait3A_1906 = arith.constant 5 : i32
      %dma_wait3A_1907 = arith.constant 585 : i32
      %dma_wait3A_1908 = arith.constant 0 : i32
      %dma_wait3A_1909 = tpu.memref_slice %arg17[%dma_wait3A_1907, %dma_wait3A_1908] : memref<936x16xf32, #tpu.memory_space<vmem>> -> memref<117x16xf32, #tpu.memory_space<vmem>>
      %dma_wait3A_1910 = arith.constant 0 : i32
      %dma_wait3A_1911 = tpu.memref_slice %arg10[%add3A_187, %dma_wait3A_1906, %dma_wait3A_1910] : memref<16x8x117xi32, #tpu.memory_space<vmem>> -> memref<1x1x117xi32, #tpu.memory_space<vmem>>
      %dma_wait3A_1912 = tpu.memref_squeeze %dma_wait3A_1911 : memref<1x1x117xi32, #tpu.memory_space<vmem>> -> memref<117xi32, #tpu.memory_space<vmem>>
      %dma_wait3A_1913 = arith.constant 0 : i32
      %dma_wait3A_1914 = arith.constant 0 : i32
      %dma_wait3A_1915 = tpu.memref_slice %arg2[%dma_wait3A_1913, %dma_wait3A_1914] : memref<6193152x16xf32, #tpu.memory_space<hbm>> -> memref<6193152x16xf32, #tpu.memory_space<hbm>>
      tpu.wait_indirect_dma semaphore(%arg20 : memref<!tpu.dma_semaphore, #tpu.memory_space<semaphore_mem>>) src(%dma_wait3A_1915 : memref<6193152x16xf32, #tpu.memory_space<hbm>>) dst(%dma_wait3A_1909 : memref<117x16xf32, #tpu.memory_space<vmem>>)
      %dma_wait3A_1916 = arith.constant 6 : i32
      %dma_wait3A_1917 = arith.constant 702 : i32
      %dma_wait3A_1918 = arith.constant 0 : i32
      %dma_wait3A_1919 = tpu.memref_slice %arg17[%dma_wait3A_1917, %dma_wait3A_1918] : memref<936x16xf32, #tpu.memory_space<vmem>> -> memref<117x16xf32, #tpu.memory_space<vmem>>
      %dma_wait3A_1920 = arith.constant 0 : i32
      %dma_wait3A_1921 = tpu.memref_slice %arg10[%add3A_187, %dma_wait3A_1916, %dma_wait3A_1920] : memref<16x8x117xi32, #tpu.memory_space<vmem>> -> memref<1x1x117xi32, #tpu.memory_space<vmem>>
      %dma_wait3A_1922 = tpu.memref_squeeze %dma_wait3A_1921 : memref<1x1x117xi32, #tpu.memory_space<vmem>> -> memref<117xi32, #tpu.memory_space<vmem>>
      %dma_wait3A_1923 = arith.constant 0 : i32
      %dma_wait3A_1924 = arith.constant 0 : i32
      %dma_wait3A_1925 = tpu.memref_slice %arg2[%dma_wait3A_1923, %dma_wait3A_1924] : memref<6193152x16xf32, #tpu.memory_space<hbm>> -> memref<6193152x16xf32, #tpu.memory_space<hbm>>
      tpu.wait_indirect_dma semaphore(%arg20 : memref<!tpu.dma_semaphore, #tpu.memory_space<semaphore_mem>>) src(%dma_wait3A_1925 : memref<6193152x16xf32, #tpu.memory_space<hbm>>) dst(%dma_wait3A_1919 : memref<117x16xf32, #tpu.memory_space<vmem>>)
      %dma_wait3A_1926 = arith.constant 7 : i32
      %dma_wait3A_1927 = arith.constant 819 : i32
      %dma_wait3A_1928 = arith.constant 0 : i32
      %dma_wait3A_1929 = tpu.memref_slice %arg17[%dma_wait3A_1927, %dma_wait3A_1928] : memref<936x16xf32, #tpu.memory_space<vmem>> -> memref<117x16xf32, #tpu.memory_space<vmem>>
      %dma_wait3A_1930 = arith.constant 0 : i32
      %dma_wait3A_1931 = tpu.memref_slice %arg10[%add3A_187, %dma_wait3A_1926, %dma_wait3A_1930] : memref<16x8x117xi32, #tpu.memory_space<vmem>> -> memref<1x1x117xi32, #tpu.memory_space<vmem>>
      %dma_wait3A_1932 = tpu.memref_squeeze %dma_wait3A_1931 : memref<1x1x117xi32, #tpu.memory_space<vmem>> -> memref<117xi32, #tpu.memory_space<vmem>>
      %dma_wait3A_1933 = arith.constant 0 : i32
      %dma_wait3A_1934 = arith.constant 0 : i32
      %dma_wait3A_1935 = tpu.memref_slice %arg2[%dma_wait3A_1933, %dma_wait3A_1934] : memref<6193152x16xf32, #tpu.memory_space<hbm>> -> memref<6193152x16xf32, #tpu.memory_space<hbm>>
      tpu.wait_indirect_dma semaphore(%arg20 : memref<!tpu.dma_semaphore, #tpu.memory_space<semaphore_mem>>) src(%dma_wait3A_1935 : memref<6193152x16xf32, #tpu.memory_space<hbm>>) dst(%dma_wait3A_1929 : memref<117x16xf32, #tpu.memory_space<vmem>>)
      %mul3A_1936 = arith.constant 8 : i32
      %mul3A_1937 = arith.muli %add3A_187, %mul3A_1936 : i32
      %get3A_1938 = arith.constant 0 : i32
      %get3A_1939 = arith.index_cast %get3A_1938 : i32 to index
      %get3A_1940 = arith.constant 0 : index
      %get3A_1941 = tpu.vector_load %arg11[%get3A_1939, %get3A_1940] {strides = array<i32>} : memref<69x16xi32, #tpu.memory_space<vmem>>, vector<16xi32>,
      %get3A_1942 = arith.constant 0 : i32
      %get3A_1943 = arith.index_cast %get3A_1942 : i32 to index
      %get3A_1944 = arith.constant 0 : index
      %get3A_1945 = tpu.vector_load %arg12[%get3A_1943, %get3A_1944] {strides = array<i32>} : memref<69x16xi32, #tpu.memory_space<vmem>>, vector<16xi32>,
      %gather3A_1946 = tpu.vector_load_idx %arg17[%get3A_1941, %get3A_1945] : memref<936x16xf32, #tpu.memory_space<vmem>>[vector<16xi32>, vector<16xi32>], vector<16xf32>,
      %get3A_1947 = arith.constant 0 : i32
      %get3A_1948 = arith.index_cast %get3A_1947 : i32 to index
      %get3A_1949 = arith.constant 0 : index
      %get3A_1950 = tpu.vector_load %arg13[%get3A_1948, %get3A_1949] {strides = array<i32>} : memref<69x16xi32, #tpu.memory_space<vmem>>, vector<16xi32>,
      %get3A_1951 = arith.constant 0 : i32
      %get3A_1952 = arith.index_cast %get3A_1951 : i32 to index
      %get3A_1953 = arith.constant 0 : index
      %get3A_1954 = tpu.vector_load %arg14[%get3A_1952, %get3A_1953] {strides = array<i32>} : memref<69x16xi32, #tpu.memory_space<vmem>>, vector<16xi32>,
      %get3A_1955 = arith.constant 0 : i32
      %get3A_1956 = arith.index_cast %get3A_1955 : i32 to index
      %get3A_1957 = arith.constant 0 : index
      %get3A_1958 = tpu.vector_load %arg15[%get3A_1956, %get3A_1957] {strides = array<i32>} : memref<69x16xi32, #tpu.memory_space<vmem>>, vector<16xi32>,
      %add3A_1959 = vector.broadcast %mul3A_1937 : i32 to vector<16xi32>
      %add3A_1960 = arith.addi %get3A_1958, %add3A_1959 : vector<16xi32>
      tpu.vector_store_idx %arg18[%get3A_1950, %get3A_1954, %add3A_1960], %gather3A_1946 : memref<3x46x128xf32, #tpu.memory_space<vmem>>[vector<16xi32>, vector<16xi32>, vector<16xi32>], vector<16xf32>,
      %get3A_1961 = arith.constant 1 : i32
      %get3A_1962 = arith.index_cast %get3A_1961 : i32 to index
      %get3A_1963 = arith.constant 0 : index
      %get3A_1964 = tpu.vector_load %arg11[%get3A_1962, %get3A_1963] {strides = array<i32>} : memref<69x16xi32, #tpu.memory_space<vmem>>, vector<16xi32>,
      %get3A_1965 = arith.constant 1 : i32
      %get3A_1966 = arith.index_cast %get3A_1965 : i32 to index
      %get3A_1967 = arith.constant 0 : index
      %get3A_1968 = tpu.vector_load %arg12[%get3A_1966, %get3A_1967] {strides = array<i32>} : memref<69x16xi32, #tpu.memory_space<vmem>>, vector<16xi32>,
      %gather3A_1969 = tpu.vector_load_idx %arg17[%get3A_1964, %get3A_1968] : memref<936x16xf32, #tpu.memory_space<vmem>>[vector<16xi32>, vector<16xi32>], vector<16xf32>,
      %get3A_1970 = arith.constant 1 : i32
      %get3A_1971 = arith.index_cast %get3A_1970 : i32 to index
      %get3A_1972 = arith.constant 0 : index
      %get3A_1973 = tpu.vector_load %arg13[%get3A_1971, %get3A_1972] {strides = array<i32>} : memref<69x16xi32, #tpu.memory_space<vmem>>, vector<16xi32>,
      %get3A_1974 = arith.constant 1 : i32
      %get3A_1975 = arith.index_cast %get3A_1974 : i32 to index
      %get3A_1976 = arith.constant 0 : index
      %get3A_1977 = tpu.vector_load %arg14[%get3A_1975, %get3A_1976] {strides = array<i32>} : memref<69x16xi32, #tpu.memory_space<vmem>>, vector<16xi32>,
      %get3A_1978 = arith.constant 1 : i32
      %get3A_1979 = arith.index_cast %get3A_1978 : i32 to index
      %get3A_1980 = arith.constant 0 : index
      %get3A_1981 = tpu.vector_load %arg15[%get3A_1979, %get3A_1980] {strides = array<i32>} : memref<69x16xi32, #tpu.memory_space<vmem>>, vector<16xi32>,
      %add3A_1982 = vector.broadcast %mul3A_1937 : i32 to vector<16xi32>
      %add3A_1983 = arith.addi %get3A_1981, %add3A_1982 : vector<16xi32>
      tpu.vector_store_idx %arg18[%get3A_1973, %get3A_1977, %add3A_1983], %gather3A_1969 : memref<3x46x128xf32, #tpu.memory_space<vmem>>[vector<16xi32>, vector<16xi32>, vector<16xi32>], vector<16xf32>,
      %get3A_1984 = arith.constant 2 : i32
      %get3A_1985 = arith.index_cast %get3A_1984 : i32 to index
      %get3A_1986 = arith.constant 0 : index
      %get3A_1987 = tpu.vector_load %arg11[%get3A_1985, %get3A_1986] {strides = array<i32>} : memref<69x16xi32, #tpu.memory_space<vmem>>, vector<16xi32>,
      %get3A_1988 = arith.constant 2 : i32
      %get3A_1989 = arith.index_cast %get3A_1988 : i32 to index
      %get3A_1990 = arith.constant 0 : index
      %get3A_1991 = tpu.vector_load %arg12[%get3A_1989, %get3A_1990] {strides = array<i32>} : memref<69x16xi32, #tpu.memory_space<vmem>>, vector<16xi32>,
      %gather3A_1992 = tpu.vector_load_idx %arg17[%get3A_1987, %get3A_1991] : memref<936x16xf32, #tpu.memory_space<vmem>>[vector<16xi32>, vector<16xi32>], vector<16xf32>,
      %get3A_1993 = arith.constant 2 : i32
      %get3A_1994 = arith.index_cast %get3A_1993 : i32 to index
      %get3A_1995 = arith.constant 0 : index
      %get3A_1996 = tpu.vector_load %arg13[%get3A_1994, %get3A_1995] {strides = array<i32>} : memref<69x16xi32, #tpu.memory_space<vmem>>, vector<16xi32>,
      %get3A_1997 = arith.constant 2 : i32
      %get3A_1998 = arith.index_cast %get3A_1997 : i32 to index
      %get3A_1999 = arith.constant 0 : index
      %get3A_2000 = tpu.vector_load %arg14[%get3A_1998, %get3A_1999] {strides = array<i32>} : memref<69x16xi32, #tpu.memory_space<vmem>>, vector<16xi32>,
      %get3A_2001 = arith.constant 2 : i32
      %get3A_2002 = arith.index_cast %get3A_2001 : i32 to index
      %get3A_2003 = arith.constant 0 : index
      %get3A_2004 = tpu.vector_load %arg15[%get3A_2002, %get3A_2003] {strides = array<i32>} : memref<69x16xi32, #tpu.memory_space<vmem>>, vector<16xi32>,
      %add3A_2005 = vector.broadcast %mul3A_1937 : i32 to vector<16xi32>
      %add3A_2006 = arith.addi %get3A_2004, %add3A_2005 : vector<16xi32>
      tpu.vector_store_idx %arg18[%get3A_1996, %get3A_2000, %add3A_2006], %gather3A_1992 : memref<3x46x128xf32, #tpu.memory_space<vmem>>[vector<16xi32>, vector<16xi32>, vector<16xi32>], vector<16xf32>,
      %get3A_2007 = arith.constant 3 : i32
      %get3A_2008 = arith.index_cast %get3A_2007 : i32 to index
      %get3A_2009 = arith.constant 0 : index
      %get3A_2010 = tpu.vector_load %arg11[%get3A_2008, %get3A_2009] {strides = array<i32>} : memref<69x16xi32, #tpu.memory_space<vmem>>, vector<16xi32>,
      %get3A_2011 = arith.constant 3 : i32
      %get3A_2012 = arith.index_cast %get3A_2011 : i32 to index
      %get3A_2013 = arith.constant 0 : index
      %get3A_2014 = tpu.vector_load %arg12[%get3A_2012, %get3A_2013] {strides = array<i32>} : memref<69x16xi32, #tpu.memory_space<vmem>>, vector<16xi32>,
      %gather3A_2015 = tpu.vector_load_idx %arg17[%get3A_2010, %get3A_2014] : memref<936x16xf32, #tpu.memory_space<vmem>>[vector<16xi32>, vector<16xi32>], vector<16xf32>,
      %get3A_2016 = arith.constant 3 : i32
      %get3A_2017 = arith.index_cast %get3A_2016 : i32 to index
      %get3A_2018 = arith.constant 0 : index
      %get3A_2019 = tpu.vector_load %arg13[%get3A_2017, %get3A_2018] {strides = array<i32>} : memref<69x16xi32, #tpu.memory_space<vmem>>, vector<16xi32>,
      %get3A_2020 = arith.constant 3 : i32
      %get3A_2021 = arith.index_cast %get3A_2020 : i32 to index
      %get3A_2022 = arith.constant 0 : index
      %get3A_2023 = tpu.vector_load %arg14[%get3A_2021, %get3A_2022] {strides = array<i32>} : memref<69x16xi32, #tpu.memory_space<vmem>>, vector<16xi32>,
      %get3A_2024 = arith.constant 3 : i32
      %get3A_2025 = arith.index_cast %get3A_2024 : i32 to index
      %get3A_2026 = arith.constant 0 : index
      %get3A_2027 = tpu.vector_load %arg15[%get3A_2025, %get3A_2026] {strides = array<i32>} : memref<69x16xi32, #tpu.memory_space<vmem>>, vector<16xi32>,
      %add3A_2028 = vector.broadcast %mul3A_1937 : i32 to vector<16xi32>
      %add3A_2029 = arith.addi %get3A_2027, %add3A_2028 : vector<16xi32>
      tpu.vector_store_idx %arg18[%get3A_2019, %get3A_2023, %add3A_2029], %gather3A_2015 : memref<3x46x128xf32, #tpu.memory_space<vmem>>[vector<16xi32>, vector<16xi32>, vector<16xi32>], vector<16xf32>,
      %get3A_2030 = arith.constant 4 : i32
      %get3A_2031 = arith.index_cast %get3A_2030 : i32 to index
      %get3A_2032 = arith.constant 0 : index
      %get3A_2033 = tpu.vector_load %arg11[%get3A_2031, %get3A_2032] {strides = array<i32>} : memref<69x16xi32, #tpu.memory_space<vmem>>, vector<16xi32>,
      %get3A_2034 = arith.constant 4 : i32
      %get3A_2035 = arith.index_cast %get3A_2034 : i32 to index
      %get3A_2036 = arith.constant 0 : index
      %get3A_2037 = tpu.vector_load %arg12[%get3A_2035, %get3A_2036] {strides = array<i32>} : memref<69x16xi32, #tpu.memory_space<vmem>>, vector<16xi32>,
      %gather3A_2038 = tpu.vector_load_idx %arg17[%get3A_2033, %get3A_2037] : memref<936x16xf32, #tpu.memory_space<vmem>>[vector<16xi32>, vector<16xi32>], vector<16xf32>,
      %get3A_2039 = arith.constant 4 : i32
      %get3A_2040 = arith.index_cast %get3A_2039 : i32 to index
      %get3A_2041 = arith.constant 0 : index
      %get3A_2042 = tpu.vector_load %arg13[%get3A_2040, %get3A_2041] {strides = array<i32>} : memref<69x16xi32, #tpu.memory_space<vmem>>, vector<16xi32>,
      %get3A_2043 = arith.constant 4 : i32
      %get3A_2044 = arith.index_cast %get3A_2043 : i32 to index
      %get3A_2045 = arith.constant 0 : index
      %get3A_2046 = tpu.vector_load %arg14[%get3A_2044, %get3A_2045] {strides = array<i32>} : memref<69x16xi32, #tpu.memory_space<vmem>>, vector<16xi32>,
      %get3A_2047 = arith.constant 4 : i32
      %get3A_2048 = arith.index_cast %get3A_2047 : i32 to index
      %get3A_2049 = arith.constant 0 : index
      %get3A_2050 = tpu.vector_load %arg15[%get3A_2048, %get3A_2049] {strides = array<i32>} : memref<69x16xi32, #tpu.memory_space<vmem>>, vector<16xi32>,
      %add3A_2051 = vector.broadcast %mul3A_1937 : i32 to vector<16xi32>
      %add3A_2052 = arith.addi %get3A_2050, %add3A_2051 : vector<16xi32>
      tpu.vector_store_idx %arg18[%get3A_2042, %get3A_2046, %add3A_2052], %gather3A_2038 : memref<3x46x128xf32, #tpu.memory_space<vmem>>[vector<16xi32>, vector<16xi32>, vector<16xi32>], vector<16xf32>,
      %get3A_2053 = arith.constant 5 : i32
      %get3A_2054 = arith.index_cast %get3A_2053 : i32 to index
      %get3A_2055 = arith.constant 0 : index
      %get3A_2056 = tpu.vector_load %arg11[%get3A_2054, %get3A_2055] {strides = array<i32>} : memref<69x16xi32, #tpu.memory_space<vmem>>, vector<16xi32>,
      %get3A_2057 = arith.constant 5 : i32
      %get3A_2058 = arith.index_cast %get3A_2057 : i32 to index
      %get3A_2059 = arith.constant 0 : index
      %get3A_2060 = tpu.vector_load %arg12[%get3A_2058, %get3A_2059] {strides = array<i32>} : memref<69x16xi32, #tpu.memory_space<vmem>>, vector<16xi32>,
      %gather3A_2061 = tpu.vector_load_idx %arg17[%get3A_2056, %get3A_2060] : memref<936x16xf32, #tpu.memory_space<vmem>>[vector<16xi32>, vector<16xi32>], vector<16xf32>,
      %get3A_2062 = arith.constant 5 : i32
      %get3A_2063 = arith.index_cast %get3A_2062 : i32 to index
      %get3A_2064 = arith.constant 0 : index
      %get3A_2065 = tpu.vector_load %arg13[%get3A_2063, %get3A_2064] {strides = array<i32>} : memref<69x16xi32, #tpu.memory_space<vmem>>, vector<16xi32>,
      %get3A_2066 = arith.constant 5 : i32
      %get3A_2067 = arith.index_cast %get3A_2066 : i32 to index
      %get3A_2068 = arith.constant 0 : index
      %get3A_2069 = tpu.vector_load %arg14[%get3A_2067, %get3A_2068] {strides = array<i32>} : memref<69x16xi32, #tpu.memory_space<vmem>>, vector<16xi32>,
      %get3A_2070 = arith.constant 5 : i32
      %get3A_2071 = arith.index_cast %get3A_2070 : i32 to index
      %get3A_2072 = arith.constant 0 : index
      %get3A_2073 = tpu.vector_load %arg15[%get3A_2071, %get3A_2072] {strides = array<i32>} : memref<69x16xi32, #tpu.memory_space<vmem>>, vector<16xi32>,
      %add3A_2074 = vector.broadcast %mul3A_1937 : i32 to vector<16xi32>
      %add3A_2075 = arith.addi %get3A_2073, %add3A_2074 : vector<16xi32>
      tpu.vector_store_idx %arg18[%get3A_2065, %get3A_2069, %add3A_2075], %gather3A_2061 : memref<3x46x128xf32, #tpu.memory_space<vmem>>[vector<16xi32>, vector<16xi32>, vector<16xi32>], vector<16xf32>,
      %get3A_2076 = arith.constant 6 : i32
      %get3A_2077 = arith.index_cast %get3A_2076 : i32 to index
      %get3A_2078 = arith.constant 0 : index
      %get3A_2079 = tpu.vector_load %arg11[%get3A_2077, %get3A_2078] {strides = array<i32>} : memref<69x16xi32, #tpu.memory_space<vmem>>, vector<16xi32>,
      %get3A_2080 = arith.constant 6 : i32
      %get3A_2081 = arith.index_cast %get3A_2080 : i32 to index
      %get3A_2082 = arith.constant 0 : index
      %get3A_2083 = tpu.vector_load %arg12[%get3A_2081, %get3A_2082] {strides = array<i32>} : memref<69x16xi32, #tpu.memory_space<vmem>>, vector<16xi32>,
      %gather3A_2084 = tpu.vector_load_idx %arg17[%get3A_2079, %get3A_2083] : memref<936x16xf32, #tpu.memory_space<vmem>>[vector<16xi32>, vector<16xi32>], vector<16xf32>,
      %get3A_2085 = arith.constant 6 : i32
      %get3A_2086 = arith.index_cast %get3A_2085 : i32 to index
      %get3A_2087 = arith.constant 0 : index
      %get3A_2088 = tpu.vector_load %arg13[%get3A_2086, %get3A_2087] {strides = array<i32>} : memref<69x16xi32, #tpu.memory_space<vmem>>, vector<16xi32>,
      %get3A_2089 = arith.constant 6 : i32
      %get3A_2090 = arith.index_cast %get3A_2089 : i32 to index
      %get3A_2091 = arith.constant 0 : index
      %get3A_2092 = tpu.vector_load %arg14[%get3A_2090, %get3A_2091] {strides = array<i32>} : memref<69x16xi32, #tpu.memory_space<vmem>>, vector<16xi32>,
      %get3A_2093 = arith.constant 6 : i32
      %get3A_2094 = arith.index_cast %get3A_2093 : i32 to index
      %get3A_2095 = arith.constant 0 : index
      %get3A_2096 = tpu.vector_load %arg15[%get3A_2094, %get3A_2095] {strides = array<i32>} : memref<69x16xi32, #tpu.memory_space<vmem>>, vector<16xi32>,
      %add3A_2097 = vector.broadcast %mul3A_1937 : i32 to vector<16xi32>
      %add3A_2098 = arith.addi %get3A_2096, %add3A_2097 : vector<16xi32>
      tpu.vector_store_idx %arg18[%get3A_2088, %get3A_2092, %add3A_2098], %gather3A_2084 : memref<3x46x128xf32, #tpu.memory_space<vmem>>[vector<16xi32>, vector<16xi32>, vector<16xi32>], vector<16xf32>,
      %get3A_2099 = arith.constant 7 : i32
      %get3A_2100 = arith.index_cast %get3A_2099 : i32 to index
      %get3A_2101 = arith.constant 0 : index
      %get3A_2102 = tpu.vector_load %arg11[%get3A_2100, %get3A_2101] {strides = array<i32>} : memref<69x16xi32, #tpu.memory_space<vmem>>, vector<16xi32>,
      %get3A_2103 = arith.constant 7 : i32
      %get3A_2104 = arith.index_cast %get3A_2103 : i32 to index
      %get3A_2105 = arith.constant 0 : index
      %get3A_2106 = tpu.vector_load %arg12[%get3A_2104, %get3A_2105] {strides = array<i32>} : memref<69x16xi32, #tpu.memory_space<vmem>>, vector<16xi32>,
      %gather3A_2107 = tpu.vector_load_idx %arg17[%get3A_2102, %get3A_2106] : memref<936x16xf32, #tpu.memory_space<vmem>>[vector<16xi32>, vector<16xi32>], vector<16xf32>,
      %get3A_2108 = arith.constant 7 : i32
      %get3A_2109 = arith.index_cast %get3A_2108 : i32 to index
      %get3A_2110 = arith.constant 0 : index
      %get3A_2111 = tpu.vector_load %arg13[%get3A_2109, %get3A_2110] {strides = array<i32>} : memref<69x16xi32, #tpu.memory_space<vmem>>, vector<16xi32>,
      %get3A_2112 = arith.constant 7 : i32
      %get3A_2113 = arith.index_cast %get3A_2112 : i32 to index
      %get3A_2114 = arith.constant 0 : index
      %get3A_2115 = tpu.vector_load %arg14[%get3A_2113, %get3A_2114] {strides = array<i32>} : memref<69x16xi32, #tpu.memory_space<vmem>>, vector<16xi32>,
      %get3A_2116 = arith.constant 7 : i32
      %get3A_2117 = arith.index_cast %get3A_2116 : i32 to index
      %get3A_2118 = arith.constant 0 : index
      %get3A_2119 = tpu.vector_load %arg15[%get3A_2117, %get3A_2118] {strides = array<i32>} : memref<69x16xi32, #tpu.memory_space<vmem>>, vector<16xi32>,
      %add3A_2120 = vector.broadcast %mul3A_1937 : i32 to vector<16xi32>
      %add3A_2121 = arith.addi %get3A_2119, %add3A_2120 : vector<16xi32>
      tpu.vector_store_idx %arg18[%get3A_2111, %get3A_2115, %add3A_2121], %gather3A_2107 : memref<3x46x128xf32, #tpu.memory_space<vmem>>[vector<16xi32>, vector<16xi32>, vector<16xi32>], vector<16xf32>,
      %get3A_2122 = arith.constant 8 : i32
      %get3A_2123 = arith.index_cast %get3A_2122 : i32 to index
      %get3A_2124 = arith.constant 0 : index
      %get3A_2125 = tpu.vector_load %arg11[%get3A_2123, %get3A_2124] {strides = array<i32>} : memref<69x16xi32, #tpu.memory_space<vmem>>, vector<16xi32>,
      %get3A_2126 = arith.constant 8 : i32
      %get3A_2127 = arith.index_cast %get3A_2126 : i32 to index
      %get3A_2128 = arith.constant 0 : index
      %get3A_2129 = tpu.vector_load %arg12[%get3A_2127, %get3A_2128] {strides = array<i32>} : memref<69x16xi32, #tpu.memory_space<vmem>>, vector<16xi32>,
      %gather3A_2130 = tpu.vector_load_idx %arg17[%get3A_2125, %get3A_2129] : memref<936x16xf32, #tpu.memory_space<vmem>>[vector<16xi32>, vector<16xi32>], vector<16xf32>,
      %get3A_2131 = arith.constant 8 : i32
      %get3A_2132 = arith.index_cast %get3A_2131 : i32 to index
      %get3A_2133 = arith.constant 0 : index
      %get3A_2134 = tpu.vector_load %arg13[%get3A_2132, %get3A_2133] {strides = array<i32>} : memref<69x16xi32, #tpu.memory_space<vmem>>, vector<16xi32>,
      %get3A_2135 = arith.constant 8 : i32
      %get3A_2136 = arith.index_cast %get3A_2135 : i32 to index
      %get3A_2137 = arith.constant 0 : index
      %get3A_2138 = tpu.vector_load %arg14[%get3A_2136, %get3A_2137] {strides = array<i32>} : memref<69x16xi32, #tpu.memory_space<vmem>>, vector<16xi32>,
      %get3A_2139 = arith.constant 8 : i32
      %get3A_2140 = arith.index_cast %get3A_2139 : i32 to index
      %get3A_2141 = arith.constant 0 : index
      %get3A_2142 = tpu.vector_load %arg15[%get3A_2140, %get3A_2141] {strides = array<i32>} : memref<69x16xi32, #tpu.memory_space<vmem>>, vector<16xi32>,
      %add3A_2143 = vector.broadcast %mul3A_1937 : i32 to vector<16xi32>
      %add3A_2144 = arith.addi %get3A_2142, %add3A_2143 : vector<16xi32>
      tpu.vector_store_idx %arg18[%get3A_2134, %get3A_2138, %add3A_2144], %gather3A_2130 : memref<3x46x128xf32, #tpu.memory_space<vmem>>[vector<16xi32>, vector<16xi32>, vector<16xi32>], vector<16xf32>,
      %get3A_2145 = arith.constant 9 : i32
      %get3A_2146 = arith.index_cast %get3A_2145 : i32 to index
      %get3A_2147 = arith.constant 0 : index
      %get3A_2148 = tpu.vector_load %arg11[%get3A_2146, %get3A_2147] {strides = array<i32>} : memref<69x16xi32, #tpu.memory_space<vmem>>, vector<16xi32>,
      %get3A_2149 = arith.constant 9 : i32
      %get3A_2150 = arith.index_cast %get3A_2149 : i32 to index
      %get3A_2151 = arith.constant 0 : index
      %get3A_2152 = tpu.vector_load %arg12[%get3A_2150, %get3A_2151] {strides = array<i32>} : memref<69x16xi32, #tpu.memory_space<vmem>>, vector<16xi32>,
      %gather3A_2153 = tpu.vector_load_idx %arg17[%get3A_2148, %get3A_2152] : memref<936x16xf32, #tpu.memory_space<vmem>>[vector<16xi32>, vector<16xi32>], vector<16xf32>,
      %get3A_2154 = arith.constant 9 : i32
      %get3A_2155 = arith.index_cast %get3A_2154 : i32 to index
      %get3A_2156 = arith.constant 0 : index
      %get3A_2157 = tpu.vector_load %arg13[%get3A_2155, %get3A_2156] {strides = array<i32>} : memref<69x16xi32, #tpu.memory_space<vmem>>, vector<16xi32>,
      %get3A_2158 = arith.constant 9 : i32
      %get3A_2159 = arith.index_cast %get3A_2158 : i32 to index
      %get3A_2160 = arith.constant 0 : index
      %get3A_2161 = tpu.vector_load %arg14[%get3A_2159, %get3A_2160] {strides = array<i32>} : memref<69x16xi32, #tpu.memory_space<vmem>>, vector<16xi32>,
      %get3A_2162 = arith.constant 9 : i32
      %get3A_2163 = arith.index_cast %get3A_2162 : i32 to index
      %get3A_2164 = arith.constant 0 : index
      %get3A_2165 = tpu.vector_load %arg15[%get3A_2163, %get3A_2164] {strides = array<i32>} : memref<69x16xi32, #tpu.memory_space<vmem>>, vector<16xi32>,
      %add3A_2166 = vector.broadcast %mul3A_1937 : i32 to vector<16xi32>
      %add3A_2167 = arith.addi %get3A_2165, %add3A_2166 : vector<16xi32>
      tpu.vector_store_idx %arg18[%get3A_2157, %get3A_2161, %add3A_2167], %gather3A_2153 : memref<3x46x128xf32, #tpu.memory_space<vmem>>[vector<16xi32>, vector<16xi32>, vector<16xi32>], vector<16xf32>,
      %get3A_2168 = arith.constant 10 : i32
      %get3A_2169 = arith.index_cast %get3A_2168 : i32 to index
      %get3A_2170 = arith.constant 0 : index
      %get3A_2171 = tpu.vector_load %arg11[%get3A_2169, %get3A_2170] {strides = array<i32>} : memref<69x16xi32, #tpu.memory_space<vmem>>, vector<16xi32>,
      %get3A_2172 = arith.constant 10 : i32
      %get3A_2173 = arith.index_cast %get3A_2172 : i32 to index
      %get3A_2174 = arith.constant 0 : index
      %get3A_2175 = tpu.vector_load %arg12[%get3A_2173, %get3A_2174] {strides = array<i32>} : memref<69x16xi32, #tpu.memory_space<vmem>>, vector<16xi32>,
      %gather3A_2176 = tpu.vector_load_idx %arg17[%get3A_2171, %get3A_2175] : memref<936x16xf32, #tpu.memory_space<vmem>>[vector<16xi32>, vector<16xi32>], vector<16xf32>,
      %get3A_2177 = arith.constant 10 : i32
      %get3A_2178 = arith.index_cast %get3A_2177 : i32 to index
      %get3A_2179 = arith.constant 0 : index
      %get3A_2180 = tpu.vector_load %arg13[%get3A_2178, %get3A_2179] {strides = array<i32>} : memref<69x16xi32, #tpu.memory_space<vmem>>, vector<16xi32>,
      %get3A_2181 = arith.constant 10 : i32
      %get3A_2182 = arith.index_cast %get3A_2181 : i32 to index
      %get3A_2183 = arith.constant 0 : index
      %get3A_2184 = tpu.vector_load %arg14[%get3A_2182, %get3A_2183] {strides = array<i32>} : memref<69x16xi32, #tpu.memory_space<vmem>>, vector<16xi32>,
      %get3A_2185 = arith.constant 10 : i32
      %get3A_2186 = arith.index_cast %get3A_2185 : i32 to index
      %get3A_2187 = arith.constant 0 : index
      %get3A_2188 = tpu.vector_load %arg15[%get3A_2186, %get3A_2187] {strides = array<i32>} : memref<69x16xi32, #tpu.memory_space<vmem>>, vector<16xi32>,
      %add3A_2189 = vector.broadcast %mul3A_1937 : i32 to vector<16xi32>
      %add3A_2190 = arith.addi %get3A_2188, %add3A_2189 : vector<16xi32>
      tpu.vector_store_idx %arg18[%get3A_2180, %get3A_2184, %add3A_2190], %gather3A_2176 : memref<3x46x128xf32, #tpu.memory_space<vmem>>[vector<16xi32>, vector<16xi32>, vector<16xi32>], vector<16xf32>,
      %get3A_2191 = arith.constant 11 : i32
      %get3A_2192 = arith.index_cast %get3A_2191 : i32 to index
      %get3A_2193 = arith.constant 0 : index
      %get3A_2194 = tpu.vector_load %arg11[%get3A_2192, %get3A_2193] {strides = array<i32>} : memref<69x16xi32, #tpu.memory_space<vmem>>, vector<16xi32>,
      %get3A_2195 = arith.constant 11 : i32
      %get3A_2196 = arith.index_cast %get3A_2195 : i32 to index
      %get3A_2197 = arith.constant 0 : index
      %get3A_2198 = tpu.vector_load %arg12[%get3A_2196, %get3A_2197] {strides = array<i32>} : memref<69x16xi32, #tpu.memory_space<vmem>>, vector<16xi32>,
      %gather3A_2199 = tpu.vector_load_idx %arg17[%get3A_2194, %get3A_2198] : memref<936x16xf32, #tpu.memory_space<vmem>>[vector<16xi32>, vector<16xi32>], vector<16xf32>,
      %get3A_2200 = arith.constant 11 : i32
      %get3A_2201 = arith.index_cast %get3A_2200 : i32 to index
      %get3A_2202 = arith.constant 0 : index
      %get3A_2203 = tpu.vector_load %arg13[%get3A_2201, %get3A_2202] {strides = array<i32>} : memref<69x16xi32, #tpu.memory_space<vmem>>, vector<16xi32>,
      %get3A_2204 = arith.constant 11 : i32
      %get3A_2205 = arith.index_cast %get3A_2204 : i32 to index
      %get3A_2206 = arith.constant 0 : index
      %get3A_2207 = tpu.vector_load %arg14[%get3A_2205, %get3A_2206] {strides = array<i32>} : memref<69x16xi32, #tpu.memory_space<vmem>>, vector<16xi32>,
      %get3A_2208 = arith.constant 11 : i32
      %get3A_2209 = arith.index_cast %get3A_2208 : i32 to index
      %get3A_2210 = arith.constant 0 : index
      %get3A_2211 = tpu.vector_load %arg15[%get3A_2209, %get3A_2210] {strides = array<i32>} : memref<69x16xi32, #tpu.memory_space<vmem>>, vector<16xi32>,
      %add3A_2212 = vector.broadcast %mul3A_1937 : i32 to vector<16xi32>
      %add3A_2213 = arith.addi %get3A_2211, %add3A_2212 : vector<16xi32>
      tpu.vector_store_idx %arg18[%get3A_2203, %get3A_2207, %add3A_2213], %gather3A_2199 : memref<3x46x128xf32, #tpu.memory_space<vmem>>[vector<16xi32>, vector<16xi32>, vector<16xi32>], vector<16xf32>,
      %get3A_2214 = arith.constant 12 : i32
      %get3A_2215 = arith.index_cast %get3A_2214 : i32 to index
      %get3A_2216 = arith.constant 0 : index
      %get3A_2217 = tpu.vector_load %arg11[%get3A_2215, %get3A_2216] {strides = array<i32>} : memref<69x16xi32, #tpu.memory_space<vmem>>, vector<16xi32>,
      %get3A_2218 = arith.constant 12 : i32
      %get3A_2219 = arith.index_cast %get3A_2218 : i32 to index
      %get3A_2220 = arith.constant 0 : index
      %get3A_2221 = tpu.vector_load %arg12[%get3A_2219, %get3A_2220] {strides = array<i32>} : memref<69x16xi32, #tpu.memory_space<vmem>>, vector<16xi32>,
      %gather3A_2222 = tpu.vector_load_idx %arg17[%get3A_2217, %get3A_2221] : memref<936x16xf32, #tpu.memory_space<vmem>>[vector<16xi32>, vector<16xi32>], vector<16xf32>,
      %get3A_2223 = arith.constant 12 : i32
      %get3A_2224 = arith.index_cast %get3A_2223 : i32 to index
      %get3A_2225 = arith.constant 0 : index
      %get3A_2226 = tpu.vector_load %arg13[%get3A_2224, %get3A_2225] {strides = array<i32>} : memref<69x16xi32, #tpu.memory_space<vmem>>, vector<16xi32>,
      %get3A_2227 = arith.constant 12 : i32
      %get3A_2228 = arith.index_cast %get3A_2227 : i32 to index
      %get3A_2229 = arith.constant 0 : index
      %get3A_2230 = tpu.vector_load %arg14[%get3A_2228, %get3A_2229] {strides = array<i32>} : memref<69x16xi32, #tpu.memory_space<vmem>>, vector<16xi32>,
      %get3A_2231 = arith.constant 12 : i32
      %get3A_2232 = arith.index_cast %get3A_2231 : i32 to index
      %get3A_2233 = arith.constant 0 : index
      %get3A_2234 = tpu.vector_load %arg15[%get3A_2232, %get3A_2233] {strides = array<i32>} : memref<69x16xi32, #tpu.memory_space<vmem>>, vector<16xi32>,
      %add3A_2235 = vector.broadcast %mul3A_1937 : i32 to vector<16xi32>
      %add3A_2236 = arith.addi %get3A_2234, %add3A_2235 : vector<16xi32>
      tpu.vector_store_idx %arg18[%get3A_2226, %get3A_2230, %add3A_2236], %gather3A_2222 : memref<3x46x128xf32, #tpu.memory_space<vmem>>[vector<16xi32>, vector<16xi32>, vector<16xi32>], vector<16xf32>,
      %get3A_2237 = arith.constant 13 : i32
      %get3A_2238 = arith.index_cast %get3A_2237 : i32 to index
      %get3A_2239 = arith.constant 0 : index
      %get3A_2240 = tpu.vector_load %arg11[%get3A_2238, %get3A_2239] {strides = array<i32>} : memref<69x16xi32, #tpu.memory_space<vmem>>, vector<16xi32>,
      %get3A_2241 = arith.constant 13 : i32
      %get3A_2242 = arith.index_cast %get3A_2241 : i32 to index
      %get3A_2243 = arith.constant 0 : index
      %get3A_2244 = tpu.vector_load %arg12[%get3A_2242, %get3A_2243] {strides = array<i32>} : memref<69x16xi32, #tpu.memory_space<vmem>>, vector<16xi32>,
      %gather3A_2245 = tpu.vector_load_idx %arg17[%get3A_2240, %get3A_2244] : memref<936x16xf32, #tpu.memory_space<vmem>>[vector<16xi32>, vector<16xi32>], vector<16xf32>,
      %get3A_2246 = arith.constant 13 : i32
      %get3A_2247 = arith.index_cast %get3A_2246 : i32 to index
      %get3A_2248 = arith.constant 0 : index
      %get3A_2249 = tpu.vector_load %arg13[%get3A_2247, %get3A_2248] {strides = array<i32>} : memref<69x16xi32, #tpu.memory_space<vmem>>, vector<16xi32>,
      %get3A_2250 = arith.constant 13 : i32
      %get3A_2251 = arith.index_cast %get3A_2250 : i32 to index
      %get3A_2252 = arith.constant 0 : index
      %get3A_2253 = tpu.vector_load %arg14[%get3A_2251, %get3A_2252] {strides = array<i32>} : memref<69x16xi32, #tpu.memory_space<vmem>>, vector<16xi32>,
      %get3A_2254 = arith.constant 13 : i32
      %get3A_2255 = arith.index_cast %get3A_2254 : i32 to index
      %get3A_2256 = arith.constant 0 : index
      %get3A_2257 = tpu.vector_load %arg15[%get3A_2255, %get3A_2256] {strides = array<i32>} : memref<69x16xi32, #tpu.memory_space<vmem>>, vector<16xi32>,
      %add3A_2258 = vector.broadcast %mul3A_1937 : i32 to vector<16xi32>
      %add3A_2259 = arith.addi %get3A_2257, %add3A_2258 : vector<16xi32>
      tpu.vector_store_idx %arg18[%get3A_2249, %get3A_2253, %add3A_2259], %gather3A_2245 : memref<3x46x128xf32, #tpu.memory_space<vmem>>[vector<16xi32>, vector<16xi32>, vector<16xi32>], vector<16xf32>,
      %get3A_2260 = arith.constant 14 : i32
      %get3A_2261 = arith.index_cast %get3A_2260 : i32 to index
      %get3A_2262 = arith.constant 0 : index
      %get3A_2263 = tpu.vector_load %arg11[%get3A_2261, %get3A_2262] {strides = array<i32>} : memref<69x16xi32, #tpu.memory_space<vmem>>, vector<16xi32>,
      %get3A_2264 = arith.constant 14 : i32
      %get3A_2265 = arith.index_cast %get3A_2264 : i32 to index
      %get3A_2266 = arith.constant 0 : index
      %get3A_2267 = tpu.vector_load %arg12[%get3A_2265, %get3A_2266] {strides = array<i32>} : memref<69x16xi32, #tpu.memory_space<vmem>>, vector<16xi32>,
      %gather3A_2268 = tpu.vector_load_idx %arg17[%get3A_2263, %get3A_2267] : memref<936x16xf32, #tpu.memory_space<vmem>>[vector<16xi32>, vector<16xi32>], vector<16xf32>,
      %get3A_2269 = arith.constant 14 : i32
      %get3A_2270 = arith.index_cast %get3A_2269 : i32 to index
      %get3A_2271 = arith.constant 0 : index
      %get3A_2272 = tpu.vector_load %arg13[%get3A_2270, %get3A_2271] {strides = array<i32>} : memref<69x16xi32, #tpu.memory_space<vmem>>, vector<16xi32>,
      %get3A_2273 = arith.constant 14 : i32
      %get3A_2274 = arith.index_cast %get3A_2273 : i32 to index
      %get3A_2275 = arith.constant 0 : index
      %get3A_2276 = tpu.vector_load %arg14[%get3A_2274, %get3A_2275] {strides = array<i32>} : memref<69x16xi32, #tpu.memory_space<vmem>>, vector<16xi32>,
      %get3A_2277 = arith.constant 14 : i32
      %get3A_2278 = arith.index_cast %get3A_2277 : i32 to index
      %get3A_2279 = arith.constant 0 : index
      %get3A_2280 = tpu.vector_load %arg15[%get3A_2278, %get3A_2279] {strides = array<i32>} : memref<69x16xi32, #tpu.memory_space<vmem>>, vector<16xi32>,
      %add3A_2281 = vector.broadcast %mul3A_1937 : i32 to vector<16xi32>
      %add3A_2282 = arith.addi %get3A_2280, %add3A_2281 : vector<16xi32>
      tpu.vector_store_idx %arg18[%get3A_2272, %get3A_2276, %add3A_2282], %gather3A_2268 : memref<3x46x128xf32, #tpu.memory_space<vmem>>[vector<16xi32>, vector<16xi32>, vector<16xi32>], vector<16xf32>,
      %get3A_2283 = arith.constant 15 : i32
      %get3A_2284 = arith.index_cast %get3A_2283 : i32 to index
      %get3A_2285 = arith.constant 0 : index
      %get3A_2286 = tpu.vector_load %arg11[%get3A_2284, %get3A_2285] {strides = array<i32>} : memref<69x16xi32, #tpu.memory_space<vmem>>, vector<16xi32>,
      %get3A_2287 = arith.constant 15 : i32
      %get3A_2288 = arith.index_cast %get3A_2287 : i32 to index
      %get3A_2289 = arith.constant 0 : index
      %get3A_2290 = tpu.vector_load %arg12[%get3A_2288, %get3A_2289] {strides = array<i32>} : memref<69x16xi32, #tpu.memory_space<vmem>>, vector<16xi32>,
      %gather3A_2291 = tpu.vector_load_idx %arg17[%get3A_2286, %get3A_2290] : memref<936x16xf32, #tpu.memory_space<vmem>>[vector<16xi32>, vector<16xi32>], vector<16xf32>,
      %get3A_2292 = arith.constant 15 : i32
      %get3A_2293 = arith.index_cast %get3A_2292 : i32 to index
      %get3A_2294 = arith.constant 0 : index
      %get3A_2295 = tpu.vector_load %arg13[%get3A_2293, %get3A_2294] {strides = array<i32>} : memref<69x16xi32, #tpu.memory_space<vmem>>, vector<16xi32>,
      %get3A_2296 = arith.constant 15 : i32
      %get3A_2297 = arith.index_cast %get3A_2296 : i32 to index
      %get3A_2298 = arith.constant 0 : index
      %get3A_2299 = tpu.vector_load %arg14[%get3A_2297, %get3A_2298] {strides = array<i32>} : memref<69x16xi32, #tpu.memory_space<vmem>>, vector<16xi32>,
      %get3A_2300 = arith.constant 15 : i32
      %get3A_2301 = arith.index_cast %get3A_2300 : i32 to index
      %get3A_2302 = arith.constant 0 : index
      %get3A_2303 = tpu.vector_load %arg15[%get3A_2301, %get3A_2302] {strides = array<i32>} : memref<69x16xi32, #tpu.memory_space<vmem>>, vector<16xi32>,
      %add3A_2304 = vector.broadcast %mul3A_1937 : i32 to vector<16xi32>
      %add3A_2305 = arith.addi %get3A_2303, %add3A_2304 : vector<16xi32>
      tpu.vector_store_idx %arg18[%get3A_2295, %get3A_2299, %add3A_2305], %gather3A_2291 : memref<3x46x128xf32, #tpu.memory_space<vmem>>[vector<16xi32>, vector<16xi32>, vector<16xi32>], vector<16xf32>,
      %get3A_2306 = arith.constant 16 : i32
      %get3A_2307 = arith.index_cast %get3A_2306 : i32 to index
      %get3A_2308 = arith.constant 0 : index
      %get3A_2309 = tpu.vector_load %arg11[%get3A_2307, %get3A_2308] {strides = array<i32>} : memref<69x16xi32, #tpu.memory_space<vmem>>, vector<16xi32>,
      %get3A_2310 = arith.constant 16 : i32
      %get3A_2311 = arith.index_cast %get3A_2310 : i32 to index
      %get3A_2312 = arith.constant 0 : index
      %get3A_2313 = tpu.vector_load %arg12[%get3A_2311, %get3A_2312] {strides = array<i32>} : memref<69x16xi32, #tpu.memory_space<vmem>>, vector<16xi32>,
      %gather3A_2314 = tpu.vector_load_idx %arg17[%get3A_2309, %get3A_2313] : memref<936x16xf32, #tpu.memory_space<vmem>>[vector<16xi32>, vector<16xi32>], vector<16xf32>,
      %get3A_2315 = arith.constant 16 : i32
      %get3A_2316 = arith.index_cast %get3A_2315 : i32 to index
      %get3A_2317 = arith.constant 0 : index
      %get3A_2318 = tpu.vector_load %arg13[%get3A_2316, %get3A_2317] {strides = array<i32>} : memref<69x16xi32, #tpu.memory_space<vmem>>, vector<16xi32>,
      %get3A_2319 = arith.constant 16 : i32
      %get3A_2320 = arith.index_cast %get3A_2319 : i32 to index
      %get3A_2321 = arith.constant 0 : index
      %get3A_2322 = tpu.vector_load %arg14[%get3A_2320, %get3A_2321] {strides = array<i32>} : memref<69x16xi32, #tpu.memory_space<vmem>>, vector<16xi32>,
      %get3A_2323 = arith.constant 16 : i32
      %get3A_2324 = arith.index_cast %get3A_2323 : i32 to index
      %get3A_2325 = arith.constant 0 : index
      %get3A_2326 = tpu.vector_load %arg15[%get3A_2324, %get3A_2325] {strides = array<i32>} : memref<69x16xi32, #tpu.memory_space<vmem>>, vector<16xi32>,
      %add3A_2327 = vector.broadcast %mul3A_1937 : i32 to vector<16xi32>
      %add3A_2328 = arith.addi %get3A_2326, %add3A_2327 : vector<16xi32>
      tpu.vector_store_idx %arg18[%get3A_2318, %get3A_2322, %add3A_2328], %gather3A_2314 : memref<3x46x128xf32, #tpu.memory_space<vmem>>[vector<16xi32>, vector<16xi32>, vector<16xi32>], vector<16xf32>,
      %get3A_2329 = arith.constant 17 : i32
      %get3A_2330 = arith.index_cast %get3A_2329 : i32 to index
      %get3A_2331 = arith.constant 0 : index
      %get3A_2332 = tpu.vector_load %arg11[%get3A_2330, %get3A_2331] {strides = array<i32>} : memref<69x16xi32, #tpu.memory_space<vmem>>, vector<16xi32>,
      %get3A_2333 = arith.constant 17 : i32
      %get3A_2334 = arith.index_cast %get3A_2333 : i32 to index
      %get3A_2335 = arith.constant 0 : index
      %get3A_2336 = tpu.vector_load %arg12[%get3A_2334, %get3A_2335] {strides = array<i32>} : memref<69x16xi32, #tpu.memory_space<vmem>>, vector<16xi32>,
      %gather3A_2337 = tpu.vector_load_idx %arg17[%get3A_2332, %get3A_2336] : memref<936x16xf32, #tpu.memory_space<vmem>>[vector<16xi32>, vector<16xi32>], vector<16xf32>,
      %get3A_2338 = arith.constant 17 : i32
      %get3A_2339 = arith.index_cast %get3A_2338 : i32 to index
      %get3A_2340 = arith.constant 0 : index
      %get3A_2341 = tpu.vector_load %arg13[%get3A_2339, %get3A_2340] {strides = array<i32>} : memref<69x16xi32, #tpu.memory_space<vmem>>, vector<16xi32>,
      %get3A_2342 = arith.constant 17 : i32
      %get3A_2343 = arith.index_cast %get3A_2342 : i32 to index
      %get3A_2344 = arith.constant 0 : index
      %get3A_2345 = tpu.vector_load %arg14[%get3A_2343, %get3A_2344] {strides = array<i32>} : memref<69x16xi32, #tpu.memory_space<vmem>>, vector<16xi32>,
      %get3A_2346 = arith.constant 17 : i32
      %get3A_2347 = arith.index_cast %get3A_2346 : i32 to index
      %get3A_2348 = arith.constant 0 : index
      %get3A_2349 = tpu.vector_load %arg15[%get3A_2347, %get3A_2348] {strides = array<i32>} : memref<69x16xi32, #tpu.memory_space<vmem>>, vector<16xi32>,
      %add3A_2350 = vector.broadcast %mul3A_1937 : i32 to vector<16xi32>
      %add3A_2351 = arith.addi %get3A_2349, %add3A_2350 : vector<16xi32>
      tpu.vector_store_idx %arg18[%get3A_2341, %get3A_2345, %add3A_2351], %gather3A_2337 : memref<3x46x128xf32, #tpu.memory_space<vmem>>[vector<16xi32>, vector<16xi32>, vector<16xi32>], vector<16xf32>,
      %get3A_2352 = arith.constant 18 : i32
      %get3A_2353 = arith.index_cast %get3A_2352 : i32 to index
      %get3A_2354 = arith.constant 0 : index
      %get3A_2355 = tpu.vector_load %arg11[%get3A_2353, %get3A_2354] {strides = array<i32>} : memref<69x16xi32, #tpu.memory_space<vmem>>, vector<16xi32>,
      %get3A_2356 = arith.constant 18 : i32
      %get3A_2357 = arith.index_cast %get3A_2356 : i32 to index
      %get3A_2358 = arith.constant 0 : index
      %get3A_2359 = tpu.vector_load %arg12[%get3A_2357, %get3A_2358] {strides = array<i32>} : memref<69x16xi32, #tpu.memory_space<vmem>>, vector<16xi32>,
      %gather3A_2360 = tpu.vector_load_idx %arg17[%get3A_2355, %get3A_2359] : memref<936x16xf32, #tpu.memory_space<vmem>>[vector<16xi32>, vector<16xi32>], vector<16xf32>,
      %get3A_2361 = arith.constant 18 : i32
      %get3A_2362 = arith.index_cast %get3A_2361 : i32 to index
      %get3A_2363 = arith.constant 0 : index
      %get3A_2364 = tpu.vector_load %arg13[%get3A_2362, %get3A_2363] {strides = array<i32>} : memref<69x16xi32, #tpu.memory_space<vmem>>, vector<16xi32>,
      %get3A_2365 = arith.constant 18 : i32
      %get3A_2366 = arith.index_cast %get3A_2365 : i32 to index
      %get3A_2367 = arith.constant 0 : index
      %get3A_2368 = tpu.vector_load %arg14[%get3A_2366, %get3A_2367] {strides = array<i32>} : memref<69x16xi32, #tpu.memory_space<vmem>>, vector<16xi32>,
      %get3A_2369 = arith.constant 18 : i32
      %get3A_2370 = arith.index_cast %get3A_2369 : i32 to index
      %get3A_2371 = arith.constant 0 : index
      %get3A_2372 = tpu.vector_load %arg15[%get3A_2370, %get3A_2371] {strides = array<i32>} : memref<69x16xi32, #tpu.memory_space<vmem>>, vector<16xi32>,
      %add3A_2373 = vector.broadcast %mul3A_1937 : i32 to vector<16xi32>
      %add3A_2374 = arith.addi %get3A_2372, %add3A_2373 : vector<16xi32>
      tpu.vector_store_idx %arg18[%get3A_2364, %get3A_2368, %add3A_2374], %gather3A_2360 : memref<3x46x128xf32, #tpu.memory_space<vmem>>[vector<16xi32>, vector<16xi32>, vector<16xi32>], vector<16xf32>,
      %get3A_2375 = arith.constant 19 : i32
      %get3A_2376 = arith.index_cast %get3A_2375 : i32 to index
      %get3A_2377 = arith.constant 0 : index
      %get3A_2378 = tpu.vector_load %arg11[%get3A_2376, %get3A_2377] {strides = array<i32>} : memref<69x16xi32, #tpu.memory_space<vmem>>, vector<16xi32>,
      %get3A_2379 = arith.constant 19 : i32
      %get3A_2380 = arith.index_cast %get3A_2379 : i32 to index
      %get3A_2381 = arith.constant 0 : index
      %get3A_2382 = tpu.vector_load %arg12[%get3A_2380, %get3A_2381] {strides = array<i32>} : memref<69x16xi32, #tpu.memory_space<vmem>>, vector<16xi32>,
      %gather3A_2383 = tpu.vector_load_idx %arg17[%get3A_2378, %get3A_2382] : memref<936x16xf32, #tpu.memory_space<vmem>>[vector<16xi32>, vector<16xi32>], vector<16xf32>,
      %get3A_2384 = arith.constant 19 : i32
      %get3A_2385 = arith.index_cast %get3A_2384 : i32 to index
      %get3A_2386 = arith.constant 0 : index
      %get3A_2387 = tpu.vector_load %arg13[%get3A_2385, %get3A_2386] {strides = array<i32>} : memref<69x16xi32, #tpu.memory_space<vmem>>, vector<16xi32>,
      %get3A_2388 = arith.constant 19 : i32
      %get3A_2389 = arith.index_cast %get3A_2388 : i32 to index
      %get3A_2390 = arith.constant 0 : index
      %get3A_2391 = tpu.vector_load %arg14[%get3A_2389, %get3A_2390] {strides = array<i32>} : memref<69x16xi32, #tpu.memory_space<vmem>>, vector<16xi32>,
      %get3A_2392 = arith.constant 19 : i32
      %get3A_2393 = arith.index_cast %get3A_2392 : i32 to index
      %get3A_2394 = arith.constant 0 : index
      %get3A_2395 = tpu.vector_load %arg15[%get3A_2393, %get3A_2394] {strides = array<i32>} : memref<69x16xi32, #tpu.memory_space<vmem>>, vector<16xi32>,
      %add3A_2396 = vector.broadcast %mul3A_1937 : i32 to vector<16xi32>
      %add3A_2397 = arith.addi %get3A_2395, %add3A_2396 : vector<16xi32>
      tpu.vector_store_idx %arg18[%get3A_2387, %get3A_2391, %add3A_2397], %gather3A_2383 : memref<3x46x128xf32, #tpu.memory_space<vmem>>[vector<16xi32>, vector<16xi32>, vector<16xi32>], vector<16xf32>,
      %get3A_2398 = arith.constant 20 : i32
      %get3A_2399 = arith.index_cast %get3A_2398 : i32 to index
      %get3A_2400 = arith.constant 0 : index
      %get3A_2401 = tpu.vector_load %arg11[%get3A_2399, %get3A_2400] {strides = array<i32>} : memref<69x16xi32, #tpu.memory_space<vmem>>, vector<16xi32>,
      %get3A_2402 = arith.constant 20 : i32
      %get3A_2403 = arith.index_cast %get3A_2402 : i32 to index
      %get3A_2404 = arith.constant 0 : index
      %get3A_2405 = tpu.vector_load %arg12[%get3A_2403, %get3A_2404] {strides = array<i32>} : memref<69x16xi32, #tpu.memory_space<vmem>>, vector<16xi32>,
      %gather3A_2406 = tpu.vector_load_idx %arg17[%get3A_2401, %get3A_2405] : memref<936x16xf32, #tpu.memory_space<vmem>>[vector<16xi32>, vector<16xi32>], vector<16xf32>,
      %get3A_2407 = arith.constant 20 : i32
      %get3A_2408 = arith.index_cast %get3A_2407 : i32 to index
      %get3A_2409 = arith.constant 0 : index
      %get3A_2410 = tpu.vector_load %arg13[%get3A_2408, %get3A_2409] {strides = array<i32>} : memref<69x16xi32, #tpu.memory_space<vmem>>, vector<16xi32>,
      %get3A_2411 = arith.constant 20 : i32
      %get3A_2412 = arith.index_cast %get3A_2411 : i32 to index
      %get3A_2413 = arith.constant 0 : index
      %get3A_2414 = tpu.vector_load %arg14[%get3A_2412, %get3A_2413] {strides = array<i32>} : memref<69x16xi32, #tpu.memory_space<vmem>>, vector<16xi32>,
      %get3A_2415 = arith.constant 20 : i32
      %get3A_2416 = arith.index_cast %get3A_2415 : i32 to index
      %get3A_2417 = arith.constant 0 : index
      %get3A_2418 = tpu.vector_load %arg15[%get3A_2416, %get3A_2417] {strides = array<i32>} : memref<69x16xi32, #tpu.memory_space<vmem>>, vector<16xi32>,
      %add3A_2419 = vector.broadcast %mul3A_1937 : i32 to vector<16xi32>
      %add3A_2420 = arith.addi %get3A_2418, %add3A_2419 : vector<16xi32>
      tpu.vector_store_idx %arg18[%get3A_2410, %get3A_2414, %add3A_2420], %gather3A_2406 : memref<3x46x128xf32, #tpu.memory_space<vmem>>[vector<16xi32>, vector<16xi32>, vector<16xi32>], vector<16xf32>,
      %get3A_2421 = arith.constant 21 : i32
      %get3A_2422 = arith.index_cast %get3A_2421 : i32 to index
      %get3A_2423 = arith.constant 0 : index
      %get3A_2424 = tpu.vector_load %arg11[%get3A_2422, %get3A_2423] {strides = array<i32>} : memref<69x16xi32, #tpu.memory_space<vmem>>, vector<16xi32>,
      %get3A_2425 = arith.constant 21 : i32
      %get3A_2426 = arith.index_cast %get3A_2425 : i32 to index
      %get3A_2427 = arith.constant 0 : index
      %get3A_2428 = tpu.vector_load %arg12[%get3A_2426, %get3A_2427] {strides = array<i32>} : memref<69x16xi32, #tpu.memory_space<vmem>>, vector<16xi32>,
      %gather3A_2429 = tpu.vector_load_idx %arg17[%get3A_2424, %get3A_2428] : memref<936x16xf32, #tpu.memory_space<vmem>>[vector<16xi32>, vector<16xi32>], vector<16xf32>,
      %get3A_2430 = arith.constant 21 : i32
      %get3A_2431 = arith.index_cast %get3A_2430 : i32 to index
      %get3A_2432 = arith.constant 0 : index
      %get3A_2433 = tpu.vector_load %arg13[%get3A_2431, %get3A_2432] {strides = array<i32>} : memref<69x16xi32, #tpu.memory_space<vmem>>, vector<16xi32>,
      %get3A_2434 = arith.constant 21 : i32
      %get3A_2435 = arith.index_cast %get3A_2434 : i32 to index
      %get3A_2436 = arith.constant 0 : index
      %get3A_2437 = tpu.vector_load %arg14[%get3A_2435, %get3A_2436] {strides = array<i32>} : memref<69x16xi32, #tpu.memory_space<vmem>>, vector<16xi32>,
      %get3A_2438 = arith.constant 21 : i32
      %get3A_2439 = arith.index_cast %get3A_2438 : i32 to index
      %get3A_2440 = arith.constant 0 : index
      %get3A_2441 = tpu.vector_load %arg15[%get3A_2439, %get3A_2440] {strides = array<i32>} : memref<69x16xi32, #tpu.memory_space<vmem>>, vector<16xi32>,
      %add3A_2442 = vector.broadcast %mul3A_1937 : i32 to vector<16xi32>
      %add3A_2443 = arith.addi %get3A_2441, %add3A_2442 : vector<16xi32>
      tpu.vector_store_idx %arg18[%get3A_2433, %get3A_2437, %add3A_2443], %gather3A_2429 : memref<3x46x128xf32, #tpu.memory_space<vmem>>[vector<16xi32>, vector<16xi32>, vector<16xi32>], vector<16xf32>,
      %get3A_2444 = arith.constant 22 : i32
      %get3A_2445 = arith.index_cast %get3A_2444 : i32 to index
      %get3A_2446 = arith.constant 0 : index
      %get3A_2447 = tpu.vector_load %arg11[%get3A_2445, %get3A_2446] {strides = array<i32>} : memref<69x16xi32, #tpu.memory_space<vmem>>, vector<16xi32>,
      %get3A_2448 = arith.constant 22 : i32
      %get3A_2449 = arith.index_cast %get3A_2448 : i32 to index
      %get3A_2450 = arith.constant 0 : index
      %get3A_2451 = tpu.vector_load %arg12[%get3A_2449, %get3A_2450] {strides = array<i32>} : memref<69x16xi32, #tpu.memory_space<vmem>>, vector<16xi32>,
      %gather3A_2452 = tpu.vector_load_idx %arg17[%get3A_2447, %get3A_2451] : memref<936x16xf32, #tpu.memory_space<vmem>>[vector<16xi32>, vector<16xi32>], vector<16xf32>,
      %get3A_2453 = arith.constant 22 : i32
      %get3A_2454 = arith.index_cast %get3A_2453 : i32 to index
      %get3A_2455 = arith.constant 0 : index
      %get3A_2456 = tpu.vector_load %arg13[%get3A_2454, %get3A_2455] {strides = array<i32>} : memref<69x16xi32, #tpu.memory_space<vmem>>, vector<16xi32>,
      %get3A_2457 = arith.constant 22 : i32
      %get3A_2458 = arith.index_cast %get3A_2457 : i32 to index
      %get3A_2459 = arith.constant 0 : index
      %get3A_2460 = tpu.vector_load %arg14[%get3A_2458, %get3A_2459] {strides = array<i32>} : memref<69x16xi32, #tpu.memory_space<vmem>>, vector<16xi32>,
      %get3A_2461 = arith.constant 22 : i32
      %get3A_2462 = arith.index_cast %get3A_2461 : i32 to index
      %get3A_2463 = arith.constant 0 : index
      %get3A_2464 = tpu.vector_load %arg15[%get3A_2462, %get3A_2463] {strides = array<i32>} : memref<69x16xi32, #tpu.memory_space<vmem>>, vector<16xi32>,
      %add3A_2465 = vector.broadcast %mul3A_1937 : i32 to vector<16xi32>
      %add3A_2466 = arith.addi %get3A_2464, %add3A_2465 : vector<16xi32>
      tpu.vector_store_idx %arg18[%get3A_2456, %get3A_2460, %add3A_2466], %gather3A_2452 : memref<3x46x128xf32, #tpu.memory_space<vmem>>[vector<16xi32>, vector<16xi32>, vector<16xi32>], vector<16xf32>,
      %get3A_2467 = arith.constant 23 : i32
      %get3A_2468 = arith.index_cast %get3A_2467 : i32 to index
      %get3A_2469 = arith.constant 0 : index
      %get3A_2470 = tpu.vector_load %arg11[%get3A_2468, %get3A_2469] {strides = array<i32>} : memref<69x16xi32, #tpu.memory_space<vmem>>, vector<16xi32>,
      %get3A_2471 = arith.constant 23 : i32
      %get3A_2472 = arith.index_cast %get3A_2471 : i32 to index
      %get3A_2473 = arith.constant 0 : index
      %get3A_2474 = tpu.vector_load %arg12[%get3A_2472, %get3A_2473] {strides = array<i32>} : memref<69x16xi32, #tpu.memory_space<vmem>>, vector<16xi32>,
      %gather3A_2475 = tpu.vector_load_idx %arg17[%get3A_2470, %get3A_2474] : memref<936x16xf32, #tpu.memory_space<vmem>>[vector<16xi32>, vector<16xi32>], vector<16xf32>,
      %get3A_2476 = arith.constant 23 : i32
      %get3A_2477 = arith.index_cast %get3A_2476 : i32 to index
      %get3A_2478 = arith.constant 0 : index
      %get3A_2479 = tpu.vector_load %arg13[%get3A_2477, %get3A_2478] {strides = array<i32>} : memref<69x16xi32, #tpu.memory_space<vmem>>, vector<16xi32>,
      %get3A_2480 = arith.constant 23 : i32
      %get3A_2481 = arith.index_cast %get3A_2480 : i32 to index
      %get3A_2482 = arith.constant 0 : index
      %get3A_2483 = tpu.vector_load %arg14[%get3A_2481, %get3A_2482] {strides = array<i32>} : memref<69x16xi32, #tpu.memory_space<vmem>>, vector<16xi32>,
      %get3A_2484 = arith.constant 23 : i32
      %get3A_2485 = arith.index_cast %get3A_2484 : i32 to index
      %get3A_2486 = arith.constant 0 : index
      %get3A_2487 = tpu.vector_load %arg15[%get3A_2485, %get3A_2486] {strides = array<i32>} : memref<69x16xi32, #tpu.memory_space<vmem>>, vector<16xi32>,
      %add3A_2488 = vector.broadcast %mul3A_1937 : i32 to vector<16xi32>
      %add3A_2489 = arith.addi %get3A_2487, %add3A_2488 : vector<16xi32>
      tpu.vector_store_idx %arg18[%get3A_2479, %get3A_2483, %add3A_2489], %gather3A_2475 : memref<3x46x128xf32, #tpu.memory_space<vmem>>[vector<16xi32>, vector<16xi32>, vector<16xi32>], vector<16xf32>,
      %get3A_2490 = arith.constant 24 : i32
      %get3A_2491 = arith.index_cast %get3A_2490 : i32 to index
      %get3A_2492 = arith.constant 0 : index
      %get3A_2493 = tpu.vector_load %arg11[%get3A_2491, %get3A_2492] {strides = array<i32>} : memref<69x16xi32, #tpu.memory_space<vmem>>, vector<16xi32>,
      %get3A_2494 = arith.constant 24 : i32
      %get3A_2495 = arith.index_cast %get3A_2494 : i32 to index
      %get3A_2496 = arith.constant 0 : index
      %get3A_2497 = tpu.vector_load %arg12[%get3A_2495, %get3A_2496] {strides = array<i32>} : memref<69x16xi32, #tpu.memory_space<vmem>>, vector<16xi32>,
      %gather3A_2498 = tpu.vector_load_idx %arg17[%get3A_2493, %get3A_2497] : memref<936x16xf32, #tpu.memory_space<vmem>>[vector<16xi32>, vector<16xi32>], vector<16xf32>,
      %get3A_2499 = arith.constant 24 : i32
      %get3A_2500 = arith.index_cast %get3A_2499 : i32 to index
      %get3A_2501 = arith.constant 0 : index
      %get3A_2502 = tpu.vector_load %arg13[%get3A_2500, %get3A_2501] {strides = array<i32>} : memref<69x16xi32, #tpu.memory_space<vmem>>, vector<16xi32>,
      %get3A_2503 = arith.constant 24 : i32
      %get3A_2504 = arith.index_cast %get3A_2503 : i32 to index
      %get3A_2505 = arith.constant 0 : index
      %get3A_2506 = tpu.vector_load %arg14[%get3A_2504, %get3A_2505] {strides = array<i32>} : memref<69x16xi32, #tpu.memory_space<vmem>>, vector<16xi32>,
      %get3A_2507 = arith.constant 24 : i32
      %get3A_2508 = arith.index_cast %get3A_2507 : i32 to index
      %get3A_2509 = arith.constant 0 : index
      %get3A_2510 = tpu.vector_load %arg15[%get3A_2508, %get3A_2509] {strides = array<i32>} : memref<69x16xi32, #tpu.memory_space<vmem>>, vector<16xi32>,
      %add3A_2511 = vector.broadcast %mul3A_1937 : i32 to vector<16xi32>
      %add3A_2512 = arith.addi %get3A_2510, %add3A_2511 : vector<16xi32>
      tpu.vector_store_idx %arg18[%get3A_2502, %get3A_2506, %add3A_2512], %gather3A_2498 : memref<3x46x128xf32, #tpu.memory_space<vmem>>[vector<16xi32>, vector<16xi32>, vector<16xi32>], vector<16xf32>,
      %get3A_2513 = arith.constant 25 : i32
      %get3A_2514 = arith.index_cast %get3A_2513 : i32 to index
      %get3A_2515 = arith.constant 0 : index
      %get3A_2516 = tpu.vector_load %arg11[%get3A_2514, %get3A_2515] {strides = array<i32>} : memref<69x16xi32, #tpu.memory_space<vmem>>, vector<16xi32>,
      %get3A_2517 = arith.constant 25 : i32
      %get3A_2518 = arith.index_cast %get3A_2517 : i32 to index
      %get3A_2519 = arith.constant 0 : index
      %get3A_2520 = tpu.vector_load %arg12[%get3A_2518, %get3A_2519] {strides = array<i32>} : memref<69x16xi32, #tpu.memory_space<vmem>>, vector<16xi32>,
      %gather3A_2521 = tpu.vector_load_idx %arg17[%get3A_2516, %get3A_2520] : memref<936x16xf32, #tpu.memory_space<vmem>>[vector<16xi32>, vector<16xi32>], vector<16xf32>,
      %get3A_2522 = arith.constant 25 : i32
      %get3A_2523 = arith.index_cast %get3A_2522 : i32 to index
      %get3A_2524 = arith.constant 0 : index
      %get3A_2525 = tpu.vector_load %arg13[%get3A_2523, %get3A_2524] {strides = array<i32>} : memref<69x16xi32, #tpu.memory_space<vmem>>, vector<16xi32>,
      %get3A_2526 = arith.constant 25 : i32
      %get3A_2527 = arith.index_cast %get3A_2526 : i32 to index
      %get3A_2528 = arith.constant 0 : index
      %get3A_2529 = tpu.vector_load %arg14[%get3A_2527, %get3A_2528] {strides = array<i32>} : memref<69x16xi32, #tpu.memory_space<vmem>>, vector<16xi32>,
      %get3A_2530 = arith.constant 25 : i32
      %get3A_2531 = arith.index_cast %get3A_2530 : i32 to index
      %get3A_2532 = arith.constant 0 : index
      %get3A_2533 = tpu.vector_load %arg15[%get3A_2531, %get3A_2532] {strides = array<i32>} : memref<69x16xi32, #tpu.memory_space<vmem>>, vector<16xi32>,
      %add3A_2534 = vector.broadcast %mul3A_1937 : i32 to vector<16xi32>
      %add3A_2535 = arith.addi %get3A_2533, %add3A_2534 : vector<16xi32>
      tpu.vector_store_idx %arg18[%get3A_2525, %get3A_2529, %add3A_2535], %gather3A_2521 : memref<3x46x128xf32, #tpu.memory_space<vmem>>[vector<16xi32>, vector<16xi32>, vector<16xi32>], vector<16xf32>,
      %get3A_2536 = arith.constant 26 : i32
      %get3A_2537 = arith.index_cast %get3A_2536 : i32 to index
      %get3A_2538 = arith.constant 0 : index
      %get3A_2539 = tpu.vector_load %arg11[%get3A_2537, %get3A_2538] {strides = array<i32>} : memref<69x16xi32, #tpu.memory_space<vmem>>, vector<16xi32>,
      %get3A_2540 = arith.constant 26 : i32
      %get3A_2541 = arith.index_cast %get3A_2540 : i32 to index
      %get3A_2542 = arith.constant 0 : index
      %get3A_2543 = tpu.vector_load %arg12[%get3A_2541, %get3A_2542] {strides = array<i32>} : memref<69x16xi32, #tpu.memory_space<vmem>>, vector<16xi32>,
      %gather3A_2544 = tpu.vector_load_idx %arg17[%get3A_2539, %get3A_2543] : memref<936x16xf32, #tpu.memory_space<vmem>>[vector<16xi32>, vector<16xi32>], vector<16xf32>,
      %get3A_2545 = arith.constant 26 : i32
      %get3A_2546 = arith.index_cast %get3A_2545 : i32 to index
      %get3A_2547 = arith.constant 0 : index
      %get3A_2548 = tpu.vector_load %arg13[%get3A_2546, %get3A_2547] {strides = array<i32>} : memref<69x16xi32, #tpu.memory_space<vmem>>, vector<16xi32>,
      %get3A_2549 = arith.constant 26 : i32
      %get3A_2550 = arith.index_cast %get3A_2549 : i32 to index
      %get3A_2551 = arith.constant 0 : index
      %get3A_2552 = tpu.vector_load %arg14[%get3A_2550, %get3A_2551] {strides = array<i32>} : memref<69x16xi32, #tpu.memory_space<vmem>>, vector<16xi32>,
      %get3A_2553 = arith.constant 26 : i32
      %get3A_2554 = arith.index_cast %get3A_2553 : i32 to index
      %get3A_2555 = arith.constant 0 : index
      %get3A_2556 = tpu.vector_load %arg15[%get3A_2554, %get3A_2555] {strides = array<i32>} : memref<69x16xi32, #tpu.memory_space<vmem>>, vector<16xi32>,
      %add3A_2557 = vector.broadcast %mul3A_1937 : i32 to vector<16xi32>
      %add3A_2558 = arith.addi %get3A_2556, %add3A_2557 : vector<16xi32>
      tpu.vector_store_idx %arg18[%get3A_2548, %get3A_2552, %add3A_2558], %gather3A_2544 : memref<3x46x128xf32, #tpu.memory_space<vmem>>[vector<16xi32>, vector<16xi32>, vector<16xi32>], vector<16xf32>,
      %get3A_2559 = arith.constant 27 : i32
      %get3A_2560 = arith.index_cast %get3A_2559 : i32 to index
      %get3A_2561 = arith.constant 0 : index
      %get3A_2562 = tpu.vector_load %arg11[%get3A_2560, %get3A_2561] {strides = array<i32>} : memref<69x16xi32, #tpu.memory_space<vmem>>, vector<16xi32>,
      %get3A_2563 = arith.constant 27 : i32
      %get3A_2564 = arith.index_cast %get3A_2563 : i32 to index
      %get3A_2565 = arith.constant 0 : index
      %get3A_2566 = tpu.vector_load %arg12[%get3A_2564, %get3A_2565] {strides = array<i32>} : memref<69x16xi32, #tpu.memory_space<vmem>>, vector<16xi32>,
      %gather3A_2567 = tpu.vector_load_idx %arg17[%get3A_2562, %get3A_2566] : memref<936x16xf32, #tpu.memory_space<vmem>>[vector<16xi32>, vector<16xi32>], vector<16xf32>,
      %get3A_2568 = arith.constant 27 : i32
      %get3A_2569 = arith.index_cast %get3A_2568 : i32 to index
      %get3A_2570 = arith.constant 0 : index
      %get3A_2571 = tpu.vector_load %arg13[%get3A_2569, %get3A_2570] {strides = array<i32>} : memref<69x16xi32, #tpu.memory_space<vmem>>, vector<16xi32>,
      %get3A_2572 = arith.constant 27 : i32
      %get3A_2573 = arith.index_cast %get3A_2572 : i32 to index
      %get3A_2574 = arith.constant 0 : index
      %get3A_2575 = tpu.vector_load %arg14[%get3A_2573, %get3A_2574] {strides = array<i32>} : memref<69x16xi32, #tpu.memory_space<vmem>>, vector<16xi32>,
      %get3A_2576 = arith.constant 27 : i32
      %get3A_2577 = arith.index_cast %get3A_2576 : i32 to index
      %get3A_2578 = arith.constant 0 : index
      %get3A_2579 = tpu.vector_load %arg15[%get3A_2577, %get3A_2578] {strides = array<i32>} : memref<69x16xi32, #tpu.memory_space<vmem>>, vector<16xi32>,
      %add3A_2580 = vector.broadcast %mul3A_1937 : i32 to vector<16xi32>
      %add3A_2581 = arith.addi %get3A_2579, %add3A_2580 : vector<16xi32>
      tpu.vector_store_idx %arg18[%get3A_2571, %get3A_2575, %add3A_2581], %gather3A_2567 : memref<3x46x128xf32, #tpu.memory_space<vmem>>[vector<16xi32>, vector<16xi32>, vector<16xi32>], vector<16xf32>,
      %get3A_2582 = arith.constant 28 : i32
      %get3A_2583 = arith.index_cast %get3A_2582 : i32 to index
      %get3A_2584 = arith.constant 0 : index
      %get3A_2585 = tpu.vector_load %arg11[%get3A_2583, %get3A_2584] {strides = array<i32>} : memref<69x16xi32, #tpu.memory_space<vmem>>, vector<16xi32>,
      %get3A_2586 = arith.constant 28 : i32
      %get3A_2587 = arith.index_cast %get3A_2586 : i32 to index
      %get3A_2588 = arith.constant 0 : index
      %get3A_2589 = tpu.vector_load %arg12[%get3A_2587, %get3A_2588] {strides = array<i32>} : memref<69x16xi32, #tpu.memory_space<vmem>>, vector<16xi32>,
      %gather3A_2590 = tpu.vector_load_idx %arg17[%get3A_2585, %get3A_2589] : memref<936x16xf32, #tpu.memory_space<vmem>>[vector<16xi32>, vector<16xi32>], vector<16xf32>,
      %get3A_2591 = arith.constant 28 : i32
      %get3A_2592 = arith.index_cast %get3A_2591 : i32 to index
      %get3A_2593 = arith.constant 0 : index
      %get3A_2594 = tpu.vector_load %arg13[%get3A_2592, %get3A_2593] {strides = array<i32>} : memref<69x16xi32, #tpu.memory_space<vmem>>, vector<16xi32>,
      %get3A_2595 = arith.constant 28 : i32
      %get3A_2596 = arith.index_cast %get3A_2595 : i32 to index
      %get3A_2597 = arith.constant 0 : index
      %get3A_2598 = tpu.vector_load %arg14[%get3A_2596, %get3A_2597] {strides = array<i32>} : memref<69x16xi32, #tpu.memory_space<vmem>>, vector<16xi32>,
      %get3A_2599 = arith.constant 28 : i32
      %get3A_2600 = arith.index_cast %get3A_2599 : i32 to index
      %get3A_2601 = arith.constant 0 : index
      %get3A_2602 = tpu.vector_load %arg15[%get3A_2600, %get3A_2601] {strides = array<i32>} : memref<69x16xi32, #tpu.memory_space<vmem>>, vector<16xi32>,
      %add3A_2603 = vector.broadcast %mul3A_1937 : i32 to vector<16xi32>
      %add3A_2604 = arith.addi %get3A_2602, %add3A_2603 : vector<16xi32>
      tpu.vector_store_idx %arg18[%get3A_2594, %get3A_2598, %add3A_2604], %gather3A_2590 : memref<3x46x128xf32, #tpu.memory_space<vmem>>[vector<16xi32>, vector<16xi32>, vector<16xi32>], vector<16xf32>,
      %get3A_2605 = arith.constant 29 : i32
      %get3A_2606 = arith.index_cast %get3A_2605 : i32 to index
      %get3A_2607 = arith.constant 0 : index
      %get3A_2608 = tpu.vector_load %arg11[%get3A_2606, %get3A_2607] {strides = array<i32>} : memref<69x16xi32, #tpu.memory_space<vmem>>, vector<16xi32>,
      %get3A_2609 = arith.constant 29 : i32
      %get3A_2610 = arith.index_cast %get3A_2609 : i32 to index
      %get3A_2611 = arith.constant 0 : index
      %get3A_2612 = tpu.vector_load %arg12[%get3A_2610, %get3A_2611] {strides = array<i32>} : memref<69x16xi32, #tpu.memory_space<vmem>>, vector<16xi32>,
      %gather3A_2613 = tpu.vector_load_idx %arg17[%get3A_2608, %get3A_2612] : memref<936x16xf32, #tpu.memory_space<vmem>>[vector<16xi32>, vector<16xi32>], vector<16xf32>,
      %get3A_2614 = arith.constant 29 : i32
      %get3A_2615 = arith.index_cast %get3A_2614 : i32 to index
      %get3A_2616 = arith.constant 0 : index
      %get3A_2617 = tpu.vector_load %arg13[%get3A_2615, %get3A_2616] {strides = array<i32>} : memref<69x16xi32, #tpu.memory_space<vmem>>, vector<16xi32>,
      %get3A_2618 = arith.constant 29 : i32
      %get3A_2619 = arith.index_cast %get3A_2618 : i32 to index
      %get3A_2620 = arith.constant 0 : index
      %get3A_2621 = tpu.vector_load %arg14[%get3A_2619, %get3A_2620] {strides = array<i32>} : memref<69x16xi32, #tpu.memory_space<vmem>>, vector<16xi32>,
      %get3A_2622 = arith.constant 29 : i32
      %get3A_2623 = arith.index_cast %get3A_2622 : i32 to index
      %get3A_2624 = arith.constant 0 : index
      %get3A_2625 = tpu.vector_load %arg15[%get3A_2623, %get3A_2624] {strides = array<i32>} : memref<69x16xi32, #tpu.memory_space<vmem>>, vector<16xi32>,
      %add3A_2626 = vector.broadcast %mul3A_1937 : i32 to vector<16xi32>
      %add3A_2627 = arith.addi %get3A_2625, %add3A_2626 : vector<16xi32>
      tpu.vector_store_idx %arg18[%get3A_2617, %get3A_2621, %add3A_2627], %gather3A_2613 : memref<3x46x128xf32, #tpu.memory_space<vmem>>[vector<16xi32>, vector<16xi32>, vector<16xi32>], vector<16xf32>,
      %get3A_2628 = arith.constant 30 : i32
      %get3A_2629 = arith.index_cast %get3A_2628 : i32 to index
      %get3A_2630 = arith.constant 0 : index
      %get3A_2631 = tpu.vector_load %arg11[%get3A_2629, %get3A_2630] {strides = array<i32>} : memref<69x16xi32, #tpu.memory_space<vmem>>, vector<16xi32>,
      %get3A_2632 = arith.constant 30 : i32
      %get3A_2633 = arith.index_cast %get3A_2632 : i32 to index
      %get3A_2634 = arith.constant 0 : index
      %get3A_2635 = tpu.vector_load %arg12[%get3A_2633, %get3A_2634] {strides = array<i32>} : memref<69x16xi32, #tpu.memory_space<vmem>>, vector<16xi32>,
      %gather3A_2636 = tpu.vector_load_idx %arg17[%get3A_2631, %get3A_2635] : memref<936x16xf32, #tpu.memory_space<vmem>>[vector<16xi32>, vector<16xi32>], vector<16xf32>,
      %get3A_2637 = arith.constant 30 : i32
      %get3A_2638 = arith.index_cast %get3A_2637 : i32 to index
      %get3A_2639 = arith.constant 0 : index
      %get3A_2640 = tpu.vector_load %arg13[%get3A_2638, %get3A_2639] {strides = array<i32>} : memref<69x16xi32, #tpu.memory_space<vmem>>, vector<16xi32>,
      %get3A_2641 = arith.constant 30 : i32
      %get3A_2642 = arith.index_cast %get3A_2641 : i32 to index
      %get3A_2643 = arith.constant 0 : index
      %get3A_2644 = tpu.vector_load %arg14[%get3A_2642, %get3A_2643] {strides = array<i32>} : memref<69x16xi32, #tpu.memory_space<vmem>>, vector<16xi32>,
      %get3A_2645 = arith.constant 30 : i32
      %get3A_2646 = arith.index_cast %get3A_2645 : i32 to index
      %get3A_2647 = arith.constant 0 : index
      %get3A_2648 = tpu.vector_load %arg15[%get3A_2646, %get3A_2647] {strides = array<i32>} : memref<69x16xi32, #tpu.memory_space<vmem>>, vector<16xi32>,
      %add3A_2649 = vector.broadcast %mul3A_1937 : i32 to vector<16xi32>
      %add3A_2650 = arith.addi %get3A_2648, %add3A_2649 : vector<16xi32>
      tpu.vector_store_idx %arg18[%get3A_2640, %get3A_2644, %add3A_2650], %gather3A_2636 : memref<3x46x128xf32, #tpu.memory_space<vmem>>[vector<16xi32>, vector<16xi32>, vector<16xi32>], vector<16xf32>,
      %get3A_2651 = arith.constant 31 : i32
      %get3A_2652 = arith.index_cast %get3A_2651 : i32 to index
      %get3A_2653 = arith.constant 0 : index
      %get3A_2654 = tpu.vector_load %arg11[%get3A_2652, %get3A_2653] {strides = array<i32>} : memref<69x16xi32, #tpu.memory_space<vmem>>, vector<16xi32>,
      %get3A_2655 = arith.constant 31 : i32
      %get3A_2656 = arith.index_cast %get3A_2655 : i32 to index
      %get3A_2657 = arith.constant 0 : index
      %get3A_2658 = tpu.vector_load %arg12[%get3A_2656, %get3A_2657] {strides = array<i32>} : memref<69x16xi32, #tpu.memory_space<vmem>>, vector<16xi32>,
      %gather3A_2659 = tpu.vector_load_idx %arg17[%get3A_2654, %get3A_2658] : memref<936x16xf32, #tpu.memory_space<vmem>>[vector<16xi32>, vector<16xi32>], vector<16xf32>,
      %get3A_2660 = arith.constant 31 : i32
      %get3A_2661 = arith.index_cast %get3A_2660 : i32 to index
      %get3A_2662 = arith.constant 0 : index
      %get3A_2663 = tpu.vector_load %arg13[%get3A_2661, %get3A_2662] {strides = array<i32>} : memref<69x16xi32, #tpu.memory_space<vmem>>, vector<16xi32>,
      %get3A_2664 = arith.constant 31 : i32
      %get3A_2665 = arith.index_cast %get3A_2664 : i32 to index
      %get3A_2666 = arith.constant 0 : index
      %get3A_2667 = tpu.vector_load %arg14[%get3A_2665, %get3A_2666] {strides = array<i32>} : memref<69x16xi32, #tpu.memory_space<vmem>>, vector<16xi32>,
      %get3A_2668 = arith.constant 31 : i32
      %get3A_2669 = arith.index_cast %get3A_2668 : i32 to index
      %get3A_2670 = arith.constant 0 : index
      %get3A_2671 = tpu.vector_load %arg15[%get3A_2669, %get3A_2670] {strides = array<i32>} : memref<69x16xi32, #tpu.memory_space<vmem>>, vector<16xi32>,
      %add3A_2672 = vector.broadcast %mul3A_1937 : i32 to vector<16xi32>
      %add3A_2673 = arith.addi %get3A_2671, %add3A_2672 : vector<16xi32>
      tpu.vector_store_idx %arg18[%get3A_2663, %get3A_2667, %add3A_2673], %gather3A_2659 : memref<3x46x128xf32, #tpu.memory_space<vmem>>[vector<16xi32>, vector<16xi32>, vector<16xi32>], vector<16xf32>,
      %get3A_2674 = arith.constant 32 : i32
      %get3A_2675 = arith.index_cast %get3A_2674 : i32 to index
      %get3A_2676 = arith.constant 0 : index
      %get3A_2677 = tpu.vector_load %arg11[%get3A_2675, %get3A_2676] {strides = array<i32>} : memref<69x16xi32, #tpu.memory_space<vmem>>, vector<16xi32>,
      %get3A_2678 = arith.constant 32 : i32
      %get3A_2679 = arith.index_cast %get3A_2678 : i32 to index
      %get3A_2680 = arith.constant 0 : index
      %get3A_2681 = tpu.vector_load %arg12[%get3A_2679, %get3A_2680] {strides = array<i32>} : memref<69x16xi32, #tpu.memory_space<vmem>>, vector<16xi32>,
      %gather3A_2682 = tpu.vector_load_idx %arg17[%get3A_2677, %get3A_2681] : memref<936x16xf32, #tpu.memory_space<vmem>>[vector<16xi32>, vector<16xi32>], vector<16xf32>,
      %get3A_2683 = arith.constant 32 : i32
      %get3A_2684 = arith.index_cast %get3A_2683 : i32 to index
      %get3A_2685 = arith.constant 0 : index
      %get3A_2686 = tpu.vector_load %arg13[%get3A_2684, %get3A_2685] {strides = array<i32>} : memref<69x16xi32, #tpu.memory_space<vmem>>, vector<16xi32>,
      %get3A_2687 = arith.constant 32 : i32
      %get3A_2688 = arith.index_cast %get3A_2687 : i32 to index
      %get3A_2689 = arith.constant 0 : index
      %get3A_2690 = tpu.vector_load %arg14[%get3A_2688, %get3A_2689] {strides = array<i32>} : memref<69x16xi32, #tpu.memory_space<vmem>>, vector<16xi32>,
      %get3A_2691 = arith.constant 32 : i32
      %get3A_2692 = arith.index_cast %get3A_2691 : i32 to index
      %get3A_2693 = arith.constant 0 : index
      %get3A_2694 = tpu.vector_load %arg15[%get3A_2692, %get3A_2693] {strides = array<i32>} : memref<69x16xi32, #tpu.memory_space<vmem>>, vector<16xi32>,
      %add3A_2695 = vector.broadcast %mul3A_1937 : i32 to vector<16xi32>
      %add3A_2696 = arith.addi %get3A_2694, %add3A_2695 : vector<16xi32>
      tpu.vector_store_idx %arg18[%get3A_2686, %get3A_2690, %add3A_2696], %gather3A_2682 : memref<3x46x128xf32, #tpu.memory_space<vmem>>[vector<16xi32>, vector<16xi32>, vector<16xi32>], vector<16xf32>,
      %get3A_2697 = arith.constant 33 : i32
      %get3A_2698 = arith.index_cast %get3A_2697 : i32 to index
      %get3A_2699 = arith.constant 0 : index
      %get3A_2700 = tpu.vector_load %arg11[%get3A_2698, %get3A_2699] {strides = array<i32>} : memref<69x16xi32, #tpu.memory_space<vmem>>, vector<16xi32>,
      %get3A_2701 = arith.constant 33 : i32
      %get3A_2702 = arith.index_cast %get3A_2701 : i32 to index
      %get3A_2703 = arith.constant 0 : index
      %get3A_2704 = tpu.vector_load %arg12[%get3A_2702, %get3A_2703] {strides = array<i32>} : memref<69x16xi32, #tpu.memory_space<vmem>>, vector<16xi32>,
      %gather3A_2705 = tpu.vector_load_idx %arg17[%get3A_2700, %get3A_2704] : memref<936x16xf32, #tpu.memory_space<vmem>>[vector<16xi32>, vector<16xi32>], vector<16xf32>,
      %get3A_2706 = arith.constant 33 : i32
      %get3A_2707 = arith.index_cast %get3A_2706 : i32 to index
      %get3A_2708 = arith.constant 0 : index
      %get3A_2709 = tpu.vector_load %arg13[%get3A_2707, %get3A_2708] {strides = array<i32>} : memref<69x16xi32, #tpu.memory_space<vmem>>, vector<16xi32>,
      %get3A_2710 = arith.constant 33 : i32
      %get3A_2711 = arith.index_cast %get3A_2710 : i32 to index
      %get3A_2712 = arith.constant 0 : index
      %get3A_2713 = tpu.vector_load %arg14[%get3A_2711, %get3A_2712] {strides = array<i32>} : memref<69x16xi32, #tpu.memory_space<vmem>>, vector<16xi32>,
      %get3A_2714 = arith.constant 33 : i32
      %get3A_2715 = arith.index_cast %get3A_2714 : i32 to index
      %get3A_2716 = arith.constant 0 : index
      %get3A_2717 = tpu.vector_load %arg15[%get3A_2715, %get3A_2716] {strides = array<i32>} : memref<69x16xi32, #tpu.memory_space<vmem>>, vector<16xi32>,
      %add3A_2718 = vector.broadcast %mul3A_1937 : i32 to vector<16xi32>
      %add3A_2719 = arith.addi %get3A_2717, %add3A_2718 : vector<16xi32>
      tpu.vector_store_idx %arg18[%get3A_2709, %get3A_2713, %add3A_2719], %gather3A_2705 : memref<3x46x128xf32, #tpu.memory_space<vmem>>[vector<16xi32>, vector<16xi32>, vector<16xi32>], vector<16xf32>,
      %get3A_2720 = arith.constant 34 : i32
      %get3A_2721 = arith.index_cast %get3A_2720 : i32 to index
      %get3A_2722 = arith.constant 0 : index
      %get3A_2723 = tpu.vector_load %arg11[%get3A_2721, %get3A_2722] {strides = array<i32>} : memref<69x16xi32, #tpu.memory_space<vmem>>, vector<16xi32>,
      %get3A_2724 = arith.constant 34 : i32
      %get3A_2725 = arith.index_cast %get3A_2724 : i32 to index
      %get3A_2726 = arith.constant 0 : index
      %get3A_2727 = tpu.vector_load %arg12[%get3A_2725, %get3A_2726] {strides = array<i32>} : memref<69x16xi32, #tpu.memory_space<vmem>>, vector<16xi32>,
      %gather3A_2728 = tpu.vector_load_idx %arg17[%get3A_2723, %get3A_2727] : memref<936x16xf32, #tpu.memory_space<vmem>>[vector<16xi32>, vector<16xi32>], vector<16xf32>,
      %get3A_2729 = arith.constant 34 : i32
      %get3A_2730 = arith.index_cast %get3A_2729 : i32 to index
      %get3A_2731 = arith.constant 0 : index
      %get3A_2732 = tpu.vector_load %arg13[%get3A_2730, %get3A_2731] {strides = array<i32>} : memref<69x16xi32, #tpu.memory_space<vmem>>, vector<16xi32>,
      %get3A_2733 = arith.constant 34 : i32
      %get3A_2734 = arith.index_cast %get3A_2733 : i32 to index
      %get3A_2735 = arith.constant 0 : index
      %get3A_2736 = tpu.vector_load %arg14[%get3A_2734, %get3A_2735] {strides = array<i32>} : memref<69x16xi32, #tpu.memory_space<vmem>>, vector<16xi32>,
      %get3A_2737 = arith.constant 34 : i32
      %get3A_2738 = arith.index_cast %get3A_2737 : i32 to index
      %get3A_2739 = arith.constant 0 : index
      %get3A_2740 = tpu.vector_load %arg15[%get3A_2738, %get3A_2739] {strides = array<i32>} : memref<69x16xi32, #tpu.memory_space<vmem>>, vector<16xi32>,
      %add3A_2741 = vector.broadcast %mul3A_1937 : i32 to vector<16xi32>
      %add3A_2742 = arith.addi %get3A_2740, %add3A_2741 : vector<16xi32>
      tpu.vector_store_idx %arg18[%get3A_2732, %get3A_2736, %add3A_2742], %gather3A_2728 : memref<3x46x128xf32, #tpu.memory_space<vmem>>[vector<16xi32>, vector<16xi32>, vector<16xi32>], vector<16xf32>,
      %get3A_2743 = arith.constant 35 : i32
      %get3A_2744 = arith.index_cast %get3A_2743 : i32 to index
      %get3A_2745 = arith.constant 0 : index
      %get3A_2746 = tpu.vector_load %arg11[%get3A_2744, %get3A_2745] {strides = array<i32>} : memref<69x16xi32, #tpu.memory_space<vmem>>, vector<16xi32>,
      %get3A_2747 = arith.constant 35 : i32
      %get3A_2748 = arith.index_cast %get3A_2747 : i32 to index
      %get3A_2749 = arith.constant 0 : index
      %get3A_2750 = tpu.vector_load %arg12[%get3A_2748, %get3A_2749] {strides = array<i32>} : memref<69x16xi32, #tpu.memory_space<vmem>>, vector<16xi32>,
      %gather3A_2751 = tpu.vector_load_idx %arg17[%get3A_2746, %get3A_2750] : memref<936x16xf32, #tpu.memory_space<vmem>>[vector<16xi32>, vector<16xi32>], vector<16xf32>,
      %get3A_2752 = arith.constant 35 : i32
      %get3A_2753 = arith.index_cast %get3A_2752 : i32 to index
      %get3A_2754 = arith.constant 0 : index
      %get3A_2755 = tpu.vector_load %arg13[%get3A_2753, %get3A_2754] {strides = array<i32>} : memref<69x16xi32, #tpu.memory_space<vmem>>, vector<16xi32>,
      %get3A_2756 = arith.constant 35 : i32
      %get3A_2757 = arith.index_cast %get3A_2756 : i32 to index
      %get3A_2758 = arith.constant 0 : index
      %get3A_2759 = tpu.vector_load %arg14[%get3A_2757, %get3A_2758] {strides = array<i32>} : memref<69x16xi32, #tpu.memory_space<vmem>>, vector<16xi32>,
      %get3A_2760 = arith.constant 35 : i32
      %get3A_2761 = arith.index_cast %get3A_2760 : i32 to index
      %get3A_2762 = arith.constant 0 : index
      %get3A_2763 = tpu.vector_load %arg15[%get3A_2761, %get3A_2762] {strides = array<i32>} : memref<69x16xi32, #tpu.memory_space<vmem>>, vector<16xi32>,
      %add3A_2764 = vector.broadcast %mul3A_1937 : i32 to vector<16xi32>
      %add3A_2765 = arith.addi %get3A_2763, %add3A_2764 : vector<16xi32>
      tpu.vector_store_idx %arg18[%get3A_2755, %get3A_2759, %add3A_2765], %gather3A_2751 : memref<3x46x128xf32, #tpu.memory_space<vmem>>[vector<16xi32>, vector<16xi32>, vector<16xi32>], vector<16xf32>,
      %get3A_2766 = arith.constant 36 : i32
      %get3A_2767 = arith.index_cast %get3A_2766 : i32 to index
      %get3A_2768 = arith.constant 0 : index
      %get3A_2769 = tpu.vector_load %arg11[%get3A_2767, %get3A_2768] {strides = array<i32>} : memref<69x16xi32, #tpu.memory_space<vmem>>, vector<16xi32>,
      %get3A_2770 = arith.constant 36 : i32
      %get3A_2771 = arith.index_cast %get3A_2770 : i32 to index
      %get3A_2772 = arith.constant 0 : index
      %get3A_2773 = tpu.vector_load %arg12[%get3A_2771, %get3A_2772] {strides = array<i32>} : memref<69x16xi32, #tpu.memory_space<vmem>>, vector<16xi32>,
      %gather3A_2774 = tpu.vector_load_idx %arg17[%get3A_2769, %get3A_2773] : memref<936x16xf32, #tpu.memory_space<vmem>>[vector<16xi32>, vector<16xi32>], vector<16xf32>,
      %get3A_2775 = arith.constant 36 : i32
      %get3A_2776 = arith.index_cast %get3A_2775 : i32 to index
      %get3A_2777 = arith.constant 0 : index
      %get3A_2778 = tpu.vector_load %arg13[%get3A_2776, %get3A_2777] {strides = array<i32>} : memref<69x16xi32, #tpu.memory_space<vmem>>, vector<16xi32>,
      %get3A_2779 = arith.constant 36 : i32
      %get3A_2780 = arith.index_cast %get3A_2779 : i32 to index
      %get3A_2781 = arith.constant 0 : index
      %get3A_2782 = tpu.vector_load %arg14[%get3A_2780, %get3A_2781] {strides = array<i32>} : memref<69x16xi32, #tpu.memory_space<vmem>>, vector<16xi32>,
      %get3A_2783 = arith.constant 36 : i32
      %get3A_2784 = arith.index_cast %get3A_2783 : i32 to index
      %get3A_2785 = arith.constant 0 : index
      %get3A_2786 = tpu.vector_load %arg15[%get3A_2784, %get3A_2785] {strides = array<i32>} : memref<69x16xi32, #tpu.memory_space<vmem>>, vector<16xi32>,
      %add3A_2787 = vector.broadcast %mul3A_1937 : i32 to vector<16xi32>
      %add3A_2788 = arith.addi %get3A_2786, %add3A_2787 : vector<16xi32>
      tpu.vector_store_idx %arg18[%get3A_2778, %get3A_2782, %add3A_2788], %gather3A_2774 : memref<3x46x128xf32, #tpu.memory_space<vmem>>[vector<16xi32>, vector<16xi32>, vector<16xi32>], vector<16xf32>,
      %get3A_2789 = arith.constant 37 : i32
      %get3A_2790 = arith.index_cast %get3A_2789 : i32 to index
      %get3A_2791 = arith.constant 0 : index
      %get3A_2792 = tpu.vector_load %arg11[%get3A_2790, %get3A_2791] {strides = array<i32>} : memref<69x16xi32, #tpu.memory_space<vmem>>, vector<16xi32>,
      %get3A_2793 = arith.constant 37 : i32
      %get3A_2794 = arith.index_cast %get3A_2793 : i32 to index
      %get3A_2795 = arith.constant 0 : index
      %get3A_2796 = tpu.vector_load %arg12[%get3A_2794, %get3A_2795] {strides = array<i32>} : memref<69x16xi32, #tpu.memory_space<vmem>>, vector<16xi32>,
      %gather3A_2797 = tpu.vector_load_idx %arg17[%get3A_2792, %get3A_2796] : memref<936x16xf32, #tpu.memory_space<vmem>>[vector<16xi32>, vector<16xi32>], vector<16xf32>,
      %get3A_2798 = arith.constant 37 : i32
      %get3A_2799 = arith.index_cast %get3A_2798 : i32 to index
      %get3A_2800 = arith.constant 0 : index
      %get3A_2801 = tpu.vector_load %arg13[%get3A_2799, %get3A_2800] {strides = array<i32>} : memref<69x16xi32, #tpu.memory_space<vmem>>, vector<16xi32>,
      %get3A_2802 = arith.constant 37 : i32
      %get3A_2803 = arith.index_cast %get3A_2802 : i32 to index
      %get3A_2804 = arith.constant 0 : index
      %get3A_2805 = tpu.vector_load %arg14[%get3A_2803, %get3A_2804] {strides = array<i32>} : memref<69x16xi32, #tpu.memory_space<vmem>>, vector<16xi32>,
      %get3A_2806 = arith.constant 37 : i32
      %get3A_2807 = arith.index_cast %get3A_2806 : i32 to index
      %get3A_2808 = arith.constant 0 : index
      %get3A_2809 = tpu.vector_load %arg15[%get3A_2807, %get3A_2808] {strides = array<i32>} : memref<69x16xi32, #tpu.memory_space<vmem>>, vector<16xi32>,
      %add3A_2810 = vector.broadcast %mul3A_1937 : i32 to vector<16xi32>
      %add3A_2811 = arith.addi %get3A_2809, %add3A_2810 : vector<16xi32>
      tpu.vector_store_idx %arg18[%get3A_2801, %get3A_2805, %add3A_2811], %gather3A_2797 : memref<3x46x128xf32, #tpu.memory_space<vmem>>[vector<16xi32>, vector<16xi32>, vector<16xi32>], vector<16xf32>,
      %get3A_2812 = arith.constant 38 : i32
      %get3A_2813 = arith.index_cast %get3A_2812 : i32 to index
      %get3A_2814 = arith.constant 0 : index
      %get3A_2815 = tpu.vector_load %arg11[%get3A_2813, %get3A_2814] {strides = array<i32>} : memref<69x16xi32, #tpu.memory_space<vmem>>, vector<16xi32>,
      %get3A_2816 = arith.constant 38 : i32
      %get3A_2817 = arith.index_cast %get3A_2816 : i32 to index
      %get3A_2818 = arith.constant 0 : index
      %get3A_2819 = tpu.vector_load %arg12[%get3A_2817, %get3A_2818] {strides = array<i32>} : memref<69x16xi32, #tpu.memory_space<vmem>>, vector<16xi32>,
      %gather3A_2820 = tpu.vector_load_idx %arg17[%get3A_2815, %get3A_2819] : memref<936x16xf32, #tpu.memory_space<vmem>>[vector<16xi32>, vector<16xi32>], vector<16xf32>,
      %get3A_2821 = arith.constant 38 : i32
      %get3A_2822 = arith.index_cast %get3A_2821 : i32 to index
      %get3A_2823 = arith.constant 0 : index
      %get3A_2824 = tpu.vector_load %arg13[%get3A_2822, %get3A_2823] {strides = array<i32>} : memref<69x16xi32, #tpu.memory_space<vmem>>, vector<16xi32>,
      %get3A_2825 = arith.constant 38 : i32
      %get3A_2826 = arith.index_cast %get3A_2825 : i32 to index
      %get3A_2827 = arith.constant 0 : index
      %get3A_2828 = tpu.vector_load %arg14[%get3A_2826, %get3A_2827] {strides = array<i32>} : memref<69x16xi32, #tpu.memory_space<vmem>>, vector<16xi32>,
      %get3A_2829 = arith.constant 38 : i32
      %get3A_2830 = arith.index_cast %get3A_2829 : i32 to index
      %get3A_2831 = arith.constant 0 : index
      %get3A_2832 = tpu.vector_load %arg15[%get3A_2830, %get3A_2831] {strides = array<i32>} : memref<69x16xi32, #tpu.memory_space<vmem>>, vector<16xi32>,
      %add3A_2833 = vector.broadcast %mul3A_1937 : i32 to vector<16xi32>
      %add3A_2834 = arith.addi %get3A_2832, %add3A_2833 : vector<16xi32>
      tpu.vector_store_idx %arg18[%get3A_2824, %get3A_2828, %add3A_2834], %gather3A_2820 : memref<3x46x128xf32, #tpu.memory_space<vmem>>[vector<16xi32>, vector<16xi32>, vector<16xi32>], vector<16xf32>,
      %get3A_2835 = arith.constant 39 : i32
      %get3A_2836 = arith.index_cast %get3A_2835 : i32 to index
      %get3A_2837 = arith.constant 0 : index
      %get3A_2838 = tpu.vector_load %arg11[%get3A_2836, %get3A_2837] {strides = array<i32>} : memref<69x16xi32, #tpu.memory_space<vmem>>, vector<16xi32>,
      %get3A_2839 = arith.constant 39 : i32
      %get3A_2840 = arith.index_cast %get3A_2839 : i32 to index
      %get3A_2841 = arith.constant 0 : index
      %get3A_2842 = tpu.vector_load %arg12[%get3A_2840, %get3A_2841] {strides = array<i32>} : memref<69x16xi32, #tpu.memory_space<vmem>>, vector<16xi32>,
      %gather3A_2843 = tpu.vector_load_idx %arg17[%get3A_2838, %get3A_2842] : memref<936x16xf32, #tpu.memory_space<vmem>>[vector<16xi32>, vector<16xi32>], vector<16xf32>,
      %get3A_2844 = arith.constant 39 : i32
      %get3A_2845 = arith.index_cast %get3A_2844 : i32 to index
      %get3A_2846 = arith.constant 0 : index
      %get3A_2847 = tpu.vector_load %arg13[%get3A_2845, %get3A_2846] {strides = array<i32>} : memref<69x16xi32, #tpu.memory_space<vmem>>, vector<16xi32>,
      %get3A_2848 = arith.constant 39 : i32
      %get3A_2849 = arith.index_cast %get3A_2848 : i32 to index
      %get3A_2850 = arith.constant 0 : index
      %get3A_2851 = tpu.vector_load %arg14[%get3A_2849, %get3A_2850] {strides = array<i32>} : memref<69x16xi32, #tpu.memory_space<vmem>>, vector<16xi32>,
      %get3A_2852 = arith.constant 39 : i32
      %get3A_2853 = arith.index_cast %get3A_2852 : i32 to index
      %get3A_2854 = arith.constant 0 : index
      %get3A_2855 = tpu.vector_load %arg15[%get3A_2853, %get3A_2854] {strides = array<i32>} : memref<69x16xi32, #tpu.memory_space<vmem>>, vector<16xi32>,
      %add3A_2856 = vector.broadcast %mul3A_1937 : i32 to vector<16xi32>
      %add3A_2857 = arith.addi %get3A_2855, %add3A_2856 : vector<16xi32>
      tpu.vector_store_idx %arg18[%get3A_2847, %get3A_2851, %add3A_2857], %gather3A_2843 : memref<3x46x128xf32, #tpu.memory_space<vmem>>[vector<16xi32>, vector<16xi32>, vector<16xi32>], vector<16xf32>,
      %get3A_2858 = arith.constant 40 : i32
      %get3A_2859 = arith.index_cast %get3A_2858 : i32 to index
      %get3A_2860 = arith.constant 0 : index
      %get3A_2861 = tpu.vector_load %arg11[%get3A_2859, %get3A_2860] {strides = array<i32>} : memref<69x16xi32, #tpu.memory_space<vmem>>, vector<16xi32>,
      %get3A_2862 = arith.constant 40 : i32
      %get3A_2863 = arith.index_cast %get3A_2862 : i32 to index
      %get3A_2864 = arith.constant 0 : index
      %get3A_2865 = tpu.vector_load %arg12[%get3A_2863, %get3A_2864] {strides = array<i32>} : memref<69x16xi32, #tpu.memory_space<vmem>>, vector<16xi32>,
      %gather3A_2866 = tpu.vector_load_idx %arg17[%get3A_2861, %get3A_2865] : memref<936x16xf32, #tpu.memory_space<vmem>>[vector<16xi32>, vector<16xi32>], vector<16xf32>,
      %get3A_2867 = arith.constant 40 : i32
      %get3A_2868 = arith.index_cast %get3A_2867 : i32 to index
      %get3A_2869 = arith.constant 0 : index
      %get3A_2870 = tpu.vector_load %arg13[%get3A_2868, %get3A_2869] {strides = array<i32>} : memref<69x16xi32, #tpu.memory_space<vmem>>, vector<16xi32>,
      %get3A_2871 = arith.constant 40 : i32
      %get3A_2872 = arith.index_cast %get3A_2871 : i32 to index
      %get3A_2873 = arith.constant 0 : index
      %get3A_2874 = tpu.vector_load %arg14[%get3A_2872, %get3A_2873] {strides = array<i32>} : memref<69x16xi32, #tpu.memory_space<vmem>>, vector<16xi32>,
      %get3A_2875 = arith.constant 40 : i32
      %get3A_2876 = arith.index_cast %get3A_2875 : i32 to index
      %get3A_2877 = arith.constant 0 : index
      %get3A_2878 = tpu.vector_load %arg15[%get3A_2876, %get3A_2877] {strides = array<i32>} : memref<69x16xi32, #tpu.memory_space<vmem>>, vector<16xi32>,
      %add3A_2879 = vector.broadcast %mul3A_1937 : i32 to vector<16xi32>
      %add3A_2880 = arith.addi %get3A_2878, %add3A_2879 : vector<16xi32>
      tpu.vector_store_idx %arg18[%get3A_2870, %get3A_2874, %add3A_2880], %gather3A_2866 : memref<3x46x128xf32, #tpu.memory_space<vmem>>[vector<16xi32>, vector<16xi32>, vector<16xi32>], vector<16xf32>,
      %get3A_2881 = arith.constant 41 : i32
      %get3A_2882 = arith.index_cast %get3A_2881 : i32 to index
      %get3A_2883 = arith.constant 0 : index
      %get3A_2884 = tpu.vector_load %arg11[%get3A_2882, %get3A_2883] {strides = array<i32>} : memref<69x16xi32, #tpu.memory_space<vmem>>, vector<16xi32>,
      %get3A_2885 = arith.constant 41 : i32
      %get3A_2886 = arith.index_cast %get3A_2885 : i32 to index
      %get3A_2887 = arith.constant 0 : index
      %get3A_2888 = tpu.vector_load %arg12[%get3A_2886, %get3A_2887] {strides = array<i32>} : memref<69x16xi32, #tpu.memory_space<vmem>>, vector<16xi32>,
      %gather3A_2889 = tpu.vector_load_idx %arg17[%get3A_2884, %get3A_2888] : memref<936x16xf32, #tpu.memory_space<vmem>>[vector<16xi32>, vector<16xi32>], vector<16xf32>,
      %get3A_2890 = arith.constant 41 : i32
      %get3A_2891 = arith.index_cast %get3A_2890 : i32 to index
      %get3A_2892 = arith.constant 0 : index
      %get3A_2893 = tpu.vector_load %arg13[%get3A_2891, %get3A_2892] {strides = array<i32>} : memref<69x16xi32, #tpu.memory_space<vmem>>, vector<16xi32>,
      %get3A_2894 = arith.constant 41 : i32
      %get3A_2895 = arith.index_cast %get3A_2894 : i32 to index
      %get3A_2896 = arith.constant 0 : index
      %get3A_2897 = tpu.vector_load %arg14[%get3A_2895, %get3A_2896] {strides = array<i32>} : memref<69x16xi32, #tpu.memory_space<vmem>>, vector<16xi32>,
      %get3A_2898 = arith.constant 41 : i32
      %get3A_2899 = arith.index_cast %get3A_2898 : i32 to index
      %get3A_2900 = arith.constant 0 : index
      %get3A_2901 = tpu.vector_load %arg15[%get3A_2899, %get3A_2900] {strides = array<i32>} : memref<69x16xi32, #tpu.memory_space<vmem>>, vector<16xi32>,
      %add3A_2902 = vector.broadcast %mul3A_1937 : i32 to vector<16xi32>
      %add3A_2903 = arith.addi %get3A_2901, %add3A_2902 : vector<16xi32>
      tpu.vector_store_idx %arg18[%get3A_2893, %get3A_2897, %add3A_2903], %gather3A_2889 : memref<3x46x128xf32, #tpu.memory_space<vmem>>[vector<16xi32>, vector<16xi32>, vector<16xi32>], vector<16xf32>,
      %get3A_2904 = arith.constant 42 : i32
      %get3A_2905 = arith.index_cast %get3A_2904 : i32 to index
      %get3A_2906 = arith.constant 0 : index
      %get3A_2907 = tpu.vector_load %arg11[%get3A_2905, %get3A_2906] {strides = array<i32>} : memref<69x16xi32, #tpu.memory_space<vmem>>, vector<16xi32>,
      %get3A_2908 = arith.constant 42 : i32
      %get3A_2909 = arith.index_cast %get3A_2908 : i32 to index
      %get3A_2910 = arith.constant 0 : index
      %get3A_2911 = tpu.vector_load %arg12[%get3A_2909, %get3A_2910] {strides = array<i32>} : memref<69x16xi32, #tpu.memory_space<vmem>>, vector<16xi32>,
      %gather3A_2912 = tpu.vector_load_idx %arg17[%get3A_2907, %get3A_2911] : memref<936x16xf32, #tpu.memory_space<vmem>>[vector<16xi32>, vector<16xi32>], vector<16xf32>,
      %get3A_2913 = arith.constant 42 : i32
      %get3A_2914 = arith.index_cast %get3A_2913 : i32 to index
      %get3A_2915 = arith.constant 0 : index
      %get3A_2916 = tpu.vector_load %arg13[%get3A_2914, %get3A_2915] {strides = array<i32>} : memref<69x16xi32, #tpu.memory_space<vmem>>, vector<16xi32>,
      %get3A_2917 = arith.constant 42 : i32
      %get3A_2918 = arith.index_cast %get3A_2917 : i32 to index
      %get3A_2919 = arith.constant 0 : index
      %get3A_2920 = tpu.vector_load %arg14[%get3A_2918, %get3A_2919] {strides = array<i32>} : memref<69x16xi32, #tpu.memory_space<vmem>>, vector<16xi32>,
      %get3A_2921 = arith.constant 42 : i32
      %get3A_2922 = arith.index_cast %get3A_2921 : i32 to index
      %get3A_2923 = arith.constant 0 : index
      %get3A_2924 = tpu.vector_load %arg15[%get3A_2922, %get3A_2923] {strides = array<i32>} : memref<69x16xi32, #tpu.memory_space<vmem>>, vector<16xi32>,
      %add3A_2925 = vector.broadcast %mul3A_1937 : i32 to vector<16xi32>
      %add3A_2926 = arith.addi %get3A_2924, %add3A_2925 : vector<16xi32>
      tpu.vector_store_idx %arg18[%get3A_2916, %get3A_2920, %add3A_2926], %gather3A_2912 : memref<3x46x128xf32, #tpu.memory_space<vmem>>[vector<16xi32>, vector<16xi32>, vector<16xi32>], vector<16xf32>,
      %get3A_2927 = arith.constant 43 : i32
      %get3A_2928 = arith.index_cast %get3A_2927 : i32 to index
      %get3A_2929 = arith.constant 0 : index
      %get3A_2930 = tpu.vector_load %arg11[%get3A_2928, %get3A_2929] {strides = array<i32>} : memref<69x16xi32, #tpu.memory_space<vmem>>, vector<16xi32>,
      %get3A_2931 = arith.constant 43 : i32
      %get3A_2932 = arith.index_cast %get3A_2931 : i32 to index
      %get3A_2933 = arith.constant 0 : index
      %get3A_2934 = tpu.vector_load %arg12[%get3A_2932, %get3A_2933] {strides = array<i32>} : memref<69x16xi32, #tpu.memory_space<vmem>>, vector<16xi32>,
      %gather3A_2935 = tpu.vector_load_idx %arg17[%get3A_2930, %get3A_2934] : memref<936x16xf32, #tpu.memory_space<vmem>>[vector<16xi32>, vector<16xi32>], vector<16xf32>,
      %get3A_2936 = arith.constant 43 : i32
      %get3A_2937 = arith.index_cast %get3A_2936 : i32 to index
      %get3A_2938 = arith.constant 0 : index
      %get3A_2939 = tpu.vector_load %arg13[%get3A_2937, %get3A_2938] {strides = array<i32>} : memref<69x16xi32, #tpu.memory_space<vmem>>, vector<16xi32>,
      %get3A_2940 = arith.constant 43 : i32
      %get3A_2941 = arith.index_cast %get3A_2940 : i32 to index
      %get3A_2942 = arith.constant 0 : index
      %get3A_2943 = tpu.vector_load %arg14[%get3A_2941, %get3A_2942] {strides = array<i32>} : memref<69x16xi32, #tpu.memory_space<vmem>>, vector<16xi32>,
      %get3A_2944 = arith.constant 43 : i32
      %get3A_2945 = arith.index_cast %get3A_2944 : i32 to index
      %get3A_2946 = arith.constant 0 : index
      %get3A_2947 = tpu.vector_load %arg15[%get3A_2945, %get3A_2946] {strides = array<i32>} : memref<69x16xi32, #tpu.memory_space<vmem>>, vector<16xi32>,
      %add3A_2948 = vector.broadcast %mul3A_1937 : i32 to vector<16xi32>
      %add3A_2949 = arith.addi %get3A_2947, %add3A_2948 : vector<16xi32>
      tpu.vector_store_idx %arg18[%get3A_2939, %get3A_2943, %add3A_2949], %gather3A_2935 : memref<3x46x128xf32, #tpu.memory_space<vmem>>[vector<16xi32>, vector<16xi32>, vector<16xi32>], vector<16xf32>,
      %get3A_2950 = arith.constant 44 : i32
      %get3A_2951 = arith.index_cast %get3A_2950 : i32 to index
      %get3A_2952 = arith.constant 0 : index
      %get3A_2953 = tpu.vector_load %arg11[%get3A_2951, %get3A_2952] {strides = array<i32>} : memref<69x16xi32, #tpu.memory_space<vmem>>, vector<16xi32>,
      %get3A_2954 = arith.constant 44 : i32
      %get3A_2955 = arith.index_cast %get3A_2954 : i32 to index
      %get3A_2956 = arith.constant 0 : index
      %get3A_2957 = tpu.vector_load %arg12[%get3A_2955, %get3A_2956] {strides = array<i32>} : memref<69x16xi32, #tpu.memory_space<vmem>>, vector<16xi32>,
      %gather3A_2958 = tpu.vector_load_idx %arg17[%get3A_2953, %get3A_2957] : memref<936x16xf32, #tpu.memory_space<vmem>>[vector<16xi32>, vector<16xi32>], vector<16xf32>,
      %get3A_2959 = arith.constant 44 : i32
      %get3A_2960 = arith.index_cast %get3A_2959 : i32 to index
      %get3A_2961 = arith.constant 0 : index
      %get3A_2962 = tpu.vector_load %arg13[%get3A_2960, %get3A_2961] {strides = array<i32>} : memref<69x16xi32, #tpu.memory_space<vmem>>, vector<16xi32>,
      %get3A_2963 = arith.constant 44 : i32
      %get3A_2964 = arith.index_cast %get3A_2963 : i32 to index
      %get3A_2965 = arith.constant 0 : index
      %get3A_2966 = tpu.vector_load %arg14[%get3A_2964, %get3A_2965] {strides = array<i32>} : memref<69x16xi32, #tpu.memory_space<vmem>>, vector<16xi32>,
      %get3A_2967 = arith.constant 44 : i32
      %get3A_2968 = arith.index_cast %get3A_2967 : i32 to index
      %get3A_2969 = arith.constant 0 : index
      %get3A_2970 = tpu.vector_load %arg15[%get3A_2968, %get3A_2969] {strides = array<i32>} : memref<69x16xi32, #tpu.memory_space<vmem>>, vector<16xi32>,
      %add3A_2971 = vector.broadcast %mul3A_1937 : i32 to vector<16xi32>
      %add3A_2972 = arith.addi %get3A_2970, %add3A_2971 : vector<16xi32>
      tpu.vector_store_idx %arg18[%get3A_2962, %get3A_2966, %add3A_2972], %gather3A_2958 : memref<3x46x128xf32, #tpu.memory_space<vmem>>[vector<16xi32>, vector<16xi32>, vector<16xi32>], vector<16xf32>,
      %get3A_2973 = arith.constant 45 : i32
      %get3A_2974 = arith.index_cast %get3A_2973 : i32 to index
      %get3A_2975 = arith.constant 0 : index
      %get3A_2976 = tpu.vector_load %arg11[%get3A_2974, %get3A_2975] {strides = array<i32>} : memref<69x16xi32, #tpu.memory_space<vmem>>, vector<16xi32>,
      %get3A_2977 = arith.constant 45 : i32
      %get3A_2978 = arith.index_cast %get3A_2977 : i32 to index
      %get3A_2979 = arith.constant 0 : index
      %get3A_2980 = tpu.vector_load %arg12[%get3A_2978, %get3A_2979] {strides = array<i32>} : memref<69x16xi32, #tpu.memory_space<vmem>>, vector<16xi32>,
      %gather3A_2981 = tpu.vector_load_idx %arg17[%get3A_2976, %get3A_2980] : memref<936x16xf32, #tpu.memory_space<vmem>>[vector<16xi32>, vector<16xi32>], vector<16xf32>,
      %get3A_2982 = arith.constant 45 : i32
      %get3A_2983 = arith.index_cast %get3A_2982 : i32 to index
      %get3A_2984 = arith.constant 0 : index
      %get3A_2985 = tpu.vector_load %arg13[%get3A_2983, %get3A_2984] {strides = array<i32>} : memref<69x16xi32, #tpu.memory_space<vmem>>, vector<16xi32>,
      %get3A_2986 = arith.constant 45 : i32
      %get3A_2987 = arith.index_cast %get3A_2986 : i32 to index
      %get3A_2988 = arith.constant 0 : index
      %get3A_2989 = tpu.vector_load %arg14[%get3A_2987, %get3A_2988] {strides = array<i32>} : memref<69x16xi32, #tpu.memory_space<vmem>>, vector<16xi32>,
      %get3A_2990 = arith.constant 45 : i32
      %get3A_2991 = arith.index_cast %get3A_2990 : i32 to index
      %get3A_2992 = arith.constant 0 : index
      %get3A_2993 = tpu.vector_load %arg15[%get3A_2991, %get3A_2992] {strides = array<i32>} : memref<69x16xi32, #tpu.memory_space<vmem>>, vector<16xi32>,
      %add3A_2994 = vector.broadcast %mul3A_1937 : i32 to vector<16xi32>
      %add3A_2995 = arith.addi %get3A_2993, %add3A_2994 : vector<16xi32>
      tpu.vector_store_idx %arg18[%get3A_2985, %get3A_2989, %add3A_2995], %gather3A_2981 : memref<3x46x128xf32, #tpu.memory_space<vmem>>[vector<16xi32>, vector<16xi32>, vector<16xi32>], vector<16xf32>,
      %get3A_2996 = arith.constant 46 : i32
      %get3A_2997 = arith.index_cast %get3A_2996 : i32 to index
      %get3A_2998 = arith.constant 0 : index
      %get3A_2999 = tpu.vector_load %arg11[%get3A_2997, %get3A_2998] {strides = array<i32>} : memref<69x16xi32, #tpu.memory_space<vmem>>, vector<16xi32>,
      %get3A_3000 = arith.constant 46 : i32
      %get3A_3001 = arith.index_cast %get3A_3000 : i32 to index
      %get3A_3002 = arith.constant 0 : index
      %get3A_3003 = tpu.vector_load %arg12[%get3A_3001, %get3A_3002] {strides = array<i32>} : memref<69x16xi32, #tpu.memory_space<vmem>>, vector<16xi32>,
      %gather3A_3004 = tpu.vector_load_idx %arg17[%get3A_2999, %get3A_3003] : memref<936x16xf32, #tpu.memory_space<vmem>>[vector<16xi32>, vector<16xi32>], vector<16xf32>,
      %get3A_3005 = arith.constant 46 : i32
      %get3A_3006 = arith.index_cast %get3A_3005 : i32 to index
      %get3A_3007 = arith.constant 0 : index
      %get3A_3008 = tpu.vector_load %arg13[%get3A_3006, %get3A_3007] {strides = array<i32>} : memref<69x16xi32, #tpu.memory_space<vmem>>, vector<16xi32>,
      %get3A_3009 = arith.constant 46 : i32
      %get3A_3010 = arith.index_cast %get3A_3009 : i32 to index
      %get3A_3011 = arith.constant 0 : index
      %get3A_3012 = tpu.vector_load %arg14[%get3A_3010, %get3A_3011] {strides = array<i32>} : memref<69x16xi32, #tpu.memory_space<vmem>>, vector<16xi32>,
      %get3A_3013 = arith.constant 46 : i32
      %get3A_3014 = arith.index_cast %get3A_3013 : i32 to index
      %get3A_3015 = arith.constant 0 : index
      %get3A_3016 = tpu.vector_load %arg15[%get3A_3014, %get3A_3015] {strides = array<i32>} : memref<69x16xi32, #tpu.memory_space<vmem>>, vector<16xi32>,
      %add3A_3017 = vector.broadcast %mul3A_1937 : i32 to vector<16xi32>
      %add3A_3018 = arith.addi %get3A_3016, %add3A_3017 : vector<16xi32>
      tpu.vector_store_idx %arg18[%get3A_3008, %get3A_3012, %add3A_3018], %gather3A_3004 : memref<3x46x128xf32, #tpu.memory_space<vmem>>[vector<16xi32>, vector<16xi32>, vector<16xi32>], vector<16xf32>,
      %get3A_3019 = arith.constant 47 : i32
      %get3A_3020 = arith.index_cast %get3A_3019 : i32 to index
      %get3A_3021 = arith.constant 0 : index
      %get3A_3022 = tpu.vector_load %arg11[%get3A_3020, %get3A_3021] {strides = array<i32>} : memref<69x16xi32, #tpu.memory_space<vmem>>, vector<16xi32>,
      %get3A_3023 = arith.constant 47 : i32
      %get3A_3024 = arith.index_cast %get3A_3023 : i32 to index
      %get3A_3025 = arith.constant 0 : index
      %get3A_3026 = tpu.vector_load %arg12[%get3A_3024, %get3A_3025] {strides = array<i32>} : memref<69x16xi32, #tpu.memory_space<vmem>>, vector<16xi32>,
      %gather3A_3027 = tpu.vector_load_idx %arg17[%get3A_3022, %get3A_3026] : memref<936x16xf32, #tpu.memory_space<vmem>>[vector<16xi32>, vector<16xi32>], vector<16xf32>,
      %get3A_3028 = arith.constant 47 : i32
      %get3A_3029 = arith.index_cast %get3A_3028 : i32 to index
      %get3A_3030 = arith.constant 0 : index
      %get3A_3031 = tpu.vector_load %arg13[%get3A_3029, %get3A_3030] {strides = array<i32>} : memref<69x16xi32, #tpu.memory_space<vmem>>, vector<16xi32>,
      %get3A_3032 = arith.constant 47 : i32
      %get3A_3033 = arith.index_cast %get3A_3032 : i32 to index
      %get3A_3034 = arith.constant 0 : index
      %get3A_3035 = tpu.vector_load %arg14[%get3A_3033, %get3A_3034] {strides = array<i32>} : memref<69x16xi32, #tpu.memory_space<vmem>>, vector<16xi32>,
      %get3A_3036 = arith.constant 47 : i32
      %get3A_3037 = arith.index_cast %get3A_3036 : i32 to index
      %get3A_3038 = arith.constant 0 : index
      %get3A_3039 = tpu.vector_load %arg15[%get3A_3037, %get3A_3038] {strides = array<i32>} : memref<69x16xi32, #tpu.memory_space<vmem>>, vector<16xi32>,
      %add3A_3040 = vector.broadcast %mul3A_1937 : i32 to vector<16xi32>
      %add3A_3041 = arith.addi %get3A_3039, %add3A_3040 : vector<16xi32>
      tpu.vector_store_idx %arg18[%get3A_3031, %get3A_3035, %add3A_3041], %gather3A_3027 : memref<3x46x128xf32, #tpu.memory_space<vmem>>[vector<16xi32>, vector<16xi32>, vector<16xi32>], vector<16xf32>,
      %get3A_3042 = arith.constant 48 : i32
      %get3A_3043 = arith.index_cast %get3A_3042 : i32 to index
      %get3A_3044 = arith.constant 0 : index
      %get3A_3045 = tpu.vector_load %arg11[%get3A_3043, %get3A_3044] {strides = array<i32>} : memref<69x16xi32, #tpu.memory_space<vmem>>, vector<16xi32>,
      %get3A_3046 = arith.constant 48 : i32
      %get3A_3047 = arith.index_cast %get3A_3046 : i32 to index
      %get3A_3048 = arith.constant 0 : index
      %get3A_3049 = tpu.vector_load %arg12[%get3A_3047, %get3A_3048] {strides = array<i32>} : memref<69x16xi32, #tpu.memory_space<vmem>>, vector<16xi32>,
      %gather3A_3050 = tpu.vector_load_idx %arg17[%get3A_3045, %get3A_3049] : memref<936x16xf32, #tpu.memory_space<vmem>>[vector<16xi32>, vector<16xi32>], vector<16xf32>,
      %get3A_3051 = arith.constant 48 : i32
      %get3A_3052 = arith.index_cast %get3A_3051 : i32 to index
      %get3A_3053 = arith.constant 0 : index
      %get3A_3054 = tpu.vector_load %arg13[%get3A_3052, %get3A_3053] {strides = array<i32>} : memref<69x16xi32, #tpu.memory_space<vmem>>, vector<16xi32>,
      %get3A_3055 = arith.constant 48 : i32
      %get3A_3056 = arith.index_cast %get3A_3055 : i32 to index
      %get3A_3057 = arith.constant 0 : index
      %get3A_3058 = tpu.vector_load %arg14[%get3A_3056, %get3A_3057] {strides = array<i32>} : memref<69x16xi32, #tpu.memory_space<vmem>>, vector<16xi32>,
      %get3A_3059 = arith.constant 48 : i32
      %get3A_3060 = arith.index_cast %get3A_3059 : i32 to index
      %get3A_3061 = arith.constant 0 : index
      %get3A_3062 = tpu.vector_load %arg15[%get3A_3060, %get3A_3061] {strides = array<i32>} : memref<69x16xi32, #tpu.memory_space<vmem>>, vector<16xi32>,
      %add3A_3063 = vector.broadcast %mul3A_1937 : i32 to vector<16xi32>
      %add3A_3064 = arith.addi %get3A_3062, %add3A_3063 : vector<16xi32>
      tpu.vector_store_idx %arg18[%get3A_3054, %get3A_3058, %add3A_3064], %gather3A_3050 : memref<3x46x128xf32, #tpu.memory_space<vmem>>[vector<16xi32>, vector<16xi32>, vector<16xi32>], vector<16xf32>,
      %get3A_3065 = arith.constant 49 : i32
      %get3A_3066 = arith.index_cast %get3A_3065 : i32 to index
      %get3A_3067 = arith.constant 0 : index
      %get3A_3068 = tpu.vector_load %arg11[%get3A_3066, %get3A_3067] {strides = array<i32>} : memref<69x16xi32, #tpu.memory_space<vmem>>, vector<16xi32>,
      %get3A_3069 = arith.constant 49 : i32
      %get3A_3070 = arith.index_cast %get3A_3069 : i32 to index
      %get3A_3071 = arith.constant 0 : index
      %get3A_3072 = tpu.vector_load %arg12[%get3A_3070, %get3A_3071] {strides = array<i32>} : memref<69x16xi32, #tpu.memory_space<vmem>>, vector<16xi32>,
      %gather3A_3073 = tpu.vector_load_idx %arg17[%get3A_3068, %get3A_3072] : memref<936x16xf32, #tpu.memory_space<vmem>>[vector<16xi32>, vector<16xi32>], vector<16xf32>,
      %get3A_3074 = arith.constant 49 : i32
      %get3A_3075 = arith.index_cast %get3A_3074 : i32 to index
      %get3A_3076 = arith.constant 0 : index
      %get3A_3077 = tpu.vector_load %arg13[%get3A_3075, %get3A_3076] {strides = array<i32>} : memref<69x16xi32, #tpu.memory_space<vmem>>, vector<16xi32>,
      %get3A_3078 = arith.constant 49 : i32
      %get3A_3079 = arith.index_cast %get3A_3078 : i32 to index
      %get3A_3080 = arith.constant 0 : index
      %get3A_3081 = tpu.vector_load %arg14[%get3A_3079, %get3A_3080] {strides = array<i32>} : memref<69x16xi32, #tpu.memory_space<vmem>>, vector<16xi32>,
      %get3A_3082 = arith.constant 49 : i32
      %get3A_3083 = arith.index_cast %get3A_3082 : i32 to index
      %get3A_3084 = arith.constant 0 : index
      %get3A_3085 = tpu.vector_load %arg15[%get3A_3083, %get3A_3084] {strides = array<i32>} : memref<69x16xi32, #tpu.memory_space<vmem>>, vector<16xi32>,
      %add3A_3086 = vector.broadcast %mul3A_1937 : i32 to vector<16xi32>
      %add3A_3087 = arith.addi %get3A_3085, %add3A_3086 : vector<16xi32>
      tpu.vector_store_idx %arg18[%get3A_3077, %get3A_3081, %add3A_3087], %gather3A_3073 : memref<3x46x128xf32, #tpu.memory_space<vmem>>[vector<16xi32>, vector<16xi32>, vector<16xi32>], vector<16xf32>,
      %get3A_3088 = arith.constant 50 : i32
      %get3A_3089 = arith.index_cast %get3A_3088 : i32 to index
      %get3A_3090 = arith.constant 0 : index
      %get3A_3091 = tpu.vector_load %arg11[%get3A_3089, %get3A_3090] {strides = array<i32>} : memref<69x16xi32, #tpu.memory_space<vmem>>, vector<16xi32>,
      %get3A_3092 = arith.constant 50 : i32
      %get3A_3093 = arith.index_cast %get3A_3092 : i32 to index
      %get3A_3094 = arith.constant 0 : index
      %get3A_3095 = tpu.vector_load %arg12[%get3A_3093, %get3A_3094] {strides = array<i32>} : memref<69x16xi32, #tpu.memory_space<vmem>>, vector<16xi32>,
      %gather3A_3096 = tpu.vector_load_idx %arg17[%get3A_3091, %get3A_3095] : memref<936x16xf32, #tpu.memory_space<vmem>>[vector<16xi32>, vector<16xi32>], vector<16xf32>,
      %get3A_3097 = arith.constant 50 : i32
      %get3A_3098 = arith.index_cast %get3A_3097 : i32 to index
      %get3A_3099 = arith.constant 0 : index
      %get3A_3100 = tpu.vector_load %arg13[%get3A_3098, %get3A_3099] {strides = array<i32>} : memref<69x16xi32, #tpu.memory_space<vmem>>, vector<16xi32>,
      %get3A_3101 = arith.constant 50 : i32
      %get3A_3102 = arith.index_cast %get3A_3101 : i32 to index
      %get3A_3103 = arith.constant 0 : index
      %get3A_3104 = tpu.vector_load %arg14[%get3A_3102, %get3A_3103] {strides = array<i32>} : memref<69x16xi32, #tpu.memory_space<vmem>>, vector<16xi32>,
      %get3A_3105 = arith.constant 50 : i32
      %get3A_3106 = arith.index_cast %get3A_3105 : i32 to index
      %get3A_3107 = arith.constant 0 : index
      %get3A_3108 = tpu.vector_load %arg15[%get3A_3106, %get3A_3107] {strides = array<i32>} : memref<69x16xi32, #tpu.memory_space<vmem>>, vector<16xi32>,
      %add3A_3109 = vector.broadcast %mul3A_1937 : i32 to vector<16xi32>
      %add3A_3110 = arith.addi %get3A_3108, %add3A_3109 : vector<16xi32>
      tpu.vector_store_idx %arg18[%get3A_3100, %get3A_3104, %add3A_3110], %gather3A_3096 : memref<3x46x128xf32, #tpu.memory_space<vmem>>[vector<16xi32>, vector<16xi32>, vector<16xi32>], vector<16xf32>,
      %get3A_3111 = arith.constant 51 : i32
      %get3A_3112 = arith.index_cast %get3A_3111 : i32 to index
      %get3A_3113 = arith.constant 0 : index
      %get3A_3114 = tpu.vector_load %arg11[%get3A_3112, %get3A_3113] {strides = array<i32>} : memref<69x16xi32, #tpu.memory_space<vmem>>, vector<16xi32>,
      %get3A_3115 = arith.constant 51 : i32
      %get3A_3116 = arith.index_cast %get3A_3115 : i32 to index
      %get3A_3117 = arith.constant 0 : index
      %get3A_3118 = tpu.vector_load %arg12[%get3A_3116, %get3A_3117] {strides = array<i32>} : memref<69x16xi32, #tpu.memory_space<vmem>>, vector<16xi32>,
      %gather3A_3119 = tpu.vector_load_idx %arg17[%get3A_3114, %get3A_3118] : memref<936x16xf32, #tpu.memory_space<vmem>>[vector<16xi32>, vector<16xi32>], vector<16xf32>,
      %get3A_3120 = arith.constant 51 : i32
      %get3A_3121 = arith.index_cast %get3A_3120 : i32 to index
      %get3A_3122 = arith.constant 0 : index
      %get3A_3123 = tpu.vector_load %arg13[%get3A_3121, %get3A_3122] {strides = array<i32>} : memref<69x16xi32, #tpu.memory_space<vmem>>, vector<16xi32>,
      %get3A_3124 = arith.constant 51 : i32
      %get3A_3125 = arith.index_cast %get3A_3124 : i32 to index
      %get3A_3126 = arith.constant 0 : index
      %get3A_3127 = tpu.vector_load %arg14[%get3A_3125, %get3A_3126] {strides = array<i32>} : memref<69x16xi32, #tpu.memory_space<vmem>>, vector<16xi32>,
      %get3A_3128 = arith.constant 51 : i32
      %get3A_3129 = arith.index_cast %get3A_3128 : i32 to index
      %get3A_3130 = arith.constant 0 : index
      %get3A_3131 = tpu.vector_load %arg15[%get3A_3129, %get3A_3130] {strides = array<i32>} : memref<69x16xi32, #tpu.memory_space<vmem>>, vector<16xi32>,
      %add3A_3132 = vector.broadcast %mul3A_1937 : i32 to vector<16xi32>
      %add3A_3133 = arith.addi %get3A_3131, %add3A_3132 : vector<16xi32>
      tpu.vector_store_idx %arg18[%get3A_3123, %get3A_3127, %add3A_3133], %gather3A_3119 : memref<3x46x128xf32, #tpu.memory_space<vmem>>[vector<16xi32>, vector<16xi32>, vector<16xi32>], vector<16xf32>,
      %get3A_3134 = arith.constant 52 : i32
      %get3A_3135 = arith.index_cast %get3A_3134 : i32 to index
      %get3A_3136 = arith.constant 0 : index
      %get3A_3137 = tpu.vector_load %arg11[%get3A_3135, %get3A_3136] {strides = array<i32>} : memref<69x16xi32, #tpu.memory_space<vmem>>, vector<16xi32>,
      %get3A_3138 = arith.constant 52 : i32
      %get3A_3139 = arith.index_cast %get3A_3138 : i32 to index
      %get3A_3140 = arith.constant 0 : index
      %get3A_3141 = tpu.vector_load %arg12[%get3A_3139, %get3A_3140] {strides = array<i32>} : memref<69x16xi32, #tpu.memory_space<vmem>>, vector<16xi32>,
      %gather3A_3142 = tpu.vector_load_idx %arg17[%get3A_3137, %get3A_3141] : memref<936x16xf32, #tpu.memory_space<vmem>>[vector<16xi32>, vector<16xi32>], vector<16xf32>,
      %get3A_3143 = arith.constant 52 : i32
      %get3A_3144 = arith.index_cast %get3A_3143 : i32 to index
      %get3A_3145 = arith.constant 0 : index
      %get3A_3146 = tpu.vector_load %arg13[%get3A_3144, %get3A_3145] {strides = array<i32>} : memref<69x16xi32, #tpu.memory_space<vmem>>, vector<16xi32>,
      %get3A_3147 = arith.constant 52 : i32
      %get3A_3148 = arith.index_cast %get3A_3147 : i32 to index
      %get3A_3149 = arith.constant 0 : index
      %get3A_3150 = tpu.vector_load %arg14[%get3A_3148, %get3A_3149] {strides = array<i32>} : memref<69x16xi32, #tpu.memory_space<vmem>>, vector<16xi32>,
      %get3A_3151 = arith.constant 52 : i32
      %get3A_3152 = arith.index_cast %get3A_3151 : i32 to index
      %get3A_3153 = arith.constant 0 : index
      %get3A_3154 = tpu.vector_load %arg15[%get3A_3152, %get3A_3153] {strides = array<i32>} : memref<69x16xi32, #tpu.memory_space<vmem>>, vector<16xi32>,
      %add3A_3155 = vector.broadcast %mul3A_1937 : i32 to vector<16xi32>
      %add3A_3156 = arith.addi %get3A_3154, %add3A_3155 : vector<16xi32>
      tpu.vector_store_idx %arg18[%get3A_3146, %get3A_3150, %add3A_3156], %gather3A_3142 : memref<3x46x128xf32, #tpu.memory_space<vmem>>[vector<16xi32>, vector<16xi32>, vector<16xi32>], vector<16xf32>,
      %get3A_3157 = arith.constant 53 : i32
      %get3A_3158 = arith.index_cast %get3A_3157 : i32 to index
      %get3A_3159 = arith.constant 0 : index
      %get3A_3160 = tpu.vector_load %arg11[%get3A_3158, %get3A_3159] {strides = array<i32>} : memref<69x16xi32, #tpu.memory_space<vmem>>, vector<16xi32>,
      %get3A_3161 = arith.constant 53 : i32
      %get3A_3162 = arith.index_cast %get3A_3161 : i32 to index
      %get3A_3163 = arith.constant 0 : index
      %get3A_3164 = tpu.vector_load %arg12[%get3A_3162, %get3A_3163] {strides = array<i32>} : memref<69x16xi32, #tpu.memory_space<vmem>>, vector<16xi32>,
      %gather3A_3165 = tpu.vector_load_idx %arg17[%get3A_3160, %get3A_3164] : memref<936x16xf32, #tpu.memory_space<vmem>>[vector<16xi32>, vector<16xi32>], vector<16xf32>,
      %get3A_3166 = arith.constant 53 : i32
      %get3A_3167 = arith.index_cast %get3A_3166 : i32 to index
      %get3A_3168 = arith.constant 0 : index
      %get3A_3169 = tpu.vector_load %arg13[%get3A_3167, %get3A_3168] {strides = array<i32>} : memref<69x16xi32, #tpu.memory_space<vmem>>, vector<16xi32>,
      %get3A_3170 = arith.constant 53 : i32
      %get3A_3171 = arith.index_cast %get3A_3170 : i32 to index
      %get3A_3172 = arith.constant 0 : index
      %get3A_3173 = tpu.vector_load %arg14[%get3A_3171, %get3A_3172] {strides = array<i32>} : memref<69x16xi32, #tpu.memory_space<vmem>>, vector<16xi32>,
      %get3A_3174 = arith.constant 53 : i32
      %get3A_3175 = arith.index_cast %get3A_3174 : i32 to index
      %get3A_3176 = arith.constant 0 : index
      %get3A_3177 = tpu.vector_load %arg15[%get3A_3175, %get3A_3176] {strides = array<i32>} : memref<69x16xi32, #tpu.memory_space<vmem>>, vector<16xi32>,
      %add3A_3178 = vector.broadcast %mul3A_1937 : i32 to vector<16xi32>
      %add3A_3179 = arith.addi %get3A_3177, %add3A_3178 : vector<16xi32>
      tpu.vector_store_idx %arg18[%get3A_3169, %get3A_3173, %add3A_3179], %gather3A_3165 : memref<3x46x128xf32, #tpu.memory_space<vmem>>[vector<16xi32>, vector<16xi32>, vector<16xi32>], vector<16xf32>,
      %get3A_3180 = arith.constant 54 : i32
      %get3A_3181 = arith.index_cast %get3A_3180 : i32 to index
      %get3A_3182 = arith.constant 0 : index
      %get3A_3183 = tpu.vector_load %arg11[%get3A_3181, %get3A_3182] {strides = array<i32>} : memref<69x16xi32, #tpu.memory_space<vmem>>, vector<16xi32>,
      %get3A_3184 = arith.constant 54 : i32
      %get3A_3185 = arith.index_cast %get3A_3184 : i32 to index
      %get3A_3186 = arith.constant 0 : index
      %get3A_3187 = tpu.vector_load %arg12[%get3A_3185, %get3A_3186] {strides = array<i32>} : memref<69x16xi32, #tpu.memory_space<vmem>>, vector<16xi32>,
      %gather3A_3188 = tpu.vector_load_idx %arg17[%get3A_3183, %get3A_3187] : memref<936x16xf32, #tpu.memory_space<vmem>>[vector<16xi32>, vector<16xi32>], vector<16xf32>,
      %get3A_3189 = arith.constant 54 : i32
      %get3A_3190 = arith.index_cast %get3A_3189 : i32 to index
      %get3A_3191 = arith.constant 0 : index
      %get3A_3192 = tpu.vector_load %arg13[%get3A_3190, %get3A_3191] {strides = array<i32>} : memref<69x16xi32, #tpu.memory_space<vmem>>, vector<16xi32>,
      %get3A_3193 = arith.constant 54 : i32
      %get3A_3194 = arith.index_cast %get3A_3193 : i32 to index
      %get3A_3195 = arith.constant 0 : index
      %get3A_3196 = tpu.vector_load %arg14[%get3A_3194, %get3A_3195] {strides = array<i32>} : memref<69x16xi32, #tpu.memory_space<vmem>>, vector<16xi32>,
      %get3A_3197 = arith.constant 54 : i32
      %get3A_3198 = arith.index_cast %get3A_3197 : i32 to index
      %get3A_3199 = arith.constant 0 : index
      %get3A_3200 = tpu.vector_load %arg15[%get3A_3198, %get3A_3199] {strides = array<i32>} : memref<69x16xi32, #tpu.memory_space<vmem>>, vector<16xi32>,
      %add3A_3201 = vector.broadcast %mul3A_1937 : i32 to vector<16xi32>
      %add3A_3202 = arith.addi %get3A_3200, %add3A_3201 : vector<16xi32>
      tpu.vector_store_idx %arg18[%get3A_3192, %get3A_3196, %add3A_3202], %gather3A_3188 : memref<3x46x128xf32, #tpu.memory_space<vmem>>[vector<16xi32>, vector<16xi32>, vector<16xi32>], vector<16xf32>,
      %get3A_3203 = arith.constant 55 : i32
      %get3A_3204 = arith.index_cast %get3A_3203 : i32 to index
      %get3A_3205 = arith.constant 0 : index
      %get3A_3206 = tpu.vector_load %arg11[%get3A_3204, %get3A_3205] {strides = array<i32>} : memref<69x16xi32, #tpu.memory_space<vmem>>, vector<16xi32>,
      %get3A_3207 = arith.constant 55 : i32
      %get3A_3208 = arith.index_cast %get3A_3207 : i32 to index
      %get3A_3209 = arith.constant 0 : index
      %get3A_3210 = tpu.vector_load %arg12[%get3A_3208, %get3A_3209] {strides = array<i32>} : memref<69x16xi32, #tpu.memory_space<vmem>>, vector<16xi32>,
      %gather3A_3211 = tpu.vector_load_idx %arg17[%get3A_3206, %get3A_3210] : memref<936x16xf32, #tpu.memory_space<vmem>>[vector<16xi32>, vector<16xi32>], vector<16xf32>,
      %get3A_3212 = arith.constant 55 : i32
      %get3A_3213 = arith.index_cast %get3A_3212 : i32 to index
      %get3A_3214 = arith.constant 0 : index
      %get3A_3215 = tpu.vector_load %arg13[%get3A_3213, %get3A_3214] {strides = array<i32>} : memref<69x16xi32, #tpu.memory_space<vmem>>, vector<16xi32>,
      %get3A_3216 = arith.constant 55 : i32
      %get3A_3217 = arith.index_cast %get3A_3216 : i32 to index
      %get3A_3218 = arith.constant 0 : index
      %get3A_3219 = tpu.vector_load %arg14[%get3A_3217, %get3A_3218] {strides = array<i32>} : memref<69x16xi32, #tpu.memory_space<vmem>>, vector<16xi32>,
      %get3A_3220 = arith.constant 55 : i32
      %get3A_3221 = arith.index_cast %get3A_3220 : i32 to index
      %get3A_3222 = arith.constant 0 : index
      %get3A_3223 = tpu.vector_load %arg15[%get3A_3221, %get3A_3222] {strides = array<i32>} : memref<69x16xi32, #tpu.memory_space<vmem>>, vector<16xi32>,
      %add3A_3224 = vector.broadcast %mul3A_1937 : i32 to vector<16xi32>
      %add3A_3225 = arith.addi %get3A_3223, %add3A_3224 : vector<16xi32>
      tpu.vector_store_idx %arg18[%get3A_3215, %get3A_3219, %add3A_3225], %gather3A_3211 : memref<3x46x128xf32, #tpu.memory_space<vmem>>[vector<16xi32>, vector<16xi32>, vector<16xi32>], vector<16xf32>,
      %get3A_3226 = arith.constant 56 : i32
      %get3A_3227 = arith.index_cast %get3A_3226 : i32 to index
      %get3A_3228 = arith.constant 0 : index
      %get3A_3229 = tpu.vector_load %arg11[%get3A_3227, %get3A_3228] {strides = array<i32>} : memref<69x16xi32, #tpu.memory_space<vmem>>, vector<16xi32>,
      %get3A_3230 = arith.constant 56 : i32
      %get3A_3231 = arith.index_cast %get3A_3230 : i32 to index
      %get3A_3232 = arith.constant 0 : index
      %get3A_3233 = tpu.vector_load %arg12[%get3A_3231, %get3A_3232] {strides = array<i32>} : memref<69x16xi32, #tpu.memory_space<vmem>>, vector<16xi32>,
      %gather3A_3234 = tpu.vector_load_idx %arg17[%get3A_3229, %get3A_3233] : memref<936x16xf32, #tpu.memory_space<vmem>>[vector<16xi32>, vector<16xi32>], vector<16xf32>,
      %get3A_3235 = arith.constant 56 : i32
      %get3A_3236 = arith.index_cast %get3A_3235 : i32 to index
      %get3A_3237 = arith.constant 0 : index
      %get3A_3238 = tpu.vector_load %arg13[%get3A_3236, %get3A_3237] {strides = array<i32>} : memref<69x16xi32, #tpu.memory_space<vmem>>, vector<16xi32>,
      %get3A_3239 = arith.constant 56 : i32
      %get3A_3240 = arith.index_cast %get3A_3239 : i32 to index
      %get3A_3241 = arith.constant 0 : index
      %get3A_3242 = tpu.vector_load %arg14[%get3A_3240, %get3A_3241] {strides = array<i32>} : memref<69x16xi32, #tpu.memory_space<vmem>>, vector<16xi32>,
      %get3A_3243 = arith.constant 56 : i32
      %get3A_3244 = arith.index_cast %get3A_3243 : i32 to index
      %get3A_3245 = arith.constant 0 : index
      %get3A_3246 = tpu.vector_load %arg15[%get3A_3244, %get3A_3245] {strides = array<i32>} : memref<69x16xi32, #tpu.memory_space<vmem>>, vector<16xi32>,
      %add3A_3247 = vector.broadcast %mul3A_1937 : i32 to vector<16xi32>
      %add3A_3248 = arith.addi %get3A_3246, %add3A_3247 : vector<16xi32>
      tpu.vector_store_idx %arg18[%get3A_3238, %get3A_3242, %add3A_3248], %gather3A_3234 : memref<3x46x128xf32, #tpu.memory_space<vmem>>[vector<16xi32>, vector<16xi32>, vector<16xi32>], vector<16xf32>,
      %get3A_3249 = arith.constant 57 : i32
      %get3A_3250 = arith.index_cast %get3A_3249 : i32 to index
      %get3A_3251 = arith.constant 0 : index
      %get3A_3252 = tpu.vector_load %arg11[%get3A_3250, %get3A_3251] {strides = array<i32>} : memref<69x16xi32, #tpu.memory_space<vmem>>, vector<16xi32>,
      %get3A_3253 = arith.constant 57 : i32
      %get3A_3254 = arith.index_cast %get3A_3253 : i32 to index
      %get3A_3255 = arith.constant 0 : index
      %get3A_3256 = tpu.vector_load %arg12[%get3A_3254, %get3A_3255] {strides = array<i32>} : memref<69x16xi32, #tpu.memory_space<vmem>>, vector<16xi32>,
      %gather3A_3257 = tpu.vector_load_idx %arg17[%get3A_3252, %get3A_3256] : memref<936x16xf32, #tpu.memory_space<vmem>>[vector<16xi32>, vector<16xi32>], vector<16xf32>,
      %get3A_3258 = arith.constant 57 : i32
      %get3A_3259 = arith.index_cast %get3A_3258 : i32 to index
      %get3A_3260 = arith.constant 0 : index
      %get3A_3261 = tpu.vector_load %arg13[%get3A_3259, %get3A_3260] {strides = array<i32>} : memref<69x16xi32, #tpu.memory_space<vmem>>, vector<16xi32>,
      %get3A_3262 = arith.constant 57 : i32
      %get3A_3263 = arith.index_cast %get3A_3262 : i32 to index
      %get3A_3264 = arith.constant 0 : index
      %get3A_3265 = tpu.vector_load %arg14[%get3A_3263, %get3A_3264] {strides = array<i32>} : memref<69x16xi32, #tpu.memory_space<vmem>>, vector<16xi32>,
      %get3A_3266 = arith.constant 57 : i32
      %get3A_3267 = arith.index_cast %get3A_3266 : i32 to index
      %get3A_3268 = arith.constant 0 : index
      %get3A_3269 = tpu.vector_load %arg15[%get3A_3267, %get3A_3268] {strides = array<i32>} : memref<69x16xi32, #tpu.memory_space<vmem>>, vector<16xi32>,
      %add3A_3270 = vector.broadcast %mul3A_1937 : i32 to vector<16xi32>
      %add3A_3271 = arith.addi %get3A_3269, %add3A_3270 : vector<16xi32>
      tpu.vector_store_idx %arg18[%get3A_3261, %get3A_3265, %add3A_3271], %gather3A_3257 : memref<3x46x128xf32, #tpu.memory_space<vmem>>[vector<16xi32>, vector<16xi32>, vector<16xi32>], vector<16xf32>,
      %get3A_3272 = arith.constant 58 : i32
      %get3A_3273 = arith.index_cast %get3A_3272 : i32 to index
      %get3A_3274 = arith.constant 0 : index
      %get3A_3275 = tpu.vector_load %arg11[%get3A_3273, %get3A_3274] {strides = array<i32>} : memref<69x16xi32, #tpu.memory_space<vmem>>, vector<16xi32>,
      %get3A_3276 = arith.constant 58 : i32
      %get3A_3277 = arith.index_cast %get3A_3276 : i32 to index
      %get3A_3278 = arith.constant 0 : index
      %get3A_3279 = tpu.vector_load %arg12[%get3A_3277, %get3A_3278] {strides = array<i32>} : memref<69x16xi32, #tpu.memory_space<vmem>>, vector<16xi32>,
      %gather3A_3280 = tpu.vector_load_idx %arg17[%get3A_3275, %get3A_3279] : memref<936x16xf32, #tpu.memory_space<vmem>>[vector<16xi32>, vector<16xi32>], vector<16xf32>,
      %get3A_3281 = arith.constant 58 : i32
      %get3A_3282 = arith.index_cast %get3A_3281 : i32 to index
      %get3A_3283 = arith.constant 0 : index
      %get3A_3284 = tpu.vector_load %arg13[%get3A_3282, %get3A_3283] {strides = array<i32>} : memref<69x16xi32, #tpu.memory_space<vmem>>, vector<16xi32>,
      %get3A_3285 = arith.constant 58 : i32
      %get3A_3286 = arith.index_cast %get3A_3285 : i32 to index
      %get3A_3287 = arith.constant 0 : index
      %get3A_3288 = tpu.vector_load %arg14[%get3A_3286, %get3A_3287] {strides = array<i32>} : memref<69x16xi32, #tpu.memory_space<vmem>>, vector<16xi32>,
      %get3A_3289 = arith.constant 58 : i32
      %get3A_3290 = arith.index_cast %get3A_3289 : i32 to index
      %get3A_3291 = arith.constant 0 : index
      %get3A_3292 = tpu.vector_load %arg15[%get3A_3290, %get3A_3291] {strides = array<i32>} : memref<69x16xi32, #tpu.memory_space<vmem>>, vector<16xi32>,
      %add3A_3293 = vector.broadcast %mul3A_1937 : i32 to vector<16xi32>
      %add3A_3294 = arith.addi %get3A_3292, %add3A_3293 : vector<16xi32>
      tpu.vector_store_idx %arg18[%get3A_3284, %get3A_3288, %add3A_3294], %gather3A_3280 : memref<3x46x128xf32, #tpu.memory_space<vmem>>[vector<16xi32>, vector<16xi32>, vector<16xi32>], vector<16xf32>,
      %get3A_3295 = arith.constant 59 : i32
      %get3A_3296 = arith.index_cast %get3A_3295 : i32 to index
      %get3A_3297 = arith.constant 0 : index
      %get3A_3298 = tpu.vector_load %arg11[%get3A_3296, %get3A_3297] {strides = array<i32>} : memref<69x16xi32, #tpu.memory_space<vmem>>, vector<16xi32>,
      %get3A_3299 = arith.constant 59 : i32
      %get3A_3300 = arith.index_cast %get3A_3299 : i32 to index
      %get3A_3301 = arith.constant 0 : index
      %get3A_3302 = tpu.vector_load %arg12[%get3A_3300, %get3A_3301] {strides = array<i32>} : memref<69x16xi32, #tpu.memory_space<vmem>>, vector<16xi32>,
      %gather3A_3303 = tpu.vector_load_idx %arg17[%get3A_3298, %get3A_3302] : memref<936x16xf32, #tpu.memory_space<vmem>>[vector<16xi32>, vector<16xi32>], vector<16xf32>,
      %get3A_3304 = arith.constant 59 : i32
      %get3A_3305 = arith.index_cast %get3A_3304 : i32 to index
      %get3A_3306 = arith.constant 0 : index
      %get3A_3307 = tpu.vector_load %arg13[%get3A_3305, %get3A_3306] {strides = array<i32>} : memref<69x16xi32, #tpu.memory_space<vmem>>, vector<16xi32>,
      %get3A_3308 = arith.constant 59 : i32
      %get3A_3309 = arith.index_cast %get3A_3308 : i32 to index
      %get3A_3310 = arith.constant 0 : index
      %get3A_3311 = tpu.vector_load %arg14[%get3A_3309, %get3A_3310] {strides = array<i32>} : memref<69x16xi32, #tpu.memory_space<vmem>>, vector<16xi32>,
      %get3A_3312 = arith.constant 59 : i32
      %get3A_3313 = arith.index_cast %get3A_3312 : i32 to index
      %get3A_3314 = arith.constant 0 : index
      %get3A_3315 = tpu.vector_load %arg15[%get3A_3313, %get3A_3314] {strides = array<i32>} : memref<69x16xi32, #tpu.memory_space<vmem>>, vector<16xi32>,
      %add3A_3316 = vector.broadcast %mul3A_1937 : i32 to vector<16xi32>
      %add3A_3317 = arith.addi %get3A_3315, %add3A_3316 : vector<16xi32>
      tpu.vector_store_idx %arg18[%get3A_3307, %get3A_3311, %add3A_3317], %gather3A_3303 : memref<3x46x128xf32, #tpu.memory_space<vmem>>[vector<16xi32>, vector<16xi32>, vector<16xi32>], vector<16xf32>,
      %get3A_3318 = arith.constant 60 : i32
      %get3A_3319 = arith.index_cast %get3A_3318 : i32 to index
      %get3A_3320 = arith.constant 0 : index
      %get3A_3321 = tpu.vector_load %arg11[%get3A_3319, %get3A_3320] {strides = array<i32>} : memref<69x16xi32, #tpu.memory_space<vmem>>, vector<16xi32>,
      %get3A_3322 = arith.constant 60 : i32
      %get3A_3323 = arith.index_cast %get3A_3322 : i32 to index
      %get3A_3324 = arith.constant 0 : index
      %get3A_3325 = tpu.vector_load %arg12[%get3A_3323, %get3A_3324] {strides = array<i32>} : memref<69x16xi32, #tpu.memory_space<vmem>>, vector<16xi32>,
      %gather3A_3326 = tpu.vector_load_idx %arg17[%get3A_3321, %get3A_3325] : memref<936x16xf32, #tpu.memory_space<vmem>>[vector<16xi32>, vector<16xi32>], vector<16xf32>,
      %get3A_3327 = arith.constant 60 : i32
      %get3A_3328 = arith.index_cast %get3A_3327 : i32 to index
      %get3A_3329 = arith.constant 0 : index
      %get3A_3330 = tpu.vector_load %arg13[%get3A_3328, %get3A_3329] {strides = array<i32>} : memref<69x16xi32, #tpu.memory_space<vmem>>, vector<16xi32>,
      %get3A_3331 = arith.constant 60 : i32
      %get3A_3332 = arith.index_cast %get3A_3331 : i32 to index
      %get3A_3333 = arith.constant 0 : index
      %get3A_3334 = tpu.vector_load %arg14[%get3A_3332, %get3A_3333] {strides = array<i32>} : memref<69x16xi32, #tpu.memory_space<vmem>>, vector<16xi32>,
      %get3A_3335 = arith.constant 60 : i32
      %get3A_3336 = arith.index_cast %get3A_3335 : i32 to index
      %get3A_3337 = arith.constant 0 : index
      %get3A_3338 = tpu.vector_load %arg15[%get3A_3336, %get3A_3337] {strides = array<i32>} : memref<69x16xi32, #tpu.memory_space<vmem>>, vector<16xi32>,
      %add3A_3339 = vector.broadcast %mul3A_1937 : i32 to vector<16xi32>
      %add3A_3340 = arith.addi %get3A_3338, %add3A_3339 : vector<16xi32>
      tpu.vector_store_idx %arg18[%get3A_3330, %get3A_3334, %add3A_3340], %gather3A_3326 : memref<3x46x128xf32, #tpu.memory_space<vmem>>[vector<16xi32>, vector<16xi32>, vector<16xi32>], vector<16xf32>,
      %get3A_3341 = arith.constant 61 : i32
      %get3A_3342 = arith.index_cast %get3A_3341 : i32 to index
      %get3A_3343 = arith.constant 0 : index
      %get3A_3344 = tpu.vector_load %arg11[%get3A_3342, %get3A_3343] {strides = array<i32>} : memref<69x16xi32, #tpu.memory_space<vmem>>, vector<16xi32>,
      %get3A_3345 = arith.constant 61 : i32
      %get3A_3346 = arith.index_cast %get3A_3345 : i32 to index
      %get3A_3347 = arith.constant 0 : index
      %get3A_3348 = tpu.vector_load %arg12[%get3A_3346, %get3A_3347] {strides = array<i32>} : memref<69x16xi32, #tpu.memory_space<vmem>>, vector<16xi32>,
      %gather3A_3349 = tpu.vector_load_idx %arg17[%get3A_3344, %get3A_3348] : memref<936x16xf32, #tpu.memory_space<vmem>>[vector<16xi32>, vector<16xi32>], vector<16xf32>,
      %get3A_3350 = arith.constant 61 : i32
      %get3A_3351 = arith.index_cast %get3A_3350 : i32 to index
      %get3A_3352 = arith.constant 0 : index
      %get3A_3353 = tpu.vector_load %arg13[%get3A_3351, %get3A_3352] {strides = array<i32>} : memref<69x16xi32, #tpu.memory_space<vmem>>, vector<16xi32>,
      %get3A_3354 = arith.constant 61 : i32
      %get3A_3355 = arith.index_cast %get3A_3354 : i32 to index
      %get3A_3356 = arith.constant 0 : index
      %get3A_3357 = tpu.vector_load %arg14[%get3A_3355, %get3A_3356] {strides = array<i32>} : memref<69x16xi32, #tpu.memory_space<vmem>>, vector<16xi32>,
      %get3A_3358 = arith.constant 61 : i32
      %get3A_3359 = arith.index_cast %get3A_3358 : i32 to index
      %get3A_3360 = arith.constant 0 : index
      %get3A_3361 = tpu.vector_load %arg15[%get3A_3359, %get3A_3360] {strides = array<i32>} : memref<69x16xi32, #tpu.memory_space<vmem>>, vector<16xi32>,
      %add3A_3362 = vector.broadcast %mul3A_1937 : i32 to vector<16xi32>
      %add3A_3363 = arith.addi %get3A_3361, %add3A_3362 : vector<16xi32>
      tpu.vector_store_idx %arg18[%get3A_3353, %get3A_3357, %add3A_3363], %gather3A_3349 : memref<3x46x128xf32, #tpu.memory_space<vmem>>[vector<16xi32>, vector<16xi32>, vector<16xi32>], vector<16xf32>,
      %get3A_3364 = arith.constant 62 : i32
      %get3A_3365 = arith.index_cast %get3A_3364 : i32 to index
      %get3A_3366 = arith.constant 0 : index
      %get3A_3367 = tpu.vector_load %arg11[%get3A_3365, %get3A_3366] {strides = array<i32>} : memref<69x16xi32, #tpu.memory_space<vmem>>, vector<16xi32>,
      %get3A_3368 = arith.constant 62 : i32
      %get3A_3369 = arith.index_cast %get3A_3368 : i32 to index
      %get3A_3370 = arith.constant 0 : index
      %get3A_3371 = tpu.vector_load %arg12[%get3A_3369, %get3A_3370] {strides = array<i32>} : memref<69x16xi32, #tpu.memory_space<vmem>>, vector<16xi32>,
      %gather3A_3372 = tpu.vector_load_idx %arg17[%get3A_3367, %get3A_3371] : memref<936x16xf32, #tpu.memory_space<vmem>>[vector<16xi32>, vector<16xi32>], vector<16xf32>,
      %get3A_3373 = arith.constant 62 : i32
      %get3A_3374 = arith.index_cast %get3A_3373 : i32 to index
      %get3A_3375 = arith.constant 0 : index
      %get3A_3376 = tpu.vector_load %arg13[%get3A_3374, %get3A_3375] {strides = array<i32>} : memref<69x16xi32, #tpu.memory_space<vmem>>, vector<16xi32>,
      %get3A_3377 = arith.constant 62 : i32
      %get3A_3378 = arith.index_cast %get3A_3377 : i32 to index
      %get3A_3379 = arith.constant 0 : index
      %get3A_3380 = tpu.vector_load %arg14[%get3A_3378, %get3A_3379] {strides = array<i32>} : memref<69x16xi32, #tpu.memory_space<vmem>>, vector<16xi32>,
      %get3A_3381 = arith.constant 62 : i32
      %get3A_3382 = arith.index_cast %get3A_3381 : i32 to index
      %get3A_3383 = arith.constant 0 : index
      %get3A_3384 = tpu.vector_load %arg15[%get3A_3382, %get3A_3383] {strides = array<i32>} : memref<69x16xi32, #tpu.memory_space<vmem>>, vector<16xi32>,
      %add3A_3385 = vector.broadcast %mul3A_1937 : i32 to vector<16xi32>
      %add3A_3386 = arith.addi %get3A_3384, %add3A_3385 : vector<16xi32>
      tpu.vector_store_idx %arg18[%get3A_3376, %get3A_3380, %add3A_3386], %gather3A_3372 : memref<3x46x128xf32, #tpu.memory_space<vmem>>[vector<16xi32>, vector<16xi32>, vector<16xi32>], vector<16xf32>,
      %get3A_3387 = arith.constant 63 : i32
      %get3A_3388 = arith.index_cast %get3A_3387 : i32 to index
      %get3A_3389 = arith.constant 0 : index
      %get3A_3390 = tpu.vector_load %arg11[%get3A_3388, %get3A_3389] {strides = array<i32>} : memref<69x16xi32, #tpu.memory_space<vmem>>, vector<16xi32>,
      %get3A_3391 = arith.constant 63 : i32
      %get3A_3392 = arith.index_cast %get3A_3391 : i32 to index
      %get3A_3393 = arith.constant 0 : index
      %get3A_3394 = tpu.vector_load %arg12[%get3A_3392, %get3A_3393] {strides = array<i32>} : memref<69x16xi32, #tpu.memory_space<vmem>>, vector<16xi32>,
      %gather3A_3395 = tpu.vector_load_idx %arg17[%get3A_3390, %get3A_3394] : memref<936x16xf32, #tpu.memory_space<vmem>>[vector<16xi32>, vector<16xi32>], vector<16xf32>,
      %get3A_3396 = arith.constant 63 : i32
      %get3A_3397 = arith.index_cast %get3A_3396 : i32 to index
      %get3A_3398 = arith.constant 0 : index
      %get3A_3399 = tpu.vector_load %arg13[%get3A_3397, %get3A_3398] {strides = array<i32>} : memref<69x16xi32, #tpu.memory_space<vmem>>, vector<16xi32>,
      %get3A_3400 = arith.constant 63 : i32
      %get3A_3401 = arith.index_cast %get3A_3400 : i32 to index
      %get3A_3402 = arith.constant 0 : index
      %get3A_3403 = tpu.vector_load %arg14[%get3A_3401, %get3A_3402] {strides = array<i32>} : memref<69x16xi32, #tpu.memory_space<vmem>>, vector<16xi32>,
      %get3A_3404 = arith.constant 63 : i32
      %get3A_3405 = arith.index_cast %get3A_3404 : i32 to index
      %get3A_3406 = arith.constant 0 : index
      %get3A_3407 = tpu.vector_load %arg15[%get3A_3405, %get3A_3406] {strides = array<i32>} : memref<69x16xi32, #tpu.memory_space<vmem>>, vector<16xi32>,
      %add3A_3408 = vector.broadcast %mul3A_1937 : i32 to vector<16xi32>
      %add3A_3409 = arith.addi %get3A_3407, %add3A_3408 : vector<16xi32>
      tpu.vector_store_idx %arg18[%get3A_3399, %get3A_3403, %add3A_3409], %gather3A_3395 : memref<3x46x128xf32, #tpu.memory_space<vmem>>[vector<16xi32>, vector<16xi32>, vector<16xi32>], vector<16xf32>,
      %get3A_3410 = arith.constant 64 : i32
      %get3A_3411 = arith.index_cast %get3A_3410 : i32 to index
      %get3A_3412 = arith.constant 0 : index
      %get3A_3413 = tpu.vector_load %arg11[%get3A_3411, %get3A_3412] {strides = array<i32>} : memref<69x16xi32, #tpu.memory_space<vmem>>, vector<16xi32>,
      %get3A_3414 = arith.constant 64 : i32
      %get3A_3415 = arith.index_cast %get3A_3414 : i32 to index
      %get3A_3416 = arith.constant 0 : index
      %get3A_3417 = tpu.vector_load %arg12[%get3A_3415, %get3A_3416] {strides = array<i32>} : memref<69x16xi32, #tpu.memory_space<vmem>>, vector<16xi32>,
      %gather3A_3418 = tpu.vector_load_idx %arg17[%get3A_3413, %get3A_3417] : memref<936x16xf32, #tpu.memory_space<vmem>>[vector<16xi32>, vector<16xi32>], vector<16xf32>,
      %get3A_3419 = arith.constant 64 : i32
      %get3A_3420 = arith.index_cast %get3A_3419 : i32 to index
      %get3A_3421 = arith.constant 0 : index
      %get3A_3422 = tpu.vector_load %arg13[%get3A_3420, %get3A_3421] {strides = array<i32>} : memref<69x16xi32, #tpu.memory_space<vmem>>, vector<16xi32>,
      %get3A_3423 = arith.constant 64 : i32
      %get3A_3424 = arith.index_cast %get3A_3423 : i32 to index
      %get3A_3425 = arith.constant 0 : index
      %get3A_3426 = tpu.vector_load %arg14[%get3A_3424, %get3A_3425] {strides = array<i32>} : memref<69x16xi32, #tpu.memory_space<vmem>>, vector<16xi32>,
      %get3A_3427 = arith.constant 64 : i32
      %get3A_3428 = arith.index_cast %get3A_3427 : i32 to index
      %get3A_3429 = arith.constant 0 : index
      %get3A_3430 = tpu.vector_load %arg15[%get3A_3428, %get3A_3429] {strides = array<i32>} : memref<69x16xi32, #tpu.memory_space<vmem>>, vector<16xi32>,
      %add3A_3431 = vector.broadcast %mul3A_1937 : i32 to vector<16xi32>
      %add3A_3432 = arith.addi %get3A_3430, %add3A_3431 : vector<16xi32>
      tpu.vector_store_idx %arg18[%get3A_3422, %get3A_3426, %add3A_3432], %gather3A_3418 : memref<3x46x128xf32, #tpu.memory_space<vmem>>[vector<16xi32>, vector<16xi32>, vector<16xi32>], vector<16xf32>,
      %get3A_3433 = arith.constant 65 : i32
      %get3A_3434 = arith.index_cast %get3A_3433 : i32 to index
      %get3A_3435 = arith.constant 0 : index
      %get3A_3436 = tpu.vector_load %arg11[%get3A_3434, %get3A_3435] {strides = array<i32>} : memref<69x16xi32, #tpu.memory_space<vmem>>, vector<16xi32>,
      %get3A_3437 = arith.constant 65 : i32
      %get3A_3438 = arith.index_cast %get3A_3437 : i32 to index
      %get3A_3439 = arith.constant 0 : index
      %get3A_3440 = tpu.vector_load %arg12[%get3A_3438, %get3A_3439] {strides = array<i32>} : memref<69x16xi32, #tpu.memory_space<vmem>>, vector<16xi32>,
      %gather3A_3441 = tpu.vector_load_idx %arg17[%get3A_3436, %get3A_3440] : memref<936x16xf32, #tpu.memory_space<vmem>>[vector<16xi32>, vector<16xi32>], vector<16xf32>,
      %get3A_3442 = arith.constant 65 : i32
      %get3A_3443 = arith.index_cast %get3A_3442 : i32 to index
      %get3A_3444 = arith.constant 0 : index
      %get3A_3445 = tpu.vector_load %arg13[%get3A_3443, %get3A_3444] {strides = array<i32>} : memref<69x16xi32, #tpu.memory_space<vmem>>, vector<16xi32>,
      %get3A_3446 = arith.constant 65 : i32
      %get3A_3447 = arith.index_cast %get3A_3446 : i32 to index
      %get3A_3448 = arith.constant 0 : index
      %get3A_3449 = tpu.vector_load %arg14[%get3A_3447, %get3A_3448] {strides = array<i32>} : memref<69x16xi32, #tpu.memory_space<vmem>>, vector<16xi32>,
      %get3A_3450 = arith.constant 65 : i32
      %get3A_3451 = arith.index_cast %get3A_3450 : i32 to index
      %get3A_3452 = arith.constant 0 : index
      %get3A_3453 = tpu.vector_load %arg15[%get3A_3451, %get3A_3452] {strides = array<i32>} : memref<69x16xi32, #tpu.memory_space<vmem>>, vector<16xi32>,
      %add3A_3454 = vector.broadcast %mul3A_1937 : i32 to vector<16xi32>
      %add3A_3455 = arith.addi %get3A_3453, %add3A_3454 : vector<16xi32>
      tpu.vector_store_idx %arg18[%get3A_3445, %get3A_3449, %add3A_3455], %gather3A_3441 : memref<3x46x128xf32, #tpu.memory_space<vmem>>[vector<16xi32>, vector<16xi32>, vector<16xi32>], vector<16xf32>,
      %get3A_3456 = arith.constant 66 : i32
      %get3A_3457 = arith.index_cast %get3A_3456 : i32 to index
      %get3A_3458 = arith.constant 0 : index
      %get3A_3459 = tpu.vector_load %arg11[%get3A_3457, %get3A_3458] {strides = array<i32>} : memref<69x16xi32, #tpu.memory_space<vmem>>, vector<16xi32>,
      %get3A_3460 = arith.constant 66 : i32
      %get3A_3461 = arith.index_cast %get3A_3460 : i32 to index
      %get3A_3462 = arith.constant 0 : index
      %get3A_3463 = tpu.vector_load %arg12[%get3A_3461, %get3A_3462] {strides = array<i32>} : memref<69x16xi32, #tpu.memory_space<vmem>>, vector<16xi32>,
      %gather3A_3464 = tpu.vector_load_idx %arg17[%get3A_3459, %get3A_3463] : memref<936x16xf32, #tpu.memory_space<vmem>>[vector<16xi32>, vector<16xi32>], vector<16xf32>,
      %get3A_3465 = arith.constant 66 : i32
      %get3A_3466 = arith.index_cast %get3A_3465 : i32 to index
      %get3A_3467 = arith.constant 0 : index
      %get3A_3468 = tpu.vector_load %arg13[%get3A_3466, %get3A_3467] {strides = array<i32>} : memref<69x16xi32, #tpu.memory_space<vmem>>, vector<16xi32>,
      %get3A_3469 = arith.constant 66 : i32
      %get3A_3470 = arith.index_cast %get3A_3469 : i32 to index
      %get3A_3471 = arith.constant 0 : index
      %get3A_3472 = tpu.vector_load %arg14[%get3A_3470, %get3A_3471] {strides = array<i32>} : memref<69x16xi32, #tpu.memory_space<vmem>>, vector<16xi32>,
      %get3A_3473 = arith.constant 66 : i32
      %get3A_3474 = arith.index_cast %get3A_3473 : i32 to index
      %get3A_3475 = arith.constant 0 : index
      %get3A_3476 = tpu.vector_load %arg15[%get3A_3474, %get3A_3475] {strides = array<i32>} : memref<69x16xi32, #tpu.memory_space<vmem>>, vector<16xi32>,
      %add3A_3477 = vector.broadcast %mul3A_1937 : i32 to vector<16xi32>
      %add3A_3478 = arith.addi %get3A_3476, %add3A_3477 : vector<16xi32>
      tpu.vector_store_idx %arg18[%get3A_3468, %get3A_3472, %add3A_3478], %gather3A_3464 : memref<3x46x128xf32, #tpu.memory_space<vmem>>[vector<16xi32>, vector<16xi32>, vector<16xi32>], vector<16xf32>,
      %get3A_3479 = arith.constant 67 : i32
      %get3A_3480 = arith.index_cast %get3A_3479 : i32 to index
      %get3A_3481 = arith.constant 0 : index
      %get3A_3482 = tpu.vector_load %arg11[%get3A_3480, %get3A_3481] {strides = array<i32>} : memref<69x16xi32, #tpu.memory_space<vmem>>, vector<16xi32>,
      %get3A_3483 = arith.constant 67 : i32
      %get3A_3484 = arith.index_cast %get3A_3483 : i32 to index
      %get3A_3485 = arith.constant 0 : index
      %get3A_3486 = tpu.vector_load %arg12[%get3A_3484, %get3A_3485] {strides = array<i32>} : memref<69x16xi32, #tpu.memory_space<vmem>>, vector<16xi32>,
      %gather3A_3487 = tpu.vector_load_idx %arg17[%get3A_3482, %get3A_3486] : memref<936x16xf32, #tpu.memory_space<vmem>>[vector<16xi32>, vector<16xi32>], vector<16xf32>,
      %get3A_3488 = arith.constant 67 : i32
      %get3A_3489 = arith.index_cast %get3A_3488 : i32 to index
      %get3A_3490 = arith.constant 0 : index
      %get3A_3491 = tpu.vector_load %arg13[%get3A_3489, %get3A_3490] {strides = array<i32>} : memref<69x16xi32, #tpu.memory_space<vmem>>, vector<16xi32>,
      %get3A_3492 = arith.constant 67 : i32
      %get3A_3493 = arith.index_cast %get3A_3492 : i32 to index
      %get3A_3494 = arith.constant 0 : index
      %get3A_3495 = tpu.vector_load %arg14[%get3A_3493, %get3A_3494] {strides = array<i32>} : memref<69x16xi32, #tpu.memory_space<vmem>>, vector<16xi32>,
      %get3A_3496 = arith.constant 67 : i32
      %get3A_3497 = arith.index_cast %get3A_3496 : i32 to index
      %get3A_3498 = arith.constant 0 : index
      %get3A_3499 = tpu.vector_load %arg15[%get3A_3497, %get3A_3498] {strides = array<i32>} : memref<69x16xi32, #tpu.memory_space<vmem>>, vector<16xi32>,
      %add3A_3500 = vector.broadcast %mul3A_1937 : i32 to vector<16xi32>
      %add3A_3501 = arith.addi %get3A_3499, %add3A_3500 : vector<16xi32>
      tpu.vector_store_idx %arg18[%get3A_3491, %get3A_3495, %add3A_3501], %gather3A_3487 : memref<3x46x128xf32, #tpu.memory_space<vmem>>[vector<16xi32>, vector<16xi32>, vector<16xi32>], vector<16xf32>,
      %get3A_3502 = arith.constant 68 : i32
      %get3A_3503 = arith.index_cast %get3A_3502 : i32 to index
      %get3A_3504 = arith.constant 0 : index
      %get3A_3505 = tpu.vector_load %arg11[%get3A_3503, %get3A_3504] {strides = array<i32>} : memref<69x16xi32, #tpu.memory_space<vmem>>, vector<16xi32>,
      %get3A_3506 = arith.constant 68 : i32
      %get3A_3507 = arith.index_cast %get3A_3506 : i32 to index
      %get3A_3508 = arith.constant 0 : index
      %get3A_3509 = tpu.vector_load %arg12[%get3A_3507, %get3A_3508] {strides = array<i32>} : memref<69x16xi32, #tpu.memory_space<vmem>>, vector<16xi32>,
      %gather3A_3510 = tpu.vector_load_idx %arg17[%get3A_3505, %get3A_3509] : memref<936x16xf32, #tpu.memory_space<vmem>>[vector<16xi32>, vector<16xi32>], vector<16xf32>,
      %get3A_3511 = arith.constant 68 : i32
      %get3A_3512 = arith.index_cast %get3A_3511 : i32 to index
      %get3A_3513 = arith.constant 0 : index
      %get3A_3514 = tpu.vector_load %arg13[%get3A_3512, %get3A_3513] {strides = array<i32>} : memref<69x16xi32, #tpu.memory_space<vmem>>, vector<16xi32>,
      %get3A_3515 = arith.constant 68 : i32
      %get3A_3516 = arith.index_cast %get3A_3515 : i32 to index
      %get3A_3517 = arith.constant 0 : index
      %get3A_3518 = tpu.vector_load %arg14[%get3A_3516, %get3A_3517] {strides = array<i32>} : memref<69x16xi32, #tpu.memory_space<vmem>>, vector<16xi32>,
      %get3A_3519 = arith.constant 68 : i32
      %get3A_3520 = arith.index_cast %get3A_3519 : i32 to index
      %get3A_3521 = arith.constant 0 : index
      %get3A_3522 = tpu.vector_load %arg15[%get3A_3520, %get3A_3521] {strides = array<i32>} : memref<69x16xi32, #tpu.memory_space<vmem>>, vector<16xi32>,
      %add3A_3523 = vector.broadcast %mul3A_1937 : i32 to vector<16xi32>
      %add3A_3524 = arith.addi %get3A_3522, %add3A_3523 : vector<16xi32>
      tpu.vector_store_idx %arg18[%get3A_3514, %get3A_3518, %add3A_3524], %gather3A_3510 : memref<3x46x128xf32, #tpu.memory_space<vmem>>[vector<16xi32>, vector<16xi32>, vector<16xi32>], vector<16xf32>,
      %lt3A_3525 = arith.constant 7 : i32
      %lt3A_3526 = arith.cmpi slt, %scan3A_183, %lt3A_3525 : i32
      %convert_element_type3A_3527 = arith.extui %lt3A_3526 : i1 to i32
      %cond3A_3528 = arith.constant 0 : i32
      %cond3A_3529 = arith.cmpi ne, %convert_element_type3A_3527, %cond3A_3528 : i32
      scf.if %cond3A_3529 {
        %add3A_3530 = arith.constant 2 : i32
        %add3A_3531 = arith.addi %add3A_187, %add3A_3530 : i32
        %dma_start3A_3532 = arith.constant 0 : i32
        %dma_start3A_3533 = arith.constant 0 : i32
        %dma_start3A_3534 = arith.constant 0 : i32
        %dma_start3A_3535 = tpu.memref_slice %arg17[%dma_start3A_3533, %dma_start3A_3534] : memref<936x16xf32, #tpu.memory_space<vmem>> -> memref<117x16xf32, #tpu.memory_space<vmem>>
        %dma_start3A_3536 = arith.constant 0 : i32
        %dma_start3A_3537 = tpu.memref_slice %arg10[%add3A_3531, %dma_start3A_3532, %dma_start3A_3536] : memref<16x8x117xi32, #tpu.memory_space<vmem>> -> memref<1x1x117xi32, #tpu.memory_space<vmem>>
        %dma_start3A_3538 = tpu.memref_squeeze %dma_start3A_3537 : memref<1x1x117xi32, #tpu.memory_space<vmem>> -> memref<117xi32, #tpu.memory_space<vmem>>
        %dma_start3A_3539 = arith.constant 0 : i32
        %dma_start3A_3540 = arith.constant 0 : i32
        %dma_start3A_3541 = tpu.memref_slice %arg2[%dma_start3A_3539, %dma_start3A_3540] : memref<6193152x16xf32, #tpu.memory_space<hbm>> -> memref<6193152x16xf32, #tpu.memory_space<hbm>>
        tpu.enqueue_indirect_dma source(%dma_start3A_3541 : memref<6193152x16xf32, #tpu.memory_space<hbm>>) target(%dma_start3A_3535 : memref<117x16xf32, #tpu.memory_space<vmem>>) offsets(%dma_start3A_3538 : memref<117xi32, #tpu.memory_space<vmem>>) semaphore(%arg20 : memref<!tpu.dma_semaphore, #tpu.memory_space<semaphore_mem>>)
        %dma_start3A_3542 = arith.constant 1 : i32
        %dma_start3A_3543 = arith.constant 117 : i32
        %dma_start3A_3544 = arith.constant 0 : i32
        %dma_start3A_3545 = tpu.memref_slice %arg17[%dma_start3A_3543, %dma_start3A_3544] : memref<936x16xf32, #tpu.memory_space<vmem>> -> memref<117x16xf32, #tpu.memory_space<vmem>>
        %dma_start3A_3546 = arith.constant 0 : i32
        %dma_start3A_3547 = tpu.memref_slice %arg10[%add3A_3531, %dma_start3A_3542, %dma_start3A_3546] : memref<16x8x117xi32, #tpu.memory_space<vmem>> -> memref<1x1x117xi32, #tpu.memory_space<vmem>>
        %dma_start3A_3548 = tpu.memref_squeeze %dma_start3A_3547 : memref<1x1x117xi32, #tpu.memory_space<vmem>> -> memref<117xi32, #tpu.memory_space<vmem>>
        %dma_start3A_3549 = arith.constant 0 : i32
        %dma_start3A_3550 = arith.constant 0 : i32
        %dma_start3A_3551 = tpu.memref_slice %arg2[%dma_start3A_3549, %dma_start3A_3550] : memref<6193152x16xf32, #tpu.memory_space<hbm>> -> memref<6193152x16xf32, #tpu.memory_space<hbm>>
        tpu.enqueue_indirect_dma source(%dma_start3A_3551 : memref<6193152x16xf32, #tpu.memory_space<hbm>>) target(%dma_start3A_3545 : memref<117x16xf32, #tpu.memory_space<vmem>>) offsets(%dma_start3A_3548 : memref<117xi32, #tpu.memory_space<vmem>>) semaphore(%arg20 : memref<!tpu.dma_semaphore, #tpu.memory_space<semaphore_mem>>)
        %dma_start3A_3552 = arith.constant 2 : i32
        %dma_start3A_3553 = arith.constant 234 : i32
        %dma_start3A_3554 = arith.constant 0 : i32
        %dma_start3A_3555 = tpu.memref_slice %arg17[%dma_start3A_3553, %dma_start3A_3554] : memref<936x16xf32, #tpu.memory_space<vmem>> -> memref<117x16xf32, #tpu.memory_space<vmem>>
        %dma_start3A_3556 = arith.constant 0 : i32
        %dma_start3A_3557 = tpu.memref_slice %arg10[%add3A_3531, %dma_start3A_3552, %dma_start3A_3556] : memref<16x8x117xi32, #tpu.memory_space<vmem>> -> memref<1x1x117xi32, #tpu.memory_space<vmem>>
        %dma_start3A_3558 = tpu.memref_squeeze %dma_start3A_3557 : memref<1x1x117xi32, #tpu.memory_space<vmem>> -> memref<117xi32, #tpu.memory_space<vmem>>
        %dma_start3A_3559 = arith.constant 0 : i32
        %dma_start3A_3560 = arith.constant 0 : i32
        %dma_start3A_3561 = tpu.memref_slice %arg2[%dma_start3A_3559, %dma_start3A_3560] : memref<6193152x16xf32, #tpu.memory_space<hbm>> -> memref<6193152x16xf32, #tpu.memory_space<hbm>>
        tpu.enqueue_indirect_dma source(%dma_start3A_3561 : memref<6193152x16xf32, #tpu.memory_space<hbm>>) target(%dma_start3A_3555 : memref<117x16xf32, #tpu.memory_space<vmem>>) offsets(%dma_start3A_3558 : memref<117xi32, #tpu.memory_space<vmem>>) semaphore(%arg20 : memref<!tpu.dma_semaphore, #tpu.memory_space<semaphore_mem>>)
        %dma_start3A_3562 = arith.constant 3 : i32
        %dma_start3A_3563 = arith.constant 351 : i32
        %dma_start3A_3564 = arith.constant 0 : i32
        %dma_start3A_3565 = tpu.memref_slice %arg17[%dma_start3A_3563, %dma_start3A_3564] : memref<936x16xf32, #tpu.memory_space<vmem>> -> memref<117x16xf32, #tpu.memory_space<vmem>>
        %dma_start3A_3566 = arith.constant 0 : i32
        %dma_start3A_3567 = tpu.memref_slice %arg10[%add3A_3531, %dma_start3A_3562, %dma_start3A_3566] : memref<16x8x117xi32, #tpu.memory_space<vmem>> -> memref<1x1x117xi32, #tpu.memory_space<vmem>>
        %dma_start3A_3568 = tpu.memref_squeeze %dma_start3A_3567 : memref<1x1x117xi32, #tpu.memory_space<vmem>> -> memref<117xi32, #tpu.memory_space<vmem>>
        %dma_start3A_3569 = arith.constant 0 : i32
        %dma_start3A_3570 = arith.constant 0 : i32
        %dma_start3A_3571 = tpu.memref_slice %arg2[%dma_start3A_3569, %dma_start3A_3570] : memref<6193152x16xf32, #tpu.memory_space<hbm>> -> memref<6193152x16xf32, #tpu.memory_space<hbm>>
        tpu.enqueue_indirect_dma source(%dma_start3A_3571 : memref<6193152x16xf32, #tpu.memory_space<hbm>>) target(%dma_start3A_3565 : memref<117x16xf32, #tpu.memory_space<vmem>>) offsets(%dma_start3A_3568 : memref<117xi32, #tpu.memory_space<vmem>>) semaphore(%arg20 : memref<!tpu.dma_semaphore, #tpu.memory_space<semaphore_mem>>)
        %dma_start3A_3572 = arith.constant 4 : i32
        %dma_start3A_3573 = arith.constant 468 : i32
        %dma_start3A_3574 = arith.constant 0 : i32
        %dma_start3A_3575 = tpu.memref_slice %arg17[%dma_start3A_3573, %dma_start3A_3574] : memref<936x16xf32, #tpu.memory_space<vmem>> -> memref<117x16xf32, #tpu.memory_space<vmem>>
        %dma_start3A_3576 = arith.constant 0 : i32
        %dma_start3A_3577 = tpu.memref_slice %arg10[%add3A_3531, %dma_start3A_3572, %dma_start3A_3576] : memref<16x8x117xi32, #tpu.memory_space<vmem>> -> memref<1x1x117xi32, #tpu.memory_space<vmem>>
        %dma_start3A_3578 = tpu.memref_squeeze %dma_start3A_3577 : memref<1x1x117xi32, #tpu.memory_space<vmem>> -> memref<117xi32, #tpu.memory_space<vmem>>
        %dma_start3A_3579 = arith.constant 0 : i32
        %dma_start3A_3580 = arith.constant 0 : i32
        %dma_start3A_3581 = tpu.memref_slice %arg2[%dma_start3A_3579, %dma_start3A_3580] : memref<6193152x16xf32, #tpu.memory_space<hbm>> -> memref<6193152x16xf32, #tpu.memory_space<hbm>>
        tpu.enqueue_indirect_dma source(%dma_start3A_3581 : memref<6193152x16xf32, #tpu.memory_space<hbm>>) target(%dma_start3A_3575 : memref<117x16xf32, #tpu.memory_space<vmem>>) offsets(%dma_start3A_3578 : memref<117xi32, #tpu.memory_space<vmem>>) semaphore(%arg20 : memref<!tpu.dma_semaphore, #tpu.memory_space<semaphore_mem>>)
        %dma_start3A_3582 = arith.constant 5 : i32
        %dma_start3A_3583 = arith.constant 585 : i32
        %dma_start3A_3584 = arith.constant 0 : i32
        %dma_start3A_3585 = tpu.memref_slice %arg17[%dma_start3A_3583, %dma_start3A_3584] : memref<936x16xf32, #tpu.memory_space<vmem>> -> memref<117x16xf32, #tpu.memory_space<vmem>>
        %dma_start3A_3586 = arith.constant 0 : i32
        %dma_start3A_3587 = tpu.memref_slice %arg10[%add3A_3531, %dma_start3A_3582, %dma_start3A_3586] : memref<16x8x117xi32, #tpu.memory_space<vmem>> -> memref<1x1x117xi32, #tpu.memory_space<vmem>>
        %dma_start3A_3588 = tpu.memref_squeeze %dma_start3A_3587 : memref<1x1x117xi32, #tpu.memory_space<vmem>> -> memref<117xi32, #tpu.memory_space<vmem>>
        %dma_start3A_3589 = arith.constant 0 : i32
        %dma_start3A_3590 = arith.constant 0 : i32
        %dma_start3A_3591 = tpu.memref_slice %arg2[%dma_start3A_3589, %dma_start3A_3590] : memref<6193152x16xf32, #tpu.memory_space<hbm>> -> memref<6193152x16xf32, #tpu.memory_space<hbm>>
        tpu.enqueue_indirect_dma source(%dma_start3A_3591 : memref<6193152x16xf32, #tpu.memory_space<hbm>>) target(%dma_start3A_3585 : memref<117x16xf32, #tpu.memory_space<vmem>>) offsets(%dma_start3A_3588 : memref<117xi32, #tpu.memory_space<vmem>>) semaphore(%arg20 : memref<!tpu.dma_semaphore, #tpu.memory_space<semaphore_mem>>)
        %dma_start3A_3592 = arith.constant 6 : i32
        %dma_start3A_3593 = arith.constant 702 : i32
        %dma_start3A_3594 = arith.constant 0 : i32
        %dma_start3A_3595 = tpu.memref_slice %arg17[%dma_start3A_3593, %dma_start3A_3594] : memref<936x16xf32, #tpu.memory_space<vmem>> -> memref<117x16xf32, #tpu.memory_space<vmem>>
        %dma_start3A_3596 = arith.constant 0 : i32
        %dma_start3A_3597 = tpu.memref_slice %arg10[%add3A_3531, %dma_start3A_3592, %dma_start3A_3596] : memref<16x8x117xi32, #tpu.memory_space<vmem>> -> memref<1x1x117xi32, #tpu.memory_space<vmem>>
        %dma_start3A_3598 = tpu.memref_squeeze %dma_start3A_3597 : memref<1x1x117xi32, #tpu.memory_space<vmem>> -> memref<117xi32, #tpu.memory_space<vmem>>
        %dma_start3A_3599 = arith.constant 0 : i32
        %dma_start3A_3600 = arith.constant 0 : i32
        %dma_start3A_3601 = tpu.memref_slice %arg2[%dma_start3A_3599, %dma_start3A_3600] : memref<6193152x16xf32, #tpu.memory_space<hbm>> -> memref<6193152x16xf32, #tpu.memory_space<hbm>>
        tpu.enqueue_indirect_dma source(%dma_start3A_3601 : memref<6193152x16xf32, #tpu.memory_space<hbm>>) target(%dma_start3A_3595 : memref<117x16xf32, #tpu.memory_space<vmem>>) offsets(%dma_start3A_3598 : memref<117xi32, #tpu.memory_space<vmem>>) semaphore(%arg20 : memref<!tpu.dma_semaphore, #tpu.memory_space<semaphore_mem>>)
        %dma_start3A_3602 = arith.constant 7 : i32
        %dma_start3A_3603 = arith.constant 819 : i32
        %dma_start3A_3604 = arith.constant 0 : i32
        %dma_start3A_3605 = tpu.memref_slice %arg17[%dma_start3A_3603, %dma_start3A_3604] : memref<936x16xf32, #tpu.memory_space<vmem>> -> memref<117x16xf32, #tpu.memory_space<vmem>>
        %dma_start3A_3606 = arith.constant 0 : i32
        %dma_start3A_3607 = tpu.memref_slice %arg10[%add3A_3531, %dma_start3A_3602, %dma_start3A_3606] : memref<16x8x117xi32, #tpu.memory_space<vmem>> -> memref<1x1x117xi32, #tpu.memory_space<vmem>>
        %dma_start3A_3608 = tpu.memref_squeeze %dma_start3A_3607 : memref<1x1x117xi32, #tpu.memory_space<vmem>> -> memref<117xi32, #tpu.memory_space<vmem>>
        %dma_start3A_3609 = arith.constant 0 : i32
        %dma_start3A_3610 = arith.constant 0 : i32
        %dma_start3A_3611 = tpu.memref_slice %arg2[%dma_start3A_3609, %dma_start3A_3610] : memref<6193152x16xf32, #tpu.memory_space<hbm>> -> memref<6193152x16xf32, #tpu.memory_space<hbm>>
        tpu.enqueue_indirect_dma source(%dma_start3A_3611 : memref<6193152x16xf32, #tpu.memory_space<hbm>>) target(%dma_start3A_3605 : memref<117x16xf32, #tpu.memory_space<vmem>>) offsets(%dma_start3A_3608 : memref<117xi32, #tpu.memory_space<vmem>>) semaphore(%arg20 : memref<!tpu.dma_semaphore, #tpu.memory_space<semaphore_mem>>)
      } else {
      }
    }
    %scan3A_180 = arith.constant 8 : i32
    %mul3A_181 = arith.constant 128 : i32
    %mul3A_182 = arith.muli %add3A, %mul3A_181 : i32
    "tpu.region"() ({
      %run_scoped3A = tpu.sem_alloc : memref<!tpu.dma_semaphore, #tpu.memory_space<semaphore_mem>>
      %dma_start3A_183 = arith.constant 0 : i32
      %dma_start3A_184 = arith.constant 0 : i32
      %dma_start3A_185 = tpu.memref_slice %arg9[%dma_start3A_183, %dma_start3A_184, %mul3A_182] : memref<3x46x4096xf32, #tpu.memory_space<hbm>> -> memref<3x46x128xf32, #tpu.memory_space<hbm>>
      %dma_start3A_186 = arith.constant 0 : i32
      %dma_start3A_187 = arith.constant 0 : i32
      %dma_start3A_188 = tpu.memref_slice %arg9[%dma_start3A_186, %dma_start3A_187, %mul3A_182] : memref<3x46x4096xf32, #tpu.memory_space<hbm>> -> memref<3x46x128xf32, #tpu.memory_space<hbm>>
      tpu.enqueue_dma source(%arg18 : memref<3x46x128xf32, #tpu.memory_space<vmem>>) target(%dma_start3A_188 : memref<3x46x128xf32, #tpu.memory_space<hbm>>) target_semaphore(%run_scoped3A : memref<!tpu.dma_semaphore, #tpu.memory_space<semaphore_mem>>)
      %dma_wait3A = arith.constant 0 : i32
      %dma_wait3A_189 = arith.constant 0 : i32
      %dma_wait3A_190 = tpu.memref_slice %arg9[%dma_wait3A, %dma_wait3A_189, %mul3A_182] : memref<3x46x4096xf32, #tpu.memory_space<hbm>> -> memref<3x46x128xf32, #tpu.memory_space<hbm>>
      %dma_wait3A_191 = arith.constant 0 : i32
      %dma_wait3A_192 = arith.constant 0 : i32
      %dma_wait3A_193 = tpu.memref_slice %arg9[%dma_wait3A_191, %dma_wait3A_192, %mul3A_182] : memref<3x46x4096xf32, #tpu.memory_space<hbm>> -> memref<3x46x128xf32, #tpu.memory_space<hbm>>
      tpu.wait_dma2 semaphore(%run_scoped3A : memref<!tpu.dma_semaphore, #tpu.memory_space<semaphore_mem>>) src(%arg18 : memref<3x46x128xf32, #tpu.memory_space<vmem>>) dst(%dma_wait3A_193 : memref<3x46x128xf32, #tpu.memory_space<hbm>>)
      tpu.yield
    }) : () -> ()
    return
  }
}

</mosaic_0001>

<sc_bundles>
// kernel: kernel.3.cloned.1.call-start
scs
__scs_entry_jumppad:
0x0: {  	(pc) =	sbr.rel $0x88, $3  }
0x1: {  	(tag) =	ssettag $0x0;
	lr =	simm.s32 $0x1  }
0x2: {  	[smem:$0x3FA0] =	sst lr;
	_ =	strace $0xD0000000  }
0x3: {  	_ = 	snop  }
0x4: {  	_ = 	snop  }
0x5: {  	_ = 	snop  }
0x6: {  	_ = 	snop  }
0x7: {  	_ = 	snop  }
__scs_overlays_trampoline_lowered:
0x8: {  	[smem:$0x3FAF] =	sst s0  }
0x9: {  	[smem:$0x3FB0] =	sst s1  }
0xa: {  	[smem:$0x3FB1] =	sst s2  }
0xb: {  	[smem:$0x3FB2] =	sst s3  }
0xc: {  	[smem:$0x3FB3] =	sst s4  }
0xd: {  	[smem:$0x3FB4] =	sst s5  }
0xe: {  	[smem:$0x3FB5] =	sst s6  }
0xf: {  	[smem:$0x3FB6] =	sst s7  }
0x10: {  	[smem:$0x3FB7] =	sst s8  }
0x11: {  	[smem:$0x3FB8] =	sst s9;
	s0 =	simm.s32 @!p0 $0x0  }
0x12: {  	s1 =	sld [smem:$0x3F9E];
	s0 =	simm.s32 @p0 $0x1  }
0x13: {  	[smem:$0x3FB9] =	sst s0;
	s0 =	simm.s32 @!p1 $0x0  }
0x14: {  	s2 =	sld [smem:$0x3F9D];
	s0 =	simm.s32 @p1 $0x1  }
0x15: {  	[smem:$0x3FBA] =	sst s0;
	s0 =	simm.s32 @!p2 $0x0  }
0x16: {  	s3 =	sld [smem:$0x3FDB];
	s0 =	simm.s32 @p2 $0x1  }
0x17: {  	s4 =	simm.s32 $0x1BF5;
	[smem:$0x3FBC] =	sst s0  }
0x18: {  	s0 =	sld [smem:$0x3F9F];
	_ =	swait.ge [sflag:s4], $0x0  }
0x19: {  	s7 =	sld [smem:$0x3FA0]  }
0x1a: {  	s8 =	sadd.s32 $0xFFFFE003, lr  }
0x1b: {  	s9 =	sadd.s32 $0xFFFFFEF7, lr;
	s5 =	simm.s32 $0xFFFFFFFF;
	p2 =	slt.u32 s8, $0xFFFFF086  }
0x1c: {  	p1 =	slt.u32 s9, $0xF7A;
	s5 =	simm.s32 @!p2 $0x0  }
0x1d: {  	s5 =	simm.s32 @p1 $0x1;
	p0 =	seq.s32 s7, s2  }
0x1e: {  	s7 =	smul.u32 @!p0 $0xF7A, s2;
	p2 =	seq.s32 @!p0 s5, $0x0  }
0x1f: {  	s9 =	smul.u32 $0xF7A, s1;
	s8 =	simm.s32 @!p0 $0x1BF5;
	p2 =	por !p2, p0  }
0x20: {  	[sflag:s8] =	ssyncset.s32 @!p0 $0xFFFFF086;
	s6 =	sadd.s32 @!p0 s3, s7;
	s7 =	simm.s32 @!p0 $0x108  }
0x21: {  	s3 =	sadd.s32 s3, s9;
	s6 =	sadd.s32 @!p0 $0x88, s6;
	s7 =	simm.s32 @p2 $0x1082  }
0x22: {  	[simem:s7], [sflag:s8] =	dma.local @!p0 [hbm:s6], $0xF7A  }
0x23: {  	s9 =	sor.u32 $0xD0000000, s2;
	s6 =	simm.s32 $0x108;
	_ =	swait.ge @!p0 [sflag:s8], $0x0  }
0x24: {  	s3 =	sadd.s32 $0x88, s3;
	s6 =	simm.s32 @!p1 $0x1082;
	[sflag:s4] =	ssyncset.s32 $0xFFFFF086  }
0x25: {  	[simem:s6], [sflag:s4] =	dma.local [hbm:s3], $0xF7A  }
0x26: {  	[smem:$0x3FA0] =	sst s1;
	(tag) =	ssettag s2;
	_ =	strace s9  }
0x27: {  	s1 =	sld [smem:$0x3FB0]  }
0x28: {  	s2 =	sld [smem:$0x3FB1]  }
0x29: {  	s4 =	sld [smem:$0x3FB3]  }
0x2a: {  	p0 =	seq.s32 s5, $0x0;
	s5 =	sld [smem:$0x3FB4]  }
0x2b: {  	s6 =	sld [smem:$0x3FB5]  }
0x2c: {  	s7 =	sld [smem:$0x3FB6]  }
0x2d: {  	s3 =	simm.s32 $0x108;
	s8 =	sld [smem:$0x3FB7]  }
0x2e: {  	s3 =	simm.s32 @!p0 $0x1082;
	s9 =	sld [smem:$0x3FB8]  }
0x2f: {  	lr =	sadd.s32 s0, s3;
	s0 =	sld [smem:$0x3FAF]  }
0x30: {  	s3 =	sld [smem:$0x3FB2]  }
0x31: {  	[smem:$0x3FBB] =	sst s10  }
0x32: {  	s10 =	sld [smem:$0x3FB9];
	_ =	sdelay $0x3  }
0x33: {  	p0 =	seq.s32 s10, $0x1;
	s10 =	sld [smem:$0x3FBB];
	_ =	sdelay $0x3  }
0x34: {  	[smem:$0x3FBB] =	sst s10  }
0x35: {  	s10 =	sld [smem:$0x3FBA];
	_ =	sdelay $0x3  }
0x36: {  	p1 =	seq.s32 s10, $0x1;
	s10 =	sld [smem:$0x3FBB];
	_ =	sdelay $0x3  }
0x37: {  	[smem:$0x3FBB] =	sst s10  }
0x38: {  	s10 =	sld [smem:$0x3FBC]  }
0x39: {  	_ = 	snop;
	(pc) =	sbr.ind lr, $3  }
0x3a: {  	_ = 	snop  }
0x3b: {  	_ = 	snop  }
0x3c: {  	p2 =	seq.s32 s10, $0x1;
	s10 =	sld [smem:$0x3FBB]  }
0x3d: {  	_ =	shalt  }
0x3e: {  	_ =	shalt  }
0x3f: {  	_ =	shalt  }
0x40: {  	_ =	shalt  }
0x41: {  	_ =	shalt  }
0x42: {  	_ =	shalt  }
0x43: {  	_ =	shalt  }
0x44: {  	_ =	shalt  }
0x45: {  	_ =	shalt  }
0x46: {  	_ =	shalt  }
0x47: {  	_ =	shalt  }
0x48: {  	_ =	shalt  }
0x49: {  	_ =	shalt  }
0x4a: {  	_ =	shalt  }
0x4b: {  	_ =	shalt  }
0x4c: {  	_ =	shalt  }
0x4d: {  	_ =	shalt  }
0x4e: {  	_ =	shalt  }
0x4f: {  	_ =	shalt  }
0x50: {  	_ =	shalt  }
0x51: {  	_ =	shalt  }
0x52: {  	_ =	shalt  }
0x53: {  	_ =	shalt  }
0x54: {  	_ =	shalt  }
0x55: {  	_ =	shalt  }
0x56: {  	_ =	shalt  }
0x57: {  	_ =	shalt  }
0x58: {  	_ =	shalt  }
0x59: {  	_ =	shalt  }
0x5a: {  	_ =	shalt  }
0x5b: {  	_ =	shalt  }
0x5c: {  	_ =	shalt  }
0x5d: {  	_ =	shalt  }
0x5e: {  	_ =	shalt  }
0x5f: {  	_ =	shalt  }
0x60: {  	_ =	shalt  }
0x61: {  	_ =	shalt  }
0x62: {  	_ =	shalt  }
0x63: {  	_ =	shalt  }
0x64: {  	_ =	shalt  }
0x65: {  	_ =	shalt  }
0x66: {  	_ =	shalt  }
0x67: {  	_ =	shalt  }
0x68: {  	_ =	shalt  }
0x69: {  	_ =	shalt  }
0x6a: {  	_ =	shalt  }
0x6b: {  	_ =	shalt  }
0x6c: {  	_ =	shalt  }
0x6d: {  	_ =	shalt  }
0x6e: {  	_ =	shalt  }
0x6f: {  	_ =	shalt  }
0x70: {  	_ =	shalt  }
0x71: {  	_ =	shalt  }
0x72: {  	_ =	shalt  }
0x73: {  	_ =	shalt  }
0x74: {  	_ =	shalt  }
0x75: {  	_ =	shalt  }
0x76: {  	_ =	shalt  }
0x77: {  	_ =	shalt  }
0x78: {  	_ =	shalt  }
0x79: {  	_ =	shalt  }
0x7a: {  	_ =	shalt  }
0x7b: {  	_ =	shalt  }
0x7c: {  	_ =	shalt  }
0x7d: {  	_ =	shalt  }
0x7e: {  	_ =	shalt  }
0x7f: {  	_ =	shalt  }
0x80: {  	_ =	shalt  }
0x81: {  	_ =	shalt  }
0x82: {  	_ =	shalt  }
0x83: {  	_ =	shalt  }
0x84: {  	_ =	shalt  }
0x85: {  	_ =	shalt  }
0x86: {  	_ =	shalt  }
0x87: {  	_ =	shalt  }
.Lfunc_end0:
.L_simem_size_0:
called_computation_lowered:
.L_overlay_start_0:
0x88: {  	s2 =	sld [smem:$0x3FD9]  }
0x89: {  	s3 =	sld [smem:$0x3FFE];
	_ =	sdelay $0x1  }
0x8a: {  	s1 =	srdreg.scid  }
0x8b: {  	s0 =	sand.u32 $0x1, s1  }
0x8c: {  	s17 =	sshll.u32 s0, $0xA;
	s2 =	sadd.s32 s3, s2  }
0x8d: {  	s2 =	sadd.s32 s2, s17  }
0x8e: {  	[smem:$0x3FC7] =	sst s2  }
0x8f: {  	_ = 	snop  }
0x90: {  	s2 =	sld [smem:$0x3FC9]  }
0x91: {  	s18 =	sld [smem:$0x3FD0];
	(tm) =	ssettm $0x1  }
0x92: {  	s4 =	sld [smem:$0x3FFB];
	_ =	sdelay $0x3  }
0x93: {  	_ =	strace s4  }
0x94: {  	s4 =	sld [smem:$0x3FFC];
	_ =	sdelay $0x3  }
0x95: {  	_ =	strace s4  }
0x96: {  	s4 =	sld [smem:$0x3FFD];
	_ =	sdelay $0x3  }
0x97: {  	_ =	strace s4  }
0x98: {  	_ =	strace $0x8FFFFFFF  }
0x99: {  	s19 =	sld [smem:$0x3FDB];
	_ =	sdelay $0x1  }
0x9a: {  	s5 =	simm.s32 $_scs_section_size  }
0x9b: {  	s6 =	simm.s32 $_size__tile_overlayer_lowered;
	s7 =	simm.s32 $_tile_overlayer_lowered  }
0x9c: {  	s22 =	simm.s32 $0x1BFF;
	s21 =	sshll.u32 s7, $0x1;
	s4 =	sadd.s32 s5, s19  }
0x9d: {  	s8 =	simm.s32 $0x0;
	s20 =	sshll.u32 s6, $0x1;
	s6 =	sadd.s32 s21, s4  }
0x9e: {  	[timem:s8], [sflag:s22] =	dma.local [hbm:s6], s20  }
0x9f: {  	_ =	swait.ge [sflag:s22], s20  }
0xa0: {  	s5 =	ssub.s32 $0x0, s20;
	[sflag:s22] =	ssyncset.done $0x0  }
0xa1: {  	[sflag:s22] =	ssyncadd.s32 s5;
	_ =	sdelay $0x1  }
0xa2: {  	s23 =	simm.s32 $0x1B8B  }
0xa3: {  	_ =	swait.ge [sflag:s23], $0x1  }
0xa4: {  	[sflag:s23] =	ssyncset.done $0x0  }
0xa5: {  	s25 =	simm.s32 $0x1B8E;
	s24 =	sld [smem:$0x3FFE];
	[sflag:s23] =	ssyncadd.s32 $0xFFFFFFFF  }
0xa6: {  	s26 =	simm.s32 $execute0_lowered;
	[smem:$0x3FD2] =	sst s25  }
0xa7: {  	s6 =	sshll.u32 s26, $0x1;
	_ =	strace $0x80000046;
	[dreg:$0x1] =	wrdreg $0xFFFFFFFF  }
0xa8: {  	s28 =	simm.s32 $_size_execute0_lowered;
	s4 =	sadd.s32 s4, s6;
	[dreg:$0x0] =	wrdreg $0x0  }
0xa9: {  	s6 =	sshll.u32 s28, $0x1;
	[dreg:$0x2] =	wrdreg s4  }
0xaa: {  	[dreg:$0x3] =	wrdreg s6  }
0xab: {  	[dreg:$0x4] =	wrdreg $0xC0  }
0xac: {  	_ =	task [dreg:s8], $0x5FFFF  }
0xad: {  	[dreg:$0x1] =	wrdreg $0xFFFFFFFF  }
0xae: {  	[dreg:$0x0] =	wrdreg $0x60  }
0xaf: {  	[dreg:$0x2] =	wrdreg s2  }
0xb0: {  	[dreg:$0x3] =	wrdreg s18  }
0xb1: {  	[dreg:$0x4] =	wrdreg s24  }
0xb2: {  	[dreg:$0x5] =	wrdreg $0x9  }
0xb3: {  	_ =	task.clear_ibuf [dreg:s8], $0x6FFFF;
	_ =	strace $0x90000046  }
0xb4: {  	s29 =	simm.s32 $0x9;
	_ =	strace $0x80000048  }
0xb5: {  	_ =	swait.ge [sflag:s29], $0x1  }
0xb6: {  	[sflag:s29] =	ssyncadd.s32 $0xFFFFFFFF  }
0xb7: {  	_ =	strace $0x90000048  }
0xb8: {  	_ =	sfence  }
0xb9: {  	s30 =	sld [smem:$0x0];
	_ =	sdelay $0x2  }
0xba: {  	s31 =	sshll.u32 s1, $0xD;
	s1 =	sshrl.u32 s1, $0x2  }
0xbb: {  	s3 =	sand.u32 $0x4000, s31;
	s1 =	sadd.s32 s1, s30  }
0xbc: {  	s0 =	sor.u32 s3, s0;
	s1 =	sshll.u32 s1, $0x11  }
0xbd: {  	s0 =	sor.u32 s1, s0  }
0xbe: {  	s0 =	sadd.s32 $0x8F2B, s0  }
0xbf: {  	[sflag:s0] =	ssyncadd.remote.s32 $0x1  }
0xc0: {  	_ =	sfence.sel $0xFFFF  }
0xc1: {  	[dreg:$0x0] =	wrdreg $0xFFFFFFFF;
	(pc) =	sbr.abs _section_cstart, $3  }
0xc2: {  	[dreg:$0x1] =	wrdreg $0xFFFFFFFF  }
0xc3: {  	_ =	task.clear_ibuf [dreg:s8], $0x2FFFF;
	_ =	strace $0x9FFFFFFF  }
0xc4: {  	(tm) =	ssettm $0x7FFFFFFF  }
0xc5: {  	_ =	shalt  }
tec
execute0_lowered:
.L_overlay_start_1:
0x0: {  	(tag) =	ssettag $0x1  }
0x1: {  	s1 =	rddreg [dreg:$0x0]  }
0x2: {  	s0 =	rddreg [dreg:$0x1]  }
0x3: {  	s3 =	rddreg [dreg:$0x2];
	s2 =	simm.s32 $0x0;
	s6 =	srdreg.scid  }
0x4: {  	s7 =	stileid.u32;
	s12 =	simm.s32 $0x3;
	s18 =	simm.s32 $0x75  }
0x5: {  	s19 =	simm.s32 $0x5190;
	s15 =	simm.s32 $0x8C10;
	s17 =	simm.s32 $0x9360  }
0x6: {  	s21 =	simm.s32 $0x9AB0;
	s23 =	simm.s32 $0xA200;
	s25 =	simm.s32 $0xA950  }
0x7: {  	s28 =	simm.s32 $0xB0A0;
	s30 =	simm.s32 $0xB7F0;
	s13 =	simm.s32 $0xC690  }
0x8: {  	s14 =	simm.s32 $0x2;
	s22 =	simm.s32 $0x0;
	[smem:$0x7FF] =	sst s2  }
0x9: {  	s4 =	sadd.s32 $0x400, s3;
	s5 =	sadd.s32 $0x600, s3;
	s8 =	sand.u32 $0x1, s6  }
0xa: {  	s9 =	sshll.u32 s7, $0x1;
	s6 =	sadd.s32 $0x800, s3;
	s7 =	sadd.s32 $0xA00, s3  }
.Ltmp0:
0xb: {  	_ =	strace $0x80000047;
	s9 =	sor.u32 s8, s9;
	(pc) =	sbr.rel .LBB2_1-.Ltmp0, $4  }
0xc: {  	s11 =	ssub.s32 $0x2, s8;
	s10 =	sshll.u32 s9, $0x4;
	s9 =	smul.u32 $0x780, s9  }
0xd: {  	s8 =	sadd.s32 $0xC00, s3;
	s31 =	sshrl.u32 s11, $0x1;
	s3 =	sadd.s32 s10, s3  }
0xe: {  	s11 =	ssub.s32 s11, s31;
	s9 =	sadd.s32 s0, s9;
	s10 =	sadd.s32 $0xE00, s3  }
0xf: {  	s11 =	smax.u32 s11, $0x1;
	s0 =	simm.s32 $0xBF40;
	s3 =	simm.s32 $0x1  }
.LBB2_4:
0x10: {  	s22 =	sadd.s32 $0x1, s22  }
0x11: {  	p0 =	sne.s32 s22, s11  }
.Ltmp1:
0x12: {  	s16 =	simm.s32 $0x80;
	s20 =	simm.s32 $0x1000;
	(pc) =	sbr.rel @!p0 .LBB2_5-.Ltmp1, $4  }
0x13: {  	[hbm4b:s10+s16] =	stream.strided.scatter [tilespmem:s13], [sflag:$0x3], $0x4500, s20, s16, $0x38;
	[tilespmem:$0x10B90] =	vst v63  }
0x14: {  	_ =	swait.ge [sflag:s12], $0x4500  }
0x15: {  	[sflag:s12] =	ssyncset.done $0x0  }
0x16: {  	[sflag:s12] =	ssyncadd.s32 $0xFFFFBB00  }
.LBB2_1:
0x17: {  	[tilespmem:s2], [sflag:$0x3] =	stream.linear.gather [hbm4b:s9+s2], $0x3C00, $0x38;
	[tilespmem:$0x10B90] =	vst v63  }
0x18: {  	_ =	swait.ge [sflag:s12], $0x3C00  }
0x19: {  	[sflag:s12] =	ssyncset.done $0x0  }
0x1a: {  	s16 =	simm.s32 $0x3C00;
	[sflag:s12] =	ssyncadd.s32 $0xFFFFC400  }
0x1b: {  	[tilespmem:s16], [sflag:$0x3] =	stream.linear.gather [hbm4b:s4+s2], $0x450, $0x38;
	[tilespmem:$0x10B90] =	vst v63  }
0x1c: {  	_ =	swait.ge [sflag:s12], $0x450  }
0x1d: {  	[sflag:s12] =	ssyncset.done $0x0  }
0x1e: {  	s29 =	simm.s32 $0x4050;
	[sflag:s12] =	ssyncadd.s32 $0xFFFFFBB0  }
0x1f: {  	[tilespmem:s29], [sflag:$0x3] =	stream.linear.gather [hbm4b:s5+s2], $0x450, $0x38;
	[tilespmem:$0x10B90] =	vst v63  }
0x20: {  	_ =	swait.ge [sflag:s12], $0x450  }
0x21: {  	[sflag:s12] =	ssyncset.done $0x0  }
0x22: {  	s31 =	simm.s32 $0x44A0;
	[sflag:s12] =	ssyncadd.s32 $0xFFFFFBB0  }
0x23: {  	[tilespmem:s31], [sflag:$0x3] =	stream.linear.gather [hbm4b:s6+s2], $0x450, $0x38;
	[tilespmem:$0x10B90] =	vst v63  }
0x24: {  	_ =	swait.ge [sflag:s12], $0x450  }
0x25: {  	[sflag:s12] =	ssyncset.done $0x0  }
0x26: {  	s20 =	simm.s32 $0x48F0;
	[sflag:s12] =	ssyncadd.s32 $0xFFFFFBB0  }
0x27: {  	[tilespmem:s20], [sflag:$0x3] =	stream.linear.gather [hbm4b:s7+s2], $0x450, $0x38;
	[tilespmem:$0x10B90] =	vst v63  }
0x28: {  	_ =	swait.ge [sflag:s12], $0x450  }
0x29: {  	[sflag:s12] =	ssyncset.done $0x0  }
0x2a: {  	s24 =	simm.s32 $0x4D40;
	[sflag:s12] =	ssyncadd.s32 $0xFFFFFBB0  }
0x2b: {  	[tilespmem:s24], [sflag:$0x3] =	stream.linear.gather [hbm4b:s8+s2], $0x450, $0x38;
	[tilespmem:$0x10B90] =	vst v63  }
0x2c: {  	_ =	swait.ge [sflag:s12], $0x450  }
0x2d: {  	[sflag:s12] =	ssyncset.done $0x0  }
0x2e: {  	[sflag:s12] =	ssyncadd.s32 $0xFFFFFBB0  }
0x2f: {  	[tilespmem:s19], [sflag:$0x1] =	stream.indirect.gather [hbm4b:s1+s18], $0x10, s2, s18, $0xb8;
	[tilespmem:$0x10B90] =	vst v63  }
0x30: {  	s26 =	simm.s32 $0x78;
	s20 =	simm.s32 $0x58E0  }
0x31: {  	[tilespmem:s20], [sflag:$0x1] =	stream.indirect.gather [hbm4b:s1+s18], $0x10, s26, s18, $0xb8;
	[tilespmem:$0x10B90] =	vst v63  }
0x32: {  	s29 =	simm.s32 $0xF0;
	s31 =	simm.s32 $0x6030  }
0x33: {  	[tilespmem:s31], [sflag:$0x1] =	stream.indirect.gather [hbm4b:s1+s18], $0x10, s29, s18, $0xb8;
	[tilespmem:$0x10B90] =	vst v63  }
0x34: {  	s24 =	simm.s32 $0x168;
	s26 =	simm.s32 $0x6780  }
0x35: {  	[tilespmem:s26], [sflag:$0x1] =	stream.indirect.gather [hbm4b:s1+s18], $0x10, s24, s18, $0xb8;
	[tilespmem:$0x10B90] =	vst v63  }
0x36: {  	s29 =	simm.s32 $0x1E0;
	s31 =	simm.s32 $0x6ED0  }
0x37: {  	[tilespmem:s31], [sflag:$0x1] =	stream.indirect.gather [hbm4b:s1+s18], $0x10, s29, s18, $0xb8;
	[tilespmem:$0x10B90] =	vst v63  }
0x38: {  	s24 =	simm.s32 $0x258;
	s26 =	simm.s32 $0x7620  }
0x39: {  	[tilespmem:s26], [sflag:$0x1] =	stream.indirect.gather [hbm4b:s1+s18], $0x10, s24, s18, $0xb8;
	[tilespmem:$0x10B90] =	vst v63  }
0x3a: {  	s29 =	simm.s32 $0x2D0;
	s31 =	simm.s32 $0x7D70  }
0x3b: {  	[tilespmem:s31], [sflag:$0x1] =	stream.indirect.gather [hbm4b:s1+s18], $0x10, s29, s18, $0xb8;
	[tilespmem:$0x10B90] =	vst v63  }
0x3c: {  	s20 =	simm.s32 $0x348;
	s24 =	simm.s32 $0x84C0  }
0x3d: {  	[tilespmem:s24], [sflag:$0x1] =	stream.indirect.gather [hbm4b:s1+s18], $0x10, s20, s18, $0xb8;
	[tilespmem:$0x10B90] =	vst v63  }
0x3e: {  	s26 =	simm.s32 $0x3C0  }
0x3f: {  	[tilespmem:s15], [sflag:$0x2] =	stream.indirect.gather [hbm4b:s1+s18], $0x10, s26, s18, $0xb8;
	[tilespmem:$0x10B90] =	vst v63  }
0x40: {  	s29 =	simm.s32 $0x438  }
0x41: {  	[tilespmem:s17], [sflag:$0x2] =	stream.indirect.gather [hbm4b:s1+s18], $0x10, s29, s18, $0xb8;
	[tilespmem:$0x10B90] =	vst v63  }
0x42: {  	s31 =	simm.s32 $0x4B0  }
0x43: {  	[tilespmem:s21], [sflag:$0x2] =	stream.indirect.gather [hbm4b:s1+s18], $0x10, s31, s18, $0xb8;
	[tilespmem:$0x10B90] =	vst v63  }
0x44: {  	s20 =	simm.s32 $0x528  }
0x45: {  	[tilespmem:s23], [sflag:$0x2] =	stream.indirect.gather [hbm4b:s1+s18], $0x10, s20, s18, $0xb8;
	[tilespmem:$0x10B90] =	vst v63  }
0x46: {  	s24 =	simm.s32 $0x5A0  }
0x47: {  	[tilespmem:s25], [sflag:$0x2] =	stream.indirect.gather [hbm4b:s1+s18], $0x10, s24, s18, $0xb8;
	[tilespmem:$0x10B90] =	vst v63  }
0x48: {  	s26 =	simm.s32 $0x618  }
0x49: {  	[tilespmem:s28], [sflag:$0x2] =	stream.indirect.gather [hbm4b:s1+s18], $0x10, s26, s18, $0xb8;
	[tilespmem:$0x10B90] =	vst v63  }
0x4a: {  	s29 =	simm.s32 $0x690  }
0x4b: {  	[tilespmem:s30], [sflag:$0x2] =	stream.indirect.gather [hbm4b:s1+s18], $0x10, s29, s18, $0xb8;
	[tilespmem:$0x10B90] =	vst v63  }
0x4c: {  	s31 =	simm.s32 $0x708;
	s24 =	simm.s32 $0x8;
	s26 =	simm.s32 $0x0  }
0x4d: {  	[tilespmem:s0], [sflag:$0x2] =	stream.indirect.gather [hbm4b:s1+s18], $0x10, s31, s18, $0xb8;
	[tilespmem:$0x10B90] =	vst v63  }
.LBB2_2:
0x4e: {  	_ =	swait.ge [sflag:s3], $0x750  }
0x4f: {  	[sflag:s3] =	ssyncset.done $0x0  }
0x50: {  	[sflag:s3] =	ssyncadd.s32 $0xFFFFF8B0  }
0x51: {  	_ =	swait.ge [sflag:s3], $0x750  }
0x52: {  	[sflag:s3] =	ssyncset.done $0x0  }
0x53: {  	[sflag:s3] =	ssyncadd.s32 $0xFFFFF8B0  }
0x54: {  	_ =	swait.ge [sflag:s3], $0x750  }
0x55: {  	[sflag:s3] =	ssyncset.done $0x0  }
0x56: {  	[sflag:s3] =	ssyncadd.s32 $0xFFFFF8B0  }
0x57: {  	_ =	swait.ge [sflag:s3], $0x750  }
0x58: {  	[sflag:s3] =	ssyncset.done $0x0  }
0x59: {  	[sflag:s3] =	ssyncadd.s32 $0xFFFFF8B0  }
0x5a: {  	_ =	swait.ge [sflag:s3], $0x750  }
0x5b: {  	[sflag:s3] =	ssyncset.done $0x0  }
0x5c: {  	[sflag:s3] =	ssyncadd.s32 $0xFFFFF8B0  }
0x5d: {  	_ =	swait.ge [sflag:s3], $0x750  }
0x5e: {  	[sflag:s3] =	ssyncset.done $0x0  }
0x5f: {  	[sflag:s3] =	ssyncadd.s32 $0xFFFFF8B0  }
0x60: {  	_ =	swait.ge [sflag:s3], $0x750  }
0x61: {  	[sflag:s3] =	ssyncset.done $0x0  }
0x62: {  	[sflag:s3] =	ssyncadd.s32 $0xFFFFF8B0  }
0x63: {  	_ =	swait.ge [sflag:s3], $0x750  }
0x64: {  	[sflag:s3] =	ssyncset.done $0x0  }
0x65: {  	[sflag:s3] =	ssyncadd.s32 $0xFFFFF8B0  }
0x66: {  	v0 =	vld [tilespmem:$0x3C00]  }
0x67: {  	v1 =	vld [tilespmem:$0x4050];
	_ =	sdelay $0x2  }
0x68: {  	v2 =	vld [tilespmem:$0x44A0]  }
0x69: {  	v3 =	vld [tilespmem:$0x48F0]  }
0x6a: {  	v5 =	vld [tilespmem:$0x4D40];
	v4 =	vand.u32 $0xFFFFFFF8, v1;
	v0 =	vshll.u32 v0, $0x4  }
0x6b: {  	v1 =	vand.u32 $0x7, v1;
	v0 =	vadd.s32 v0, v4  }
0x6c: {  	v0 =	vor.u32 v1, v0  }
0x6d: {  	v60 =	vmul.u32 $0x1700, v2  }
0x6e: {  	s29 =	sadd.s32 $0xFFFFFFF8, s24;
	v61 =	vshll.u32 v3, $0x7  }
0x6f: {  	v62 =	vadd.s32 s29, v5;
	v63 =	vand.u32 $0x7, v5;
	v1 =	vadd.s32 v60, v61  }
0x70: {  	v7 =	vand.u32 $0xFFFFFFF8, v62;
	v1 =	vor.u32 v63, v1  }
0x71: {  	v1 =	vadd.s32 v7, v1;
	v0 =	vld.idx.msk [tilespmem:v0+s19+$0x0], $0xffff;
	_ =	sdelay $0x4  }
0x72: {  	[tilespmem:v1+s13+$0x0] =	vst.idx.msk $0xffff, v0  }
0x73: {  	v0 =	vld [tilespmem:$0x3C10]  }
0x74: {  	v1 =	vld [tilespmem:$0x4060];
	_ =	sdelay $0x2  }
0x75: {  	v8 =	vld [tilespmem:$0x44B0]  }
0x76: {  	v9 =	vld [tilespmem:$0x4900]  }
0x77: {  	v11 =	vld [tilespmem:$0x4D50];
	v10 =	vand.u32 $0xFFFFFFF8, v1;
	v0 =	vshll.u32 v0, $0x4  }
0x78: {  	v1 =	vand.u32 $0x7, v1;
	v0 =	vadd.s32 v0, v10  }
0x79: {  	v0 =	vor.u32 v1, v0  }
0x7a: {  	v12 =	vmul.u32 $0x1700, v8  }
0x7b: {  	v13 =	vshll.u32 v9, $0x7  }
0x7c: {  	v14 =	vadd.s32 s29, v11;
	v15 =	vand.u32 $0x7, v11;
	v1 =	vadd.s32 v12, v13  }
0x7d: {  	v16 =	vand.u32 $0xFFFFFFF8, v14;
	v1 =	vor.u32 v15, v1  }
0x7e: {  	v1 =	vadd.s32 v16, v1;
	v0 =	vld.idx.msk [tilespmem:v0+s19+$0x0], $0xffff;
	_ =	sdelay $0x4  }
0x7f: {  	[tilespmem:v1+s13+$0x0] =	vst.idx.msk $0xffff, v0  }
0x80: {  	v0 =	vld [tilespmem:$0x3C20]  }
0x81: {  	v1 =	vld [tilespmem:$0x4070];
	_ =	sdelay $0x2  }
0x82: {  	v17 =	vld [tilespmem:$0x44C0]  }
0x83: {  	v18 =	vld [tilespmem:$0x4910]  }
0x84: {  	v20 =	vld [tilespmem:$0x4D60];
	v19 =	vand.u32 $0xFFFFFFF8, v1;
	v0 =	vshll.u32 v0, $0x4  }
0x85: {  	v1 =	vand.u32 $0x7, v1;
	v0 =	vadd.s32 v0, v19  }
0x86: {  	v0 =	vor.u32 v1, v0  }
0x87: {  	v21 =	vmul.u32 $0x1700, v17  }
0x88: {  	v22 =	vshll.u32 v18, $0x7  }
0x89: {  	v23 =	vadd.s32 s29, v20;
	v24 =	vand.u32 $0x7, v20;
	v1 =	vadd.s32 v21, v22  }
0x8a: {  	v25 =	vand.u32 $0xFFFFFFF8, v23;
	v1 =	vor.u32 v24, v1  }
0x8b: {  	v1 =	vadd.s32 v25, v1;
	v0 =	vld.idx.msk [tilespmem:v0+s19+$0x0], $0xffff;
	_ =	sdelay $0x4  }
0x8c: {  	[tilespmem:v1+s13+$0x0] =	vst.idx.msk $0xffff, v0  }
0x8d: {  	v0 =	vld [tilespmem:$0x3C30]  }
0x8e: {  	v1 =	vld [tilespmem:$0x4080];
	_ =	sdelay $0x2  }
0x8f: {  	v26 =	vld [tilespmem:$0x44D0]  }
0x90: {  	v27 =	vld [tilespmem:$0x4920]  }
0x91: {  	v29 =	vld [tilespmem:$0x4D70];
	v28 =	vand.u32 $0xFFFFFFF8, v1;
	v0 =	vshll.u32 v0, $0x4  }
0x92: {  	v1 =	vand.u32 $0x7, v1;
	v0 =	vadd.s32 v0, v28  }
0x93: {  	v0 =	vor.u32 v1, v0  }
0x94: {  	v30 =	vmul.u32 $0x1700, v26  }
0x95: {  	v31 =	vshll.u32 v27, $0x7  }
0x96: {  	v32 =	vadd.s32 s29, v29;
	v33 =	vand.u32 $0x7, v29;
	v1 =	vadd.s32 v30, v31  }
0x97: {  	v34 =	vand.u32 $0xFFFFFFF8, v32;
	v1 =	vor.u32 v33, v1  }
0x98: {  	v1 =	vadd.s32 v34, v1;
	v0 =	vld.idx.msk [tilespmem:v0+s19+$0x0], $0xffff;
	_ =	sdelay $0x4  }
0x99: {  	[tilespmem:v1+s13+$0x0] =	vst.idx.msk $0xffff, v0  }
0x9a: {  	v0 =	vld [tilespmem:$0x3C40]  }
0x9b: {  	v1 =	vld [tilespmem:$0x4090];
	_ =	sdelay $0x2  }
0x9c: {  	v35 =	vld [tilespmem:$0x44E0]  }
0x9d: {  	v36 =	vld [tilespmem:$0x4930]  }
0x9e: {  	v38 =	vld [tilespmem:$0x4D80];
	v37 =	vand.u32 $0xFFFFFFF8, v1;
	v0 =	vshll.u32 v0, $0x4  }
0x9f: {  	v1 =	vand.u32 $0x7, v1;
	v0 =	vadd.s32 v0, v37  }
0xa0: {  	v0 =	vor.u32 v1, v0  }
0xa1: {  	v39 =	vmul.u32 $0x1700, v35  }
0xa2: {  	v40 =	vshll.u32 v36, $0x7  }
0xa3: {  	v41 =	vadd.s32 s29, v38;
	v42 =	vand.u32 $0x7, v38;
	v1 =	vadd.s32 v39, v40  }
0xa4: {  	v43 =	vand.u32 $0xFFFFFFF8, v41;
	v1 =	vor.u32 v42, v1  }
0xa5: {  	v1 =	vadd.s32 v43, v1;
	v0 =	vld.idx.msk [tilespmem:v0+s19+$0x0], $0xffff;
	_ =	sdelay $0x4  }
0xa6: {  	[tilespmem:v1+s13+$0x0] =	vst.idx.msk $0xffff, v0  }
0xa7: {  	v0 =	vld [tilespmem:$0x3C50]  }
0xa8: {  	v1 =	vld [tilespmem:$0x40A0];
	_ =	sdelay $0x2  }
0xa9: {  	v44 =	vld [tilespmem:$0x44F0]  }
0xaa: {  	v45 =	vld [tilespmem:$0x4940]  }
0xab: {  	v47 =	vld [tilespmem:$0x4D90];
	v46 =	vand.u32 $0xFFFFFFF8, v1;
	v0 =	vshll.u32 v0, $0x4  }
0xac: {  	v1 =	vand.u32 $0x7, v1;
	v0 =	vadd.s32 v0, v46  }
0xad: {  	v0 =	vor.u32 v1, v0  }
0xae: {  	v48 =	vmul.u32 $0x1700, v44  }
0xaf: {  	v49 =	vshll.u32 v45, $0x7  }
0xb0: {  	v50 =	vadd.s32 s29, v47;
	v51 =	vand.u32 $0x7, v47;
	v1 =	vadd.s32 v48, v49  }
0xb1: {  	v52 =	vand.u32 $0xFFFFFFF8, v50;
	v1 =	vor.u32 v51, v1  }
0xb2: {  	v1 =	vadd.s32 v52, v1;
	v0 =	vld.idx.msk [tilespmem:v0+s19+$0x0], $0xffff;
	_ =	sdelay $0x4  }
0xb3: {  	[tilespmem:v1+s13+$0x0] =	vst.idx.msk $0xffff, v0  }
0xb4: {  	v0 =	vld [tilespmem:$0x3C60]  }
0xb5: {  	v1 =	vld [tilespmem:$0x40B0];
	_ =	sdelay $0x2  }
0xb6: {  	v53 =	vld [tilespmem:$0x4500]  }
0xb7: {  	v54 =	vld [tilespmem:$0x4950]  }
0xb8: {  	v56 =	vld [tilespmem:$0x4DA0];
	v55 =	vand.u32 $0xFFFFFFF8, v1;
	v0 =	vshll.u32 v0, $0x4  }
0xb9: {  	v1 =	vand.u32 $0x7, v1;
	v0 =	vadd.s32 v0, v55  }
0xba: {  	v0 =	vor.u32 v1, v0  }
0xbb: {  	v57 =	vmul.u32 $0x1700, v53  }
0xbc: {  	v58 =	vshll.u32 v54, $0x7  }
0xbd: {  	v59 =	vadd.s32 s29, v56;
	v60 =	vand.u32 $0x7, v56;
	v1 =	vadd.s32 v57, v58  }
0xbe: {  	v61 =	vand.u32 $0xFFFFFFF8, v59;
	v1 =	vor.u32 v60, v1  }
0xbf: {  	v1 =	vadd.s32 v61, v1;
	v0 =	vld.idx.msk [tilespmem:v0+s19+$0x0], $0xffff;
	_ =	sdelay $0x4  }
0xc0: {  	[tilespmem:v1+s13+$0x0] =	vst.idx.msk $0xffff, v0  }
0xc1: {  	v0 =	vld [tilespmem:$0x3C70]  }
0xc2: {  	v1 =	vld [tilespmem:$0x40C0];
	_ =	sdelay $0x2  }
0xc3: {  	v62 =	vld [tilespmem:$0x4510]  }
0xc4: {  	v63 =	vld [tilespmem:$0x4960]  }
0xc5: {  	v9 =	vld [tilespmem:$0x4DB0];
	v8 =	vand.u32 $0xFFFFFFF8, v1;
	v0 =	vshll.u32 v0, $0x4  }
0xc6: {  	v1 =	vand.u32 $0x7, v1;
	v0 =	vadd.s32 v0, v8  }
0xc7: {  	v0 =	vor.u32 v1, v0  }
0xc8: {  	v10 =	vmul.u32 $0x1700, v62  }
0xc9: {  	v11 =	vshll.u32 v63, $0x7  }
0xca: {  	v12 =	vadd.s32 s29, v9;
	v13 =	vand.u32 $0x7, v9;
	v1 =	vadd.s32 v10, v11  }
0xcb: {  	v14 =	vand.u32 $0xFFFFFFF8, v12;
	v1 =	vor.u32 v13, v1  }
0xcc: {  	v1 =	vadd.s32 v14, v1;
	v0 =	vld.idx.msk [tilespmem:v0+s19+$0x0], $0xffff;
	_ =	sdelay $0x4  }
0xcd: {  	[tilespmem:v1+s13+$0x0] =	vst.idx.msk $0xffff, v0  }
0xce: {  	v0 =	vld [tilespmem:$0x3C80]  }
0xcf: {  	v1 =	vld [tilespmem:$0x40D0];
	_ =	sdelay $0x2  }
0xd0: {  	v15 =	vld [tilespmem:$0x4520]  }
0xd1: {  	v16 =	vld [tilespmem:$0x4970]  }
0xd2: {  	v18 =	vld [tilespmem:$0x4DC0];
	v17 =	vand.u32 $0xFFFFFFF8, v1;
	v0 =	vshll.u32 v0, $0x4  }
0xd3: {  	v1 =	vand.u32 $0x7, v1;
	v0 =	vadd.s32 v0, v17  }
0xd4: {  	v0 =	vor.u32 v1, v0  }
0xd5: {  	v19 =	vmul.u32 $0x1700, v15  }
0xd6: {  	v20 =	vshll.u32 v16, $0x7  }
0xd7: {  	v21 =	vadd.s32 s29, v18;
	v22 =	vand.u32 $0x7, v18;
	v1 =	vadd.s32 v19, v20  }
0xd8: {  	v23 =	vand.u32 $0xFFFFFFF8, v21;
	v1 =	vor.u32 v22, v1  }
0xd9: {  	v1 =	vadd.s32 v23, v1;
	v0 =	vld.idx.msk [tilespmem:v0+s19+$0x0], $0xffff;
	_ =	sdelay $0x4  }
0xda: {  	[tilespmem:v1+s13+$0x0] =	vst.idx.msk $0xffff, v0  }
0xdb: {  	v0 =	vld [tilespmem:$0x3C90]  }
0xdc: {  	v1 =	vld [tilespmem:$0x40E0];
	_ =	sdelay $0x2  }
0xdd: {  	v24 =	vld [tilespmem:$0x4530]  }
0xde: {  	v25 =	vld [tilespmem:$0x4980]  }
0xdf: {  	v27 =	vld [tilespmem:$0x4DD0];
	v26 =	vand.u32 $0xFFFFFFF8, v1;
	v0 =	vshll.u32 v0, $0x4  }
0xe0: {  	v1 =	vand.u32 $0x7, v1;
	v0 =	vadd.s32 v0, v26  }
0xe1: {  	v0 =	vor.u32 v1, v0  }
0xe2: {  	v28 =	vmul.u32 $0x1700, v24  }
0xe3: {  	v29 =	vshll.u32 v25, $0x7  }
0xe4: {  	v30 =	vadd.s32 s29, v27;
	v31 =	vand.u32 $0x7, v27;
	v1 =	vadd.s32 v28, v29  }
0xe5: {  	v32 =	vand.u32 $0xFFFFFFF8, v30;
	v1 =	vor.u32 v31, v1  }
0xe6: {  	v1 =	vadd.s32 v32, v1;
	v0 =	vld.idx.msk [tilespmem:v0+s19+$0x0], $0xffff;
	_ =	sdelay $0x4  }
0xe7: {  	[tilespmem:v1+s13+$0x0] =	vst.idx.msk $0xffff, v0  }
0xe8: {  	v0 =	vld [tilespmem:$0x3CA0]  }
0xe9: {  	v1 =	vld [tilespmem:$0x40F0];
	_ =	sdelay $0x2  }
0xea: {  	v33 =	vld [tilespmem:$0x4540]  }
0xeb: {  	v34 =	vld [tilespmem:$0x4990]  }
0xec: {  	v36 =	vld [tilespmem:$0x4DE0];
	v35 =	vand.u32 $0xFFFFFFF8, v1;
	v0 =	vshll.u32 v0, $0x4  }
0xed: {  	v1 =	vand.u32 $0x7, v1;
	v0 =	vadd.s32 v0, v35  }
0xee: {  	v0 =	vor.u32 v1, v0  }
0xef: {  	v37 =	vmul.u32 $0x1700, v33  }
0xf0: {  	v38 =	vshll.u32 v34, $0x7  }
0xf1: {  	v39 =	vadd.s32 s29, v36;
	v40 =	vand.u32 $0x7, v36;
	v1 =	vadd.s32 v37, v38  }
0xf2: {  	v41 =	vand.u32 $0xFFFFFFF8, v39;
	v1 =	vor.u32 v40, v1  }
0xf3: {  	v1 =	vadd.s32 v41, v1;
	v0 =	vld.idx.msk [tilespmem:v0+s19+$0x0], $0xffff;
	_ =	sdelay $0x4  }
0xf4: {  	[tilespmem:v1+s13+$0x0] =	vst.idx.msk $0xffff, v0  }
0xf5: {  	v0 =	vld [tilespmem:$0x3CB0]  }
0xf6: {  	v1 =	vld [tilespmem:$0x4100];
	_ =	sdelay $0x2  }
0xf7: {  	v42 =	vld [tilespmem:$0x4550]  }
0xf8: {  	v43 =	vld [tilespmem:$0x49A0]  }
0xf9: {  	v45 =	vld [tilespmem:$0x4DF0];
	v44 =	vand.u32 $0xFFFFFFF8, v1;
	v0 =	vshll.u32 v0, $0x4  }
0xfa: {  	v1 =	vand.u32 $0x7, v1;
	v0 =	vadd.s32 v0, v44  }
0xfb: {  	v0 =	vor.u32 v1, v0  }
0xfc: {  	v46 =	vmul.u32 $0x1700, v42  }
0xfd: {  	v47 =	vshll.u32 v43, $0x7  }
0xfe: {  	v48 =	vadd.s32 s29, v45;
	v49 =	vand.u32 $0x7, v45;
	v1 =	vadd.s32 v46, v47  }
0xff: {  	v50 =	vand.u32 $0xFFFFFFF8, v48;
	v1 =	vor.u32 v49, v1  }
0x100: {  	v1 =	vadd.s32 v50, v1;
	v0 =	vld.idx.msk [tilespmem:v0+s19+$0x0], $0xffff;
	_ =	sdelay $0x4  }
0x101: {  	[tilespmem:v1+s13+$0x0] =	vst.idx.msk $0xffff, v0  }
0x102: {  	v0 =	vld [tilespmem:$0x3CC0]  }
0x103: {  	v1 =	vld [tilespmem:$0x4110];
	_ =	sdelay $0x2  }
0x104: {  	v51 =	vld [tilespmem:$0x4560]  }
0x105: {  	v52 =	vld [tilespmem:$0x49B0]  }
0x106: {  	v54 =	vld [tilespmem:$0x4E00];
	v53 =	vand.u32 $0xFFFFFFF8, v1;
	v0 =	vshll.u32 v0, $0x4  }
0x107: {  	v1 =	vand.u32 $0x7, v1;
	v0 =	vadd.s32 v0, v53  }
0x108: {  	v0 =	vor.u32 v1, v0  }
0x109: {  	v55 =	vmul.u32 $0x1700, v51  }
0x10a: {  	v56 =	vshll.u32 v52, $0x7  }
0x10b: {  	v57 =	vadd.s32 s29, v54;
	v58 =	vand.u32 $0x7, v54;
	v1 =	vadd.s32 v55, v56  }
0x10c: {  	v59 =	vand.u32 $0xFFFFFFF8, v57;
	v1 =	vor.u32 v58, v1  }
0x10d: {  	v1 =	vadd.s32 v59, v1;
	v0 =	vld.idx.msk [tilespmem:v0+s19+$0x0], $0xffff;
	_ =	sdelay $0x4  }
0x10e: {  	[tilespmem:v1+s13+$0x0] =	vst.idx.msk $0xffff, v0  }
0x10f: {  	v0 =	vld [tilespmem:$0x3CD0]  }
0x110: {  	v1 =	vld [tilespmem:$0x4120];
	_ =	sdelay $0x2  }
0x111: {  	v60 =	vld [tilespmem:$0x4570]  }
0x112: {  	v61 =	vld [tilespmem:$0x49C0]  }
0x113: {  	v63 =	vld [tilespmem:$0x4E10];
	v62 =	vand.u32 $0xFFFFFFF8, v1;
	v0 =	vshll.u32 v0, $0x4  }
0x114: {  	v1 =	vand.u32 $0x7, v1;
	v0 =	vadd.s32 v0, v62  }
0x115: {  	v0 =	vor.u32 v1, v0  }
0x116: {  	v8 =	vmul.u32 $0x1700, v60  }
0x117: {  	v9 =	vshll.u32 v61, $0x7  }
0x118: {  	v10 =	vadd.s32 s29, v63;
	v11 =	vand.u32 $0x7, v63;
	v1 =	vadd.s32 v8, v9  }
0x119: {  	v12 =	vand.u32 $0xFFFFFFF8, v10;
	v1 =	vor.u32 v11, v1  }
0x11a: {  	v1 =	vadd.s32 v12, v1;
	v0 =	vld.idx.msk [tilespmem:v0+s19+$0x0], $0xffff;
	_ =	sdelay $0x4  }
0x11b: {  	[tilespmem:v1+s13+$0x0] =	vst.idx.msk $0xffff, v0  }
0x11c: {  	v0 =	vld [tilespmem:$0x3CE0]  }
0x11d: {  	v1 =	vld [tilespmem:$0x4130];
	_ =	sdelay $0x2  }
0x11e: {  	v13 =	vld [tilespmem:$0x4580]  }
0x11f: {  	v14 =	vld [tilespmem:$0x49D0]  }
0x120: {  	v16 =	vld [tilespmem:$0x4E20];
	v15 =	vand.u32 $0xFFFFFFF8, v1;
	v0 =	vshll.u32 v0, $0x4  }
0x121: {  	v1 =	vand.u32 $0x7, v1;
	v0 =	vadd.s32 v0, v15  }
0x122: {  	v0 =	vor.u32 v1, v0  }
0x123: {  	v17 =	vmul.u32 $0x1700, v13  }
0x124: {  	v18 =	vshll.u32 v14, $0x7  }
0x125: {  	v19 =	vadd.s32 s29, v16;
	v20 =	vand.u32 $0x7, v16;
	v1 =	vadd.s32 v17, v18  }
0x126: {  	v21 =	vand.u32 $0xFFFFFFF8, v19;
	v1 =	vor.u32 v20, v1  }
0x127: {  	v1 =	vadd.s32 v21, v1;
	v0 =	vld.idx.msk [tilespmem:v0+s19+$0x0], $0xffff;
	_ =	sdelay $0x4  }
0x128: {  	[tilespmem:v1+s13+$0x0] =	vst.idx.msk $0xffff, v0  }
0x129: {  	v0 =	vld [tilespmem:$0x3CF0]  }
0x12a: {  	v1 =	vld [tilespmem:$0x4140];
	_ =	sdelay $0x2  }
0x12b: {  	v22 =	vld [tilespmem:$0x4590]  }
0x12c: {  	v23 =	vld [tilespmem:$0x49E0]  }
0x12d: {  	v25 =	vld [tilespmem:$0x4E30];
	v24 =	vand.u32 $0xFFFFFFF8, v1;
	v0 =	vshll.u32 v0, $0x4  }
0x12e: {  	v1 =	vand.u32 $0x7, v1;
	v0 =	vadd.s32 v0, v24  }
0x12f: {  	v0 =	vor.u32 v1, v0  }
0x130: {  	v26 =	vmul.u32 $0x1700, v22  }
0x131: {  	v27 =	vshll.u32 v23, $0x7  }
0x132: {  	v28 =	vadd.s32 s29, v25;
	v29 =	vand.u32 $0x7, v25;
	v1 =	vadd.s32 v26, v27  }
0x133: {  	v30 =	vand.u32 $0xFFFFFFF8, v28;
	v1 =	vor.u32 v29, v1  }
0x134: {  	v1 =	vadd.s32 v30, v1;
	v0 =	vld.idx.msk [tilespmem:v0+s19+$0x0], $0xffff;
	_ =	sdelay $0x4  }
0x135: {  	[tilespmem:v1+s13+$0x0] =	vst.idx.msk $0xffff, v0  }
0x136: {  	v0 =	vld [tilespmem:$0x3D00]  }
0x137: {  	v1 =	vld [tilespmem:$0x4150];
	_ =	sdelay $0x2  }
0x138: {  	v31 =	vld [tilespmem:$0x45A0]  }
0x139: {  	v32 =	vld [tilespmem:$0x49F0]  }
0x13a: {  	v34 =	vld [tilespmem:$0x4E40];
	v33 =	vand.u32 $0xFFFFFFF8, v1;
	v0 =	vshll.u32 v0, $0x4  }
0x13b: {  	v1 =	vand.u32 $0x7, v1;
	v0 =	vadd.s32 v0, v33  }
0x13c: {  	v0 =	vor.u32 v1, v0  }
0x13d: {  	v35 =	vmul.u32 $0x1700, v31  }
0x13e: {  	v36 =	vshll.u32 v32, $0x7  }
0x13f: {  	v37 =	vadd.s32 s29, v34;
	v38 =	vand.u32 $0x7, v34;
	v1 =	vadd.s32 v35, v36  }
0x140: {  	v39 =	vand.u32 $0xFFFFFFF8, v37;
	v1 =	vor.u32 v38, v1  }
0x141: {  	v1 =	vadd.s32 v39, v1;
	v0 =	vld.idx.msk [tilespmem:v0+s19+$0x0], $0xffff;
	_ =	sdelay $0x4  }
0x142: {  	[tilespmem:v1+s13+$0x0] =	vst.idx.msk $0xffff, v0  }
0x143: {  	v0 =	vld [tilespmem:$0x3D10]  }
0x144: {  	v1 =	vld [tilespmem:$0x4160];
	_ =	sdelay $0x2  }
0x145: {  	v40 =	vld [tilespmem:$0x45B0]  }
0x146: {  	v41 =	vld [tilespmem:$0x4A00]  }
0x147: {  	v43 =	vld [tilespmem:$0x4E50];
	v42 =	vand.u32 $0xFFFFFFF8, v1;
	v0 =	vshll.u32 v0, $0x4  }
0x148: {  	v1 =	vand.u32 $0x7, v1;
	v0 =	vadd.s32 v0, v42  }
0x149: {  	v0 =	vor.u32 v1, v0  }
0x14a: {  	v44 =	vmul.u32 $0x1700, v40  }
0x14b: {  	v45 =	vshll.u32 v41, $0x7  }
0x14c: {  	v46 =	vadd.s32 s29, v43;
	v47 =	vand.u32 $0x7, v43;
	v1 =	vadd.s32 v44, v45  }
0x14d: {  	v48 =	vand.u32 $0xFFFFFFF8, v46;
	v1 =	vor.u32 v47, v1  }
0x14e: {  	v1 =	vadd.s32 v48, v1;
	v0 =	vld.idx.msk [tilespmem:v0+s19+$0x0], $0xffff;
	_ =	sdelay $0x4  }
0x14f: {  	[tilespmem:v1+s13+$0x0] =	vst.idx.msk $0xffff, v0  }
0x150: {  	v0 =	vld [tilespmem:$0x3D20]  }
0x151: {  	v1 =	vld [tilespmem:$0x4170];
	_ =	sdelay $0x2  }
0x152: {  	v49 =	vld [tilespmem:$0x45C0]  }
0x153: {  	v50 =	vld [tilespmem:$0x4A10]  }
0x154: {  	v52 =	vld [tilespmem:$0x4E60];
	v51 =	vand.u32 $0xFFFFFFF8, v1;
	v0 =	vshll.u32 v0, $0x4  }
0x155: {  	v1 =	vand.u32 $0x7, v1;
	v0 =	vadd.s32 v0, v51  }
0x156: {  	v0 =	vor.u32 v1, v0  }
0x157: {  	v53 =	vmul.u32 $0x1700, v49  }
0x158: {  	v54 =	vshll.u32 v50, $0x7  }
0x159: {  	v55 =	vadd.s32 s29, v52;
	v56 =	vand.u32 $0x7, v52;
	v1 =	vadd.s32 v53, v54  }
0x15a: {  	v57 =	vand.u32 $0xFFFFFFF8, v55;
	v1 =	vor.u32 v56, v1  }
0x15b: {  	v1 =	vadd.s32 v57, v1;
	v0 =	vld.idx.msk [tilespmem:v0+s19+$0x0], $0xffff;
	_ =	sdelay $0x4  }
0x15c: {  	[tilespmem:v1+s13+$0x0] =	vst.idx.msk $0xffff, v0  }
0x15d: {  	v0 =	vld [tilespmem:$0x3D30]  }
0x15e: {  	v1 =	vld [tilespmem:$0x4180];
	_ =	sdelay $0x2  }
0x15f: {  	v58 =	vld [tilespmem:$0x45D0]  }
0x160: {  	v59 =	vld [tilespmem:$0x4A20]  }
0x161: {  	v61 =	vld [tilespmem:$0x4E70];
	v60 =	vand.u32 $0xFFFFFFF8, v1;
	v0 =	vshll.u32 v0, $0x4  }
0x162: {  	v1 =	vand.u32 $0x7, v1;
	v0 =	vadd.s32 v0, v60  }
0x163: {  	v0 =	vor.u32 v1, v0  }
0x164: {  	v62 =	vmul.u32 $0x1700, v58  }
0x165: {  	v63 =	vshll.u32 v59, $0x7  }
0x166: {  	v8 =	vadd.s32 s29, v61;
	v9 =	vand.u32 $0x7, v61;
	v1 =	vadd.s32 v62, v63  }
0x167: {  	v10 =	vand.u32 $0xFFFFFFF8, v8;
	v1 =	vor.u32 v9, v1  }
0x168: {  	v1 =	vadd.s32 v10, v1;
	v0 =	vld.idx.msk [tilespmem:v0+s19+$0x0], $0xffff;
	_ =	sdelay $0x4  }
0x169: {  	[tilespmem:v1+s13+$0x0] =	vst.idx.msk $0xffff, v0  }
0x16a: {  	v0 =	vld [tilespmem:$0x3D40]  }
0x16b: {  	v1 =	vld [tilespmem:$0x4190];
	_ =	sdelay $0x2  }
0x16c: {  	v11 =	vld [tilespmem:$0x45E0]  }
0x16d: {  	v12 =	vld [tilespmem:$0x4A30]  }
0x16e: {  	v14 =	vld [tilespmem:$0x4E80];
	v13 =	vand.u32 $0xFFFFFFF8, v1;
	v0 =	vshll.u32 v0, $0x4  }
0x16f: {  	v1 =	vand.u32 $0x7, v1;
	v0 =	vadd.s32 v0, v13  }
0x170: {  	v0 =	vor.u32 v1, v0  }
0x171: {  	v15 =	vmul.u32 $0x1700, v11  }
0x172: {  	v16 =	vshll.u32 v12, $0x7  }
0x173: {  	v17 =	vadd.s32 s29, v14;
	v18 =	vand.u32 $0x7, v14;
	v1 =	vadd.s32 v15, v16  }
0x174: {  	v19 =	vand.u32 $0xFFFFFFF8, v17;
	v1 =	vor.u32 v18, v1  }
0x175: {  	v1 =	vadd.s32 v19, v1;
	v0 =	vld.idx.msk [tilespmem:v0+s19+$0x0], $0xffff;
	_ =	sdelay $0x4  }
0x176: {  	[tilespmem:v1+s13+$0x0] =	vst.idx.msk $0xffff, v0  }
0x177: {  	v0 =	vld [tilespmem:$0x3D50]  }
0x178: {  	v1 =	vld [tilespmem:$0x41A0];
	_ =	sdelay $0x2  }
0x179: {  	v20 =	vld [tilespmem:$0x45F0]  }
0x17a: {  	v21 =	vld [tilespmem:$0x4A40]  }
0x17b: {  	v23 =	vld [tilespmem:$0x4E90];
	v22 =	vand.u32 $0xFFFFFFF8, v1;
	v0 =	vshll.u32 v0, $0x4  }
0x17c: {  	v1 =	vand.u32 $0x7, v1;
	v0 =	vadd.s32 v0, v22  }
0x17d: {  	v0 =	vor.u32 v1, v0  }
0x17e: {  	v24 =	vmul.u32 $0x1700, v20  }
0x17f: {  	v25 =	vshll.u32 v21, $0x7  }
0x180: {  	v26 =	vadd.s32 s29, v23;
	v27 =	vand.u32 $0x7, v23;
	v1 =	vadd.s32 v24, v25  }
0x181: {  	v28 =	vand.u32 $0xFFFFFFF8, v26;
	v1 =	vor.u32 v27, v1  }
0x182: {  	v1 =	vadd.s32 v28, v1;
	v0 =	vld.idx.msk [tilespmem:v0+s19+$0x0], $0xffff;
	_ =	sdelay $0x4  }
0x183: {  	[tilespmem:v1+s13+$0x0] =	vst.idx.msk $0xffff, v0  }
0x184: {  	v0 =	vld [tilespmem:$0x3D60]  }
0x185: {  	v1 =	vld [tilespmem:$0x41B0];
	_ =	sdelay $0x2  }
0x186: {  	v29 =	vld [tilespmem:$0x4600]  }
0x187: {  	v30 =	vld [tilespmem:$0x4A50]  }
0x188: {  	v32 =	vld [tilespmem:$0x4EA0];
	v31 =	vand.u32 $0xFFFFFFF8, v1;
	v0 =	vshll.u32 v0, $0x4  }
0x189: {  	v1 =	vand.u32 $0x7, v1;
	v0 =	vadd.s32 v0, v31  }
0x18a: {  	v0 =	vor.u32 v1, v0  }
0x18b: {  	v33 =	vmul.u32 $0x1700, v29  }
0x18c: {  	v34 =	vshll.u32 v30, $0x7  }
0x18d: {  	v35 =	vadd.s32 s29, v32;
	v36 =	vand.u32 $0x7, v32;
	v1 =	vadd.s32 v33, v34  }
0x18e: {  	v37 =	vand.u32 $0xFFFFFFF8, v35;
	v1 =	vor.u32 v36, v1  }
0x18f: {  	v1 =	vadd.s32 v37, v1;
	v0 =	vld.idx.msk [tilespmem:v0+s19+$0x0], $0xffff;
	_ =	sdelay $0x4  }
0x190: {  	[tilespmem:v1+s13+$0x0] =	vst.idx.msk $0xffff, v0  }
0x191: {  	v0 =	vld [tilespmem:$0x3D70]  }
0x192: {  	v1 =	vld [tilespmem:$0x41C0];
	_ =	sdelay $0x2  }
0x193: {  	v38 =	vld [tilespmem:$0x4610]  }
0x194: {  	v39 =	vld [tilespmem:$0x4A60]  }
0x195: {  	v41 =	vld [tilespmem:$0x4EB0];
	v40 =	vand.u32 $0xFFFFFFF8, v1;
	v0 =	vshll.u32 v0, $0x4  }
0x196: {  	v1 =	vand.u32 $0x7, v1;
	v0 =	vadd.s32 v0, v40  }
0x197: {  	v0 =	vor.u32 v1, v0  }
0x198: {  	v42 =	vmul.u32 $0x1700, v38  }
0x199: {  	v43 =	vshll.u32 v39, $0x7  }
0x19a: {  	v44 =	vadd.s32 s29, v41;
	v45 =	vand.u32 $0x7, v41;
	v1 =	vadd.s32 v42, v43  }
0x19b: {  	v46 =	vand.u32 $0xFFFFFFF8, v44;
	v1 =	vor.u32 v45, v1  }
0x19c: {  	v1 =	vadd.s32 v46, v1;
	v0 =	vld.idx.msk [tilespmem:v0+s19+$0x0], $0xffff;
	_ =	sdelay $0x4  }
0x19d: {  	[tilespmem:v1+s13+$0x0] =	vst.idx.msk $0xffff, v0  }
0x19e: {  	v0 =	vld [tilespmem:$0x3D80]  }
0x19f: {  	v1 =	vld [tilespmem:$0x41D0];
	_ =	sdelay $0x2  }
0x1a0: {  	v47 =	vld [tilespmem:$0x4620]  }
0x1a1: {  	v48 =	vld [tilespmem:$0x4A70]  }
0x1a2: {  	v50 =	vld [tilespmem:$0x4EC0];
	v49 =	vand.u32 $0xFFFFFFF8, v1;
	v0 =	vshll.u32 v0, $0x4  }
0x1a3: {  	v1 =	vand.u32 $0x7, v1;
	v0 =	vadd.s32 v0, v49  }
0x1a4: {  	v0 =	vor.u32 v1, v0  }
0x1a5: {  	v51 =	vmul.u32 $0x1700, v47  }
0x1a6: {  	v52 =	vshll.u32 v48, $0x7  }
0x1a7: {  	v53 =	vadd.s32 s29, v50;
	v54 =	vand.u32 $0x7, v50;
	v1 =	vadd.s32 v51, v52  }
0x1a8: {  	v55 =	vand.u32 $0xFFFFFFF8, v53;
	v1 =	vor.u32 v54, v1  }
0x1a9: {  	v1 =	vadd.s32 v55, v1;
	v0 =	vld.idx.msk [tilespmem:v0+s19+$0x0], $0xffff;
	_ =	sdelay $0x4  }
0x1aa: {  	[tilespmem:v1+s13+$0x0] =	vst.idx.msk $0xffff, v0  }
0x1ab: {  	v0 =	vld [tilespmem:$0x3D90]  }
0x1ac: {  	v1 =	vld [tilespmem:$0x41E0];
	_ =	sdelay $0x2  }
0x1ad: {  	v56 =	vld [tilespmem:$0x4630]  }
0x1ae: {  	v57 =	vld [tilespmem:$0x4A80]  }
0x1af: {  	v59 =	vld [tilespmem:$0x4ED0];
	v58 =	vand.u32 $0xFFFFFFF8, v1;
	v0 =	vshll.u32 v0, $0x4  }
0x1b0: {  	v1 =	vand.u32 $0x7, v1;
	v0 =	vadd.s32 v0, v58  }
0x1b1: {  	v0 =	vor.u32 v1, v0  }
0x1b2: {  	v60 =	vmul.u32 $0x1700, v56  }
0x1b3: {  	v61 =	vshll.u32 v57, $0x7  }
0x1b4: {  	v62 =	vadd.s32 s29, v59;
	v63 =	vand.u32 $0x7, v59;
	v1 =	vadd.s32 v60, v61  }
0x1b5: {  	v7 =	vand.u32 $0xFFFFFFF8, v62;
	v1 =	vor.u32 v63, v1  }
0x1b6: {  	v1 =	vadd.s32 v7, v1;
	v0 =	vld.idx.msk [tilespmem:v0+s19+$0x0], $0xffff;
	_ =	sdelay $0x4  }
0x1b7: {  	[tilespmem:v1+s13+$0x0] =	vst.idx.msk $0xffff, v0  }
0x1b8: {  	v0 =	vld [tilespmem:$0x3DA0]  }
0x1b9: {  	v1 =	vld [tilespmem:$0x41F0];
	_ =	sdelay $0x2  }
0x1ba: {  	v8 =	vld [tilespmem:$0x4640]  }
0x1bb: {  	v9 =	vld [tilespmem:$0x4A90]  }
0x1bc: {  	v11 =	vld [tilespmem:$0x4EE0];
	v10 =	vand.u32 $0xFFFFFFF8, v1;
	v0 =	vshll.u32 v0, $0x4  }
0x1bd: {  	v1 =	vand.u32 $0x7, v1;
	v0 =	vadd.s32 v0, v10  }
0x1be: {  	v0 =	vor.u32 v1, v0  }
0x1bf: {  	v12 =	vmul.u32 $0x1700, v8  }
0x1c0: {  	v13 =	vshll.u32 v9, $0x7  }
0x1c1: {  	v14 =	vadd.s32 s29, v11;
	v15 =	vand.u32 $0x7, v11;
	v1 =	vadd.s32 v12, v13  }
0x1c2: {  	v16 =	vand.u32 $0xFFFFFFF8, v14;
	v1 =	vor.u32 v15, v1  }
0x1c3: {  	v1 =	vadd.s32 v16, v1;
	v0 =	vld.idx.msk [tilespmem:v0+s19+$0x0], $0xffff;
	_ =	sdelay $0x4  }
0x1c4: {  	[tilespmem:v1+s13+$0x0] =	vst.idx.msk $0xffff, v0  }
0x1c5: {  	v0 =	vld [tilespmem:$0x3DB0]  }
0x1c6: {  	v1 =	vld [tilespmem:$0x4200];
	_ =	sdelay $0x2  }
0x1c7: {  	v17 =	vld [tilespmem:$0x4650]  }
0x1c8: {  	v18 =	vld [tilespmem:$0x4AA0]  }
0x1c9: {  	v20 =	vld [tilespmem:$0x4EF0];
	v19 =	vand.u32 $0xFFFFFFF8, v1;
	v0 =	vshll.u32 v0, $0x4  }
0x1ca: {  	v1 =	vand.u32 $0x7, v1;
	v0 =	vadd.s32 v0, v19  }
0x1cb: {  	v0 =	vor.u32 v1, v0  }
0x1cc: {  	v21 =	vmul.u32 $0x1700, v17  }
0x1cd: {  	v22 =	vshll.u32 v18, $0x7  }
0x1ce: {  	v23 =	vadd.s32 s29, v20;
	v24 =	vand.u32 $0x7, v20;
	v1 =	vadd.s32 v21, v22  }
0x1cf: {  	v25 =	vand.u32 $0xFFFFFFF8, v23;
	v1 =	vor.u32 v24, v1  }
0x1d0: {  	v1 =	vadd.s32 v25, v1;
	v0 =	vld.idx.msk [tilespmem:v0+s19+$0x0], $0xffff;
	_ =	sdelay $0x4  }
0x1d1: {  	[tilespmem:v1+s13+$0x0] =	vst.idx.msk $0xffff, v0  }
0x1d2: {  	v0 =	vld [tilespmem:$0x3DC0]  }
0x1d3: {  	v1 =	vld [tilespmem:$0x4210];
	_ =	sdelay $0x2  }
0x1d4: {  	v26 =	vld [tilespmem:$0x4660]  }
0x1d5: {  	v27 =	vld [tilespmem:$0x4AB0]  }
0x1d6: {  	v29 =	vld [tilespmem:$0x4F00];
	v28 =	vand.u32 $0xFFFFFFF8, v1;
	v0 =	vshll.u32 v0, $0x4  }
0x1d7: {  	v1 =	vand.u32 $0x7, v1;
	v0 =	vadd.s32 v0, v28  }
0x1d8: {  	v0 =	vor.u32 v1, v0  }
0x1d9: {  	v30 =	vmul.u32 $0x1700, v26  }
0x1da: {  	v31 =	vshll.u32 v27, $0x7  }
0x1db: {  	v32 =	vadd.s32 s29, v29;
	v33 =	vand.u32 $0x7, v29;
	v1 =	vadd.s32 v30, v31  }
0x1dc: {  	v34 =	vand.u32 $0xFFFFFFF8, v32;
	v1 =	vor.u32 v33, v1  }
0x1dd: {  	v1 =	vadd.s32 v34, v1;
	v0 =	vld.idx.msk [tilespmem:v0+s19+$0x0], $0xffff;
	_ =	sdelay $0x4  }
0x1de: {  	[tilespmem:v1+s13+$0x0] =	vst.idx.msk $0xffff, v0  }
0x1df: {  	v0 =	vld [tilespmem:$0x3DD0]  }
0x1e0: {  	v1 =	vld [tilespmem:$0x4220];
	_ =	sdelay $0x2  }
0x1e1: {  	v35 =	vld [tilespmem:$0x4670]  }
0x1e2: {  	v36 =	vld [tilespmem:$0x4AC0]  }
0x1e3: {  	v38 =	vld [tilespmem:$0x4F10];
	v37 =	vand.u32 $0xFFFFFFF8, v1;
	v0 =	vshll.u32 v0, $0x4  }
0x1e4: {  	v1 =	vand.u32 $0x7, v1;
	v0 =	vadd.s32 v0, v37  }
0x1e5: {  	v0 =	vor.u32 v1, v0  }
0x1e6: {  	v39 =	vmul.u32 $0x1700, v35  }
0x1e7: {  	v40 =	vshll.u32 v36, $0x7  }
0x1e8: {  	v41 =	vadd.s32 s29, v38;
	v42 =	vand.u32 $0x7, v38;
	v1 =	vadd.s32 v39, v40  }
0x1e9: {  	v43 =	vand.u32 $0xFFFFFFF8, v41;
	v1 =	vor.u32 v42, v1  }
0x1ea: {  	v1 =	vadd.s32 v43, v1;
	v0 =	vld.idx.msk [tilespmem:v0+s19+$0x0], $0xffff;
	_ =	sdelay $0x4  }
0x1eb: {  	[tilespmem:v1+s13+$0x0] =	vst.idx.msk $0xffff, v0  }
0x1ec: {  	v0 =	vld [tilespmem:$0x3DE0]  }
0x1ed: {  	v1 =	vld [tilespmem:$0x4230];
	_ =	sdelay $0x2  }
0x1ee: {  	v44 =	vld [tilespmem:$0x4680]  }
0x1ef: {  	v45 =	vld [tilespmem:$0x4AD0]  }
0x1f0: {  	v47 =	vld [tilespmem:$0x4F20];
	v46 =	vand.u32 $0xFFFFFFF8, v1;
	v0 =	vshll.u32 v0, $0x4  }
0x1f1: {  	v1 =	vand.u32 $0x7, v1;
	v0 =	vadd.s32 v0, v46  }
0x1f2: {  	v0 =	vor.u32 v1, v0  }
0x1f3: {  	v48 =	vmul.u32 $0x1700, v44  }
0x1f4: {  	v49 =	vshll.u32 v45, $0x7  }
0x1f5: {  	v50 =	vadd.s32 s29, v47;
	v51 =	vand.u32 $0x7, v47;
	v1 =	vadd.s32 v48, v49  }
0x1f6: {  	v52 =	vand.u32 $0xFFFFFFF8, v50;
	v1 =	vor.u32 v51, v1  }
0x1f7: {  	v1 =	vadd.s32 v52, v1;
	v0 =	vld.idx.msk [tilespmem:v0+s19+$0x0], $0xffff;
	_ =	sdelay $0x4  }
0x1f8: {  	[tilespmem:v1+s13+$0x0] =	vst.idx.msk $0xffff, v0  }
0x1f9: {  	v0 =	vld [tilespmem:$0x3DF0]  }
0x1fa: {  	v1 =	vld [tilespmem:$0x4240];
	_ =	sdelay $0x2  }
0x1fb: {  	v53 =	vld [tilespmem:$0x4690]  }
0x1fc: {  	v54 =	vld [tilespmem:$0x4AE0]  }
0x1fd: {  	v56 =	vld [tilespmem:$0x4F30];
	v55 =	vand.u32 $0xFFFFFFF8, v1;
	v0 =	vshll.u32 v0, $0x4  }
0x1fe: {  	v1 =	vand.u32 $0x7, v1;
	v0 =	vadd.s32 v0, v55  }
0x1ff: {  	v0 =	vor.u32 v1, v0  }
0x200: {  	v57 =	vmul.u32 $0x1700, v53  }
0x201: {  	v58 =	vshll.u32 v54, $0x7  }
0x202: {  	v59 =	vadd.s32 s29, v56;
	v60 =	vand.u32 $0x7, v56;
	v1 =	vadd.s32 v57, v58  }
0x203: {  	v61 =	vand.u32 $0xFFFFFFF8, v59;
	v1 =	vor.u32 v60, v1  }
0x204: {  	v1 =	vadd.s32 v61, v1;
	v0 =	vld.idx.msk [tilespmem:v0+s19+$0x0], $0xffff;
	_ =	sdelay $0x4  }
0x205: {  	[tilespmem:v1+s13+$0x0] =	vst.idx.msk $0xffff, v0  }
0x206: {  	v0 =	vld [tilespmem:$0x3E00]  }
0x207: {  	v1 =	vld [tilespmem:$0x4250];
	_ =	sdelay $0x2  }
0x208: {  	v62 =	vld [tilespmem:$0x46A0]  }
0x209: {  	v63 =	vld [tilespmem:$0x4AF0]  }
0x20a: {  	v9 =	vld [tilespmem:$0x4F40];
	v8 =	vand.u32 $0xFFFFFFF8, v1;
	v0 =	vshll.u32 v0, $0x4  }
0x20b: {  	v1 =	vand.u32 $0x7, v1;
	v0 =	vadd.s32 v0, v8  }
0x20c: {  	v0 =	vor.u32 v1, v0  }
0x20d: {  	v10 =	vmul.u32 $0x1700, v62  }
0x20e: {  	v11 =	vshll.u32 v63, $0x7  }
0x20f: {  	v12 =	vadd.s32 s29, v9;
	v13 =	vand.u32 $0x7, v9;
	v1 =	vadd.s32 v10, v11  }
0x210: {  	v14 =	vand.u32 $0xFFFFFFF8, v12;
	v1 =	vor.u32 v13, v1  }
0x211: {  	v1 =	vadd.s32 v14, v1;
	v0 =	vld.idx.msk [tilespmem:v0+s19+$0x0], $0xffff;
	_ =	sdelay $0x4  }
0x212: {  	[tilespmem:v1+s13+$0x0] =	vst.idx.msk $0xffff, v0  }
0x213: {  	v0 =	vld [tilespmem:$0x3E10]  }
0x214: {  	v1 =	vld [tilespmem:$0x4260];
	_ =	sdelay $0x2  }
0x215: {  	v15 =	vld [tilespmem:$0x46B0]  }
0x216: {  	v16 =	vld [tilespmem:$0x4B00]  }
0x217: {  	v18 =	vld [tilespmem:$0x4F50];
	v17 =	vand.u32 $0xFFFFFFF8, v1;
	v0 =	vshll.u32 v0, $0x4  }
0x218: {  	v1 =	vand.u32 $0x7, v1;
	v0 =	vadd.s32 v0, v17  }
0x219: {  	v0 =	vor.u32 v1, v0  }
0x21a: {  	v19 =	vmul.u32 $0x1700, v15  }
0x21b: {  	v20 =	vshll.u32 v16, $0x7  }
0x21c: {  	v21 =	vadd.s32 s29, v18;
	v22 =	vand.u32 $0x7, v18;
	v1 =	vadd.s32 v19, v20  }
0x21d: {  	v23 =	vand.u32 $0xFFFFFFF8, v21;
	v1 =	vor.u32 v22, v1  }
0x21e: {  	v1 =	vadd.s32 v23, v1;
	v0 =	vld.idx.msk [tilespmem:v0+s19+$0x0], $0xffff;
	_ =	sdelay $0x4  }
0x21f: {  	[tilespmem:v1+s13+$0x0] =	vst.idx.msk $0xffff, v0  }
0x220: {  	v0 =	vld [tilespmem:$0x3E20]  }
0x221: {  	v1 =	vld [tilespmem:$0x4270];
	_ =	sdelay $0x2  }
0x222: {  	v24 =	vld [tilespmem:$0x46C0]  }
0x223: {  	v25 =	vld [tilespmem:$0x4B10]  }
0x224: {  	v27 =	vld [tilespmem:$0x4F60];
	v26 =	vand.u32 $0xFFFFFFF8, v1;
	v0 =	vshll.u32 v0, $0x4  }
0x225: {  	v1 =	vand.u32 $0x7, v1;
	v0 =	vadd.s32 v0, v26  }
0x226: {  	v0 =	vor.u32 v1, v0  }
0x227: {  	v28 =	vmul.u32 $0x1700, v24  }
0x228: {  	v29 =	vshll.u32 v25, $0x7  }
0x229: {  	v30 =	vadd.s32 s29, v27;
	v31 =	vand.u32 $0x7, v27;
	v1 =	vadd.s32 v28, v29  }
0x22a: {  	v32 =	vand.u32 $0xFFFFFFF8, v30;
	v1 =	vor.u32 v31, v1  }
0x22b: {  	v1 =	vadd.s32 v32, v1;
	v0 =	vld.idx.msk [tilespmem:v0+s19+$0x0], $0xffff;
	_ =	sdelay $0x4  }
0x22c: {  	[tilespmem:v1+s13+$0x0] =	vst.idx.msk $0xffff, v0  }
0x22d: {  	v0 =	vld [tilespmem:$0x3E30]  }
0x22e: {  	v1 =	vld [tilespmem:$0x4280];
	_ =	sdelay $0x2  }
0x22f: {  	v33 =	vld [tilespmem:$0x46D0]  }
0x230: {  	v34 =	vld [tilespmem:$0x4B20]  }
0x231: {  	v36 =	vld [tilespmem:$0x4F70];
	v35 =	vand.u32 $0xFFFFFFF8, v1;
	v0 =	vshll.u32 v0, $0x4  }
0x232: {  	v1 =	vand.u32 $0x7, v1;
	v0 =	vadd.s32 v0, v35  }
0x233: {  	v0 =	vor.u32 v1, v0  }
0x234: {  	v37 =	vmul.u32 $0x1700, v33  }
0x235: {  	v38 =	vshll.u32 v34, $0x7  }
0x236: {  	v39 =	vadd.s32 s29, v36;
	v40 =	vand.u32 $0x7, v36;
	v1 =	vadd.s32 v37, v38  }
0x237: {  	v41 =	vand.u32 $0xFFFFFFF8, v39;
	v1 =	vor.u32 v40, v1  }
0x238: {  	v1 =	vadd.s32 v41, v1;
	v0 =	vld.idx.msk [tilespmem:v0+s19+$0x0], $0xffff;
	_ =	sdelay $0x4  }
0x239: {  	[tilespmem:v1+s13+$0x0] =	vst.idx.msk $0xffff, v0  }
0x23a: {  	v0 =	vld [tilespmem:$0x3E40]  }
0x23b: {  	v1 =	vld [tilespmem:$0x4290];
	_ =	sdelay $0x2  }
0x23c: {  	v42 =	vld [tilespmem:$0x46E0]  }
0x23d: {  	v43 =	vld [tilespmem:$0x4B30]  }
0x23e: {  	v45 =	vld [tilespmem:$0x4F80];
	v44 =	vand.u32 $0xFFFFFFF8, v1;
	v0 =	vshll.u32 v0, $0x4  }
0x23f: {  	v1 =	vand.u32 $0x7, v1;
	v0 =	vadd.s32 v0, v44  }
0x240: {  	v0 =	vor.u32 v1, v0  }
0x241: {  	v46 =	vmul.u32 $0x1700, v42  }
0x242: {  	v47 =	vshll.u32 v43, $0x7  }
0x243: {  	v48 =	vadd.s32 s29, v45;
	v49 =	vand.u32 $0x7, v45;
	v1 =	vadd.s32 v46, v47  }
0x244: {  	v50 =	vand.u32 $0xFFFFFFF8, v48;
	v1 =	vor.u32 v49, v1  }
0x245: {  	v1 =	vadd.s32 v50, v1;
	v0 =	vld.idx.msk [tilespmem:v0+s19+$0x0], $0xffff;
	_ =	sdelay $0x4  }
0x246: {  	[tilespmem:v1+s13+$0x0] =	vst.idx.msk $0xffff, v0  }
0x247: {  	v0 =	vld [tilespmem:$0x3E50]  }
0x248: {  	v1 =	vld [tilespmem:$0x42A0];
	_ =	sdelay $0x2  }
0x249: {  	v51 =	vld [tilespmem:$0x46F0]  }
0x24a: {  	v52 =	vld [tilespmem:$0x4B40]  }
0x24b: {  	v54 =	vld [tilespmem:$0x4F90];
	v53 =	vand.u32 $0xFFFFFFF8, v1;
	v0 =	vshll.u32 v0, $0x4  }
0x24c: {  	v1 =	vand.u32 $0x7, v1;
	v0 =	vadd.s32 v0, v53  }
0x24d: {  	v0 =	vor.u32 v1, v0  }
0x24e: {  	v55 =	vmul.u32 $0x1700, v51  }
0x24f: {  	v56 =	vshll.u32 v52, $0x7  }
0x250: {  	v57 =	vadd.s32 s29, v54;
	v58 =	vand.u32 $0x7, v54;
	v1 =	vadd.s32 v55, v56  }
0x251: {  	v59 =	vand.u32 $0xFFFFFFF8, v57;
	v1 =	vor.u32 v58, v1  }
0x252: {  	v1 =	vadd.s32 v59, v1;
	v0 =	vld.idx.msk [tilespmem:v0+s19+$0x0], $0xffff;
	_ =	sdelay $0x4  }
0x253: {  	[tilespmem:v1+s13+$0x0] =	vst.idx.msk $0xffff, v0  }
0x254: {  	v0 =	vld [tilespmem:$0x3E60]  }
0x255: {  	v1 =	vld [tilespmem:$0x42B0];
	_ =	sdelay $0x2  }
0x256: {  	v60 =	vld [tilespmem:$0x4700]  }
0x257: {  	v61 =	vld [tilespmem:$0x4B50]  }
0x258: {  	v63 =	vld [tilespmem:$0x4FA0];
	v62 =	vand.u32 $0xFFFFFFF8, v1;
	v0 =	vshll.u32 v0, $0x4  }
0x259: {  	v1 =	vand.u32 $0x7, v1;
	v0 =	vadd.s32 v0, v62  }
0x25a: {  	v0 =	vor.u32 v1, v0  }
0x25b: {  	v8 =	vmul.u32 $0x1700, v60  }
0x25c: {  	v9 =	vshll.u32 v61, $0x7  }
0x25d: {  	v10 =	vadd.s32 s29, v63;
	v11 =	vand.u32 $0x7, v63;
	v1 =	vadd.s32 v8, v9  }
0x25e: {  	v12 =	vand.u32 $0xFFFFFFF8, v10;
	v1 =	vor.u32 v11, v1  }
0x25f: {  	v1 =	vadd.s32 v12, v1;
	v0 =	vld.idx.msk [tilespmem:v0+s19+$0x0], $0xffff;
	_ =	sdelay $0x4  }
0x260: {  	[tilespmem:v1+s13+$0x0] =	vst.idx.msk $0xffff, v0  }
0x261: {  	v0 =	vld [tilespmem:$0x3E70]  }
0x262: {  	v1 =	vld [tilespmem:$0x42C0];
	_ =	sdelay $0x2  }
0x263: {  	v13 =	vld [tilespmem:$0x4710]  }
0x264: {  	v14 =	vld [tilespmem:$0x4B60]  }
0x265: {  	v16 =	vld [tilespmem:$0x4FB0];
	v15 =	vand.u32 $0xFFFFFFF8, v1;
	v0 =	vshll.u32 v0, $0x4  }
0x266: {  	v1 =	vand.u32 $0x7, v1;
	v0 =	vadd.s32 v0, v15  }
0x267: {  	v0 =	vor.u32 v1, v0  }
0x268: {  	v17 =	vmul.u32 $0x1700, v13  }
0x269: {  	v18 =	vshll.u32 v14, $0x7  }
0x26a: {  	v19 =	vadd.s32 s29, v16;
	v20 =	vand.u32 $0x7, v16;
	v1 =	vadd.s32 v17, v18  }
0x26b: {  	v21 =	vand.u32 $0xFFFFFFF8, v19;
	v1 =	vor.u32 v20, v1  }
0x26c: {  	v1 =	vadd.s32 v21, v1;
	v0 =	vld.idx.msk [tilespmem:v0+s19+$0x0], $0xffff;
	_ =	sdelay $0x4  }
0x26d: {  	[tilespmem:v1+s13+$0x0] =	vst.idx.msk $0xffff, v0  }
0x26e: {  	v0 =	vld [tilespmem:$0x3E80]  }
0x26f: {  	v1 =	vld [tilespmem:$0x42D0];
	_ =	sdelay $0x2  }
0x270: {  	v22 =	vld [tilespmem:$0x4720]  }
0x271: {  	v23 =	vld [tilespmem:$0x4B70]  }
0x272: {  	v25 =	vld [tilespmem:$0x4FC0];
	v24 =	vand.u32 $0xFFFFFFF8, v1;
	v0 =	vshll.u32 v0, $0x4  }
0x273: {  	v1 =	vand.u32 $0x7, v1;
	v0 =	vadd.s32 v0, v24  }
0x274: {  	v0 =	vor.u32 v1, v0  }
0x275: {  	v26 =	vmul.u32 $0x1700, v22  }
0x276: {  	v27 =	vshll.u32 v23, $0x7  }
0x277: {  	v28 =	vadd.s32 s29, v25;
	v29 =	vand.u32 $0x7, v25;
	v1 =	vadd.s32 v26, v27  }
0x278: {  	v30 =	vand.u32 $0xFFFFFFF8, v28;
	v1 =	vor.u32 v29, v1  }
0x279: {  	v1 =	vadd.s32 v30, v1;
	v0 =	vld.idx.msk [tilespmem:v0+s19+$0x0], $0xffff;
	_ =	sdelay $0x4  }
0x27a: {  	[tilespmem:v1+s13+$0x0] =	vst.idx.msk $0xffff, v0  }
0x27b: {  	v0 =	vld [tilespmem:$0x3E90]  }
0x27c: {  	v1 =	vld [tilespmem:$0x42E0];
	_ =	sdelay $0x2  }
0x27d: {  	v31 =	vld [tilespmem:$0x4730]  }
0x27e: {  	v32 =	vld [tilespmem:$0x4B80]  }
0x27f: {  	v34 =	vld [tilespmem:$0x4FD0];
	v33 =	vand.u32 $0xFFFFFFF8, v1;
	v0 =	vshll.u32 v0, $0x4  }
0x280: {  	v1 =	vand.u32 $0x7, v1;
	v0 =	vadd.s32 v0, v33  }
0x281: {  	v0 =	vor.u32 v1, v0  }
0x282: {  	v35 =	vmul.u32 $0x1700, v31  }
0x283: {  	v36 =	vshll.u32 v32, $0x7  }
0x284: {  	v37 =	vadd.s32 s29, v34;
	v38 =	vand.u32 $0x7, v34;
	v1 =	vadd.s32 v35, v36  }
0x285: {  	v39 =	vand.u32 $0xFFFFFFF8, v37;
	v1 =	vor.u32 v38, v1  }
0x286: {  	v1 =	vadd.s32 v39, v1;
	v0 =	vld.idx.msk [tilespmem:v0+s19+$0x0], $0xffff;
	_ =	sdelay $0x4  }
0x287: {  	[tilespmem:v1+s13+$0x0] =	vst.idx.msk $0xffff, v0  }
0x288: {  	v0 =	vld [tilespmem:$0x3EA0]  }
0x289: {  	v1 =	vld [tilespmem:$0x42F0];
	_ =	sdelay $0x2  }
0x28a: {  	v40 =	vld [tilespmem:$0x4740]  }
0x28b: {  	v41 =	vld [tilespmem:$0x4B90]  }
0x28c: {  	v43 =	vld [tilespmem:$0x4FE0];
	v42 =	vand.u32 $0xFFFFFFF8, v1;
	v0 =	vshll.u32 v0, $0x4  }
0x28d: {  	v1 =	vand.u32 $0x7, v1;
	v0 =	vadd.s32 v0, v42  }
0x28e: {  	v0 =	vor.u32 v1, v0  }
0x28f: {  	v44 =	vmul.u32 $0x1700, v40  }
0x290: {  	v45 =	vshll.u32 v41, $0x7  }
0x291: {  	v46 =	vadd.s32 s29, v43;
	v47 =	vand.u32 $0x7, v43;
	v1 =	vadd.s32 v44, v45  }
0x292: {  	v48 =	vand.u32 $0xFFFFFFF8, v46;
	v1 =	vor.u32 v47, v1  }
0x293: {  	v1 =	vadd.s32 v48, v1;
	v0 =	vld.idx.msk [tilespmem:v0+s19+$0x0], $0xffff;
	_ =	sdelay $0x4  }
0x294: {  	[tilespmem:v1+s13+$0x0] =	vst.idx.msk $0xffff, v0  }
0x295: {  	v0 =	vld [tilespmem:$0x3EB0]  }
0x296: {  	v1 =	vld [tilespmem:$0x4300];
	_ =	sdelay $0x2  }
0x297: {  	v49 =	vld [tilespmem:$0x4750]  }
0x298: {  	v50 =	vld [tilespmem:$0x4BA0]  }
0x299: {  	v52 =	vld [tilespmem:$0x4FF0];
	v51 =	vand.u32 $0xFFFFFFF8, v1;
	v0 =	vshll.u32 v0, $0x4  }
0x29a: {  	v1 =	vand.u32 $0x7, v1;
	v0 =	vadd.s32 v0, v51  }
0x29b: {  	v0 =	vor.u32 v1, v0  }
0x29c: {  	v53 =	vmul.u32 $0x1700, v49  }
0x29d: {  	v54 =	vshll.u32 v50, $0x7  }
0x29e: {  	v55 =	vadd.s32 s29, v52;
	v56 =	vand.u32 $0x7, v52;
	v1 =	vadd.s32 v53, v54  }
0x29f: {  	v57 =	vand.u32 $0xFFFFFFF8, v55;
	v1 =	vor.u32 v56, v1  }
0x2a0: {  	v1 =	vadd.s32 v57, v1;
	v0 =	vld.idx.msk [tilespmem:v0+s19+$0x0], $0xffff;
	_ =	sdelay $0x4  }
0x2a1: {  	[tilespmem:v1+s13+$0x0] =	vst.idx.msk $0xffff, v0  }
0x2a2: {  	v0 =	vld [tilespmem:$0x3EC0]  }
0x2a3: {  	v1 =	vld [tilespmem:$0x4310];
	_ =	sdelay $0x2  }
0x2a4: {  	v58 =	vld [tilespmem:$0x4760]  }
0x2a5: {  	v59 =	vld [tilespmem:$0x4BB0]  }
0x2a6: {  	v61 =	vld [tilespmem:$0x5000];
	v60 =	vand.u32 $0xFFFFFFF8, v1;
	v0 =	vshll.u32 v0, $0x4  }
0x2a7: {  	v1 =	vand.u32 $0x7, v1;
	v0 =	vadd.s32 v0, v60  }
0x2a8: {  	v0 =	vor.u32 v1, v0  }
0x2a9: {  	v62 =	vmul.u32 $0x1700, v58  }
0x2aa: {  	v63 =	vshll.u32 v59, $0x7  }
0x2ab: {  	v8 =	vadd.s32 s29, v61;
	v9 =	vand.u32 $0x7, v61;
	v1 =	vadd.s32 v62, v63  }
0x2ac: {  	v10 =	vand.u32 $0xFFFFFFF8, v8;
	v1 =	vor.u32 v9, v1  }
0x2ad: {  	v1 =	vadd.s32 v10, v1;
	v0 =	vld.idx.msk [tilespmem:v0+s19+$0x0], $0xffff;
	_ =	sdelay $0x4  }
0x2ae: {  	[tilespmem:v1+s13+$0x0] =	vst.idx.msk $0xffff, v0  }
0x2af: {  	v0 =	vld [tilespmem:$0x3ED0]  }
0x2b0: {  	v1 =	vld [tilespmem:$0x4320];
	_ =	sdelay $0x2  }
0x2b1: {  	v11 =	vld [tilespmem:$0x4770]  }
0x2b2: {  	v12 =	vld [tilespmem:$0x4BC0]  }
0x2b3: {  	v14 =	vld [tilespmem:$0x5010];
	v13 =	vand.u32 $0xFFFFFFF8, v1;
	v0 =	vshll.u32 v0, $0x4  }
0x2b4: {  	v1 =	vand.u32 $0x7, v1;
	v0 =	vadd.s32 v0, v13  }
0x2b5: {  	v0 =	vor.u32 v1, v0  }
0x2b6: {  	v15 =	vmul.u32 $0x1700, v11  }
0x2b7: {  	v16 =	vshll.u32 v12, $0x7  }
0x2b8: {  	v17 =	vadd.s32 s29, v14;
	v18 =	vand.u32 $0x7, v14;
	v1 =	vadd.s32 v15, v16  }
0x2b9: {  	v19 =	vand.u32 $0xFFFFFFF8, v17;
	v1 =	vor.u32 v18, v1  }
0x2ba: {  	v1 =	vadd.s32 v19, v1;
	v0 =	vld.idx.msk [tilespmem:v0+s19+$0x0], $0xffff;
	_ =	sdelay $0x4  }
0x2bb: {  	[tilespmem:v1+s13+$0x0] =	vst.idx.msk $0xffff, v0  }
0x2bc: {  	v0 =	vld [tilespmem:$0x3EE0]  }
0x2bd: {  	v1 =	vld [tilespmem:$0x4330];
	_ =	sdelay $0x2  }
0x2be: {  	v20 =	vld [tilespmem:$0x4780]  }
0x2bf: {  	v21 =	vld [tilespmem:$0x4BD0]  }
0x2c0: {  	v23 =	vld [tilespmem:$0x5020];
	v22 =	vand.u32 $0xFFFFFFF8, v1;
	v0 =	vshll.u32 v0, $0x4  }
0x2c1: {  	v1 =	vand.u32 $0x7, v1;
	v0 =	vadd.s32 v0, v22  }
0x2c2: {  	v0 =	vor.u32 v1, v0  }
0x2c3: {  	v24 =	vmul.u32 $0x1700, v20  }
0x2c4: {  	v25 =	vshll.u32 v21, $0x7  }
0x2c5: {  	v26 =	vadd.s32 s29, v23;
	v27 =	vand.u32 $0x7, v23;
	v1 =	vadd.s32 v24, v25  }
0x2c6: {  	v28 =	vand.u32 $0xFFFFFFF8, v26;
	v1 =	vor.u32 v27, v1  }
0x2c7: {  	v1 =	vadd.s32 v28, v1;
	v0 =	vld.idx.msk [tilespmem:v0+s19+$0x0], $0xffff;
	_ =	sdelay $0x4  }
0x2c8: {  	[tilespmem:v1+s13+$0x0] =	vst.idx.msk $0xffff, v0  }
0x2c9: {  	v0 =	vld [tilespmem:$0x3EF0]  }
0x2ca: {  	v1 =	vld [tilespmem:$0x4340];
	_ =	sdelay $0x2  }
0x2cb: {  	v29 =	vld [tilespmem:$0x4790]  }
0x2cc: {  	v30 =	vld [tilespmem:$0x4BE0]  }
0x2cd: {  	v32 =	vld [tilespmem:$0x5030];
	v31 =	vand.u32 $0xFFFFFFF8, v1;
	v0 =	vshll.u32 v0, $0x4  }
0x2ce: {  	v1 =	vand.u32 $0x7, v1;
	v0 =	vadd.s32 v0, v31  }
0x2cf: {  	v0 =	vor.u32 v1, v0  }
0x2d0: {  	v33 =	vmul.u32 $0x1700, v29  }
0x2d1: {  	v34 =	vshll.u32 v30, $0x7  }
0x2d2: {  	v35 =	vadd.s32 s29, v32;
	v36 =	vand.u32 $0x7, v32;
	v1 =	vadd.s32 v33, v34  }
0x2d3: {  	v37 =	vand.u32 $0xFFFFFFF8, v35;
	v1 =	vor.u32 v36, v1  }
0x2d4: {  	v1 =	vadd.s32 v37, v1;
	v0 =	vld.idx.msk [tilespmem:v0+s19+$0x0], $0xffff;
	_ =	sdelay $0x4  }
0x2d5: {  	[tilespmem:v1+s13+$0x0] =	vst.idx.msk $0xffff, v0  }
0x2d6: {  	v0 =	vld [tilespmem:$0x3F00]  }
0x2d7: {  	v1 =	vld [tilespmem:$0x4350];
	_ =	sdelay $0x2  }
0x2d8: {  	v38 =	vld [tilespmem:$0x47A0]  }
0x2d9: {  	v39 =	vld [tilespmem:$0x4BF0]  }
0x2da: {  	v41 =	vld [tilespmem:$0x5040];
	v40 =	vand.u32 $0xFFFFFFF8, v1;
	v0 =	vshll.u32 v0, $0x4  }
0x2db: {  	v1 =	vand.u32 $0x7, v1;
	v0 =	vadd.s32 v0, v40  }
0x2dc: {  	v0 =	vor.u32 v1, v0  }
0x2dd: {  	v42 =	vmul.u32 $0x1700, v38  }
0x2de: {  	v43 =	vshll.u32 v39, $0x7  }
0x2df: {  	v44 =	vadd.s32 s29, v41;
	v45 =	vand.u32 $0x7, v41;
	v1 =	vadd.s32 v42, v43  }
0x2e0: {  	v46 =	vand.u32 $0xFFFFFFF8, v44;
	v1 =	vor.u32 v45, v1  }
0x2e1: {  	v1 =	vadd.s32 v46, v1;
	v0 =	vld.idx.msk [tilespmem:v0+s19+$0x0], $0xffff;
	_ =	sdelay $0x4  }
0x2e2: {  	[tilespmem:v1+s13+$0x0] =	vst.idx.msk $0xffff, v0  }
0x2e3: {  	v0 =	vld [tilespmem:$0x3F10]  }
0x2e4: {  	v1 =	vld [tilespmem:$0x4360];
	_ =	sdelay $0x2  }
0x2e5: {  	v47 =	vld [tilespmem:$0x47B0]  }
0x2e6: {  	v48 =	vld [tilespmem:$0x4C00]  }
0x2e7: {  	v50 =	vld [tilespmem:$0x5050];
	v49 =	vand.u32 $0xFFFFFFF8, v1;
	v0 =	vshll.u32 v0, $0x4  }
0x2e8: {  	v1 =	vand.u32 $0x7, v1;
	v0 =	vadd.s32 v0, v49  }
0x2e9: {  	v0 =	vor.u32 v1, v0  }
0x2ea: {  	v51 =	vmul.u32 $0x1700, v47  }
0x2eb: {  	v52 =	vshll.u32 v48, $0x7  }
0x2ec: {  	v53 =	vadd.s32 s29, v50;
	v54 =	vand.u32 $0x7, v50;
	v1 =	vadd.s32 v51, v52  }
0x2ed: {  	v55 =	vand.u32 $0xFFFFFFF8, v53;
	v1 =	vor.u32 v54, v1  }
0x2ee: {  	v1 =	vadd.s32 v55, v1;
	v0 =	vld.idx.msk [tilespmem:v0+s19+$0x0], $0xffff;
	_ =	sdelay $0x4  }
0x2ef: {  	[tilespmem:v1+s13+$0x0] =	vst.idx.msk $0xffff, v0  }
0x2f0: {  	v0 =	vld [tilespmem:$0x3F20]  }
0x2f1: {  	v1 =	vld [tilespmem:$0x4370];
	_ =	sdelay $0x2  }
0x2f2: {  	v56 =	vld [tilespmem:$0x47C0]  }
0x2f3: {  	v57 =	vld [tilespmem:$0x4C10]  }
0x2f4: {  	v59 =	vld [tilespmem:$0x5060];
	v58 =	vand.u32 $0xFFFFFFF8, v1;
	v0 =	vshll.u32 v0, $0x4  }
0x2f5: {  	v1 =	vand.u32 $0x7, v1;
	v0 =	vadd.s32 v0, v58  }
0x2f6: {  	v0 =	vor.u32 v1, v0  }
0x2f7: {  	v60 =	vmul.u32 $0x1700, v56  }
0x2f8: {  	v61 =	vshll.u32 v57, $0x7  }
0x2f9: {  	v62 =	vadd.s32 s29, v59;
	v63 =	vand.u32 $0x7, v59;
	v1 =	vadd.s32 v60, v61  }
0x2fa: {  	v7 =	vand.u32 $0xFFFFFFF8, v62;
	v1 =	vor.u32 v63, v1  }
0x2fb: {  	v1 =	vadd.s32 v7, v1;
	v0 =	vld.idx.msk [tilespmem:v0+s19+$0x0], $0xffff;
	_ =	sdelay $0x4  }
0x2fc: {  	[tilespmem:v1+s13+$0x0] =	vst.idx.msk $0xffff, v0  }
0x2fd: {  	v0 =	vld [tilespmem:$0x3F30]  }
0x2fe: {  	v1 =	vld [tilespmem:$0x4380];
	_ =	sdelay $0x2  }
0x2ff: {  	v8 =	vld [tilespmem:$0x47D0]  }
0x300: {  	v9 =	vld [tilespmem:$0x4C20]  }
0x301: {  	v11 =	vld [tilespmem:$0x5070];
	v10 =	vand.u32 $0xFFFFFFF8, v1;
	v0 =	vshll.u32 v0, $0x4  }
0x302: {  	v1 =	vand.u32 $0x7, v1;
	v0 =	vadd.s32 v0, v10  }
0x303: {  	v0 =	vor.u32 v1, v0  }
0x304: {  	v12 =	vmul.u32 $0x1700, v8  }
0x305: {  	v13 =	vshll.u32 v9, $0x7  }
0x306: {  	v14 =	vadd.s32 s29, v11;
	v15 =	vand.u32 $0x7, v11;
	v1 =	vadd.s32 v12, v13  }
0x307: {  	v16 =	vand.u32 $0xFFFFFFF8, v14;
	v1 =	vor.u32 v15, v1  }
0x308: {  	v1 =	vadd.s32 v16, v1;
	v0 =	vld.idx.msk [tilespmem:v0+s19+$0x0], $0xffff;
	_ =	sdelay $0x4  }
0x309: {  	[tilespmem:v1+s13+$0x0] =	vst.idx.msk $0xffff, v0  }
0x30a: {  	v0 =	vld [tilespmem:$0x3F40]  }
0x30b: {  	v1 =	vld [tilespmem:$0x4390];
	_ =	sdelay $0x2  }
0x30c: {  	v17 =	vld [tilespmem:$0x47E0]  }
0x30d: {  	v18 =	vld [tilespmem:$0x4C30]  }
0x30e: {  	v20 =	vld [tilespmem:$0x5080];
	v19 =	vand.u32 $0xFFFFFFF8, v1;
	v0 =	vshll.u32 v0, $0x4  }
0x30f: {  	v1 =	vand.u32 $0x7, v1;
	v0 =	vadd.s32 v0, v19  }
0x310: {  	v0 =	vor.u32 v1, v0  }
0x311: {  	v21 =	vmul.u32 $0x1700, v17  }
0x312: {  	v22 =	vshll.u32 v18, $0x7  }
0x313: {  	v23 =	vadd.s32 s29, v20;
	v24 =	vand.u32 $0x7, v20;
	v1 =	vadd.s32 v21, v22  }
0x314: {  	v25 =	vand.u32 $0xFFFFFFF8, v23;
	v1 =	vor.u32 v24, v1  }
0x315: {  	v1 =	vadd.s32 v25, v1;
	v0 =	vld.idx.msk [tilespmem:v0+s19+$0x0], $0xffff;
	_ =	sdelay $0x4  }
0x316: {  	[tilespmem:v1+s13+$0x0] =	vst.idx.msk $0xffff, v0  }
0x317: {  	v0 =	vld [tilespmem:$0x3F50]  }
0x318: {  	v1 =	vld [tilespmem:$0x43A0];
	_ =	sdelay $0x2  }
0x319: {  	v26 =	vld [tilespmem:$0x47F0]  }
0x31a: {  	v27 =	vld [tilespmem:$0x4C40]  }
0x31b: {  	v29 =	vld [tilespmem:$0x5090];
	v28 =	vand.u32 $0xFFFFFFF8, v1;
	v0 =	vshll.u32 v0, $0x4  }
0x31c: {  	v1 =	vand.u32 $0x7, v1;
	v0 =	vadd.s32 v0, v28  }
0x31d: {  	v0 =	vor.u32 v1, v0  }
0x31e: {  	v30 =	vmul.u32 $0x1700, v26  }
0x31f: {  	v31 =	vshll.u32 v27, $0x7  }
0x320: {  	v32 =	vadd.s32 s29, v29;
	v33 =	vand.u32 $0x7, v29;
	v1 =	vadd.s32 v30, v31  }
0x321: {  	v34 =	vand.u32 $0xFFFFFFF8, v32;
	v1 =	vor.u32 v33, v1  }
0x322: {  	v1 =	vadd.s32 v34, v1;
	v0 =	vld.idx.msk [tilespmem:v0+s19+$0x0], $0xffff;
	_ =	sdelay $0x4  }
0x323: {  	[tilespmem:v1+s13+$0x0] =	vst.idx.msk $0xffff, v0  }
0x324: {  	v0 =	vld [tilespmem:$0x3F60]  }
0x325: {  	v1 =	vld [tilespmem:$0x43B0];
	_ =	sdelay $0x2  }
0x326: {  	v35 =	vld [tilespmem:$0x4800]  }
0x327: {  	v36 =	vld [tilespmem:$0x4C50]  }
0x328: {  	v38 =	vld [tilespmem:$0x50A0];
	v37 =	vand.u32 $0xFFFFFFF8, v1;
	v0 =	vshll.u32 v0, $0x4  }
0x329: {  	v1 =	vand.u32 $0x7, v1;
	v0 =	vadd.s32 v0, v37  }
0x32a: {  	v0 =	vor.u32 v1, v0  }
0x32b: {  	v39 =	vmul.u32 $0x1700, v35  }
0x32c: {  	v40 =	vshll.u32 v36, $0x7  }
0x32d: {  	v41 =	vadd.s32 s29, v38;
	v42 =	vand.u32 $0x7, v38;
	v1 =	vadd.s32 v39, v40  }
0x32e: {  	v43 =	vand.u32 $0xFFFFFFF8, v41;
	v1 =	vor.u32 v42, v1  }
0x32f: {  	v1 =	vadd.s32 v43, v1;
	v0 =	vld.idx.msk [tilespmem:v0+s19+$0x0], $0xffff;
	_ =	sdelay $0x4  }
0x330: {  	[tilespmem:v1+s13+$0x0] =	vst.idx.msk $0xffff, v0  }
0x331: {  	v0 =	vld [tilespmem:$0x3F70]  }
0x332: {  	v1 =	vld [tilespmem:$0x43C0];
	_ =	sdelay $0x2  }
0x333: {  	v44 =	vld [tilespmem:$0x4810]  }
0x334: {  	v45 =	vld [tilespmem:$0x4C60]  }
0x335: {  	v47 =	vld [tilespmem:$0x50B0];
	v46 =	vand.u32 $0xFFFFFFF8, v1;
	v0 =	vshll.u32 v0, $0x4  }
0x336: {  	v1 =	vand.u32 $0x7, v1;
	v0 =	vadd.s32 v0, v46  }
0x337: {  	v0 =	vor.u32 v1, v0  }
0x338: {  	v48 =	vmul.u32 $0x1700, v44  }
0x339: {  	v49 =	vshll.u32 v45, $0x7  }
0x33a: {  	v50 =	vadd.s32 s29, v47;
	v51 =	vand.u32 $0x7, v47;
	v1 =	vadd.s32 v48, v49  }
0x33b: {  	v52 =	vand.u32 $0xFFFFFFF8, v50;
	v1 =	vor.u32 v51, v1  }
0x33c: {  	v1 =	vadd.s32 v52, v1;
	v0 =	vld.idx.msk [tilespmem:v0+s19+$0x0], $0xffff;
	_ =	sdelay $0x4  }
0x33d: {  	[tilespmem:v1+s13+$0x0] =	vst.idx.msk $0xffff, v0  }
0x33e: {  	v0 =	vld [tilespmem:$0x3F80]  }
0x33f: {  	v1 =	vld [tilespmem:$0x43D0];
	_ =	sdelay $0x2  }
0x340: {  	v53 =	vld [tilespmem:$0x4820]  }
0x341: {  	v54 =	vld [tilespmem:$0x4C70]  }
0x342: {  	v56 =	vld [tilespmem:$0x50C0];
	v55 =	vand.u32 $0xFFFFFFF8, v1;
	v0 =	vshll.u32 v0, $0x4  }
0x343: {  	v1 =	vand.u32 $0x7, v1;
	v0 =	vadd.s32 v0, v55  }
0x344: {  	v0 =	vor.u32 v1, v0  }
0x345: {  	v57 =	vmul.u32 $0x1700, v53  }
0x346: {  	v58 =	vshll.u32 v54, $0x7  }
0x347: {  	v59 =	vadd.s32 s29, v56;
	v60 =	vand.u32 $0x7, v56;
	v1 =	vadd.s32 v57, v58  }
0x348: {  	v61 =	vand.u32 $0xFFFFFFF8, v59;
	v1 =	vor.u32 v60, v1  }
0x349: {  	v1 =	vadd.s32 v61, v1;
	v0 =	vld.idx.msk [tilespmem:v0+s19+$0x0], $0xffff;
	_ =	sdelay $0x4  }
0x34a: {  	[tilespmem:v1+s13+$0x0] =	vst.idx.msk $0xffff, v0  }
0x34b: {  	v0 =	vld [tilespmem:$0x3F90]  }
0x34c: {  	v1 =	vld [tilespmem:$0x43E0];
	_ =	sdelay $0x2  }
0x34d: {  	v62 =	vld [tilespmem:$0x4830]  }
0x34e: {  	v63 =	vld [tilespmem:$0x4C80]  }
0x34f: {  	v9 =	vld [tilespmem:$0x50D0];
	v8 =	vand.u32 $0xFFFFFFF8, v1;
	v0 =	vshll.u32 v0, $0x4  }
0x350: {  	v1 =	vand.u32 $0x7, v1;
	v0 =	vadd.s32 v0, v8  }
0x351: {  	v0 =	vor.u32 v1, v0  }
0x352: {  	v10 =	vmul.u32 $0x1700, v62  }
0x353: {  	v11 =	vshll.u32 v63, $0x7  }
0x354: {  	v12 =	vadd.s32 s29, v9;
	v13 =	vand.u32 $0x7, v9;
	v1 =	vadd.s32 v10, v11  }
0x355: {  	v14 =	vand.u32 $0xFFFFFFF8, v12;
	v1 =	vor.u32 v13, v1  }
0x356: {  	v1 =	vadd.s32 v14, v1;
	v0 =	vld.idx.msk [tilespmem:v0+s19+$0x0], $0xffff;
	_ =	sdelay $0x4  }
0x357: {  	[tilespmem:v1+s13+$0x0] =	vst.idx.msk $0xffff, v0  }
0x358: {  	v0 =	vld [tilespmem:$0x3FA0]  }
0x359: {  	v1 =	vld [tilespmem:$0x43F0];
	_ =	sdelay $0x2  }
0x35a: {  	v15 =	vld [tilespmem:$0x4840]  }
0x35b: {  	v16 =	vld [tilespmem:$0x4C90]  }
0x35c: {  	v18 =	vld [tilespmem:$0x50E0];
	v17 =	vand.u32 $0xFFFFFFF8, v1;
	v0 =	vshll.u32 v0, $0x4  }
0x35d: {  	v1 =	vand.u32 $0x7, v1;
	v0 =	vadd.s32 v0, v17  }
0x35e: {  	v0 =	vor.u32 v1, v0  }
0x35f: {  	v19 =	vmul.u32 $0x1700, v15  }
0x360: {  	v20 =	vshll.u32 v16, $0x7  }
0x361: {  	v21 =	vadd.s32 s29, v18;
	v22 =	vand.u32 $0x7, v18;
	v1 =	vadd.s32 v19, v20  }
0x362: {  	v23 =	vand.u32 $0xFFFFFFF8, v21;
	v1 =	vor.u32 v22, v1  }
0x363: {  	v1 =	vadd.s32 v23, v1;
	v0 =	vld.idx.msk [tilespmem:v0+s19+$0x0], $0xffff;
	_ =	sdelay $0x4  }
0x364: {  	[tilespmem:v1+s13+$0x0] =	vst.idx.msk $0xffff, v0  }
0x365: {  	v0 =	vld [tilespmem:$0x3FB0]  }
0x366: {  	v1 =	vld [tilespmem:$0x4400];
	_ =	sdelay $0x2  }
0x367: {  	v24 =	vld [tilespmem:$0x4850]  }
0x368: {  	v25 =	vld [tilespmem:$0x4CA0]  }
0x369: {  	v27 =	vld [tilespmem:$0x50F0];
	v26 =	vand.u32 $0xFFFFFFF8, v1;
	v0 =	vshll.u32 v0, $0x4  }
0x36a: {  	v1 =	vand.u32 $0x7, v1;
	v0 =	vadd.s32 v0, v26  }
0x36b: {  	v0 =	vor.u32 v1, v0  }
0x36c: {  	v28 =	vmul.u32 $0x1700, v24  }
0x36d: {  	v29 =	vshll.u32 v25, $0x7  }
0x36e: {  	v30 =	vadd.s32 s29, v27;
	v31 =	vand.u32 $0x7, v27;
	v1 =	vadd.s32 v28, v29  }
0x36f: {  	v32 =	vand.u32 $0xFFFFFFF8, v30;
	v1 =	vor.u32 v31, v1  }
0x370: {  	v1 =	vadd.s32 v32, v1;
	v0 =	vld.idx.msk [tilespmem:v0+s19+$0x0], $0xffff;
	_ =	sdelay $0x4  }
0x371: {  	[tilespmem:v1+s13+$0x0] =	vst.idx.msk $0xffff, v0  }
0x372: {  	v0 =	vld [tilespmem:$0x3FC0]  }
0x373: {  	v1 =	vld [tilespmem:$0x4410];
	_ =	sdelay $0x2  }
0x374: {  	v33 =	vld [tilespmem:$0x4860]  }
0x375: {  	v34 =	vld [tilespmem:$0x4CB0]  }
0x376: {  	v36 =	vld [tilespmem:$0x5100];
	v35 =	vand.u32 $0xFFFFFFF8, v1;
	v0 =	vshll.u32 v0, $0x4  }
0x377: {  	v1 =	vand.u32 $0x7, v1;
	v0 =	vadd.s32 v0, v35  }
0x378: {  	v0 =	vor.u32 v1, v0  }
0x379: {  	v37 =	vmul.u32 $0x1700, v33  }
0x37a: {  	v38 =	vshll.u32 v34, $0x7  }
0x37b: {  	v39 =	vadd.s32 s29, v36;
	v40 =	vand.u32 $0x7, v36;
	v1 =	vadd.s32 v37, v38  }
0x37c: {  	v41 =	vand.u32 $0xFFFFFFF8, v39;
	v1 =	vor.u32 v40, v1  }
0x37d: {  	v1 =	vadd.s32 v41, v1;
	v0 =	vld.idx.msk [tilespmem:v0+s19+$0x0], $0xffff;
	_ =	sdelay $0x4  }
0x37e: {  	[tilespmem:v1+s13+$0x0] =	vst.idx.msk $0xffff, v0  }
0x37f: {  	v0 =	vld [tilespmem:$0x3FD0]  }
0x380: {  	v1 =	vld [tilespmem:$0x4420];
	_ =	sdelay $0x2  }
0x381: {  	v42 =	vld [tilespmem:$0x4870]  }
0x382: {  	v43 =	vld [tilespmem:$0x4CC0]  }
0x383: {  	v45 =	vld [tilespmem:$0x5110];
	v44 =	vand.u32 $0xFFFFFFF8, v1;
	v0 =	vshll.u32 v0, $0x4  }
0x384: {  	v1 =	vand.u32 $0x7, v1;
	v0 =	vadd.s32 v0, v44  }
0x385: {  	v0 =	vor.u32 v1, v0  }
0x386: {  	v46 =	vmul.u32 $0x1700, v42  }
0x387: {  	v47 =	vshll.u32 v43, $0x7  }
0x388: {  	v48 =	vadd.s32 s29, v45;
	v49 =	vand.u32 $0x7, v45;
	v1 =	vadd.s32 v46, v47  }
0x389: {  	v50 =	vand.u32 $0xFFFFFFF8, v48;
	v1 =	vor.u32 v49, v1  }
0x38a: {  	v1 =	vadd.s32 v50, v1;
	v0 =	vld.idx.msk [tilespmem:v0+s19+$0x0], $0xffff;
	_ =	sdelay $0x4  }
0x38b: {  	[tilespmem:v1+s13+$0x0] =	vst.idx.msk $0xffff, v0  }
0x38c: {  	v0 =	vld [tilespmem:$0x3FE0]  }
0x38d: {  	v1 =	vld [tilespmem:$0x4430];
	_ =	sdelay $0x2  }
0x38e: {  	v51 =	vld [tilespmem:$0x4880]  }
0x38f: {  	v52 =	vld [tilespmem:$0x4CD0]  }
0x390: {  	v54 =	vld [tilespmem:$0x5120];
	v53 =	vand.u32 $0xFFFFFFF8, v1;
	v0 =	vshll.u32 v0, $0x4  }
0x391: {  	v1 =	vand.u32 $0x7, v1;
	v0 =	vadd.s32 v0, v53  }
0x392: {  	v0 =	vor.u32 v1, v0  }
0x393: {  	v55 =	vmul.u32 $0x1700, v51  }
0x394: {  	v56 =	vshll.u32 v52, $0x7  }
0x395: {  	v57 =	vadd.s32 s29, v54;
	v58 =	vand.u32 $0x7, v54;
	v1 =	vadd.s32 v55, v56  }
0x396: {  	v59 =	vand.u32 $0xFFFFFFF8, v57;
	v1 =	vor.u32 v58, v1  }
0x397: {  	v1 =	vadd.s32 v59, v1;
	v0 =	vld.idx.msk [tilespmem:v0+s19+$0x0], $0xffff;
	_ =	sdelay $0x4  }
0x398: {  	[tilespmem:v1+s13+$0x0] =	vst.idx.msk $0xffff, v0  }
0x399: {  	v0 =	vld [tilespmem:$0x3FF0]  }
0x39a: {  	v1 =	vld [tilespmem:$0x4440];
	_ =	sdelay $0x2  }
0x39b: {  	v60 =	vld [tilespmem:$0x4890]  }
0x39c: {  	v61 =	vld [tilespmem:$0x4CE0]  }
0x39d: {  	v63 =	vld [tilespmem:$0x5130];
	v62 =	vand.u32 $0xFFFFFFF8, v1;
	v0 =	vshll.u32 v0, $0x4  }
0x39e: {  	v1 =	vand.u32 $0x7, v1;
	v0 =	vadd.s32 v0, v62  }
0x39f: {  	v0 =	vor.u32 v1, v0  }
0x3a0: {  	v8 =	vmul.u32 $0x1700, v60  }
0x3a1: {  	v9 =	vshll.u32 v61, $0x7  }
0x3a2: {  	v10 =	vadd.s32 s29, v63;
	v11 =	vand.u32 $0x7, v63;
	v1 =	vadd.s32 v8, v9  }
0x3a3: {  	v12 =	vand.u32 $0xFFFFFFF8, v10;
	v1 =	vor.u32 v11, v1  }
0x3a4: {  	v1 =	vadd.s32 v12, v1;
	v0 =	vld.idx.msk [tilespmem:v0+s19+$0x0], $0xffff;
	_ =	sdelay $0x4  }
0x3a5: {  	[tilespmem:v1+s13+$0x0] =	vst.idx.msk $0xffff, v0  }
0x3a6: {  	v0 =	vld [tilespmem:$0x4000]  }
0x3a7: {  	v1 =	vld [tilespmem:$0x4450];
	_ =	sdelay $0x2  }
0x3a8: {  	v13 =	vld [tilespmem:$0x48A0]  }
0x3a9: {  	v14 =	vld [tilespmem:$0x4CF0]  }
0x3aa: {  	v16 =	vld [tilespmem:$0x5140];
	v15 =	vand.u32 $0xFFFFFFF8, v1;
	v0 =	vshll.u32 v0, $0x4  }
0x3ab: {  	v1 =	vand.u32 $0x7, v1;
	v0 =	vadd.s32 v0, v15  }
0x3ac: {  	v0 =	vor.u32 v1, v0  }
0x3ad: {  	v17 =	vmul.u32 $0x1700, v13  }
0x3ae: {  	v18 =	vshll.u32 v14, $0x7  }
0x3af: {  	v19 =	vadd.s32 s29, v16;
	v20 =	vand.u32 $0x7, v16;
	v1 =	vadd.s32 v17, v18  }
0x3b0: {  	v21 =	vand.u32 $0xFFFFFFF8, v19;
	v1 =	vor.u32 v20, v1  }
0x3b1: {  	v1 =	vadd.s32 v21, v1;
	v0 =	vld.idx.msk [tilespmem:v0+s19+$0x0], $0xffff;
	_ =	sdelay $0x4  }
0x3b2: {  	[tilespmem:v1+s13+$0x0] =	vst.idx.msk $0xffff, v0  }
0x3b3: {  	v0 =	vld [tilespmem:$0x4010]  }
0x3b4: {  	v1 =	vld [tilespmem:$0x4460];
	_ =	sdelay $0x2  }
0x3b5: {  	v22 =	vld [tilespmem:$0x48B0]  }
0x3b6: {  	v23 =	vld [tilespmem:$0x4D00]  }
0x3b7: {  	v25 =	vld [tilespmem:$0x5150];
	v24 =	vand.u32 $0xFFFFFFF8, v1;
	v0 =	vshll.u32 v0, $0x4  }
0x3b8: {  	v1 =	vand.u32 $0x7, v1;
	v0 =	vadd.s32 v0, v24  }
0x3b9: {  	v0 =	vor.u32 v1, v0  }
0x3ba: {  	v26 =	vmul.u32 $0x1700, v22  }
0x3bb: {  	v27 =	vshll.u32 v23, $0x7  }
0x3bc: {  	v28 =	vadd.s32 s29, v25;
	v29 =	vand.u32 $0x7, v25;
	v1 =	vadd.s32 v26, v27  }
0x3bd: {  	v30 =	vand.u32 $0xFFFFFFF8, v28;
	v1 =	vor.u32 v29, v1  }
0x3be: {  	v1 =	vadd.s32 v30, v1;
	v0 =	vld.idx.msk [tilespmem:v0+s19+$0x0], $0xffff;
	_ =	sdelay $0x4  }
0x3bf: {  	[tilespmem:v1+s13+$0x0] =	vst.idx.msk $0xffff, v0  }
0x3c0: {  	v0 =	vld [tilespmem:$0x4020]  }
0x3c1: {  	v1 =	vld [tilespmem:$0x4470];
	_ =	sdelay $0x2  }
0x3c2: {  	v31 =	vld [tilespmem:$0x48C0]  }
0x3c3: {  	v32 =	vld [tilespmem:$0x4D10]  }
0x3c4: {  	v34 =	vld [tilespmem:$0x5160];
	v33 =	vand.u32 $0xFFFFFFF8, v1;
	v0 =	vshll.u32 v0, $0x4  }
0x3c5: {  	v1 =	vand.u32 $0x7, v1;
	v0 =	vadd.s32 v0, v33  }
0x3c6: {  	v0 =	vor.u32 v1, v0  }
0x3c7: {  	v35 =	vmul.u32 $0x1700, v31  }
0x3c8: {  	v36 =	vshll.u32 v32, $0x7  }
0x3c9: {  	v37 =	vadd.s32 s29, v34;
	v38 =	vand.u32 $0x7, v34;
	v1 =	vadd.s32 v35, v36  }
0x3ca: {  	v39 =	vand.u32 $0xFFFFFFF8, v37;
	v1 =	vor.u32 v38, v1  }
0x3cb: {  	v1 =	vadd.s32 v39, v1;
	v0 =	vld.idx.msk [tilespmem:v0+s19+$0x0], $0xffff;
	_ =	sdelay $0x4  }
0x3cc: {  	[tilespmem:v1+s13+$0x0] =	vst.idx.msk $0xffff, v0  }
0x3cd: {  	v0 =	vld [tilespmem:$0x4030]  }
0x3ce: {  	v1 =	vld [tilespmem:$0x4480];
	_ =	sdelay $0x2  }
0x3cf: {  	v40 =	vld [tilespmem:$0x48D0]  }
0x3d0: {  	v41 =	vld [tilespmem:$0x4D20]  }
0x3d1: {  	v43 =	vld [tilespmem:$0x5170];
	v42 =	vand.u32 $0xFFFFFFF8, v1;
	v0 =	vshll.u32 v0, $0x4  }
0x3d2: {  	v1 =	vand.u32 $0x7, v1;
	v0 =	vadd.s32 v0, v42  }
0x3d3: {  	v0 =	vor.u32 v1, v0  }
0x3d4: {  	v44 =	vmul.u32 $0x1700, v40  }
0x3d5: {  	v45 =	vshll.u32 v41, $0x7  }
0x3d6: {  	v46 =	vadd.s32 s29, v43;
	v47 =	vand.u32 $0x7, v43;
	v1 =	vadd.s32 v44, v45  }
0x3d7: {  	v48 =	vand.u32 $0xFFFFFFF8, v46;
	v1 =	vor.u32 v47, v1  }
0x3d8: {  	v1 =	vadd.s32 v48, v1;
	v0 =	vld.idx.msk [tilespmem:v0+s19+$0x0], $0xffff;
	_ =	sdelay $0x4  }
0x3d9: {  	[tilespmem:v1+s13+$0x0] =	vst.idx.msk $0xffff, v0  }
0x3da: {  	v0 =	vld [tilespmem:$0x4040]  }
0x3db: {  	v1 =	vld [tilespmem:$0x4490];
	_ =	sdelay $0x2  }
0x3dc: {  	v49 =	vld [tilespmem:$0x48E0]  }
0x3dd: {  	v50 =	vld [tilespmem:$0x4D30]  }
0x3de: {  	v52 =	vld [tilespmem:$0x5180];
	v51 =	vand.u32 $0xFFFFFFF8, v1;
	v0 =	vshll.u32 v0, $0x4  }
0x3df: {  	v1 =	vand.u32 $0x7, v1;
	v0 =	vadd.s32 v0, v51  }
0x3e0: {  	v0 =	vor.u32 v1, v0  }
0x3e1: {  	v53 =	vmul.u32 $0x1700, v49  }
0x3e2: {  	v54 =	vshll.u32 v50, $0x7  }
0x3e3: {  	v55 =	vadd.s32 s29, v52;
	v56 =	vand.u32 $0x7, v52;
	v1 =	vadd.s32 v53, v54  }
0x3e4: {  	v57 =	vand.u32 $0xFFFFFFF8, v55;
	v1 =	vor.u32 v56, v1  }
0x3e5: {  	v1 =	vadd.s32 v57, v1;
	v0 =	vld.idx.msk [tilespmem:v0+s19+$0x0], $0xffff;
	_ =	sdelay $0x2  }
0x3e6: {  	p0 =	seq.s32 s26, $0xD200  }
0x3e7: {  	s29 =	sshra.s32 @!p0 s26, $0x2  }
0x3e8: {  	s16 =	simm.s32 @!p0 $0x75;
	s20 =	simm.s32 @!p0 $0x5190;
	s31 =	sadd.s32 @!p0 $0x780, s29;
	[tilespmem:v1+s13+$0x0] =	vst.idx.msk $0xffff, v0  }
0x3e9: {  	[tilespmem:s20], [sflag:$0x1] =	stream.indirect.gather @!p0 [hbm4b:s1+s16], $0x10, s31, s16, $0xb8;
	[tilespmem:$0x10B90] =	vst v63  }
0x3ea: {  	s20 =	sadd.s32 @!p0 $0x7F8, s29;
	s31 =	simm.s32 @!p0 $0x58E0  }
0x3eb: {  	[tilespmem:s31], [sflag:$0x1] =	stream.indirect.gather @!p0 [hbm4b:s1+s16], $0x10, s20, s16, $0xb8;
	[tilespmem:$0x10B90] =	vst v63  }
0x3ec: {  	s20 =	sadd.s32 @!p0 $0x870, s29;
	s31 =	simm.s32 @!p0 $0x6030  }
0x3ed: {  	[tilespmem:s31], [sflag:$0x1] =	stream.indirect.gather @!p0 [hbm4b:s1+s16], $0x10, s20, s16, $0xb8;
	[tilespmem:$0x10B90] =	vst v63  }
0x3ee: {  	s20 =	sadd.s32 @!p0 $0x8E8, s29;
	s31 =	simm.s32 @!p0 $0x6780  }
0x3ef: {  	[tilespmem:s31], [sflag:$0x1] =	stream.indirect.gather @!p0 [hbm4b:s1+s16], $0x10, s20, s16, $0xb8;
	[tilespmem:$0x10B90] =	vst v63  }
0x3f0: {  	s20 =	sadd.s32 @!p0 $0x960, s29;
	s31 =	simm.s32 @!p0 $0x6ED0  }
0x3f1: {  	[tilespmem:s31], [sflag:$0x1] =	stream.indirect.gather @!p0 [hbm4b:s1+s16], $0x10, s20, s16, $0xb8;
	[tilespmem:$0x10B90] =	vst v63  }
0x3f2: {  	s20 =	sadd.s32 @!p0 $0x9D8, s29;
	s31 =	simm.s32 @!p0 $0x7620  }
0x3f3: {  	[tilespmem:s31], [sflag:$0x1] =	stream.indirect.gather @!p0 [hbm4b:s1+s16], $0x10, s20, s16, $0xb8;
	[tilespmem:$0x10B90] =	vst v63  }
0x3f4: {  	s20 =	sadd.s32 @!p0 $0xA50, s29;
	s31 =	simm.s32 @!p0 $0x7D70  }
0x3f5: {  	[tilespmem:s31], [sflag:$0x1] =	stream.indirect.gather @!p0 [hbm4b:s1+s16], $0x10, s20, s16, $0xb8;
	[tilespmem:$0x10B90] =	vst v63  }
0x3f6: {  	s20 =	sadd.s32 @!p0 $0xAC8, s29;
	s29 =	simm.s32 @!p0 $0x84C0  }
0x3f7: {  	[tilespmem:s29], [sflag:$0x1] =	stream.indirect.gather @!p0 [hbm4b:s1+s16], $0x10, s20, s16, $0xb8;
	[tilespmem:$0x10B90] =	vst v63  }
0x3f8: {  	_ =	swait.ge [sflag:s14], $0x750  }
0x3f9: {  	[sflag:s14] =	ssyncset.done $0x0  }
0x3fa: {  	[sflag:s14] =	ssyncadd.s32 $0xFFFFF8B0  }
0x3fb: {  	_ =	swait.ge [sflag:s14], $0x750  }
0x3fc: {  	[sflag:s14] =	ssyncset.done $0x0  }
0x3fd: {  	[sflag:s14] =	ssyncadd.s32 $0xFFFFF8B0  }
0x3fe: {  	_ =	swait.ge [sflag:s14], $0x750  }
0x3ff: {  	[sflag:s14] =	ssyncset.done $0x0  }
0x400: {  	[sflag:s14] =	ssyncadd.s32 $0xFFFFF8B0  }
0x401: {  	_ =	swait.ge [sflag:s14], $0x750  }
0x402: {  	[sflag:s14] =	ssyncset.done $0x0  }
0x403: {  	[sflag:s14] =	ssyncadd.s32 $0xFFFFF8B0  }
0x404: {  	_ =	swait.ge [sflag:s14], $0x750  }
0x405: {  	[sflag:s14] =	ssyncset.done $0x0  }
0x406: {  	[sflag:s14] =	ssyncadd.s32 $0xFFFFF8B0  }
0x407: {  	_ =	swait.ge [sflag:s14], $0x750  }
0x408: {  	[sflag:s14] =	ssyncset.done $0x0  }
0x409: {  	[sflag:s14] =	ssyncadd.s32 $0xFFFFF8B0  }
0x40a: {  	_ =	swait.ge [sflag:s14], $0x750  }
0x40b: {  	[sflag:s14] =	ssyncset.done $0x0  }
0x40c: {  	[sflag:s14] =	ssyncadd.s32 $0xFFFFF8B0  }
0x40d: {  	_ =	swait.ge [sflag:s14], $0x750  }
0x40e: {  	[sflag:s14] =	ssyncset.done $0x0  }
0x40f: {  	[sflag:s14] =	ssyncadd.s32 $0xFFFFF8B0  }
0x410: {  	v58 =	vld [tilespmem:$0x3C00]  }
0x411: {  	v59 =	vld [tilespmem:$0x4050];
	_ =	sdelay $0x2  }
0x412: {  	v60 =	vld [tilespmem:$0x44A0]  }
0x413: {  	v61 =	vld [tilespmem:$0x48F0]  }
0x414: {  	v63 =	vld [tilespmem:$0x4D40];
	v62 =	vand.u32 $0xFFFFFFF8, v59;
	v0 =	vshll.u32 v58, $0x4  }
0x415: {  	v1 =	vand.u32 $0x7, v59;
	v0 =	vadd.s32 v0, v62  }
0x416: {  	v0 =	vor.u32 v1, v0  }
0x417: {  	v8 =	vmul.u32 $0x1700, v60  }
0x418: {  	v9 =	vshll.u32 v61, $0x7  }
0x419: {  	v10 =	vadd.s32 s24, v63;
	v11 =	vand.u32 $0x7, v63;
	v1 =	vadd.s32 v8, v9  }
0x41a: {  	v12 =	vand.u32 $0xFFFFFFF8, v10;
	v1 =	vor.u32 v11, v1  }
0x41b: {  	v1 =	vadd.s32 v12, v1;
	v0 =	vld.idx.msk [tilespmem:v0+s15+$0x0], $0xffff;
	_ =	sdelay $0x4  }
0x41c: {  	[tilespmem:v1+s13+$0x0] =	vst.idx.msk $0xffff, v0  }
0x41d: {  	v0 =	vld [tilespmem:$0x3C10]  }
0x41e: {  	v1 =	vld [tilespmem:$0x4060];
	_ =	sdelay $0x2  }
0x41f: {  	v13 =	vld [tilespmem:$0x44B0]  }
0x420: {  	v14 =	vld [tilespmem:$0x4900]  }
0x421: {  	v16 =	vld [tilespmem:$0x4D50];
	v15 =	vand.u32 $0xFFFFFFF8, v1;
	v0 =	vshll.u32 v0, $0x4  }
0x422: {  	v1 =	vand.u32 $0x7, v1;
	v0 =	vadd.s32 v0, v15  }
0x423: {  	v0 =	vor.u32 v1, v0  }
0x424: {  	v17 =	vmul.u32 $0x1700, v13  }
0x425: {  	v18 =	vshll.u32 v14, $0x7  }
0x426: {  	v19 =	vadd.s32 s24, v16;
	v20 =	vand.u32 $0x7, v16;
	v1 =	vadd.s32 v17, v18  }
0x427: {  	v21 =	vand.u32 $0xFFFFFFF8, v19;
	v1 =	vor.u32 v20, v1  }
0x428: {  	v1 =	vadd.s32 v21, v1;
	v0 =	vld.idx.msk [tilespmem:v0+s15+$0x0], $0xffff;
	_ =	sdelay $0x4  }
0x429: {  	[tilespmem:v1+s13+$0x0] =	vst.idx.msk $0xffff, v0  }
0x42a: {  	v0 =	vld [tilespmem:$0x3C20]  }
0x42b: {  	v1 =	vld [tilespmem:$0x4070];
	_ =	sdelay $0x2  }
0x42c: {  	v22 =	vld [tilespmem:$0x44C0]  }
0x42d: {  	v23 =	vld [tilespmem:$0x4910]  }
0x42e: {  	v25 =	vld [tilespmem:$0x4D60];
	v24 =	vand.u32 $0xFFFFFFF8, v1;
	v0 =	vshll.u32 v0, $0x4  }
0x42f: {  	v1 =	vand.u32 $0x7, v1;
	v0 =	vadd.s32 v0, v24  }
0x430: {  	v0 =	vor.u32 v1, v0  }
0x431: {  	v26 =	vmul.u32 $0x1700, v22  }
0x432: {  	v27 =	vshll.u32 v23, $0x7  }
0x433: {  	v28 =	vadd.s32 s24, v25;
	v29 =	vand.u32 $0x7, v25;
	v1 =	vadd.s32 v26, v27  }
0x434: {  	v30 =	vand.u32 $0xFFFFFFF8, v28;
	v1 =	vor.u32 v29, v1  }
0x435: {  	v1 =	vadd.s32 v30, v1;
	v0 =	vld.idx.msk [tilespmem:v0+s15+$0x0], $0xffff;
	_ =	sdelay $0x4  }
0x436: {  	[tilespmem:v1+s13+$0x0] =	vst.idx.msk $0xffff, v0  }
0x437: {  	v0 =	vld [tilespmem:$0x3C30]  }
0x438: {  	v1 =	vld [tilespmem:$0x4080];
	_ =	sdelay $0x2  }
0x439: {  	v31 =	vld [tilespmem:$0x44D0]  }
0x43a: {  	v32 =	vld [tilespmem:$0x4920]  }
0x43b: {  	v34 =	vld [tilespmem:$0x4D70];
	v33 =	vand.u32 $0xFFFFFFF8, v1;
	v0 =	vshll.u32 v0, $0x4  }
0x43c: {  	v1 =	vand.u32 $0x7, v1;
	v0 =	vadd.s32 v0, v33  }
0x43d: {  	v0 =	vor.u32 v1, v0  }
0x43e: {  	v35 =	vmul.u32 $0x1700, v31  }
0x43f: {  	v36 =	vshll.u32 v32, $0x7  }
0x440: {  	v37 =	vadd.s32 s24, v34;
	v38 =	vand.u32 $0x7, v34;
	v1 =	vadd.s32 v35, v36  }
0x441: {  	v39 =	vand.u32 $0xFFFFFFF8, v37;
	v1 =	vor.u32 v38, v1  }
0x442: {  	v1 =	vadd.s32 v39, v1;
	v0 =	vld.idx.msk [tilespmem:v0+s15+$0x0], $0xffff;
	_ =	sdelay $0x4  }
0x443: {  	[tilespmem:v1+s13+$0x0] =	vst.idx.msk $0xffff, v0  }
0x444: {  	v0 =	vld [tilespmem:$0x3C40]  }
0x445: {  	v1 =	vld [tilespmem:$0x4090];
	_ =	sdelay $0x2  }
0x446: {  	v40 =	vld [tilespmem:$0x44E0]  }
0x447: {  	v41 =	vld [tilespmem:$0x4930]  }
0x448: {  	v43 =	vld [tilespmem:$0x4D80];
	v42 =	vand.u32 $0xFFFFFFF8, v1;
	v0 =	vshll.u32 v0, $0x4  }
0x449: {  	v1 =	vand.u32 $0x7, v1;
	v0 =	vadd.s32 v0, v42  }
0x44a: {  	v0 =	vor.u32 v1, v0  }
0x44b: {  	v44 =	vmul.u32 $0x1700, v40  }
0x44c: {  	v45 =	vshll.u32 v41, $0x7  }
0x44d: {  	v46 =	vadd.s32 s24, v43;
	v47 =	vand.u32 $0x7, v43;
	v1 =	vadd.s32 v44, v45  }
0x44e: {  	v48 =	vand.u32 $0xFFFFFFF8, v46;
	v1 =	vor.u32 v47, v1  }
0x44f: {  	v1 =	vadd.s32 v48, v1;
	v0 =	vld.idx.msk [tilespmem:v0+s15+$0x0], $0xffff;
	_ =	sdelay $0x4  }
0x450: {  	[tilespmem:v1+s13+$0x0] =	vst.idx.msk $0xffff, v0  }
0x451: {  	v0 =	vld [tilespmem:$0x3C50]  }
0x452: {  	v1 =	vld [tilespmem:$0x40A0];
	_ =	sdelay $0x2  }
0x453: {  	v49 =	vld [tilespmem:$0x44F0]  }
0x454: {  	v50 =	vld [tilespmem:$0x4940]  }
0x455: {  	v52 =	vld [tilespmem:$0x4D90];
	v51 =	vand.u32 $0xFFFFFFF8, v1;
	v0 =	vshll.u32 v0, $0x4  }
0x456: {  	v1 =	vand.u32 $0x7, v1;
	v0 =	vadd.s32 v0, v51  }
0x457: {  	v0 =	vor.u32 v1, v0  }
0x458: {  	v53 =	vmul.u32 $0x1700, v49  }
0x459: {  	v54 =	vshll.u32 v50, $0x7  }
0x45a: {  	v55 =	vadd.s32 s24, v52;
	v56 =	vand.u32 $0x7, v52;
	v1 =	vadd.s32 v53, v54  }
0x45b: {  	v57 =	vand.u32 $0xFFFFFFF8, v55;
	v1 =	vor.u32 v56, v1  }
0x45c: {  	v1 =	vadd.s32 v57, v1;
	v0 =	vld.idx.msk [tilespmem:v0+s15+$0x0], $0xffff;
	_ =	sdelay $0x4  }
0x45d: {  	[tilespmem:v1+s13+$0x0] =	vst.idx.msk $0xffff, v0  }
0x45e: {  	v0 =	vld [tilespmem:$0x3C60]  }
0x45f: {  	v1 =	vld [tilespmem:$0x40B0];
	_ =	sdelay $0x2  }
0x460: {  	v58 =	vld [tilespmem:$0x4500]  }
0x461: {  	v59 =	vld [tilespmem:$0x4950]  }
0x462: {  	v61 =	vld [tilespmem:$0x4DA0];
	v60 =	vand.u32 $0xFFFFFFF8, v1;
	v0 =	vshll.u32 v0, $0x4  }
0x463: {  	v1 =	vand.u32 $0x7, v1;
	v0 =	vadd.s32 v0, v60  }
0x464: {  	v0 =	vor.u32 v1, v0  }
0x465: {  	v62 =	vmul.u32 $0x1700, v58  }
0x466: {  	v63 =	vshll.u32 v59, $0x7  }
0x467: {  	v8 =	vadd.s32 s24, v61;
	v9 =	vand.u32 $0x7, v61;
	v1 =	vadd.s32 v62, v63  }
0x468: {  	v10 =	vand.u32 $0xFFFFFFF8, v8;
	v1 =	vor.u32 v9, v1  }
0x469: {  	v1 =	vadd.s32 v10, v1;
	v0 =	vld.idx.msk [tilespmem:v0+s15+$0x0], $0xffff;
	_ =	sdelay $0x4  }
0x46a: {  	[tilespmem:v1+s13+$0x0] =	vst.idx.msk $0xffff, v0  }
0x46b: {  	v0 =	vld [tilespmem:$0x3C70]  }
0x46c: {  	v1 =	vld [tilespmem:$0x40C0];
	_ =	sdelay $0x2  }
0x46d: {  	v11 =	vld [tilespmem:$0x4510]  }
0x46e: {  	v12 =	vld [tilespmem:$0x4960]  }
0x46f: {  	v14 =	vld [tilespmem:$0x4DB0];
	v13 =	vand.u32 $0xFFFFFFF8, v1;
	v0 =	vshll.u32 v0, $0x4  }
0x470: {  	v1 =	vand.u32 $0x7, v1;
	v0 =	vadd.s32 v0, v13  }
0x471: {  	v0 =	vor.u32 v1, v0  }
0x472: {  	v15 =	vmul.u32 $0x1700, v11  }
0x473: {  	v16 =	vshll.u32 v12, $0x7  }
0x474: {  	v17 =	vadd.s32 s24, v14;
	v18 =	vand.u32 $0x7, v14;
	v1 =	vadd.s32 v15, v16  }
0x475: {  	v19 =	vand.u32 $0xFFFFFFF8, v17;
	v1 =	vor.u32 v18, v1  }
0x476: {  	v1 =	vadd.s32 v19, v1;
	v0 =	vld.idx.msk [tilespmem:v0+s15+$0x0], $0xffff;
	_ =	sdelay $0x4  }
0x477: {  	[tilespmem:v1+s13+$0x0] =	vst.idx.msk $0xffff, v0  }
0x478: {  	v0 =	vld [tilespmem:$0x3C80]  }
0x479: {  	v1 =	vld [tilespmem:$0x40D0];
	_ =	sdelay $0x2  }
0x47a: {  	v20 =	vld [tilespmem:$0x4520]  }
0x47b: {  	v21 =	vld [tilespmem:$0x4970]  }
0x47c: {  	v23 =	vld [tilespmem:$0x4DC0];
	v22 =	vand.u32 $0xFFFFFFF8, v1;
	v0 =	vshll.u32 v0, $0x4  }
0x47d: {  	v1 =	vand.u32 $0x7, v1;
	v0 =	vadd.s32 v0, v22  }
0x47e: {  	v0 =	vor.u32 v1, v0  }
0x47f: {  	v24 =	vmul.u32 $0x1700, v20  }
0x480: {  	v25 =	vshll.u32 v21, $0x7  }
0x481: {  	v26 =	vadd.s32 s24, v23;
	v27 =	vand.u32 $0x7, v23;
	v1 =	vadd.s32 v24, v25  }
0x482: {  	v28 =	vand.u32 $0xFFFFFFF8, v26;
	v1 =	vor.u32 v27, v1  }
0x483: {  	v1 =	vadd.s32 v28, v1;
	v0 =	vld.idx.msk [tilespmem:v0+s15+$0x0], $0xffff;
	_ =	sdelay $0x4  }
0x484: {  	[tilespmem:v1+s13+$0x0] =	vst.idx.msk $0xffff, v0  }
0x485: {  	v0 =	vld [tilespmem:$0x3C90]  }
0x486: {  	v1 =	vld [tilespmem:$0x40E0];
	_ =	sdelay $0x2  }
0x487: {  	v29 =	vld [tilespmem:$0x4530]  }
0x488: {  	v30 =	vld [tilespmem:$0x4980]  }
0x489: {  	v32 =	vld [tilespmem:$0x4DD0];
	v31 =	vand.u32 $0xFFFFFFF8, v1;
	v0 =	vshll.u32 v0, $0x4  }
0x48a: {  	v1 =	vand.u32 $0x7, v1;
	v0 =	vadd.s32 v0, v31  }
0x48b: {  	v0 =	vor.u32 v1, v0  }
0x48c: {  	v33 =	vmul.u32 $0x1700, v29  }
0x48d: {  	v34 =	vshll.u32 v30, $0x7  }
0x48e: {  	v35 =	vadd.s32 s24, v32;
	v36 =	vand.u32 $0x7, v32;
	v1 =	vadd.s32 v33, v34  }
0x48f: {  	v37 =	vand.u32 $0xFFFFFFF8, v35;
	v1 =	vor.u32 v36, v1  }
0x490: {  	v1 =	vadd.s32 v37, v1;
	v0 =	vld.idx.msk [tilespmem:v0+s15+$0x0], $0xffff;
	_ =	sdelay $0x4  }
0x491: {  	[tilespmem:v1+s13+$0x0] =	vst.idx.msk $0xffff, v0  }
0x492: {  	v0 =	vld [tilespmem:$0x3CA0]  }
0x493: {  	v1 =	vld [tilespmem:$0x40F0];
	_ =	sdelay $0x2  }
0x494: {  	v38 =	vld [tilespmem:$0x4540]  }
0x495: {  	v39 =	vld [tilespmem:$0x4990]  }
0x496: {  	v41 =	vld [tilespmem:$0x4DE0];
	v40 =	vand.u32 $0xFFFFFFF8, v1;
	v0 =	vshll.u32 v0, $0x4  }
0x497: {  	v1 =	vand.u32 $0x7, v1;
	v0 =	vadd.s32 v0, v40  }
0x498: {  	v0 =	vor.u32 v1, v0  }
0x499: {  	v42 =	vmul.u32 $0x1700, v38  }
0x49a: {  	v43 =	vshll.u32 v39, $0x7  }
0x49b: {  	v44 =	vadd.s32 s24, v41;
	v45 =	vand.u32 $0x7, v41;
	v1 =	vadd.s32 v42, v43  }
0x49c: {  	v46 =	vand.u32 $0xFFFFFFF8, v44;
	v1 =	vor.u32 v45, v1  }
0x49d: {  	v1 =	vadd.s32 v46, v1;
	v0 =	vld.idx.msk [tilespmem:v0+s15+$0x0], $0xffff;
	_ =	sdelay $0x4  }
0x49e: {  	[tilespmem:v1+s13+$0x0] =	vst.idx.msk $0xffff, v0  }
0x49f: {  	v0 =	vld [tilespmem:$0x3CB0]  }
0x4a0: {  	v1 =	vld [tilespmem:$0x4100];
	_ =	sdelay $0x2  }
0x4a1: {  	v47 =	vld [tilespmem:$0x4550]  }
0x4a2: {  	v48 =	vld [tilespmem:$0x49A0]  }
0x4a3: {  	v50 =	vld [tilespmem:$0x4DF0];
	v49 =	vand.u32 $0xFFFFFFF8, v1;
	v0 =	vshll.u32 v0, $0x4  }
0x4a4: {  	v1 =	vand.u32 $0x7, v1;
	v0 =	vadd.s32 v0, v49  }
0x4a5: {  	v0 =	vor.u32 v1, v0  }
0x4a6: {  	v51 =	vmul.u32 $0x1700, v47  }
0x4a7: {  	v52 =	vshll.u32 v48, $0x7  }
0x4a8: {  	v53 =	vadd.s32 s24, v50;
	v54 =	vand.u32 $0x7, v50;
	v1 =	vadd.s32 v51, v52  }
0x4a9: {  	v55 =	vand.u32 $0xFFFFFFF8, v53;
	v1 =	vor.u32 v54, v1  }
0x4aa: {  	v1 =	vadd.s32 v55, v1;
	v0 =	vld.idx.msk [tilespmem:v0+s15+$0x0], $0xffff;
	_ =	sdelay $0x4  }
0x4ab: {  	[tilespmem:v1+s13+$0x0] =	vst.idx.msk $0xffff, v0  }
0x4ac: {  	v0 =	vld [tilespmem:$0x3CC0]  }
0x4ad: {  	v1 =	vld [tilespmem:$0x4110];
	_ =	sdelay $0x2  }
0x4ae: {  	v56 =	vld [tilespmem:$0x4560]  }
0x4af: {  	v57 =	vld [tilespmem:$0x49B0]  }
0x4b0: {  	v59 =	vld [tilespmem:$0x4E00];
	v58 =	vand.u32 $0xFFFFFFF8, v1;
	v0 =	vshll.u32 v0, $0x4  }
0x4b1: {  	v1 =	vand.u32 $0x7, v1;
	v0 =	vadd.s32 v0, v58  }
0x4b2: {  	v0 =	vor.u32 v1, v0  }
0x4b3: {  	v60 =	vmul.u32 $0x1700, v56  }
0x4b4: {  	v61 =	vshll.u32 v57, $0x7  }
0x4b5: {  	v62 =	vadd.s32 s24, v59;
	v63 =	vand.u32 $0x7, v59;
	v1 =	vadd.s32 v60, v61  }
0x4b6: {  	v7 =	vand.u32 $0xFFFFFFF8, v62;
	v1 =	vor.u32 v63, v1  }
0x4b7: {  	v1 =	vadd.s32 v7, v1;
	v0 =	vld.idx.msk [tilespmem:v0+s15+$0x0], $0xffff;
	_ =	sdelay $0x4  }
0x4b8: {  	[tilespmem:v1+s13+$0x0] =	vst.idx.msk $0xffff, v0  }
0x4b9: {  	v0 =	vld [tilespmem:$0x3CD0]  }
0x4ba: {  	v1 =	vld [tilespmem:$0x4120];
	_ =	sdelay $0x2  }
0x4bb: {  	v8 =	vld [tilespmem:$0x4570]  }
0x4bc: {  	v9 =	vld [tilespmem:$0x49C0]  }
0x4bd: {  	v11 =	vld [tilespmem:$0x4E10];
	v10 =	vand.u32 $0xFFFFFFF8, v1;
	v0 =	vshll.u32 v0, $0x4  }
0x4be: {  	v1 =	vand.u32 $0x7, v1;
	v0 =	vadd.s32 v0, v10  }
0x4bf: {  	v0 =	vor.u32 v1, v0  }
0x4c0: {  	v12 =	vmul.u32 $0x1700, v8  }
0x4c1: {  	v13 =	vshll.u32 v9, $0x7  }
0x4c2: {  	v14 =	vadd.s32 s24, v11;
	v15 =	vand.u32 $0x7, v11;
	v1 =	vadd.s32 v12, v13  }
0x4c3: {  	v16 =	vand.u32 $0xFFFFFFF8, v14;
	v1 =	vor.u32 v15, v1  }
0x4c4: {  	v1 =	vadd.s32 v16, v1;
	v0 =	vld.idx.msk [tilespmem:v0+s15+$0x0], $0xffff;
	_ =	sdelay $0x4  }
0x4c5: {  	[tilespmem:v1+s13+$0x0] =	vst.idx.msk $0xffff, v0  }
0x4c6: {  	v0 =	vld [tilespmem:$0x3CE0]  }
0x4c7: {  	v1 =	vld [tilespmem:$0x4130];
	_ =	sdelay $0x2  }
0x4c8: {  	v17 =	vld [tilespmem:$0x4580]  }
0x4c9: {  	v18 =	vld [tilespmem:$0x49D0]  }
0x4ca: {  	v20 =	vld [tilespmem:$0x4E20];
	v19 =	vand.u32 $0xFFFFFFF8, v1;
	v0 =	vshll.u32 v0, $0x4  }
0x4cb: {  	v1 =	vand.u32 $0x7, v1;
	v0 =	vadd.s32 v0, v19  }
0x4cc: {  	v0 =	vor.u32 v1, v0  }
0x4cd: {  	v21 =	vmul.u32 $0x1700, v17  }
0x4ce: {  	v22 =	vshll.u32 v18, $0x7  }
0x4cf: {  	v23 =	vadd.s32 s24, v20;
	v24 =	vand.u32 $0x7, v20;
	v1 =	vadd.s32 v21, v22  }
0x4d0: {  	v25 =	vand.u32 $0xFFFFFFF8, v23;
	v1 =	vor.u32 v24, v1  }
0x4d1: {  	v1 =	vadd.s32 v25, v1;
	v0 =	vld.idx.msk [tilespmem:v0+s15+$0x0], $0xffff;
	_ =	sdelay $0x4  }
0x4d2: {  	[tilespmem:v1+s13+$0x0] =	vst.idx.msk $0xffff, v0  }
0x4d3: {  	v0 =	vld [tilespmem:$0x3CF0]  }
0x4d4: {  	v1 =	vld [tilespmem:$0x4140];
	_ =	sdelay $0x2  }
0x4d5: {  	v26 =	vld [tilespmem:$0x4590]  }
0x4d6: {  	v27 =	vld [tilespmem:$0x49E0]  }
0x4d7: {  	v29 =	vld [tilespmem:$0x4E30];
	v28 =	vand.u32 $0xFFFFFFF8, v1;
	v0 =	vshll.u32 v0, $0x4  }
0x4d8: {  	v1 =	vand.u32 $0x7, v1;
	v0 =	vadd.s32 v0, v28  }
0x4d9: {  	v0 =	vor.u32 v1, v0  }
0x4da: {  	v30 =	vmul.u32 $0x1700, v26  }
0x4db: {  	v31 =	vshll.u32 v27, $0x7  }
0x4dc: {  	v32 =	vadd.s32 s24, v29;
	v33 =	vand.u32 $0x7, v29;
	v1 =	vadd.s32 v30, v31  }
0x4dd: {  	v34 =	vand.u32 $0xFFFFFFF8, v32;
	v1 =	vor.u32 v33, v1  }
0x4de: {  	v1 =	vadd.s32 v34, v1;
	v0 =	vld.idx.msk [tilespmem:v0+s15+$0x0], $0xffff;
	_ =	sdelay $0x4  }
0x4df: {  	[tilespmem:v1+s13+$0x0] =	vst.idx.msk $0xffff, v0  }
0x4e0: {  	v0 =	vld [tilespmem:$0x3D00]  }
0x4e1: {  	v1 =	vld [tilespmem:$0x4150];
	_ =	sdelay $0x2  }
0x4e2: {  	v35 =	vld [tilespmem:$0x45A0]  }
0x4e3: {  	v36 =	vld [tilespmem:$0x49F0]  }
0x4e4: {  	v38 =	vld [tilespmem:$0x4E40];
	v37 =	vand.u32 $0xFFFFFFF8, v1;
	v0 =	vshll.u32 v0, $0x4  }
0x4e5: {  	v1 =	vand.u32 $0x7, v1;
	v0 =	vadd.s32 v0, v37  }
0x4e6: {  	v0 =	vor.u32 v1, v0  }
0x4e7: {  	v39 =	vmul.u32 $0x1700, v35  }
0x4e8: {  	v40 =	vshll.u32 v36, $0x7  }
0x4e9: {  	v41 =	vadd.s32 s24, v38;
	v42 =	vand.u32 $0x7, v38;
	v1 =	vadd.s32 v39, v40  }
0x4ea: {  	v43 =	vand.u32 $0xFFFFFFF8, v41;
	v1 =	vor.u32 v42, v1  }
0x4eb: {  	v1 =	vadd.s32 v43, v1;
	v0 =	vld.idx.msk [tilespmem:v0+s15+$0x0], $0xffff;
	_ =	sdelay $0x4  }
0x4ec: {  	[tilespmem:v1+s13+$0x0] =	vst.idx.msk $0xffff, v0  }
0x4ed: {  	v0 =	vld [tilespmem:$0x3D10]  }
0x4ee: {  	v1 =	vld [tilespmem:$0x4160];
	_ =	sdelay $0x2  }
0x4ef: {  	v44 =	vld [tilespmem:$0x45B0]  }
0x4f0: {  	v45 =	vld [tilespmem:$0x4A00]  }
0x4f1: {  	v47 =	vld [tilespmem:$0x4E50];
	v46 =	vand.u32 $0xFFFFFFF8, v1;
	v0 =	vshll.u32 v0, $0x4  }
0x4f2: {  	v1 =	vand.u32 $0x7, v1;
	v0 =	vadd.s32 v0, v46  }
0x4f3: {  	v0 =	vor.u32 v1, v0  }
0x4f4: {  	v48 =	vmul.u32 $0x1700, v44  }
0x4f5: {  	v49 =	vshll.u32 v45, $0x7  }
0x4f6: {  	v50 =	vadd.s32 s24, v47;
	v51 =	vand.u32 $0x7, v47;
	v1 =	vadd.s32 v48, v49  }
0x4f7: {  	v52 =	vand.u32 $0xFFFFFFF8, v50;
	v1 =	vor.u32 v51, v1  }
0x4f8: {  	v1 =	vadd.s32 v52, v1;
	v0 =	vld.idx.msk [tilespmem:v0+s15+$0x0], $0xffff;
	_ =	sdelay $0x4  }
0x4f9: {  	[tilespmem:v1+s13+$0x0] =	vst.idx.msk $0xffff, v0  }
0x4fa: {  	v0 =	vld [tilespmem:$0x3D20]  }
0x4fb: {  	v1 =	vld [tilespmem:$0x4170];
	_ =	sdelay $0x2  }
0x4fc: {  	v53 =	vld [tilespmem:$0x45C0]  }
0x4fd: {  	v54 =	vld [tilespmem:$0x4A10]  }
0x4fe: {  	v56 =	vld [tilespmem:$0x4E60];
	v55 =	vand.u32 $0xFFFFFFF8, v1;
	v0 =	vshll.u32 v0, $0x4  }
0x4ff: {  	v1 =	vand.u32 $0x7, v1;
	v0 =	vadd.s32 v0, v55  }
0x500: {  	v0 =	vor.u32 v1, v0  }
0x501: {  	v57 =	vmul.u32 $0x1700, v53  }
0x502: {  	v58 =	vshll.u32 v54, $0x7  }
0x503: {  	v59 =	vadd.s32 s24, v56;
	v60 =	vand.u32 $0x7, v56;
	v1 =	vadd.s32 v57, v58  }
0x504: {  	v61 =	vand.u32 $0xFFFFFFF8, v59;
	v1 =	vor.u32 v60, v1  }
0x505: {  	v1 =	vadd.s32 v61, v1;
	v0 =	vld.idx.msk [tilespmem:v0+s15+$0x0], $0xffff;
	_ =	sdelay $0x4  }
0x506: {  	[tilespmem:v1+s13+$0x0] =	vst.idx.msk $0xffff, v0  }
0x507: {  	v0 =	vld [tilespmem:$0x3D30]  }
0x508: {  	v1 =	vld [tilespmem:$0x4180];
	_ =	sdelay $0x2  }
0x509: {  	v62 =	vld [tilespmem:$0x45D0]  }
0x50a: {  	v63 =	vld [tilespmem:$0x4A20]  }
0x50b: {  	v9 =	vld [tilespmem:$0x4E70];
	v8 =	vand.u32 $0xFFFFFFF8, v1;
	v0 =	vshll.u32 v0, $0x4  }
0x50c: {  	v1 =	vand.u32 $0x7, v1;
	v0 =	vadd.s32 v0, v8  }
0x50d: {  	v0 =	vor.u32 v1, v0  }
0x50e: {  	v10 =	vmul.u32 $0x1700, v62  }
0x50f: {  	v11 =	vshll.u32 v63, $0x7  }
0x510: {  	v12 =	vadd.s32 s24, v9;
	v13 =	vand.u32 $0x7, v9;
	v1 =	vadd.s32 v10, v11  }
0x511: {  	v14 =	vand.u32 $0xFFFFFFF8, v12;
	v1 =	vor.u32 v13, v1  }
0x512: {  	v1 =	vadd.s32 v14, v1;
	v0 =	vld.idx.msk [tilespmem:v0+s15+$0x0], $0xffff;
	_ =	sdelay $0x4  }
0x513: {  	[tilespmem:v1+s13+$0x0] =	vst.idx.msk $0xffff, v0  }
0x514: {  	v0 =	vld [tilespmem:$0x3D40]  }
0x515: {  	v1 =	vld [tilespmem:$0x4190];
	_ =	sdelay $0x2  }
0x516: {  	v15 =	vld [tilespmem:$0x45E0]  }
0x517: {  	v16 =	vld [tilespmem:$0x4A30]  }
0x518: {  	v18 =	vld [tilespmem:$0x4E80];
	v17 =	vand.u32 $0xFFFFFFF8, v1;
	v0 =	vshll.u32 v0, $0x4  }
0x519: {  	v1 =	vand.u32 $0x7, v1;
	v0 =	vadd.s32 v0, v17  }
0x51a: {  	v0 =	vor.u32 v1, v0  }
0x51b: {  	v19 =	vmul.u32 $0x1700, v15  }
0x51c: {  	v20 =	vshll.u32 v16, $0x7  }
0x51d: {  	v21 =	vadd.s32 s24, v18;
	v22 =	vand.u32 $0x7, v18;
	v1 =	vadd.s32 v19, v20  }
0x51e: {  	v23 =	vand.u32 $0xFFFFFFF8, v21;
	v1 =	vor.u32 v22, v1  }
0x51f: {  	v1 =	vadd.s32 v23, v1;
	v0 =	vld.idx.msk [tilespmem:v0+s15+$0x0], $0xffff;
	_ =	sdelay $0x4  }
0x520: {  	[tilespmem:v1+s13+$0x0] =	vst.idx.msk $0xffff, v0  }
0x521: {  	v0 =	vld [tilespmem:$0x3D50]  }
0x522: {  	v1 =	vld [tilespmem:$0x41A0];
	_ =	sdelay $0x2  }
0x523: {  	v24 =	vld [tilespmem:$0x45F0]  }
0x524: {  	v25 =	vld [tilespmem:$0x4A40]  }
0x525: {  	v27 =	vld [tilespmem:$0x4E90];
	v26 =	vand.u32 $0xFFFFFFF8, v1;
	v0 =	vshll.u32 v0, $0x4  }
0x526: {  	v1 =	vand.u32 $0x7, v1;
	v0 =	vadd.s32 v0, v26  }
0x527: {  	v0 =	vor.u32 v1, v0  }
0x528: {  	v28 =	vmul.u32 $0x1700, v24  }
0x529: {  	v29 =	vshll.u32 v25, $0x7  }
0x52a: {  	v30 =	vadd.s32 s24, v27;
	v31 =	vand.u32 $0x7, v27;
	v1 =	vadd.s32 v28, v29  }
0x52b: {  	v32 =	vand.u32 $0xFFFFFFF8, v30;
	v1 =	vor.u32 v31, v1  }
0x52c: {  	v1 =	vadd.s32 v32, v1;
	v0 =	vld.idx.msk [tilespmem:v0+s15+$0x0], $0xffff;
	_ =	sdelay $0x4  }
0x52d: {  	[tilespmem:v1+s13+$0x0] =	vst.idx.msk $0xffff, v0  }
0x52e: {  	v0 =	vld [tilespmem:$0x3D60]  }
0x52f: {  	v1 =	vld [tilespmem:$0x41B0];
	_ =	sdelay $0x2  }
0x530: {  	v33 =	vld [tilespmem:$0x4600]  }
0x531: {  	v34 =	vld [tilespmem:$0x4A50]  }
0x532: {  	v36 =	vld [tilespmem:$0x4EA0];
	v35 =	vand.u32 $0xFFFFFFF8, v1;
	v0 =	vshll.u32 v0, $0x4  }
0x533: {  	v1 =	vand.u32 $0x7, v1;
	v0 =	vadd.s32 v0, v35  }
0x534: {  	v0 =	vor.u32 v1, v0  }
0x535: {  	v37 =	vmul.u32 $0x1700, v33  }
0x536: {  	v38 =	vshll.u32 v34, $0x7  }
0x537: {  	v39 =	vadd.s32 s24, v36;
	v40 =	vand.u32 $0x7, v36;
	v1 =	vadd.s32 v37, v38  }
0x538: {  	v41 =	vand.u32 $0xFFFFFFF8, v39;
	v1 =	vor.u32 v40, v1  }
0x539: {  	v1 =	vadd.s32 v41, v1;
	v0 =	vld.idx.msk [tilespmem:v0+s15+$0x0], $0xffff;
	_ =	sdelay $0x4  }
0x53a: {  	[tilespmem:v1+s13+$0x0] =	vst.idx.msk $0xffff, v0  }
0x53b: {  	v0 =	vld [tilespmem:$0x3D70]  }
0x53c: {  	v1 =	vld [tilespmem:$0x41C0];
	_ =	sdelay $0x2  }
0x53d: {  	v42 =	vld [tilespmem:$0x4610]  }
0x53e: {  	v43 =	vld [tilespmem:$0x4A60]  }
0x53f: {  	v45 =	vld [tilespmem:$0x4EB0];
	v44 =	vand.u32 $0xFFFFFFF8, v1;
	v0 =	vshll.u32 v0, $0x4  }
0x540: {  	v1 =	vand.u32 $0x7, v1;
	v0 =	vadd.s32 v0, v44  }
0x541: {  	v0 =	vor.u32 v1, v0  }
0x542: {  	v46 =	vmul.u32 $0x1700, v42  }
0x543: {  	v47 =	vshll.u32 v43, $0x7  }
0x544: {  	v48 =	vadd.s32 s24, v45;
	v49 =	vand.u32 $0x7, v45;
	v1 =	vadd.s32 v46, v47  }
0x545: {  	v50 =	vand.u32 $0xFFFFFFF8, v48;
	v1 =	vor.u32 v49, v1  }
0x546: {  	v1 =	vadd.s32 v50, v1;
	v0 =	vld.idx.msk [tilespmem:v0+s15+$0x0], $0xffff;
	_ =	sdelay $0x4  }
0x547: {  	[tilespmem:v1+s13+$0x0] =	vst.idx.msk $0xffff, v0  }
0x548: {  	v0 =	vld [tilespmem:$0x3D80]  }
0x549: {  	v1 =	vld [tilespmem:$0x41D0];
	_ =	sdelay $0x2  }
0x54a: {  	v51 =	vld [tilespmem:$0x4620]  }
0x54b: {  	v52 =	vld [tilespmem:$0x4A70]  }
0x54c: {  	v54 =	vld [tilespmem:$0x4EC0];
	v53 =	vand.u32 $0xFFFFFFF8, v1;
	v0 =	vshll.u32 v0, $0x4  }
0x54d: {  	v1 =	vand.u32 $0x7, v1;
	v0 =	vadd.s32 v0, v53  }
0x54e: {  	v0 =	vor.u32 v1, v0  }
0x54f: {  	v55 =	vmul.u32 $0x1700, v51  }
0x550: {  	v56 =	vshll.u32 v52, $0x7  }
0x551: {  	v57 =	vadd.s32 s24, v54;
	v58 =	vand.u32 $0x7, v54;
	v1 =	vadd.s32 v55, v56  }
0x552: {  	v59 =	vand.u32 $0xFFFFFFF8, v57;
	v1 =	vor.u32 v58, v1  }
0x553: {  	v1 =	vadd.s32 v59, v1;
	v0 =	vld.idx.msk [tilespmem:v0+s15+$0x0], $0xffff;
	_ =	sdelay $0x4  }
0x554: {  	[tilespmem:v1+s13+$0x0] =	vst.idx.msk $0xffff, v0  }
0x555: {  	v0 =	vld [tilespmem:$0x3D90]  }
0x556: {  	v1 =	vld [tilespmem:$0x41E0];
	_ =	sdelay $0x2  }
0x557: {  	v60 =	vld [tilespmem:$0x4630]  }
0x558: {  	v61 =	vld [tilespmem:$0x4A80]  }
0x559: {  	v63 =	vld [tilespmem:$0x4ED0];
	v62 =	vand.u32 $0xFFFFFFF8, v1;
	v0 =	vshll.u32 v0, $0x4  }
0x55a: {  	v1 =	vand.u32 $0x7, v1;
	v0 =	vadd.s32 v0, v62  }
0x55b: {  	v0 =	vor.u32 v1, v0  }
0x55c: {  	v8 =	vmul.u32 $0x1700, v60  }
0x55d: {  	v9 =	vshll.u32 v61, $0x7  }
0x55e: {  	v10 =	vadd.s32 s24, v63;
	v11 =	vand.u32 $0x7, v63;
	v1 =	vadd.s32 v8, v9  }
0x55f: {  	v12 =	vand.u32 $0xFFFFFFF8, v10;
	v1 =	vor.u32 v11, v1  }
0x560: {  	v1 =	vadd.s32 v12, v1;
	v0 =	vld.idx.msk [tilespmem:v0+s15+$0x0], $0xffff;
	_ =	sdelay $0x4  }
0x561: {  	[tilespmem:v1+s13+$0x0] =	vst.idx.msk $0xffff, v0  }
0x562: {  	v0 =	vld [tilespmem:$0x3DA0]  }
0x563: {  	v1 =	vld [tilespmem:$0x41F0];
	_ =	sdelay $0x2  }
0x564: {  	v13 =	vld [tilespmem:$0x4640]  }
0x565: {  	v14 =	vld [tilespmem:$0x4A90]  }
0x566: {  	v16 =	vld [tilespmem:$0x4EE0];
	v15 =	vand.u32 $0xFFFFFFF8, v1;
	v0 =	vshll.u32 v0, $0x4  }
0x567: {  	v1 =	vand.u32 $0x7, v1;
	v0 =	vadd.s32 v0, v15  }
0x568: {  	v0 =	vor.u32 v1, v0  }
0x569: {  	v17 =	vmul.u32 $0x1700, v13  }
0x56a: {  	v18 =	vshll.u32 v14, $0x7  }
0x56b: {  	v19 =	vadd.s32 s24, v16;
	v20 =	vand.u32 $0x7, v16;
	v1 =	vadd.s32 v17, v18  }
0x56c: {  	v21 =	vand.u32 $0xFFFFFFF8, v19;
	v1 =	vor.u32 v20, v1  }
0x56d: {  	v1 =	vadd.s32 v21, v1;
	v0 =	vld.idx.msk [tilespmem:v0+s15+$0x0], $0xffff;
	_ =	sdelay $0x4  }
0x56e: {  	[tilespmem:v1+s13+$0x0] =	vst.idx.msk $0xffff, v0  }
0x56f: {  	v0 =	vld [tilespmem:$0x3DB0]  }
0x570: {  	v1 =	vld [tilespmem:$0x4200];
	_ =	sdelay $0x2  }
0x571: {  	v22 =	vld [tilespmem:$0x4650]  }
0x572: {  	v23 =	vld [tilespmem:$0x4AA0]  }
0x573: {  	v25 =	vld [tilespmem:$0x4EF0];
	v24 =	vand.u32 $0xFFFFFFF8, v1;
	v0 =	vshll.u32 v0, $0x4  }
0x574: {  	v1 =	vand.u32 $0x7, v1;
	v0 =	vadd.s32 v0, v24  }
0x575: {  	v0 =	vor.u32 v1, v0  }
0x576: {  	v26 =	vmul.u32 $0x1700, v22  }
0x577: {  	v27 =	vshll.u32 v23, $0x7  }
0x578: {  	v28 =	vadd.s32 s24, v25;
	v29 =	vand.u32 $0x7, v25;
	v1 =	vadd.s32 v26, v27  }
0x579: {  	v30 =	vand.u32 $0xFFFFFFF8, v28;
	v1 =	vor.u32 v29, v1  }
0x57a: {  	v1 =	vadd.s32 v30, v1;
	v0 =	vld.idx.msk [tilespmem:v0+s15+$0x0], $0xffff;
	_ =	sdelay $0x4  }
0x57b: {  	[tilespmem:v1+s13+$0x0] =	vst.idx.msk $0xffff, v0  }
0x57c: {  	v0 =	vld [tilespmem:$0x3DC0]  }
0x57d: {  	v1 =	vld [tilespmem:$0x4210];
	_ =	sdelay $0x2  }
0x57e: {  	v31 =	vld [tilespmem:$0x4660]  }
0x57f: {  	v32 =	vld [tilespmem:$0x4AB0]  }
0x580: {  	v34 =	vld [tilespmem:$0x4F00];
	v33 =	vand.u32 $0xFFFFFFF8, v1;
	v0 =	vshll.u32 v0, $0x4  }
0x581: {  	v1 =	vand.u32 $0x7, v1;
	v0 =	vadd.s32 v0, v33  }
0x582: {  	v0 =	vor.u32 v1, v0  }
0x583: {  	v35 =	vmul.u32 $0x1700, v31  }
0x584: {  	v36 =	vshll.u32 v32, $0x7  }
0x585: {  	v37 =	vadd.s32 s24, v34;
	v38 =	vand.u32 $0x7, v34;
	v1 =	vadd.s32 v35, v36  }
0x586: {  	v39 =	vand.u32 $0xFFFFFFF8, v37;
	v1 =	vor.u32 v38, v1  }
0x587: {  	v1 =	vadd.s32 v39, v1;
	v0 =	vld.idx.msk [tilespmem:v0+s15+$0x0], $0xffff;
	_ =	sdelay $0x4  }
0x588: {  	[tilespmem:v1+s13+$0x0] =	vst.idx.msk $0xffff, v0  }
0x589: {  	v0 =	vld [tilespmem:$0x3DD0]  }
0x58a: {  	v1 =	vld [tilespmem:$0x4220];
	_ =	sdelay $0x2  }
0x58b: {  	v40 =	vld [tilespmem:$0x4670]  }
0x58c: {  	v41 =	vld [tilespmem:$0x4AC0]  }
0x58d: {  	v43 =	vld [tilespmem:$0x4F10];
	v42 =	vand.u32 $0xFFFFFFF8, v1;
	v0 =	vshll.u32 v0, $0x4  }
0x58e: {  	v1 =	vand.u32 $0x7, v1;
	v0 =	vadd.s32 v0, v42  }
0x58f: {  	v0 =	vor.u32 v1, v0  }
0x590: {  	v44 =	vmul.u32 $0x1700, v40  }
0x591: {  	v45 =	vshll.u32 v41, $0x7  }
0x592: {  	v46 =	vadd.s32 s24, v43;
	v47 =	vand.u32 $0x7, v43;
	v1 =	vadd.s32 v44, v45  }
0x593: {  	v48 =	vand.u32 $0xFFFFFFF8, v46;
	v1 =	vor.u32 v47, v1  }
0x594: {  	v1 =	vadd.s32 v48, v1;
	v0 =	vld.idx.msk [tilespmem:v0+s15+$0x0], $0xffff;
	_ =	sdelay $0x4  }
0x595: {  	[tilespmem:v1+s13+$0x0] =	vst.idx.msk $0xffff, v0  }
0x596: {  	v0 =	vld [tilespmem:$0x3DE0]  }
0x597: {  	v1 =	vld [tilespmem:$0x4230];
	_ =	sdelay $0x2  }
0x598: {  	v49 =	vld [tilespmem:$0x4680]  }
0x599: {  	v50 =	vld [tilespmem:$0x4AD0]  }
0x59a: {  	v52 =	vld [tilespmem:$0x4F20];
	v51 =	vand.u32 $0xFFFFFFF8, v1;
	v0 =	vshll.u32 v0, $0x4  }
0x59b: {  	v1 =	vand.u32 $0x7, v1;
	v0 =	vadd.s32 v0, v51  }
0x59c: {  	v0 =	vor.u32 v1, v0  }
0x59d: {  	v53 =	vmul.u32 $0x1700, v49  }
0x59e: {  	v54 =	vshll.u32 v50, $0x7  }
0x59f: {  	v55 =	vadd.s32 s24, v52;
	v56 =	vand.u32 $0x7, v52;
	v1 =	vadd.s32 v53, v54  }
0x5a0: {  	v57 =	vand.u32 $0xFFFFFFF8, v55;
	v1 =	vor.u32 v56, v1  }
0x5a1: {  	v1 =	vadd.s32 v57, v1;
	v0 =	vld.idx.msk [tilespmem:v0+s15+$0x0], $0xffff;
	_ =	sdelay $0x4  }
0x5a2: {  	[tilespmem:v1+s13+$0x0] =	vst.idx.msk $0xffff, v0  }
0x5a3: {  	v0 =	vld [tilespmem:$0x3DF0]  }
0x5a4: {  	v1 =	vld [tilespmem:$0x4240];
	_ =	sdelay $0x2  }
0x5a5: {  	v58 =	vld [tilespmem:$0x4690]  }
0x5a6: {  	v59 =	vld [tilespmem:$0x4AE0]  }
0x5a7: {  	v61 =	vld [tilespmem:$0x4F30];
	v60 =	vand.u32 $0xFFFFFFF8, v1;
	v0 =	vshll.u32 v0, $0x4  }
0x5a8: {  	v1 =	vand.u32 $0x7, v1;
	v0 =	vadd.s32 v0, v60  }
0x5a9: {  	v0 =	vor.u32 v1, v0  }
0x5aa: {  	v62 =	vmul.u32 $0x1700, v58  }
0x5ab: {  	v63 =	vshll.u32 v59, $0x7  }
0x5ac: {  	v8 =	vadd.s32 s24, v61;
	v9 =	vand.u32 $0x7, v61;
	v1 =	vadd.s32 v62, v63  }
0x5ad: {  	v10 =	vand.u32 $0xFFFFFFF8, v8;
	v1 =	vor.u32 v9, v1  }
0x5ae: {  	v1 =	vadd.s32 v10, v1;
	v0 =	vld.idx.msk [tilespmem:v0+s15+$0x0], $0xffff;
	_ =	sdelay $0x4  }
0x5af: {  	[tilespmem:v1+s13+$0x0] =	vst.idx.msk $0xffff, v0  }
0x5b0: {  	v0 =	vld [tilespmem:$0x3E00]  }
0x5b1: {  	v1 =	vld [tilespmem:$0x4250];
	_ =	sdelay $0x2  }
0x5b2: {  	v11 =	vld [tilespmem:$0x46A0]  }
0x5b3: {  	v12 =	vld [tilespmem:$0x4AF0]  }
0x5b4: {  	v14 =	vld [tilespmem:$0x4F40];
	v13 =	vand.u32 $0xFFFFFFF8, v1;
	v0 =	vshll.u32 v0, $0x4  }
0x5b5: {  	v1 =	vand.u32 $0x7, v1;
	v0 =	vadd.s32 v0, v13  }
0x5b6: {  	v0 =	vor.u32 v1, v0  }
0x5b7: {  	v15 =	vmul.u32 $0x1700, v11  }
0x5b8: {  	v16 =	vshll.u32 v12, $0x7  }
0x5b9: {  	v17 =	vadd.s32 s24, v14;
	v18 =	vand.u32 $0x7, v14;
	v1 =	vadd.s32 v15, v16  }
0x5ba: {  	v19 =	vand.u32 $0xFFFFFFF8, v17;
	v1 =	vor.u32 v18, v1  }
0x5bb: {  	v1 =	vadd.s32 v19, v1;
	v0 =	vld.idx.msk [tilespmem:v0+s15+$0x0], $0xffff;
	_ =	sdelay $0x4  }
0x5bc: {  	[tilespmem:v1+s13+$0x0] =	vst.idx.msk $0xffff, v0  }
0x5bd: {  	v0 =	vld [tilespmem:$0x3E10]  }
0x5be: {  	v1 =	vld [tilespmem:$0x4260];
	_ =	sdelay $0x2  }
0x5bf: {  	v20 =	vld [tilespmem:$0x46B0]  }
0x5c0: {  	v21 =	vld [tilespmem:$0x4B00]  }
0x5c1: {  	v23 =	vld [tilespmem:$0x4F50];
	v22 =	vand.u32 $0xFFFFFFF8, v1;
	v0 =	vshll.u32 v0, $0x4  }
0x5c2: {  	v1 =	vand.u32 $0x7, v1;
	v0 =	vadd.s32 v0, v22  }
0x5c3: {  	v0 =	vor.u32 v1, v0  }
0x5c4: {  	v24 =	vmul.u32 $0x1700, v20  }
0x5c5: {  	v25 =	vshll.u32 v21, $0x7  }
0x5c6: {  	v26 =	vadd.s32 s24, v23;
	v27 =	vand.u32 $0x7, v23;
	v1 =	vadd.s32 v24, v25  }
0x5c7: {  	v28 =	vand.u32 $0xFFFFFFF8, v26;
	v1 =	vor.u32 v27, v1  }
0x5c8: {  	v1 =	vadd.s32 v28, v1;
	v0 =	vld.idx.msk [tilespmem:v0+s15+$0x0], $0xffff;
	_ =	sdelay $0x4  }
0x5c9: {  	[tilespmem:v1+s13+$0x0] =	vst.idx.msk $0xffff, v0  }
0x5ca: {  	v0 =	vld [tilespmem:$0x3E20]  }
0x5cb: {  	v1 =	vld [tilespmem:$0x4270];
	_ =	sdelay $0x2  }
0x5cc: {  	v29 =	vld [tilespmem:$0x46C0]  }
0x5cd: {  	v30 =	vld [tilespmem:$0x4B10]  }
0x5ce: {  	v32 =	vld [tilespmem:$0x4F60];
	v31 =	vand.u32 $0xFFFFFFF8, v1;
	v0 =	vshll.u32 v0, $0x4  }
0x5cf: {  	v1 =	vand.u32 $0x7, v1;
	v0 =	vadd.s32 v0, v31  }
0x5d0: {  	v0 =	vor.u32 v1, v0  }
0x5d1: {  	v33 =	vmul.u32 $0x1700, v29  }
0x5d2: {  	v34 =	vshll.u32 v30, $0x7  }
0x5d3: {  	v35 =	vadd.s32 s24, v32;
	v36 =	vand.u32 $0x7, v32;
	v1 =	vadd.s32 v33, v34  }
0x5d4: {  	v37 =	vand.u32 $0xFFFFFFF8, v35;
	v1 =	vor.u32 v36, v1  }
0x5d5: {  	v1 =	vadd.s32 v37, v1;
	v0 =	vld.idx.msk [tilespmem:v0+s15+$0x0], $0xffff;
	_ =	sdelay $0x4  }
0x5d6: {  	[tilespmem:v1+s13+$0x0] =	vst.idx.msk $0xffff, v0  }
0x5d7: {  	v0 =	vld [tilespmem:$0x3E30]  }
0x5d8: {  	v1 =	vld [tilespmem:$0x4280];
	_ =	sdelay $0x2  }
0x5d9: {  	v38 =	vld [tilespmem:$0x46D0]  }
0x5da: {  	v39 =	vld [tilespmem:$0x4B20]  }
0x5db: {  	v41 =	vld [tilespmem:$0x4F70];
	v40 =	vand.u32 $0xFFFFFFF8, v1;
	v0 =	vshll.u32 v0, $0x4  }
0x5dc: {  	v1 =	vand.u32 $0x7, v1;
	v0 =	vadd.s32 v0, v40  }
0x5dd: {  	v0 =	vor.u32 v1, v0  }
0x5de: {  	v42 =	vmul.u32 $0x1700, v38  }
0x5df: {  	v43 =	vshll.u32 v39, $0x7  }
0x5e0: {  	v44 =	vadd.s32 s24, v41;
	v45 =	vand.u32 $0x7, v41;
	v1 =	vadd.s32 v42, v43  }
0x5e1: {  	v46 =	vand.u32 $0xFFFFFFF8, v44;
	v1 =	vor.u32 v45, v1  }
0x5e2: {  	v1 =	vadd.s32 v46, v1;
	v0 =	vld.idx.msk [tilespmem:v0+s15+$0x0], $0xffff;
	_ =	sdelay $0x4  }
0x5e3: {  	[tilespmem:v1+s13+$0x0] =	vst.idx.msk $0xffff, v0  }
0x5e4: {  	v0 =	vld [tilespmem:$0x3E40]  }
0x5e5: {  	v1 =	vld [tilespmem:$0x4290];
	_ =	sdelay $0x2  }
0x5e6: {  	v47 =	vld [tilespmem:$0x46E0]  }
0x5e7: {  	v48 =	vld [tilespmem:$0x4B30]  }
0x5e8: {  	v50 =	vld [tilespmem:$0x4F80];
	v49 =	vand.u32 $0xFFFFFFF8, v1;
	v0 =	vshll.u32 v0, $0x4  }
0x5e9: {  	v1 =	vand.u32 $0x7, v1;
	v0 =	vadd.s32 v0, v49  }
0x5ea: {  	v0 =	vor.u32 v1, v0  }
0x5eb: {  	v51 =	vmul.u32 $0x1700, v47  }
0x5ec: {  	v52 =	vshll.u32 v48, $0x7  }
0x5ed: {  	v53 =	vadd.s32 s24, v50;
	v54 =	vand.u32 $0x7, v50;
	v1 =	vadd.s32 v51, v52  }
0x5ee: {  	v55 =	vand.u32 $0xFFFFFFF8, v53;
	v1 =	vor.u32 v54, v1  }
0x5ef: {  	v1 =	vadd.s32 v55, v1;
	v0 =	vld.idx.msk [tilespmem:v0+s15+$0x0], $0xffff;
	_ =	sdelay $0x4  }
0x5f0: {  	[tilespmem:v1+s13+$0x0] =	vst.idx.msk $0xffff, v0  }
0x5f1: {  	v0 =	vld [tilespmem:$0x3E50]  }
0x5f2: {  	v1 =	vld [tilespmem:$0x42A0];
	_ =	sdelay $0x2  }
0x5f3: {  	v56 =	vld [tilespmem:$0x46F0]  }
0x5f4: {  	v57 =	vld [tilespmem:$0x4B40]  }
0x5f5: {  	v59 =	vld [tilespmem:$0x4F90];
	v58 =	vand.u32 $0xFFFFFFF8, v1;
	v0 =	vshll.u32 v0, $0x4  }
0x5f6: {  	v1 =	vand.u32 $0x7, v1;
	v0 =	vadd.s32 v0, v58  }
0x5f7: {  	v0 =	vor.u32 v1, v0  }
0x5f8: {  	v60 =	vmul.u32 $0x1700, v56  }
0x5f9: {  	v61 =	vshll.u32 v57, $0x7  }
0x5fa: {  	v62 =	vadd.s32 s24, v59;
	v63 =	vand.u32 $0x7, v59;
	v1 =	vadd.s32 v60, v61  }
0x5fb: {  	v8 =	vand.u32 $0xFFFFFFF8, v62;
	v1 =	vor.u32 v63, v1  }
0x5fc: {  	v1 =	vadd.s32 v8, v1;
	v0 =	vld.idx.msk [tilespmem:v0+s15+$0x0], $0xffff;
	_ =	sdelay $0x4  }
0x5fd: {  	[tilespmem:v1+s13+$0x0] =	vst.idx.msk $0xffff, v0  }
0x5fe: {  	v0 =	vld [tilespmem:$0x3E60]  }
0x5ff: {  	v1 =	vld [tilespmem:$0x42B0];
	_ =	sdelay $0x2  }
0x600: {  	v9 =	vld [tilespmem:$0x4700]  }
0x601: {  	v10 =	vld [tilespmem:$0x4B50]  }
0x602: {  	v12 =	vld [tilespmem:$0x4FA0];
	v11 =	vand.u32 $0xFFFFFFF8, v1;
	v0 =	vshll.u32 v0, $0x4  }
0x603: {  	v1 =	vand.u32 $0x7, v1;
	v0 =	vadd.s32 v0, v11  }
0x604: {  	v0 =	vor.u32 v1, v0  }
0x605: {  	v13 =	vmul.u32 $0x1700, v9  }
0x606: {  	v14 =	vshll.u32 v10, $0x7  }
0x607: {  	v15 =	vadd.s32 s24, v12;
	v16 =	vand.u32 $0x7, v12;
	v1 =	vadd.s32 v13, v14  }
0x608: {  	v17 =	vand.u32 $0xFFFFFFF8, v15;
	v1 =	vor.u32 v16, v1  }
0x609: {  	v1 =	vadd.s32 v17, v1;
	v0 =	vld.idx.msk [tilespmem:v0+s15+$0x0], $0xffff;
	_ =	sdelay $0x4  }
0x60a: {  	[tilespmem:v1+s13+$0x0] =	vst.idx.msk $0xffff, v0  }
0x60b: {  	v0 =	vld [tilespmem:$0x3E70]  }
0x60c: {  	v1 =	vld [tilespmem:$0x42C0];
	_ =	sdelay $0x2  }
0x60d: {  	v18 =	vld [tilespmem:$0x4710]  }
0x60e: {  	v19 =	vld [tilespmem:$0x4B60]  }
0x60f: {  	v21 =	vld [tilespmem:$0x4FB0];
	v20 =	vand.u32 $0xFFFFFFF8, v1;
	v0 =	vshll.u32 v0, $0x4  }
0x610: {  	v1 =	vand.u32 $0x7, v1;
	v0 =	vadd.s32 v0, v20  }
0x611: {  	v0 =	vor.u32 v1, v0  }
0x612: {  	v22 =	vmul.u32 $0x1700, v18  }
0x613: {  	v23 =	vshll.u32 v19, $0x7  }
0x614: {  	v24 =	vadd.s32 s24, v21;
	v25 =	vand.u32 $0x7, v21;
	v1 =	vadd.s32 v22, v23  }
0x615: {  	v26 =	vand.u32 $0xFFFFFFF8, v24;
	v1 =	vor.u32 v25, v1  }
0x616: {  	v1 =	vadd.s32 v26, v1;
	v0 =	vld.idx.msk [tilespmem:v0+s15+$0x0], $0xffff;
	_ =	sdelay $0x4  }
0x617: {  	[tilespmem:v1+s13+$0x0] =	vst.idx.msk $0xffff, v0  }
0x618: {  	v0 =	vld [tilespmem:$0x3E80]  }
0x619: {  	v1 =	vld [tilespmem:$0x42D0];
	_ =	sdelay $0x2  }
0x61a: {  	v27 =	vld [tilespmem:$0x4720]  }
0x61b: {  	v28 =	vld [tilespmem:$0x4B70]  }
0x61c: {  	v30 =	vld [tilespmem:$0x4FC0];
	v29 =	vand.u32 $0xFFFFFFF8, v1;
	v0 =	vshll.u32 v0, $0x4  }
0x61d: {  	v1 =	vand.u32 $0x7, v1;
	v0 =	vadd.s32 v0, v29  }
0x61e: {  	v0 =	vor.u32 v1, v0  }
0x61f: {  	v31 =	vmul.u32 $0x1700, v27  }
0x620: {  	v32 =	vshll.u32 v28, $0x7  }
0x621: {  	v33 =	vadd.s32 s24, v30;
	v34 =	vand.u32 $0x7, v30;
	v1 =	vadd.s32 v31, v32  }
0x622: {  	v35 =	vand.u32 $0xFFFFFFF8, v33;
	v1 =	vor.u32 v34, v1  }
0x623: {  	v1 =	vadd.s32 v35, v1;
	v0 =	vld.idx.msk [tilespmem:v0+s15+$0x0], $0xffff;
	_ =	sdelay $0x4  }
0x624: {  	[tilespmem:v1+s13+$0x0] =	vst.idx.msk $0xffff, v0  }
0x625: {  	v0 =	vld [tilespmem:$0x3E90]  }
0x626: {  	v1 =	vld [tilespmem:$0x42E0];
	_ =	sdelay $0x2  }
0x627: {  	v36 =	vld [tilespmem:$0x4730]  }
0x628: {  	v37 =	vld [tilespmem:$0x4B80]  }
0x629: {  	v39 =	vld [tilespmem:$0x4FD0];
	v38 =	vand.u32 $0xFFFFFFF8, v1;
	v0 =	vshll.u32 v0, $0x4  }
0x62a: {  	v1 =	vand.u32 $0x7, v1;
	v0 =	vadd.s32 v0, v38  }
0x62b: {  	v0 =	vor.u32 v1, v0  }
0x62c: {  	v40 =	vmul.u32 $0x1700, v36  }
0x62d: {  	v41 =	vshll.u32 v37, $0x7  }
0x62e: {  	v42 =	vadd.s32 s24, v39;
	v43 =	vand.u32 $0x7, v39;
	v1 =	vadd.s32 v40, v41  }
0x62f: {  	v44 =	vand.u32 $0xFFFFFFF8, v42;
	v1 =	vor.u32 v43, v1  }
0x630: {  	v1 =	vadd.s32 v44, v1;
	v0 =	vld.idx.msk [tilespmem:v0+s15+$0x0], $0xffff;
	_ =	sdelay $0x4  }
0x631: {  	[tilespmem:v1+s13+$0x0] =	vst.idx.msk $0xffff, v0  }
0x632: {  	v0 =	vld [tilespmem:$0x3EA0]  }
0x633: {  	v1 =	vld [tilespmem:$0x42F0];
	_ =	sdelay $0x2  }
0x634: {  	v45 =	vld [tilespmem:$0x4740]  }
0x635: {  	v46 =	vld [tilespmem:$0x4B90]  }
0x636: {  	v48 =	vld [tilespmem:$0x4FE0];
	v47 =	vand.u32 $0xFFFFFFF8, v1;
	v0 =	vshll.u32 v0, $0x4  }
0x637: {  	v1 =	vand.u32 $0x7, v1;
	v0 =	vadd.s32 v0, v47  }
0x638: {  	v0 =	vor.u32 v1, v0  }
0x639: {  	v49 =	vmul.u32 $0x1700, v45  }
0x63a: {  	v50 =	vshll.u32 v46, $0x7  }
0x63b: {  	v51 =	vadd.s32 s24, v48;
	v52 =	vand.u32 $0x7, v48;
	v1 =	vadd.s32 v49, v50  }
0x63c: {  	v53 =	vand.u32 $0xFFFFFFF8, v51;
	v1 =	vor.u32 v52, v1  }
0x63d: {  	v1 =	vadd.s32 v53, v1;
	v0 =	vld.idx.msk [tilespmem:v0+s15+$0x0], $0xffff;
	_ =	sdelay $0x4  }
0x63e: {  	[tilespmem:v1+s13+$0x0] =	vst.idx.msk $0xffff, v0  }
0x63f: {  	v0 =	vld [tilespmem:$0x3EB0]  }
0x640: {  	v1 =	vld [tilespmem:$0x4300];
	_ =	sdelay $0x2  }
0x641: {  	v54 =	vld [tilespmem:$0x4750]  }
0x642: {  	v55 =	vld [tilespmem:$0x4BA0]  }
0x643: {  	v57 =	vld [tilespmem:$0x4FF0];
	v56 =	vand.u32 $0xFFFFFFF8, v1;
	v0 =	vshll.u32 v0, $0x4  }
0x644: {  	v1 =	vand.u32 $0x7, v1;
	v0 =	vadd.s32 v0, v56  }
0x645: {  	v0 =	vor.u32 v1, v0  }
0x646: {  	v58 =	vmul.u32 $0x1700, v54  }
0x647: {  	v59 =	vshll.u32 v55, $0x7  }
0x648: {  	v60 =	vadd.s32 s24, v57;
	v61 =	vand.u32 $0x7, v57;
	v1 =	vadd.s32 v58, v59  }
0x649: {  	v62 =	vand.u32 $0xFFFFFFF8, v60;
	v1 =	vor.u32 v61, v1  }
0x64a: {  	v1 =	vadd.s32 v62, v1;
	v0 =	vld.idx.msk [tilespmem:v0+s15+$0x0], $0xffff;
	_ =	sdelay $0x4  }
0x64b: {  	[tilespmem:v1+s13+$0x0] =	vst.idx.msk $0xffff, v0  }
0x64c: {  	v0 =	vld [tilespmem:$0x3EC0]  }
0x64d: {  	v1 =	vld [tilespmem:$0x4310];
	_ =	sdelay $0x2  }
0x64e: {  	v63 =	vld [tilespmem:$0x4760]  }
0x64f: {  	v8 =	vld [tilespmem:$0x4BB0]  }
0x650: {  	v10 =	vld [tilespmem:$0x5000];
	v9 =	vand.u32 $0xFFFFFFF8, v1;
	v0 =	vshll.u32 v0, $0x4  }
0x651: {  	v1 =	vand.u32 $0x7, v1;
	v0 =	vadd.s32 v0, v9  }
0x652: {  	v0 =	vor.u32 v1, v0  }
0x653: {  	v11 =	vmul.u32 $0x1700, v63  }
0x654: {  	v12 =	vshll.u32 v8, $0x7  }
0x655: {  	v13 =	vadd.s32 s24, v10;
	v14 =	vand.u32 $0x7, v10;
	v1 =	vadd.s32 v11, v12  }
0x656: {  	v15 =	vand.u32 $0xFFFFFFF8, v13;
	v1 =	vor.u32 v14, v1  }
0x657: {  	v1 =	vadd.s32 v15, v1;
	v0 =	vld.idx.msk [tilespmem:v0+s15+$0x0], $0xffff;
	_ =	sdelay $0x4  }
0x658: {  	[tilespmem:v1+s13+$0x0] =	vst.idx.msk $0xffff, v0  }
0x659: {  	v0 =	vld [tilespmem:$0x3ED0]  }
0x65a: {  	v1 =	vld [tilespmem:$0x4320];
	_ =	sdelay $0x2  }
0x65b: {  	v16 =	vld [tilespmem:$0x4770]  }
0x65c: {  	v17 =	vld [tilespmem:$0x4BC0]  }
0x65d: {  	v19 =	vld [tilespmem:$0x5010];
	v18 =	vand.u32 $0xFFFFFFF8, v1;
	v0 =	vshll.u32 v0, $0x4  }
0x65e: {  	v1 =	vand.u32 $0x7, v1;
	v0 =	vadd.s32 v0, v18  }
0x65f: {  	v0 =	vor.u32 v1, v0  }
0x660: {  	v20 =	vmul.u32 $0x1700, v16  }
0x661: {  	v21 =	vshll.u32 v17, $0x7  }
0x662: {  	v22 =	vadd.s32 s24, v19;
	v23 =	vand.u32 $0x7, v19;
	v1 =	vadd.s32 v20, v21  }
0x663: {  	v24 =	vand.u32 $0xFFFFFFF8, v22;
	v1 =	vor.u32 v23, v1  }
0x664: {  	v1 =	vadd.s32 v24, v1;
	v0 =	vld.idx.msk [tilespmem:v0+s15+$0x0], $0xffff;
	_ =	sdelay $0x4  }
0x665: {  	[tilespmem:v1+s13+$0x0] =	vst.idx.msk $0xffff, v0  }
0x666: {  	v0 =	vld [tilespmem:$0x3EE0]  }
0x667: {  	v1 =	vld [tilespmem:$0x4330];
	_ =	sdelay $0x2  }
0x668: {  	v25 =	vld [tilespmem:$0x4780]  }
0x669: {  	v26 =	vld [tilespmem:$0x4BD0]  }
0x66a: {  	v28 =	vld [tilespmem:$0x5020];
	v27 =	vand.u32 $0xFFFFFFF8, v1;
	v0 =	vshll.u32 v0, $0x4  }
0x66b: {  	v1 =	vand.u32 $0x7, v1;
	v0 =	vadd.s32 v0, v27  }
0x66c: {  	v0 =	vor.u32 v1, v0  }
0x66d: {  	v29 =	vmul.u32 $0x1700, v25  }
0x66e: {  	v30 =	vshll.u32 v26, $0x7  }
0x66f: {  	v31 =	vadd.s32 s24, v28;
	v32 =	vand.u32 $0x7, v28;
	v1 =	vadd.s32 v29, v30  }
0x670: {  	v33 =	vand.u32 $0xFFFFFFF8, v31;
	v1 =	vor.u32 v32, v1  }
0x671: {  	v1 =	vadd.s32 v33, v1;
	v0 =	vld.idx.msk [tilespmem:v0+s15+$0x0], $0xffff;
	_ =	sdelay $0x4  }
0x672: {  	[tilespmem:v1+s13+$0x0] =	vst.idx.msk $0xffff, v0  }
0x673: {  	v0 =	vld [tilespmem:$0x3EF0]  }
0x674: {  	v1 =	vld [tilespmem:$0x4340];
	_ =	sdelay $0x2  }
0x675: {  	v34 =	vld [tilespmem:$0x4790]  }
0x676: {  	v35 =	vld [tilespmem:$0x4BE0]  }
0x677: {  	v37 =	vld [tilespmem:$0x5030];
	v36 =	vand.u32 $0xFFFFFFF8, v1;
	v0 =	vshll.u32 v0, $0x4  }
0x678: {  	v1 =	vand.u32 $0x7, v1;
	v0 =	vadd.s32 v0, v36  }
0x679: {  	v0 =	vor.u32 v1, v0  }
0x67a: {  	v38 =	vmul.u32 $0x1700, v34  }
0x67b: {  	v39 =	vshll.u32 v35, $0x7  }
0x67c: {  	v40 =	vadd.s32 s24, v37;
	v41 =	vand.u32 $0x7, v37;
	v1 =	vadd.s32 v38, v39  }
0x67d: {  	v42 =	vand.u32 $0xFFFFFFF8, v40;
	v1 =	vor.u32 v41, v1  }
0x67e: {  	v1 =	vadd.s32 v42, v1;
	v0 =	vld.idx.msk [tilespmem:v0+s15+$0x0], $0xffff;
	_ =	sdelay $0x4  }
0x67f: {  	[tilespmem:v1+s13+$0x0] =	vst.idx.msk $0xffff, v0  }
0x680: {  	v0 =	vld [tilespmem:$0x3F00]  }
0x681: {  	v1 =	vld [tilespmem:$0x4350];
	_ =	sdelay $0x2  }
0x682: {  	v43 =	vld [tilespmem:$0x47A0]  }
0x683: {  	v44 =	vld [tilespmem:$0x4BF0]  }
0x684: {  	v46 =	vld [tilespmem:$0x5040];
	v45 =	vand.u32 $0xFFFFFFF8, v1;
	v0 =	vshll.u32 v0, $0x4  }
0x685: {  	v1 =	vand.u32 $0x7, v1;
	v0 =	vadd.s32 v0, v45  }
0x686: {  	v0 =	vor.u32 v1, v0  }
0x687: {  	v47 =	vmul.u32 $0x1700, v43  }
0x688: {  	v48 =	vshll.u32 v44, $0x7  }
0x689: {  	v49 =	vadd.s32 s24, v46;
	v50 =	vand.u32 $0x7, v46;
	v1 =	vadd.s32 v47, v48  }
0x68a: {  	v51 =	vand.u32 $0xFFFFFFF8, v49;
	v1 =	vor.u32 v50, v1  }
0x68b: {  	v1 =	vadd.s32 v51, v1;
	v0 =	vld.idx.msk [tilespmem:v0+s15+$0x0], $0xffff;
	_ =	sdelay $0x4  }
0x68c: {  	[tilespmem:v1+s13+$0x0] =	vst.idx.msk $0xffff, v0  }
0x68d: {  	v0 =	vld [tilespmem:$0x3F10]  }
0x68e: {  	v1 =	vld [tilespmem:$0x4360];
	_ =	sdelay $0x2  }
0x68f: {  	v52 =	vld [tilespmem:$0x47B0]  }
0x690: {  	v53 =	vld [tilespmem:$0x4C00]  }
0x691: {  	v55 =	vld [tilespmem:$0x5050];
	v54 =	vand.u32 $0xFFFFFFF8, v1;
	v0 =	vshll.u32 v0, $0x4  }
0x692: {  	v1 =	vand.u32 $0x7, v1;
	v0 =	vadd.s32 v0, v54  }
0x693: {  	v0 =	vor.u32 v1, v0  }
0x694: {  	v56 =	vmul.u32 $0x1700, v52  }
0x695: {  	v57 =	vshll.u32 v53, $0x7  }
0x696: {  	v58 =	vadd.s32 s24, v55;
	v59 =	vand.u32 $0x7, v55;
	v1 =	vadd.s32 v56, v57  }
0x697: {  	v60 =	vand.u32 $0xFFFFFFF8, v58;
	v1 =	vor.u32 v59, v1  }
0x698: {  	v1 =	vadd.s32 v60, v1;
	v0 =	vld.idx.msk [tilespmem:v0+s15+$0x0], $0xffff;
	_ =	sdelay $0x4  }
0x699: {  	[tilespmem:v1+s13+$0x0] =	vst.idx.msk $0xffff, v0  }
0x69a: {  	v0 =	vld [tilespmem:$0x3F20]  }
0x69b: {  	v1 =	vld [tilespmem:$0x4370];
	_ =	sdelay $0x2  }
0x69c: {  	v61 =	vld [tilespmem:$0x47C0]  }
0x69d: {  	v62 =	vld [tilespmem:$0x4C10]  }
0x69e: {  	v8 =	vld [tilespmem:$0x5060];
	v63 =	vand.u32 $0xFFFFFFF8, v1;
	v0 =	vshll.u32 v0, $0x4  }
0x69f: {  	v1 =	vand.u32 $0x7, v1;
	v0 =	vadd.s32 v0, v63  }
0x6a0: {  	v0 =	vor.u32 v1, v0  }
0x6a1: {  	v9 =	vmul.u32 $0x1700, v61  }
0x6a2: {  	v10 =	vshll.u32 v62, $0x7  }
0x6a3: {  	v11 =	vadd.s32 s24, v8;
	v12 =	vand.u32 $0x7, v8;
	v1 =	vadd.s32 v9, v10  }
0x6a4: {  	v13 =	vand.u32 $0xFFFFFFF8, v11;
	v1 =	vor.u32 v12, v1  }
0x6a5: {  	v1 =	vadd.s32 v13, v1;
	v0 =	vld.idx.msk [tilespmem:v0+s15+$0x0], $0xffff;
	_ =	sdelay $0x4  }
0x6a6: {  	[tilespmem:v1+s13+$0x0] =	vst.idx.msk $0xffff, v0  }
0x6a7: {  	v0 =	vld [tilespmem:$0x3F30]  }
0x6a8: {  	v1 =	vld [tilespmem:$0x4380];
	_ =	sdelay $0x2  }
0x6a9: {  	v14 =	vld [tilespmem:$0x47D0]  }
0x6aa: {  	v15 =	vld [tilespmem:$0x4C20]  }
0x6ab: {  	v17 =	vld [tilespmem:$0x5070];
	v16 =	vand.u32 $0xFFFFFFF8, v1;
	v0 =	vshll.u32 v0, $0x4  }
0x6ac: {  	v1 =	vand.u32 $0x7, v1;
	v0 =	vadd.s32 v0, v16  }
0x6ad: {  	v0 =	vor.u32 v1, v0  }
0x6ae: {  	v18 =	vmul.u32 $0x1700, v14  }
0x6af: {  	v19 =	vshll.u32 v15, $0x7  }
0x6b0: {  	v20 =	vadd.s32 s24, v17;
	v21 =	vand.u32 $0x7, v17;
	v1 =	vadd.s32 v18, v19  }
0x6b1: {  	v22 =	vand.u32 $0xFFFFFFF8, v20;
	v1 =	vor.u32 v21, v1  }
0x6b2: {  	v1 =	vadd.s32 v22, v1;
	v0 =	vld.idx.msk [tilespmem:v0+s15+$0x0], $0xffff;
	_ =	sdelay $0x4  }
0x6b3: {  	[tilespmem:v1+s13+$0x0] =	vst.idx.msk $0xffff, v0  }
0x6b4: {  	v0 =	vld [tilespmem:$0x3F40]  }
0x6b5: {  	v1 =	vld [tilespmem:$0x4390];
	_ =	sdelay $0x2  }
0x6b6: {  	v23 =	vld [tilespmem:$0x47E0]  }
0x6b7: {  	v24 =	vld [tilespmem:$0x4C30]  }
0x6b8: {  	v26 =	vld [tilespmem:$0x5080];
	v25 =	vand.u32 $0xFFFFFFF8, v1;
	v0 =	vshll.u32 v0, $0x4  }
0x6b9: {  	v1 =	vand.u32 $0x7, v1;
	v0 =	vadd.s32 v0, v25  }
0x6ba: {  	v0 =	vor.u32 v1, v0  }
0x6bb: {  	v27 =	vmul.u32 $0x1700, v23  }
0x6bc: {  	v28 =	vshll.u32 v24, $0x7  }
0x6bd: {  	v29 =	vadd.s32 s24, v26;
	v30 =	vand.u32 $0x7, v26;
	v1 =	vadd.s32 v27, v28  }
0x6be: {  	v31 =	vand.u32 $0xFFFFFFF8, v29;
	v1 =	vor.u32 v30, v1  }
0x6bf: {  	v1 =	vadd.s32 v31, v1;
	v0 =	vld.idx.msk [tilespmem:v0+s15+$0x0], $0xffff;
	_ =	sdelay $0x4  }
0x6c0: {  	[tilespmem:v1+s13+$0x0] =	vst.idx.msk $0xffff, v0  }
0x6c1: {  	v0 =	vld [tilespmem:$0x3F50]  }
0x6c2: {  	v1 =	vld [tilespmem:$0x43A0];
	_ =	sdelay $0x2  }
0x6c3: {  	v32 =	vld [tilespmem:$0x47F0]  }
0x6c4: {  	v33 =	vld [tilespmem:$0x4C40]  }
0x6c5: {  	v35 =	vld [tilespmem:$0x5090];
	v34 =	vand.u32 $0xFFFFFFF8, v1;
	v0 =	vshll.u32 v0, $0x4  }
0x6c6: {  	v1 =	vand.u32 $0x7, v1;
	v0 =	vadd.s32 v0, v34  }
0x6c7: {  	v0 =	vor.u32 v1, v0  }
0x6c8: {  	v36 =	vmul.u32 $0x1700, v32  }
0x6c9: {  	v37 =	vshll.u32 v33, $0x7  }
0x6ca: {  	v38 =	vadd.s32 s24, v35;
	v39 =	vand.u32 $0x7, v35;
	v1 =	vadd.s32 v36, v37  }
0x6cb: {  	v40 =	vand.u32 $0xFFFFFFF8, v38;
	v1 =	vor.u32 v39, v1  }
0x6cc: {  	v1 =	vadd.s32 v40, v1;
	v0 =	vld.idx.msk [tilespmem:v0+s15+$0x0], $0xffff;
	_ =	sdelay $0x4  }
0x6cd: {  	[tilespmem:v1+s13+$0x0] =	vst.idx.msk $0xffff, v0  }
0x6ce: {  	v0 =	vld [tilespmem:$0x3F60]  }
0x6cf: {  	v1 =	vld [tilespmem:$0x43B0];
	_ =	sdelay $0x2  }
0x6d0: {  	v41 =	vld [tilespmem:$0x4800]  }
0x6d1: {  	v42 =	vld [tilespmem:$0x4C50]  }
0x6d2: {  	v44 =	vld [tilespmem:$0x50A0];
	v43 =	vand.u32 $0xFFFFFFF8, v1;
	v0 =	vshll.u32 v0, $0x4  }
0x6d3: {  	v1 =	vand.u32 $0x7, v1;
	v0 =	vadd.s32 v0, v43  }
0x6d4: {  	v0 =	vor.u32 v1, v0  }
0x6d5: {  	v45 =	vmul.u32 $0x1700, v41  }
0x6d6: {  	v46 =	vshll.u32 v42, $0x7  }
0x6d7: {  	v47 =	vadd.s32 s24, v44;
	v48 =	vand.u32 $0x7, v44;
	v1 =	vadd.s32 v45, v46  }
0x6d8: {  	v49 =	vand.u32 $0xFFFFFFF8, v47;
	v1 =	vor.u32 v48, v1  }
0x6d9: {  	v1 =	vadd.s32 v49, v1;
	v0 =	vld.idx.msk [tilespmem:v0+s15+$0x0], $0xffff;
	_ =	sdelay $0x4  }
0x6da: {  	[tilespmem:v1+s13+$0x0] =	vst.idx.msk $0xffff, v0  }
0x6db: {  	v0 =	vld [tilespmem:$0x3F70]  }
0x6dc: {  	v1 =	vld [tilespmem:$0x43C0];
	_ =	sdelay $0x2  }
0x6dd: {  	v50 =	vld [tilespmem:$0x4810]  }
0x6de: {  	v51 =	vld [tilespmem:$0x4C60]  }
0x6df: {  	v53 =	vld [tilespmem:$0x50B0];
	v52 =	vand.u32 $0xFFFFFFF8, v1;
	v0 =	vshll.u32 v0, $0x4  }
0x6e0: {  	v1 =	vand.u32 $0x7, v1;
	v0 =	vadd.s32 v0, v52  }
0x6e1: {  	v0 =	vor.u32 v1, v0  }
0x6e2: {  	v54 =	vmul.u32 $0x1700, v50  }
0x6e3: {  	v55 =	vshll.u32 v51, $0x7  }
0x6e4: {  	v56 =	vadd.s32 s24, v53;
	v57 =	vand.u32 $0x7, v53;
	v1 =	vadd.s32 v54, v55  }
0x6e5: {  	v58 =	vand.u32 $0xFFFFFFF8, v56;
	v1 =	vor.u32 v57, v1  }
0x6e6: {  	v1 =	vadd.s32 v58, v1;
	v0 =	vld.idx.msk [tilespmem:v0+s15+$0x0], $0xffff;
	_ =	sdelay $0x4  }
0x6e7: {  	[tilespmem:v1+s13+$0x0] =	vst.idx.msk $0xffff, v0  }
0x6e8: {  	v0 =	vld [tilespmem:$0x3F80]  }
0x6e9: {  	v1 =	vld [tilespmem:$0x43D0];
	_ =	sdelay $0x2  }
0x6ea: {  	v59 =	vld [tilespmem:$0x4820]  }
0x6eb: {  	v60 =	vld [tilespmem:$0x4C70]  }
0x6ec: {  	v62 =	vld [tilespmem:$0x50C0];
	v61 =	vand.u32 $0xFFFFFFF8, v1;
	v0 =	vshll.u32 v0, $0x4  }
0x6ed: {  	v1 =	vand.u32 $0x7, v1;
	v0 =	vadd.s32 v0, v61  }
0x6ee: {  	v0 =	vor.u32 v1, v0  }
0x6ef: {  	v63 =	vmul.u32 $0x1700, v59  }
0x6f0: {  	v8 =	vshll.u32 v60, $0x7  }
0x6f1: {  	v9 =	vadd.s32 s24, v62;
	v10 =	vand.u32 $0x7, v62;
	v1 =	vadd.s32 v63, v8  }
0x6f2: {  	v11 =	vand.u32 $0xFFFFFFF8, v9;
	v1 =	vor.u32 v10, v1  }
0x6f3: {  	v1 =	vadd.s32 v11, v1;
	v0 =	vld.idx.msk [tilespmem:v0+s15+$0x0], $0xffff;
	_ =	sdelay $0x4  }
0x6f4: {  	[tilespmem:v1+s13+$0x0] =	vst.idx.msk $0xffff, v0  }
0x6f5: {  	v0 =	vld [tilespmem:$0x3F90]  }
0x6f6: {  	v1 =	vld [tilespmem:$0x43E0];
	_ =	sdelay $0x2  }
0x6f7: {  	v12 =	vld [tilespmem:$0x4830]  }
0x6f8: {  	v13 =	vld [tilespmem:$0x4C80]  }
0x6f9: {  	v15 =	vld [tilespmem:$0x50D0];
	v14 =	vand.u32 $0xFFFFFFF8, v1;
	v0 =	vshll.u32 v0, $0x4  }
0x6fa: {  	v1 =	vand.u32 $0x7, v1;
	v0 =	vadd.s32 v0, v14  }
0x6fb: {  	v0 =	vor.u32 v1, v0  }
0x6fc: {  	v16 =	vmul.u32 $0x1700, v12  }
0x6fd: {  	v17 =	vshll.u32 v13, $0x7  }
0x6fe: {  	v18 =	vadd.s32 s24, v15;
	v19 =	vand.u32 $0x7, v15;
	v1 =	vadd.s32 v16, v17  }
0x6ff: {  	v20 =	vand.u32 $0xFFFFFFF8, v18;
	v1 =	vor.u32 v19, v1  }
0x700: {  	v1 =	vadd.s32 v20, v1;
	v0 =	vld.idx.msk [tilespmem:v0+s15+$0x0], $0xffff;
	_ =	sdelay $0x4  }
0x701: {  	[tilespmem:v1+s13+$0x0] =	vst.idx.msk $0xffff, v0  }
0x702: {  	v0 =	vld [tilespmem:$0x3FA0]  }
0x703: {  	v1 =	vld [tilespmem:$0x43F0];
	_ =	sdelay $0x2  }
0x704: {  	v21 =	vld [tilespmem:$0x4840]  }
0x705: {  	v22 =	vld [tilespmem:$0x4C90]  }
0x706: {  	v24 =	vld [tilespmem:$0x50E0];
	v23 =	vand.u32 $0xFFFFFFF8, v1;
	v0 =	vshll.u32 v0, $0x4  }
0x707: {  	v1 =	vand.u32 $0x7, v1;
	v0 =	vadd.s32 v0, v23  }
0x708: {  	v0 =	vor.u32 v1, v0  }
0x709: {  	v25 =	vmul.u32 $0x1700, v21  }
0x70a: {  	v26 =	vshll.u32 v22, $0x7  }
0x70b: {  	v27 =	vadd.s32 s24, v24;
	v28 =	vand.u32 $0x7, v24;
	v1 =	vadd.s32 v25, v26  }
0x70c: {  	v29 =	vand.u32 $0xFFFFFFF8, v27;
	v1 =	vor.u32 v28, v1  }
0x70d: {  	v1 =	vadd.s32 v29, v1;
	v0 =	vld.idx.msk [tilespmem:v0+s15+$0x0], $0xffff;
	_ =	sdelay $0x4  }
0x70e: {  	[tilespmem:v1+s13+$0x0] =	vst.idx.msk $0xffff, v0  }
0x70f: {  	v0 =	vld [tilespmem:$0x3FB0]  }
0x710: {  	v1 =	vld [tilespmem:$0x4400];
	_ =	sdelay $0x2  }
0x711: {  	v30 =	vld [tilespmem:$0x4850]  }
0x712: {  	v31 =	vld [tilespmem:$0x4CA0]  }
0x713: {  	v33 =	vld [tilespmem:$0x50F0];
	v32 =	vand.u32 $0xFFFFFFF8, v1;
	v0 =	vshll.u32 v0, $0x4  }
0x714: {  	v1 =	vand.u32 $0x7, v1;
	v0 =	vadd.s32 v0, v32  }
0x715: {  	v0 =	vor.u32 v1, v0  }
0x716: {  	v34 =	vmul.u32 $0x1700, v30  }
0x717: {  	v35 =	vshll.u32 v31, $0x7  }
0x718: {  	v36 =	vadd.s32 s24, v33;
	v37 =	vand.u32 $0x7, v33;
	v1 =	vadd.s32 v34, v35  }
0x719: {  	v38 =	vand.u32 $0xFFFFFFF8, v36;
	v1 =	vor.u32 v37, v1  }
0x71a: {  	v1 =	vadd.s32 v38, v1;
	v0 =	vld.idx.msk [tilespmem:v0+s15+$0x0], $0xffff;
	_ =	sdelay $0x4  }
0x71b: {  	[tilespmem:v1+s13+$0x0] =	vst.idx.msk $0xffff, v0  }
0x71c: {  	v0 =	vld [tilespmem:$0x3FC0]  }
0x71d: {  	v1 =	vld [tilespmem:$0x4410];
	_ =	sdelay $0x2  }
0x71e: {  	v39 =	vld [tilespmem:$0x4860]  }
0x71f: {  	v40 =	vld [tilespmem:$0x4CB0]  }
0x720: {  	v42 =	vld [tilespmem:$0x5100];
	v41 =	vand.u32 $0xFFFFFFF8, v1;
	v0 =	vshll.u32 v0, $0x4  }
0x721: {  	v1 =	vand.u32 $0x7, v1;
	v0 =	vadd.s32 v0, v41  }
0x722: {  	v0 =	vor.u32 v1, v0  }
0x723: {  	v43 =	vmul.u32 $0x1700, v39  }
0x724: {  	v44 =	vshll.u32 v40, $0x7  }
0x725: {  	v45 =	vadd.s32 s24, v42;
	v46 =	vand.u32 $0x7, v42;
	v1 =	vadd.s32 v43, v44  }
0x726: {  	v47 =	vand.u32 $0xFFFFFFF8, v45;
	v1 =	vor.u32 v46, v1  }
0x727: {  	v1 =	vadd.s32 v47, v1;
	v0 =	vld.idx.msk [tilespmem:v0+s15+$0x0], $0xffff;
	_ =	sdelay $0x4  }
0x728: {  	[tilespmem:v1+s13+$0x0] =	vst.idx.msk $0xffff, v0  }
0x729: {  	v0 =	vld [tilespmem:$0x3FD0]  }
0x72a: {  	v1 =	vld [tilespmem:$0x4420];
	_ =	sdelay $0x2  }
0x72b: {  	v48 =	vld [tilespmem:$0x4870]  }
0x72c: {  	v49 =	vld [tilespmem:$0x4CC0]  }
0x72d: {  	v51 =	vld [tilespmem:$0x5110];
	v50 =	vand.u32 $0xFFFFFFF8, v1;
	v0 =	vshll.u32 v0, $0x4  }
0x72e: {  	v1 =	vand.u32 $0x7, v1;
	v0 =	vadd.s32 v0, v50  }
0x72f: {  	v0 =	vor.u32 v1, v0  }
0x730: {  	v52 =	vmul.u32 $0x1700, v48  }
0x731: {  	v53 =	vshll.u32 v49, $0x7  }
0x732: {  	v54 =	vadd.s32 s24, v51;
	v55 =	vand.u32 $0x7, v51;
	v1 =	vadd.s32 v52, v53  }
0x733: {  	v56 =	vand.u32 $0xFFFFFFF8, v54;
	v1 =	vor.u32 v55, v1  }
0x734: {  	v1 =	vadd.s32 v56, v1;
	v0 =	vld.idx.msk [tilespmem:v0+s15+$0x0], $0xffff;
	_ =	sdelay $0x4  }
0x735: {  	[tilespmem:v1+s13+$0x0] =	vst.idx.msk $0xffff, v0  }
0x736: {  	v0 =	vld [tilespmem:$0x3FE0]  }
0x737: {  	v1 =	vld [tilespmem:$0x4430];
	_ =	sdelay $0x2  }
0x738: {  	v57 =	vld [tilespmem:$0x4880]  }
0x739: {  	v58 =	vld [tilespmem:$0x4CD0]  }
0x73a: {  	v60 =	vld [tilespmem:$0x5120];
	v59 =	vand.u32 $0xFFFFFFF8, v1;
	v0 =	vshll.u32 v0, $0x4  }
0x73b: {  	v1 =	vand.u32 $0x7, v1;
	v0 =	vadd.s32 v0, v59  }
0x73c: {  	v0 =	vor.u32 v1, v0  }
0x73d: {  	v61 =	vmul.u32 $0x1700, v57  }
0x73e: {  	v62 =	vshll.u32 v58, $0x7  }
0x73f: {  	v63 =	vadd.s32 s24, v60;
	v8 =	vand.u32 $0x7, v60;
	v1 =	vadd.s32 v61, v62  }
0x740: {  	v9 =	vand.u32 $0xFFFFFFF8, v63;
	v1 =	vor.u32 v8, v1  }
0x741: {  	v1 =	vadd.s32 v9, v1;
	v0 =	vld.idx.msk [tilespmem:v0+s15+$0x0], $0xffff;
	_ =	sdelay $0x4  }
0x742: {  	[tilespmem:v1+s13+$0x0] =	vst.idx.msk $0xffff, v0  }
0x743: {  	v0 =	vld [tilespmem:$0x3FF0]  }
0x744: {  	v1 =	vld [tilespmem:$0x4440];
	_ =	sdelay $0x2  }
0x745: {  	v10 =	vld [tilespmem:$0x4890]  }
0x746: {  	v11 =	vld [tilespmem:$0x4CE0]  }
0x747: {  	v13 =	vld [tilespmem:$0x5130];
	v12 =	vand.u32 $0xFFFFFFF8, v1;
	v0 =	vshll.u32 v0, $0x4  }
0x748: {  	v1 =	vand.u32 $0x7, v1;
	v0 =	vadd.s32 v0, v12  }
0x749: {  	v0 =	vor.u32 v1, v0  }
0x74a: {  	v14 =	vmul.u32 $0x1700, v10  }
0x74b: {  	v15 =	vshll.u32 v11, $0x7  }
0x74c: {  	v16 =	vadd.s32 s24, v13;
	v17 =	vand.u32 $0x7, v13;
	v1 =	vadd.s32 v14, v15  }
0x74d: {  	v18 =	vand.u32 $0xFFFFFFF8, v16;
	v1 =	vor.u32 v17, v1  }
0x74e: {  	v1 =	vadd.s32 v18, v1;
	v0 =	vld.idx.msk [tilespmem:v0+s15+$0x0], $0xffff;
	_ =	sdelay $0x4  }
0x74f: {  	[tilespmem:v1+s13+$0x0] =	vst.idx.msk $0xffff, v0  }
0x750: {  	v0 =	vld [tilespmem:$0x4000]  }
0x751: {  	v1 =	vld [tilespmem:$0x4450];
	_ =	sdelay $0x2  }
0x752: {  	v19 =	vld [tilespmem:$0x48A0]  }
0x753: {  	v20 =	vld [tilespmem:$0x4CF0]  }
0x754: {  	v22 =	vld [tilespmem:$0x5140];
	v21 =	vand.u32 $0xFFFFFFF8, v1;
	v0 =	vshll.u32 v0, $0x4  }
0x755: {  	v1 =	vand.u32 $0x7, v1;
	v0 =	vadd.s32 v0, v21  }
0x756: {  	v0 =	vor.u32 v1, v0  }
0x757: {  	v23 =	vmul.u32 $0x1700, v19  }
0x758: {  	v24 =	vshll.u32 v20, $0x7  }
0x759: {  	v25 =	vadd.s32 s24, v22;
	v26 =	vand.u32 $0x7, v22;
	v1 =	vadd.s32 v23, v24  }
0x75a: {  	v27 =	vand.u32 $0xFFFFFFF8, v25;
	v1 =	vor.u32 v26, v1  }
0x75b: {  	v1 =	vadd.s32 v27, v1;
	v0 =	vld.idx.msk [tilespmem:v0+s15+$0x0], $0xffff;
	_ =	sdelay $0x4  }
0x75c: {  	[tilespmem:v1+s13+$0x0] =	vst.idx.msk $0xffff, v0  }
0x75d: {  	v0 =	vld [tilespmem:$0x4010]  }
0x75e: {  	v1 =	vld [tilespmem:$0x4460];
	_ =	sdelay $0x2  }
0x75f: {  	v28 =	vld [tilespmem:$0x48B0]  }
0x760: {  	v29 =	vld [tilespmem:$0x4D00]  }
0x761: {  	v31 =	vld [tilespmem:$0x5150];
	v30 =	vand.u32 $0xFFFFFFF8, v1;
	v0 =	vshll.u32 v0, $0x4  }
0x762: {  	v1 =	vand.u32 $0x7, v1;
	v0 =	vadd.s32 v0, v30  }
0x763: {  	v0 =	vor.u32 v1, v0  }
0x764: {  	v32 =	vmul.u32 $0x1700, v28  }
0x765: {  	v33 =	vshll.u32 v29, $0x7  }
0x766: {  	v34 =	vadd.s32 s24, v31;
	v35 =	vand.u32 $0x7, v31;
	v1 =	vadd.s32 v32, v33  }
0x767: {  	v36 =	vand.u32 $0xFFFFFFF8, v34;
	v1 =	vor.u32 v35, v1  }
0x768: {  	v1 =	vadd.s32 v36, v1;
	v0 =	vld.idx.msk [tilespmem:v0+s15+$0x0], $0xffff;
	_ =	sdelay $0x4  }
0x769: {  	[tilespmem:v1+s13+$0x0] =	vst.idx.msk $0xffff, v0  }
0x76a: {  	v0 =	vld [tilespmem:$0x4020]  }
0x76b: {  	v1 =	vld [tilespmem:$0x4470];
	_ =	sdelay $0x2  }
0x76c: {  	v37 =	vld [tilespmem:$0x48C0]  }
0x76d: {  	v38 =	vld [tilespmem:$0x4D10]  }
0x76e: {  	v40 =	vld [tilespmem:$0x5160];
	v39 =	vand.u32 $0xFFFFFFF8, v1;
	v0 =	vshll.u32 v0, $0x4  }
0x76f: {  	v1 =	vand.u32 $0x7, v1;
	v0 =	vadd.s32 v0, v39  }
0x770: {  	v0 =	vor.u32 v1, v0  }
0x771: {  	v41 =	vmul.u32 $0x1700, v37  }
0x772: {  	v42 =	vshll.u32 v38, $0x7  }
0x773: {  	v43 =	vadd.s32 s24, v40;
	v44 =	vand.u32 $0x7, v40;
	v1 =	vadd.s32 v41, v42  }
0x774: {  	v45 =	vand.u32 $0xFFFFFFF8, v43;
	v1 =	vor.u32 v44, v1  }
0x775: {  	v1 =	vadd.s32 v45, v1;
	v0 =	vld.idx.msk [tilespmem:v0+s15+$0x0], $0xffff;
	_ =	sdelay $0x4  }
0x776: {  	[tilespmem:v1+s13+$0x0] =	vst.idx.msk $0xffff, v0  }
0x777: {  	v0 =	vld [tilespmem:$0x4030]  }
0x778: {  	v1 =	vld [tilespmem:$0x4480];
	_ =	sdelay $0x2  }
0x779: {  	v46 =	vld [tilespmem:$0x48D0]  }
0x77a: {  	v47 =	vld [tilespmem:$0x4D20]  }
0x77b: {  	v49 =	vld [tilespmem:$0x5170];
	v48 =	vand.u32 $0xFFFFFFF8, v1;
	v0 =	vshll.u32 v0, $0x4  }
0x77c: {  	v1 =	vand.u32 $0x7, v1;
	v0 =	vadd.s32 v0, v48  }
0x77d: {  	v0 =	vor.u32 v1, v0  }
0x77e: {  	v50 =	vmul.u32 $0x1700, v46  }
0x77f: {  	v51 =	vshll.u32 v47, $0x7  }
0x780: {  	v52 =	vadd.s32 s24, v49;
	v53 =	vand.u32 $0x7, v49;
	v1 =	vadd.s32 v50, v51  }
0x781: {  	v54 =	vand.u32 $0xFFFFFFF8, v52;
	v1 =	vor.u32 v53, v1  }
0x782: {  	v1 =	vadd.s32 v54, v1;
	v0 =	vld.idx.msk [tilespmem:v0+s15+$0x0], $0xffff;
	_ =	sdelay $0x4  }
0x783: {  	[tilespmem:v1+s13+$0x0] =	vst.idx.msk $0xffff, v0  }
0x784: {  	v0 =	vld [tilespmem:$0x4040]  }
0x785: {  	v1 =	vld [tilespmem:$0x4490];
	_ =	sdelay $0x2  }
0x786: {  	v55 =	vld [tilespmem:$0x48E0]  }
0x787: {  	v56 =	vld [tilespmem:$0x4D30]  }
0x788: {  	v58 =	vld [tilespmem:$0x5180];
	v57 =	vand.u32 $0xFFFFFFF8, v1;
	v0 =	vshll.u32 v0, $0x4  }
0x789: {  	v1 =	vand.u32 $0x7, v1;
	v0 =	vadd.s32 v0, v57  }
0x78a: {  	v0 =	vor.u32 v1, v0  }
0x78b: {  	v59 =	vmul.u32 $0x1700, v55  }
0x78c: {  	v60 =	vshll.u32 v56, $0x7  }
0x78d: {  	v61 =	vadd.s32 s24, v58;
	v62 =	vand.u32 $0x7, v58;
	v1 =	vadd.s32 v59, v60  }
0x78e: {  	v63 =	vand.u32 $0xFFFFFFF8, v61;
	v1 =	vor.u32 v62, v1  }
0x78f: {  	v1 =	vadd.s32 v63, v1;
	v0 =	vld.idx.msk [tilespmem:v0+s15+$0x0], $0xffff  }
.Ltmp2:
0x790: {  	_ = 	snop;
	(pc) =	sbr.rel @p0 .LBB2_4-.Ltmp2, $2  }
0x791: {  	_ =	sdelay $0x2  }
0x792: {  	[tilespmem:v1+s13+$0x0] =	vst.idx.msk $0xffff, v0  }
0x793: {  	s16 =	sshra.s32 s26, $0x2  }
0x794: {  	s20 =	sadd.s32 $0xB40, s16  }
0x795: {  	[tilespmem:s15], [sflag:$0x2] =	stream.indirect.gather [hbm4b:s1+s18], $0x10, s20, s18, $0xb8;
	[tilespmem:$0x10B90] =	vst v63  }
0x796: {  	s29 =	sadd.s32 $0xBB8, s16  }
0x797: {  	[tilespmem:s17], [sflag:$0x2] =	stream.indirect.gather [hbm4b:s1+s18], $0x10, s29, s18, $0xb8;
	[tilespmem:$0x10B90] =	vst v63  }
0x798: {  	s31 =	sadd.s32 $0xC30, s16  }
0x799: {  	[tilespmem:s21], [sflag:$0x2] =	stream.indirect.gather [hbm4b:s1+s18], $0x10, s31, s18, $0xb8;
	[tilespmem:$0x10B90] =	vst v63  }
0x79a: {  	s29 =	sadd.s32 $0xCA8, s16  }
0x79b: {  	[tilespmem:s23], [sflag:$0x2] =	stream.indirect.gather [hbm4b:s1+s18], $0x10, s29, s18, $0xb8;
	[tilespmem:$0x10B90] =	vst v63  }
0x79c: {  	s31 =	sadd.s32 $0xD20, s16  }
0x79d: {  	[tilespmem:s25], [sflag:$0x2] =	stream.indirect.gather [hbm4b:s1+s18], $0x10, s31, s18, $0xb8;
	[tilespmem:$0x10B90] =	vst v63  }
0x79e: {  	s29 =	sadd.s32 $0xD98, s16  }
0x79f: {  	[tilespmem:s28], [sflag:$0x2] =	stream.indirect.gather [hbm4b:s1+s18], $0x10, s29, s18, $0xb8;
	[tilespmem:$0x10B90] =	vst v63  }
.Ltmp3:
0x7a0: {  	_ = 	snop;
	(pc) =	sbr.rel .LBB2_2-.Ltmp3, $4  }
0x7a1: {  	s31 =	sadd.s32 $0xE10, s16  }
0x7a2: {  	[tilespmem:s30], [sflag:$0x2] =	stream.indirect.gather [hbm4b:s1+s18], $0x10, s31, s18, $0xb8;
	[tilespmem:$0x10B90] =	vst v63  }
0x7a3: {  	s26 =	sadd.s32 $0x1E00, s26;
	s24 =	sadd.s32 $0x10, s24;
	s16 =	sadd.s32 $0xE88, s16  }
0x7a4: {  	[tilespmem:s0], [sflag:$0x2] =	stream.indirect.gather [hbm4b:s1+s18], $0x10, s16, s18, $0xb8;
	[tilespmem:$0x10B90] =	vst v63  }
.LBB2_5:
0x7a5: {  	_ =	sfence.sel $0x180000  }
0x7a6: {  	[bflag:$0x0] =	sbarrier.arrive $0xFFFF  }
0x7a7: {  	_ =	strace $0x90000047  }
0x7a8: {  	s0 =	stileid.u32;
	[bflag:$0x2] =	sbarrier.arrive $0xFFFF  }
0x7a9: {  	p0 =	sne.s32 s0, $0x0;
	s0 =	rddreg [dreg:$0x3]  }
0x7aa: {  	s0 =	sadd.s32 @!p0 $0x100000, s0  }
0x7ab: {  	[sflag:s0] =	ssyncadd.tile.s32 @!p0 $0x1;
	_ =	shalt  }
.Lfunc_end2:
_tile_overlayer_lowered:
.L_overlay_start_2:
0x7ac: {  	(tag) =	ssettag $0x2  }
0x7ad: {  	s0 =	rddreg [dreg:$0x0];
	s2 =	stileid.u32  }
0x7ae: {  	s1 =	rddreg [dreg:$0x1];
	p0 =	sne.s32 s2, $0x0  }
0x7af: {  	s3 =	rddreg [dreg:$0x2];
	[bflag:$0x3] =	sbarrier.arrive $0xFFFF;
	s2 =	simm.s32 @!p0 $0x1C03  }
0x7b0: {  	[timem:s3], [sflag:s2] =	dma.local @!p0 [hbm:s0], s1  }
0x7b1: {  	s0 =	simm.s32 @!p0 $0x3  }
0x7b2: {  	_ =	swait.ge @!p0 [sflag:s0], s1  }
0x7b3: {  	s1 =	ssub.s32 @!p0 $0x0, s1;
	[sflag:s0] =	ssyncset.done @!p0 $0x0  }
0x7b4: {  	[sflag:s0] =	ssyncadd.s32 @!p0 s1  }
0x7b5: {  	[bflag:$0x3] =	sbarrier.arrive $0xFFFF  }
0x7b6: {  	_ =	shalt  }

</sc_bundles>
